<compile_context>
chip_gen: v7x
topology: tpu7x:2x2x1
jax: 0.10.2.dev20260603
libtpu: 0.0.44.dev20260713+nightly
codegen_flags: <defaults>
</compile_context>

<pallas_src>
import functools
import jax
import jax.numpy as jnp
from jax import lax
from jax.experimental import pallas as pl
from jax.experimental.pallas import tpu as pltpu
from jax.experimental.pallas import tpu_sc as plsc

N = 10000
E = 320000
D = 128
EPS = 1e-5

NC = 2
NS = 16
NW = NC * NS

CH = 128
NCH = 80
E_W = CH * NCH
E_PAD = NW * E_W

ECH = 64
ENCH = E_W // ECH
EGRP = 2
EGCH = ENCH // EGRP
NB = 4

N_PAD = 10240
ROWS_W = N_PAD // NS
BLK = 512
GRID = N_PAD // BLK

@functools.cache
def _mesh():
  return plsc.VectorSubcoreMesh(
      core_axis_name="c", subcore_axis_name="s", num_cores=NC, num_subcores=NS)


DEG_Q = 8

def _deg_body(dst_hbm, zeros128, ones128, out_hbm, dstb, onesv, acc, sem):
  c = lax.axis_index("c")
  s = lax.axis_index("s")
  w = c * NS + s
  pltpu.sync_copy(zeros128, acc.at[pl.ds(s * ROWS_W, ROWS_W)])
  pltpu.sync_copy(ones128, onesv)
  pltpu.sync_copy(dst_hbm.at[pl.ds(w * NCH, NCH)], dstb)
  plsc.subcore_barrier()

  def chunk(j, _):
    @pl.when(j >= DEG_Q)
    def _w():
      pltpu.make_async_copy(onesv, acc.at[pl.ds(0, CH)], sem).wait()
    pltpu.async_copy(onesv, acc.at[dstb.at[j]], sem, add=True)
    return _

  lax.fori_loop(0, NCH, chunk, 0)
  for _ in range(DEG_Q):
    pltpu.make_async_copy(onesv, acc.at[pl.ds(0, CH)], sem).wait()
  plsc.subcore_barrier()
  pltpu.sync_copy(acc.at[pl.ds(s * ROWS_W, ROWS_W)],
                  out_hbm.at[c, pl.ds(s * ROWS_W, ROWS_W)])


@functools.cache
def _deg_kernel():
  return pl.kernel(
      _deg_body,
      out_type=jax.ShapeDtypeStruct((NC, N_PAD, D), jnp.float32),
      mesh=_mesh(),
      scratch_types=[
          pltpu.VMEM((NCH, CH), jnp.int32),
          pltpu.VMEM((CH, D), jnp.float32),
          pltpu.VMEM_SHARED((N_PAD, D), jnp.float32),
          pltpu.SemaphoreType.DMA,
      ],
  )


def _edge_body(y_hbm, src_hbm, dst_hbm, zeros128, out_hbm,
               srcb, dstb, r0, r1, r2, r3, acc,
               g0, g1, g2, g3, s0, s1, s2, s3):
  c = lax.axis_index("c")
  s = lax.axis_index("s")
  w = c * NS + s
  rows = [r0, r1, r2, r3]
  gs = [g0, g1, g2, g3]
  ss = [s0, s1, s2, s3]
  pltpu.sync_copy(zeros128, acc.at[pl.ds(s * ROWS_W, ROWS_W)])
  plsc.subcore_barrier()

  def _src_idx(j):
    return srcb.at[j // 2, pl.ds((j % 2) * ECH, ECH)]

  for G in range(EGRP):
    pltpu.sync_copy(src_hbm.at[pl.ds(w * NCH + G * (EGCH // 2), EGCH // 2)],
                    srcb)
    pltpu.sync_copy(dst_hbm.at[pl.ds(w * ENCH + G * EGCH, EGCH)], dstb)
    for b in range(2):
      pltpu.async_copy(y_hbm.at[_src_idx(b)], rows[b], gs[b])

    def chunk4(g, carry):
      for b in range(NB):
        j = g * NB + b
        jb2 = (b + 2) % NB

        @pl.when(j >= 2)
        def _ws():
          pltpu.make_async_copy(rows[jb2], acc.at[pl.ds(0, ECH)],
                                ss[jb2]).wait()

        @pl.when(j + 2 < EGCH)
        def _gg():
          pltpu.async_copy(y_hbm.at[_src_idx(j + 2)], rows[jb2], gs[jb2])

        pltpu.make_async_copy(y_hbm.at[pl.ds(0, ECH)], rows[b], gs[b]).wait()
        pltpu.async_copy(rows[b], acc.at[dstb.at[j]], ss[b], add=True)
      return carry

    lax.fori_loop(0, EGCH // NB, chunk4, 0)
    for j in (EGCH - 2, EGCH - 1):
      pltpu.make_async_copy(rows[j % NB], acc.at[pl.ds(0, ECH)],
                            ss[j % NB]).wait()
  plsc.subcore_barrier()
  pltpu.sync_copy(acc.at[pl.ds(s * ROWS_W, ROWS_W)],
                  out_hbm.at[c, pl.ds(s * ROWS_W, ROWS_W)])


@functools.cache
def _edge_kernel():
  return pl.kernel(
      _edge_body,
      out_type=jax.ShapeDtypeStruct((NC, N_PAD, D), jnp.float32),
      mesh=_mesh(),
      scratch_types=[
          pltpu.VMEM((EGCH // 2, CH), jnp.int32),
          pltpu.VMEM((EGCH, ECH), jnp.int32),
          pltpu.VMEM((ECH, D), jnp.float32),
          pltpu.VMEM((ECH, D), jnp.float32),
          pltpu.VMEM((ECH, D), jnp.float32),
          pltpu.VMEM((ECH, D), jnp.float32),
          pltpu.VMEM_SHARED((N_PAD, D), jnp.float32),
      ] + [pltpu.SemaphoreType.DMA] * 8,
  )


def _dot(a, b):
  return jax.lax.dot_general(a, b, (((1,), (0,)), ((), ())),
                             precision=lax.Precision.HIGHEST,
                             preferred_element_type=jnp.float32)


def _tch_body(x_ref, wp_ref, bp_ref, h_ref):
  h_ref[...] = jnp.maximum(_dot(x_ref[...], wp_ref[...]) + bp_ref[...], 0.0)


def _tch(x, Wp, bp):
  return pl.pallas_call(
      _tch_body,
      grid=(GRID,),
      in_specs=[
          pl.BlockSpec((BLK, D), lambda i: (i, 0)),
          pl.BlockSpec((D, D), lambda i: (0, 0)),
          pl.BlockSpec((1, D), lambda i: (0, 0)),
      ],
      out_specs=pl.BlockSpec((BLK, D), lambda i: (i, 0)),
      out_shape=jax.ShapeDtypeStruct((N_PAD, D), jnp.float32),
  )(x, Wp, bp)


def _tcy0_body(h_ref, w0_ref, degp_ref, y0_ref, dis_ref):
  deg = degp_ref[0, :, 0] + degp_ref[1, :, 0] + 1.0
  dis = lax.rsqrt(deg)[:, None]
  y0_ref[...] = _dot(h_ref[...], w0_ref[...]) * dis
  dis_ref[...] = dis


def _tcy0(h, W0f, degp):
  return pl.pallas_call(
      _tcy0_body,
      grid=(GRID,),
      in_specs=[
          pl.BlockSpec((BLK, D), lambda i: (i, 0)),
          pl.BlockSpec((D, D), lambda i: (0, 0)),
          pl.BlockSpec((NC, BLK, D), lambda i: (0, i, 0)),
      ],
      out_specs=[
          pl.BlockSpec((BLK, D), lambda i: (i, 0)),
          pl.BlockSpec((BLK, 1), lambda i: (i, 0)),
      ],
      out_shape=[
          jax.ShapeDtypeStruct((N_PAD, D), jnp.float32),
          jax.ShapeDtypeStruct((N_PAD, 1), jnp.float32),
      ],
  )(h, W0f, degp)


def _tcmid_body(S_ref, yp_ref, hp_ref, dis_ref, w_ref, bf_ref,
                h_ref, y_ref):
  dis = dis_ref[...]
  t = (S_ref[0] + S_ref[1] + yp_ref[...]) * dis + bf_ref[...]
  h = jnp.maximum(t, 0.0) + hp_ref[...]
  h_ref[...] = h
  y_ref[...] = _dot(h, w_ref[...]) * dis


def _tcmid(S, y_prev, h_prev, dis, Wf, bf):
  return pl.pallas_call(
      _tcmid_body,
      grid=(GRID,),
      in_specs=[
          pl.BlockSpec((NC, BLK, D), lambda i: (0, i, 0)),
          pl.BlockSpec((BLK, D), lambda i: (i, 0)),
          pl.BlockSpec((BLK, D), lambda i: (i, 0)),
          pl.BlockSpec((BLK, 1), lambda i: (i, 0)),
          pl.BlockSpec((D, D), lambda i: (0, 0)),
          pl.BlockSpec((1, D), lambda i: (0, 0)),
      ],
      out_specs=[
          pl.BlockSpec((BLK, D), lambda i: (i, 0)),
          pl.BlockSpec((BLK, D), lambda i: (i, 0)),
      ],
      out_shape=[
          jax.ShapeDtypeStruct((N_PAD, D), jnp.float32),
          jax.ShapeDtypeStruct((N_PAD, D), jnp.float32),
      ],
  )(S, y_prev, h_prev, dis, Wf, bf)


def _tcfin_body(S_ref, yp_ref, dis_ref, bf_ref, out_ref):
  out_ref[...] = (S_ref[0] + S_ref[1] + yp_ref[...]) * dis_ref[...] \
      + bf_ref[...]


def _tcfin(S, y2, dis, bf):
  return pl.pallas_call(
      _tcfin_body,
      grid=(GRID,),
      in_specs=[
          pl.BlockSpec((NC, BLK, D), lambda i: (0, i, 0)),
          pl.BlockSpec((BLK, D), lambda i: (i, 0)),
          pl.BlockSpec((BLK, 1), lambda i: (i, 0)),
          pl.BlockSpec((1, D), lambda i: (0, 0)),
      ],
      out_specs=pl.BlockSpec((BLK, D), lambda i: (i, 0)),
      out_shape=jax.ShapeDtypeStruct((N, D), jnp.float32),
  )(S, y2, dis, bf)


def kernel(x, edge_index, edge_attr, Wp, bp, W0, b0, W1, b1, W2, b2,
           g0, be0, g1, be1, g2, be2):
  del edge_attr
  f32 = jnp.float32
  c_bn = 1.0 / jnp.sqrt(jnp.asarray(1.0 + EPS, f32))

  W0f = W0 * (c_bn * g0)[None, :]
  W1f = W1 * (c_bn * g1)[None, :]
  W2f = W2 * (c_bn * g2)[None, :]
  b0f = (b0 * c_bn * g0 + be0)[None, :]
  b1f = (b1 * c_bn * g1 + be1)[None, :]
  b2f = (b2 * c_bn * g2 + be2)[None, :]
  bp2 = bp[None, :]

  npad = E_PAD - E
  pad_iota = lax.iota(jnp.int32, npad)
  pad_src = pad_iota % N
  pad_dst = N + (pad_iota % (N_PAD - N))
  src_flat = jnp.concatenate([edge_index[0], pad_src])
  dst_flat = jnp.concatenate([edge_index[1], pad_dst])
  src_p = src_flat.reshape(NW * NCH, CH)
  dst_p = dst_flat.reshape(NW * ENCH, ECH)
  dst_deg = dst_flat.reshape(NW * NCH, CH)

  zeros128 = jnp.zeros((ROWS_W, D), f32)
  ones128 = jnp.ones((CH, D), f32)

  degp = _deg_kernel()(dst_deg, zeros128, ones128)
  h = _tch(x, Wp, bp2)
  y0, dis = _tcy0(h, W0f, degp)

  S0 = _edge_kernel()(y0, src_p, dst_p, zeros128)
  h1, y1 = _tcmid(S0, y0, h, dis, W1f, b0f)

  S1 = _edge_kernel()(y1, src_p, dst_p, zeros128)
  h2, y2 = _tcmid(S1, y1, h1, dis, W2f, b1f)

  S2 = _edge_kernel()(y2, src_p, dst_p, zeros128)
  return _tcfin(S2, y2, dis, b2f)

# --- scband reference (transcript-rebuilt; emitter-appended) ---
"""Pipeline reference for scband-nuclide-gnn-41334765257112 (READ-ONLY COPY).

The authoritative reference and input builder live on the scoring server;
editing this copy changes nothing except your own understanding.
"""

import jax, jax.numpy as jnp
import numpy as np

N = 10000
E = 320000
D = 128
EPS = 1e-5


def _gcn_conv(x, src, dst, W, b):
    # GCNConv with added self-loops and symmetric normalization (PyG default)
    loop = jnp.arange(N, dtype=src.dtype)
    s = jnp.concatenate([src, loop])
    d = jnp.concatenate([dst, loop])
    deg = jax.ops.segment_sum(jnp.ones(s.shape[0], dtype=x.dtype), d, num_segments=N)
    dis = jnp.where(deg > 0, 1.0 / jnp.sqrt(jnp.maximum(deg, 1e-12)), 0.0)
    norm = dis[s] * dis[d]
    xw = x @ W
    msgs = xw[s] * norm[:, None]
    out = jax.ops.segment_sum(msgs, d, num_segments=N)
    return out + b


def _bn_eval(x, gamma, beta):
    # BatchNorm1d in eval mode with running_mean=0, running_var=1
    return x / jnp.sqrt(1.0 + EPS) * gamma + beta


def setup_inputs(seed: int = 0) -> dict:
    key = jax.random.key(seed)
    ks = jax.random.split(key, 12)
    sc = 1.0 / np.sqrt(D)
    inp = {}
    inp["x"] = jax.random.normal(ks[0], (N, D), dtype=jnp.float32)
    inp["edge_index"] = jax.random.randint(ks[1], (2, E), 0, N, dtype=jnp.int32)
    inp["edge_attr"] = jax.random.normal(ks[2], (E, 4), dtype=jnp.float32)
    inp["Wp"] = jax.random.normal(ks[3], (D, D), dtype=jnp.float32) * sc
    inp["bp"] = jnp.zeros((D,), dtype=jnp.float32)
    inp["W0"] = jax.random.normal(ks[4], (D, D), dtype=jnp.float32) * sc
    inp["b0"] = jnp.zeros((D,), dtype=jnp.float32)
    inp["W1"] = jax.random.normal(ks[5], (D, D), dtype=jnp.float32) * sc
    inp["b1"] = jnp.zeros((D,), dtype=jnp.float32)
    inp["W2"] = jax.random.normal(ks[6], (D, D), dtype=jnp.float32) * sc
    inp["b2"] = jnp.zeros((D,), dtype=jnp.float32)
    inp["g0"] = jnp.ones((D,), dtype=jnp.float32)
    inp["be0"] = jnp.zeros((D,), dtype=jnp.float32)
    inp["g1"] = jnp.ones((D,), dtype=jnp.float32)
    inp["be1"] = jnp.zeros((D,), dtype=jnp.float32)
    inp["g2"] = jnp.ones((D,), dtype=jnp.float32)
    inp["be2"] = jnp.zeros((D,), dtype=jnp.float32)
    return inp


def reference(x, edge_index, edge_attr, Wp, bp, W0, b0, W1, b1, W2, b2, g0, be0, g1, be1, g2, be2):
    src = edge_index[0]
    dst = edge_index[1]
    h = jax.nn.relu(x @ Wp + bp)
    # layer 0
    h_in = h
    h = _gcn_conv(h, src, dst, W0, b0)
    h = _bn_eval(h, g0, be0)
    h = jax.nn.relu(h)
    h = h + h_in  # residual (shapes match, hidden_dim == hidden_dim)
    # layer 1
    h_in = h
    h = _gcn_conv(h, src, dst, W1, b1)
    h = _bn_eval(h, g1, be1)
    h = jax.nn.relu(h)
    h = h + h_in
    # layer 2 (final: no relu/dropout/residual)
    h = _gcn_conv(h, src, dst, W2, b2)
    h = _bn_eval(h, g2, be2)
    return h

if __name__ == "__main__":
    import jax
    _d = setup_inputs()
    print(jax.jit(kernel)(*tuple(_d.values())))

</pallas_src>

<mosaic_0001>
#map = affine_map<(d0, d1) -> (0, 0)>
#map1 = affine_map<(d0, d1) -> (0, 0, 0)>
module attributes {stable_mosaic.version = 14 : i64} {
  func.func @_deg_body(%arg0: i32, %arg1: i32, %arg2: memref<2560x128xi32, #tpu.memory_space<hbm>>, %arg3: memref<640x128xf32, #tpu.memory_space<hbm>>, %arg4: memref<128x128xf32, #tpu.memory_space<hbm>>, %arg5: memref<2x10240x128xf32, #tpu.memory_space<hbm>>, %arg6: memref<80x128xi32, #tpu.memory_space<vmem>>, %arg7: memref<128x128xf32, #tpu.memory_space<vmem>>, %arg8: memref<10240x128xf32, #tpu.memory_space<vmem_shared>>, %arg9: memref<!tpu.dma_semaphore, #tpu.memory_space<semaphore_mem>>) attributes {dimension_semantics = [#tpu.dimension_semantics<core_parallel>, #tpu.dimension_semantics<subcore_parallel>], iteration_bounds = array<i64: 2, 16>, scalar_prefetch = 0 : i64, scratch_operands = 4 : i64, tpu.core_type = #tpu.core_type<sc_vector_subcore>, window_params = [{transform_indices = #map}, {transform_indices = #map}, {transform_indices = #map}, {transform_indices = #map1}]} {
    %mul3A = arith.constant 16 : i32
    %mul3A_0 = arith.muli %arg0, %mul3A : i32
    %add3A = arith.addi %mul3A_0, %arg1 : i32
    %mul3A_1 = arith.constant 640 : i32
    %mul3A_2 = arith.muli %arg1, %mul3A_1 : i32
    "tpu.region"() ({
      %run_scoped3A = tpu.sem_alloc : memref<!tpu.dma_semaphore, #tpu.memory_space<semaphore_mem>>
      %dma_start3A = arith.constant 0 : i32
      %dma_start3A_62 = tpu.memref_slice %arg8[%mul3A_2, %dma_start3A] : memref<10240x128xf32, #tpu.memory_space<vmem_shared>> -> memref<640x128xf32, #tpu.memory_space<vmem_shared>>
      tpu.enqueue_dma source(%arg3 : memref<640x128xf32, #tpu.memory_space<hbm>>) target(%dma_start3A_62 : memref<640x128xf32, #tpu.memory_space<vmem_shared>>) target_semaphore(%run_scoped3A : memref<!tpu.dma_semaphore, #tpu.memory_space<semaphore_mem>>)
      %dma_wait3A_63 = arith.constant 0 : i32
      %dma_wait3A_64 = tpu.memref_slice %arg8[%mul3A_2, %dma_wait3A_63] : memref<10240x128xf32, #tpu.memory_space<vmem_shared>> -> memref<640x128xf32, #tpu.memory_space<vmem_shared>>
      tpu.wait_dma2 semaphore(%run_scoped3A : memref<!tpu.dma_semaphore, #tpu.memory_space<semaphore_mem>>) src(%arg3 : memref<640x128xf32, #tpu.memory_space<hbm>>) dst(%dma_wait3A_64 : memref<640x128xf32, #tpu.memory_space<vmem_shared>>)
      tpu.yield
    }) : () -> ()
    "tpu.region"() ({
      %run_scoped3A = tpu.sem_alloc : memref<!tpu.dma_semaphore, #tpu.memory_space<semaphore_mem>>
      tpu.enqueue_dma source(%arg4 : memref<128x128xf32, #tpu.memory_space<hbm>>) target(%arg7 : memref<128x128xf32, #tpu.memory_space<vmem>>) target_semaphore(%run_scoped3A : memref<!tpu.dma_semaphore, #tpu.memory_space<semaphore_mem>>)
      tpu.wait_dma2 semaphore(%run_scoped3A : memref<!tpu.dma_semaphore, #tpu.memory_space<semaphore_mem>>) src(%arg4 : memref<128x128xf32, #tpu.memory_space<hbm>>) dst(%arg7 : memref<128x128xf32, #tpu.memory_space<vmem>>)
      tpu.yield
    }) : () -> ()
    %mul3A_3 = arith.constant 80 : i32
    %mul3A_4 = arith.muli %add3A, %mul3A_3 : i32
    "tpu.region"() ({
      %run_scoped3A = tpu.sem_alloc : memref<!tpu.dma_semaphore, #tpu.memory_space<semaphore_mem>>
      %dma_start3A = arith.constant 0 : i32
      %dma_start3A_62 = tpu.memref_slice %arg2[%mul3A_4, %dma_start3A] : memref<2560x128xi32, #tpu.memory_space<hbm>> -> memref<80x128xi32, #tpu.memory_space<hbm>>
      %dma_start3A_63 = arith.constant 0 : i32
      %dma_start3A_64 = tpu.memref_slice %arg2[%mul3A_4, %dma_start3A_63] : memref<2560x128xi32, #tpu.memory_space<hbm>> -> memref<80x128xi32, #tpu.memory_space<hbm>>
      tpu.enqueue_dma source(%dma_start3A_64 : memref<80x128xi32, #tpu.memory_space<hbm>>) target(%arg6 : memref<80x128xi32, #tpu.memory_space<vmem>>) target_semaphore(%run_scoped3A : memref<!tpu.dma_semaphore, #tpu.memory_space<semaphore_mem>>)
      %dma_wait3A_65 = arith.constant 0 : i32
      %dma_wait3A_66 = tpu.memref_slice %arg2[%mul3A_4, %dma_wait3A_65] : memref<2560x128xi32, #tpu.memory_space<hbm>> -> memref<80x128xi32, #tpu.memory_space<hbm>>
      %dma_wait3A_67 = arith.constant 0 : i32
      %dma_wait3A_68 = tpu.memref_slice %arg2[%mul3A_4, %dma_wait3A_67] : memref<2560x128xi32, #tpu.memory_space<hbm>> -> memref<80x128xi32, #tpu.memory_space<hbm>>
      tpu.wait_dma2 semaphore(%run_scoped3A : memref<!tpu.dma_semaphore, #tpu.memory_space<semaphore_mem>>) src(%dma_wait3A_68 : memref<80x128xi32, #tpu.memory_space<hbm>>) dst(%arg6 : memref<80x128xi32, #tpu.memory_space<vmem>>)
      tpu.yield
    }) : () -> ()
    %barrier3A = arith.constant 0 : index
    tpu.barrier barrier_id(%barrier3A)
    %scan3A = arith.constant 0 : i32
    %scan3A_5 = arith.constant 0 : i32
    %scan3A_6 = arith.constant 80 : i32
    %scan3A_7 = arith.addi %scan3A_5, %scan3A_6 : i32
    %scan3A_8 = arith.constant 1 : i32
    scf.for %scan3A_62 = %scan3A_5 to %scan3A_7 step %scan3A_8  : i32 {
      %ge3A = arith.constant 8 : i32
      %ge3A_63 = arith.cmpi sge, %scan3A_62, %ge3A : i32
      %convert_element_type3A = arith.extui %ge3A_63 : i1 to i32
      %cond3A = arith.constant 0 : i32
      %cond3A_64 = arith.cmpi ne, %convert_element_type3A, %cond3A : i32
      scf.if %cond3A_64 {
        %dma_wait3A_70 = arith.constant 0 : i32
        %dma_wait3A_71 = arith.constant 0 : i32
        %dma_wait3A_72 = tpu.memref_slice %arg8[%dma_wait3A_70, %dma_wait3A_71] : memref<10240x128xf32, #tpu.memory_space<vmem_shared>> -> memref<128x128xf32, #tpu.memory_space<vmem_shared>>
        %dma_wait3A_73 = arith.constant 0 : i32
        %dma_wait3A_74 = arith.constant 0 : i32
        %dma_wait3A_75 = tpu.memref_slice %arg8[%dma_wait3A_73, %dma_wait3A_74] : memref<10240x128xf32, #tpu.memory_space<vmem_shared>> -> memref<128x128xf32, #tpu.memory_space<vmem_shared>>
        tpu.wait_dma2 semaphore(%arg9 : memref<!tpu.dma_semaphore, #tpu.memory_space<semaphore_mem>>) src(%arg7 : memref<128x128xf32, #tpu.memory_space<vmem>>) dst(%dma_wait3A_75 : memref<128x128xf32, #tpu.memory_space<vmem_shared>>)
      } else {
      }
      %dma_start3A = arith.constant 0 : i32
      %dma_start3A_65 = tpu.memref_slice %arg6[%scan3A_62, %dma_start3A] : memref<80x128xi32, #tpu.memory_space<vmem>> -> memref<1x128xi32, #tpu.memory_space<vmem>>
      %dma_start3A_66 = tpu.memref_squeeze %dma_start3A_65 : memref<1x128xi32, #tpu.memory_space<vmem>> -> memref<128xi32, #tpu.memory_space<vmem>>
      %dma_start3A_67 = arith.constant 0 : i32
      %dma_start3A_68 = arith.constant 0 : i32
      %dma_start3A_69 = tpu.memref_slice %arg8[%dma_start3A_67, %dma_start3A_68] : memref<10240x128xf32, #tpu.memory_space<vmem_shared>> -> memref<10240x128xf32, #tpu.memory_space<vmem_shared>>
      tpu.enqueue_indirect_dma source(%arg7 : memref<128x128xf32, #tpu.memory_space<vmem>>) target(%dma_start3A_69 : memref<10240x128xf32, #tpu.memory_space<vmem_shared>>) offsets(%dma_start3A_66 : memref<128xi32, #tpu.memory_space<vmem>>) semaphore(%arg9 : memref<!tpu.dma_semaphore, #tpu.memory_space<semaphore_mem>>) {add = true}
    }
    %scan3A_9 = arith.constant 80 : i32
    %dma_wait3A = arith.constant 0 : i32
    %dma_wait3A_10 = arith.constant 0 : i32
    %dma_wait3A_11 = tpu.memref_slice %arg8[%dma_wait3A, %dma_wait3A_10] : memref<10240x128xf32, #tpu.memory_space<vmem_shared>> -> memref<128x128xf32, #tpu.memory_space<vmem_shared>>
    %dma_wait3A_12 = arith.constant 0 : i32
    %dma_wait3A_13 = arith.constant 0 : i32
    %dma_wait3A_14 = tpu.memref_slice %arg8[%dma_wait3A_12, %dma_wait3A_13] : memref<10240x128xf32, #tpu.memory_space<vmem_shared>> -> memref<128x128xf32, #tpu.memory_space<vmem_shared>>
    tpu.wait_dma2 semaphore(%arg9 : memref<!tpu.dma_semaphore, #tpu.memory_space<semaphore_mem>>) src(%arg7 : memref<128x128xf32, #tpu.memory_space<vmem>>) dst(%dma_wait3A_14 : memref<128x128xf32, #tpu.memory_space<vmem_shared>>)
    %dma_wait3A_15 = arith.constant 0 : i32
    %dma_wait3A_16 = arith.constant 0 : i32
    %dma_wait3A_17 = tpu.memref_slice %arg8[%dma_wait3A_15, %dma_wait3A_16] : memref<10240x128xf32, #tpu.memory_space<vmem_shared>> -> memref<128x128xf32, #tpu.memory_space<vmem_shared>>
    %dma_wait3A_18 = arith.constant 0 : i32
    %dma_wait3A_19 = arith.constant 0 : i32
    %dma_wait3A_20 = tpu.memref_slice %arg8[%dma_wait3A_18, %dma_wait3A_19] : memref<10240x128xf32, #tpu.memory_space<vmem_shared>> -> memref<128x128xf32, #tpu.memory_space<vmem_shared>>
    tpu.wait_dma2 semaphore(%arg9 : memref<!tpu.dma_semaphore, #tpu.memory_space<semaphore_mem>>) src(%arg7 : memref<128x128xf32, #tpu.memory_space<vmem>>) dst(%dma_wait3A_20 : memref<128x128xf32, #tpu.memory_space<vmem_shared>>)
    %dma_wait3A_21 = arith.constant 0 : i32
    %dma_wait3A_22 = arith.constant 0 : i32
    %dma_wait3A_23 = tpu.memref_slice %arg8[%dma_wait3A_21, %dma_wait3A_22] : memref<10240x128xf32, #tpu.memory_space<vmem_shared>> -> memref<128x128xf32, #tpu.memory_space<vmem_shared>>
    %dma_wait3A_24 = arith.constant 0 : i32
    %dma_wait3A_25 = arith.constant 0 : i32
    %dma_wait3A_26 = tpu.memref_slice %arg8[%dma_wait3A_24, %dma_wait3A_25] : memref<10240x128xf32, #tpu.memory_space<vmem_shared>> -> memref<128x128xf32, #tpu.memory_space<vmem_shared>>
    tpu.wait_dma2 semaphore(%arg9 : memref<!tpu.dma_semaphore, #tpu.memory_space<semaphore_mem>>) src(%arg7 : memref<128x128xf32, #tpu.memory_space<vmem>>) dst(%dma_wait3A_26 : memref<128x128xf32, #tpu.memory_space<vmem_shared>>)
    %dma_wait3A_27 = arith.constant 0 : i32
    %dma_wait3A_28 = arith.constant 0 : i32
    %dma_wait3A_29 = tpu.memref_slice %arg8[%dma_wait3A_27, %dma_wait3A_28] : memref<10240x128xf32, #tpu.memory_space<vmem_shared>> -> memref<128x128xf32, #tpu.memory_space<vmem_shared>>
    %dma_wait3A_30 = arith.constant 0 : i32
    %dma_wait3A_31 = arith.constant 0 : i32
    %dma_wait3A_32 = tpu.memref_slice %arg8[%dma_wait3A_30, %dma_wait3A_31] : memref<10240x128xf32, #tpu.memory_space<vmem_shared>> -> memref<128x128xf32, #tpu.memory_space<vmem_shared>>
    tpu.wait_dma2 semaphore(%arg9 : memref<!tpu.dma_semaphore, #tpu.memory_space<semaphore_mem>>) src(%arg7 : memref<128x128xf32, #tpu.memory_space<vmem>>) dst(%dma_wait3A_32 : memref<128x128xf32, #tpu.memory_space<vmem_shared>>)
    %dma_wait3A_33 = arith.constant 0 : i32
    %dma_wait3A_34 = arith.constant 0 : i32
    %dma_wait3A_35 = tpu.memref_slice %arg8[%dma_wait3A_33, %dma_wait3A_34] : memref<10240x128xf32, #tpu.memory_space<vmem_shared>> -> memref<128x128xf32, #tpu.memory_space<vmem_shared>>
    %dma_wait3A_36 = arith.constant 0 : i32
    %dma_wait3A_37 = arith.constant 0 : i32
    %dma_wait3A_38 = tpu.memref_slice %arg8[%dma_wait3A_36, %dma_wait3A_37] : memref<10240x128xf32, #tpu.memory_space<vmem_shared>> -> memref<128x128xf32, #tpu.memory_space<vmem_shared>>
    tpu.wait_dma2 semaphore(%arg9 : memref<!tpu.dma_semaphore, #tpu.memory_space<semaphore_mem>>) src(%arg7 : memref<128x128xf32, #tpu.memory_space<vmem>>) dst(%dma_wait3A_38 : memref<128x128xf32, #tpu.memory_space<vmem_shared>>)
    %dma_wait3A_39 = arith.constant 0 : i32
    %dma_wait3A_40 = arith.constant 0 : i32
    %dma_wait3A_41 = tpu.memref_slice %arg8[%dma_wait3A_39, %dma_wait3A_40] : memref<10240x128xf32, #tpu.memory_space<vmem_shared>> -> memref<128x128xf32, #tpu.memory_space<vmem_shared>>
    %dma_wait3A_42 = arith.constant 0 : i32
    %dma_wait3A_43 = arith.constant 0 : i32
    %dma_wait3A_44 = tpu.memref_slice %arg8[%dma_wait3A_42, %dma_wait3A_43] : memref<10240x128xf32, #tpu.memory_space<vmem_shared>> -> memref<128x128xf32, #tpu.memory_space<vmem_shared>>
    tpu.wait_dma2 semaphore(%arg9 : memref<!tpu.dma_semaphore, #tpu.memory_space<semaphore_mem>>) src(%arg7 : memref<128x128xf32, #tpu.memory_space<vmem>>) dst(%dma_wait3A_44 : memref<128x128xf32, #tpu.memory_space<vmem_shared>>)
    %dma_wait3A_45 = arith.constant 0 : i32
    %dma_wait3A_46 = arith.constant 0 : i32
    %dma_wait3A_47 = tpu.memref_slice %arg8[%dma_wait3A_45, %dma_wait3A_46] : memref<10240x128xf32, #tpu.memory_space<vmem_shared>> -> memref<128x128xf32, #tpu.memory_space<vmem_shared>>
    %dma_wait3A_48 = arith.constant 0 : i32
    %dma_wait3A_49 = arith.constant 0 : i32
    %dma_wait3A_50 = tpu.memref_slice %arg8[%dma_wait3A_48, %dma_wait3A_49] : memref<10240x128xf32, #tpu.memory_space<vmem_shared>> -> memref<128x128xf32, #tpu.memory_space<vmem_shared>>
    tpu.wait_dma2 semaphore(%arg9 : memref<!tpu.dma_semaphore, #tpu.memory_space<semaphore_mem>>) src(%arg7 : memref<128x128xf32, #tpu.memory_space<vmem>>) dst(%dma_wait3A_50 : memref<128x128xf32, #tpu.memory_space<vmem_shared>>)
    %dma_wait3A_51 = arith.constant 0 : i32
    %dma_wait3A_52 = arith.constant 0 : i32
    %dma_wait3A_53 = tpu.memref_slice %arg8[%dma_wait3A_51, %dma_wait3A_52] : memref<10240x128xf32, #tpu.memory_space<vmem_shared>> -> memref<128x128xf32, #tpu.memory_space<vmem_shared>>
    %dma_wait3A_54 = arith.constant 0 : i32
    %dma_wait3A_55 = arith.constant 0 : i32
    %dma_wait3A_56 = tpu.memref_slice %arg8[%dma_wait3A_54, %dma_wait3A_55] : memref<10240x128xf32, #tpu.memory_space<vmem_shared>> -> memref<128x128xf32, #tpu.memory_space<vmem_shared>>
    tpu.wait_dma2 semaphore(%arg9 : memref<!tpu.dma_semaphore, #tpu.memory_space<semaphore_mem>>) src(%arg7 : memref<128x128xf32, #tpu.memory_space<vmem>>) dst(%dma_wait3A_56 : memref<128x128xf32, #tpu.memory_space<vmem_shared>>)
    %barrier3A_57 = arith.constant 0 : index
    tpu.barrier barrier_id(%barrier3A_57)
    %mul3A_58 = arith.constant 640 : i32
    %mul3A_59 = arith.muli %arg1, %mul3A_58 : i32
    %mul3A_60 = arith.constant 640 : i32
    %mul3A_61 = arith.muli %arg1, %mul3A_60 : i32
    "tpu.region"() ({
      %run_scoped3A = tpu.sem_alloc : memref<!tpu.dma_semaphore, #tpu.memory_space<semaphore_mem>>
      %dma_start3A = arith.constant 0 : i32
      %dma_start3A_62 = tpu.memref_slice %arg5[%arg0, %mul3A_61, %dma_start3A] : memref<2x10240x128xf32, #tpu.memory_space<hbm>> -> memref<1x640x128xf32, #tpu.memory_space<hbm>>
      %dma_start3A_63 = tpu.memref_squeeze %dma_start3A_62 : memref<1x640x128xf32, #tpu.memory_space<hbm>> -> memref<640x128xf32, #tpu.memory_space<hbm>>
      %dma_start3A_64 = arith.constant 0 : i32
      %dma_start3A_65 = tpu.memref_slice %arg8[%mul3A_59, %dma_start3A_64] : memref<10240x128xf32, #tpu.memory_space<vmem_shared>> -> memref<640x128xf32, #tpu.memory_space<vmem_shared>>
      tpu.enqueue_dma source(%dma_start3A_65 : memref<640x128xf32, #tpu.memory_space<vmem_shared>>) target(%dma_start3A_63 : memref<640x128xf32, #tpu.memory_space<hbm>>) target_semaphore(%run_scoped3A : memref<!tpu.dma_semaphore, #tpu.memory_space<semaphore_mem>>)
      %dma_wait3A_66 = arith.constant 0 : i32
      %dma_wait3A_67 = tpu.memref_slice %arg5[%arg0, %mul3A_61, %dma_wait3A_66] : memref<2x10240x128xf32, #tpu.memory_space<hbm>> -> memref<1x640x128xf32, #tpu.memory_space<hbm>>
      %dma_wait3A_68 = tpu.memref_squeeze %dma_wait3A_67 : memref<1x640x128xf32, #tpu.memory_space<hbm>> -> memref<640x128xf32, #tpu.memory_space<hbm>>
      %dma_wait3A_69 = arith.constant 0 : i32
      %dma_wait3A_70 = tpu.memref_slice %arg8[%mul3A_59, %dma_wait3A_69] : memref<10240x128xf32, #tpu.memory_space<vmem_shared>> -> memref<640x128xf32, #tpu.memory_space<vmem_shared>>
      tpu.wait_dma2 semaphore(%run_scoped3A : memref<!tpu.dma_semaphore, #tpu.memory_space<semaphore_mem>>) src(%dma_wait3A_70 : memref<640x128xf32, #tpu.memory_space<vmem_shared>>) dst(%dma_wait3A_68 : memref<640x128xf32, #tpu.memory_space<hbm>>)
      tpu.yield
    }) : () -> ()
    return
  }
}

#map = affine_map<(d0, d1) -> (0, 0)>
#map1 = affine_map<(d0, d1) -> (0, 0, 0)>
module attributes {stable_mosaic.version = 14 : i64} {
  func.func @_edge_body(%arg0: i32, %arg1: i32, %arg2: memref<10240x128xf32, #tpu.memory_space<hbm>>, %arg3: memref<2560x128xi32, #tpu.memory_space<hbm>>, %arg4: memref<5120x64xi32, #tpu.memory_space<hbm>>, %arg5: memref<640x128xf32, #tpu.memory_space<hbm>>, %arg6: memref<2x10240x128xf32, #tpu.memory_space<hbm>>, %arg7: memref<40x128xi32, #tpu.memory_space<vmem>>, %arg8: memref<80x64xi32, #tpu.memory_space<vmem>>, %arg9: memref<64x128xf32, #tpu.memory_space<vmem>>, %arg10: memref<64x128xf32, #tpu.memory_space<vmem>>, %arg11: memref<64x128xf32, #tpu.memory_space<vmem>>, %arg12: memref<64x128xf32, #tpu.memory_space<vmem>>, %arg13: memref<10240x128xf32, #tpu.memory_space<vmem_shared>>, %arg14: memref<!tpu.dma_semaphore, #tpu.memory_space<semaphore_mem>>, %arg15: memref<!tpu.dma_semaphore, #tpu.memory_space<semaphore_mem>>, %arg16: memref<!tpu.dma_semaphore, #tpu.memory_space<semaphore_mem>>, %arg17: memref<!tpu.dma_semaphore, #tpu.memory_space<semaphore_mem>>, %arg18: memref<!tpu.dma_semaphore, #tpu.memory_space<semaphore_mem>>, %arg19: memref<!tpu.dma_semaphore, #tpu.memory_space<semaphore_mem>>, %arg20: memref<!tpu.dma_semaphore, #tpu.memory_space<semaphore_mem>>, %arg21: memref<!tpu.dma_semaphore, #tpu.memory_space<semaphore_mem>>) attributes {dimension_semantics = [#tpu.dimension_semantics<core_parallel>, #tpu.dimension_semantics<subcore_parallel>], iteration_bounds = array<i64: 2, 16>, scalar_prefetch = 0 : i64, scratch_operands = 15 : i64, tpu.core_type = #tpu.core_type<sc_vector_subcore>, window_params = [{transform_indices = #map}, {transform_indices = #map}, {transform_indices = #map}, {transform_indices = #map}, {transform_indices = #map1}]} {
    %mul3A = arith.constant 16 : i32
    %mul3A_0 = arith.muli %arg0, %mul3A : i32
    %add3A = arith.addi %mul3A_0, %arg1 : i32
    %mul3A_1 = arith.constant 640 : i32
    %mul3A_2 = arith.muli %arg1, %mul3A_1 : i32
    "tpu.region"() ({
      %run_scoped3A = tpu.sem_alloc : memref<!tpu.dma_semaphore, #tpu.memory_space<semaphore_mem>>
      %dma_start3A_85 = arith.constant 0 : i32
      %dma_start3A_86 = tpu.memref_slice %arg13[%mul3A_2, %dma_start3A_85] : memref<10240x128xf32, #tpu.memory_space<vmem_shared>> -> memref<640x128xf32, #tpu.memory_space<vmem_shared>>
      tpu.enqueue_dma source(%arg5 : memref<640x128xf32, #tpu.memory_space<hbm>>) target(%dma_start3A_86 : memref<640x128xf32, #tpu.memory_space<vmem_shared>>) target_semaphore(%run_scoped3A : memref<!tpu.dma_semaphore, #tpu.memory_space<semaphore_mem>>)
      %dma_wait3A_87 = arith.constant 0 : i32
      %dma_wait3A_88 = tpu.memref_slice %arg13[%mul3A_2, %dma_wait3A_87] : memref<10240x128xf32, #tpu.memory_space<vmem_shared>> -> memref<640x128xf32, #tpu.memory_space<vmem_shared>>
      tpu.wait_dma2 semaphore(%run_scoped3A : memref<!tpu.dma_semaphore, #tpu.memory_space<semaphore_mem>>) src(%arg5 : memref<640x128xf32, #tpu.memory_space<hbm>>) dst(%dma_wait3A_88 : memref<640x128xf32, #tpu.memory_space<vmem_shared>>)
      tpu.yield
    }) : () -> ()
    %barrier3A = arith.constant 0 : index
    tpu.barrier barrier_id(%barrier3A)
    %mul3A_3 = arith.constant 80 : i32
    %mul3A_4 = arith.muli %add3A, %mul3A_3 : i32
    %add3A_5 = arith.constant 0 : i32
    %add3A_6 = arith.addi %mul3A_4, %add3A_5 : i32
    "tpu.region"() ({
      %run_scoped3A = tpu.sem_alloc : memref<!tpu.dma_semaphore, #tpu.memory_space<semaphore_mem>>
      %dma_start3A_85 = arith.constant 0 : i32
      %dma_start3A_86 = tpu.memref_slice %arg3[%add3A_6, %dma_start3A_85] : memref<2560x128xi32, #tpu.memory_space<hbm>> -> memref<40x128xi32, #tpu.memory_space<hbm>>
      %dma_start3A_87 = arith.constant 0 : i32
      %dma_start3A_88 = tpu.memref_slice %arg3[%add3A_6, %dma_start3A_87] : memref<2560x128xi32, #tpu.memory_space<hbm>> -> memref<40x128xi32, #tpu.memory_space<hbm>>
      tpu.enqueue_dma source(%dma_start3A_88 : memref<40x128xi32, #tpu.memory_space<hbm>>) target(%arg7 : memref<40x128xi32, #tpu.memory_space<vmem>>) target_semaphore(%run_scoped3A : memref<!tpu.dma_semaphore, #tpu.memory_space<semaphore_mem>>)
      %dma_wait3A_89 = arith.constant 0 : i32
      %dma_wait3A_90 = tpu.memref_slice %arg3[%add3A_6, %dma_wait3A_89] : memref<2560x128xi32, #tpu.memory_space<hbm>> -> memref<40x128xi32, #tpu.memory_space<hbm>>
      %dma_wait3A_91 = arith.constant 0 : i32
      %dma_wait3A_92 = tpu.memref_slice %arg3[%add3A_6, %dma_wait3A_91] : memref<2560x128xi32, #tpu.memory_space<hbm>> -> memref<40x128xi32, #tpu.memory_space<hbm>>
      tpu.wait_dma2 semaphore(%run_scoped3A : memref<!tpu.dma_semaphore, #tpu.memory_space<semaphore_mem>>) src(%dma_wait3A_92 : memref<40x128xi32, #tpu.memory_space<hbm>>) dst(%arg7 : memref<40x128xi32, #tpu.memory_space<vmem>>)
      tpu.yield
    }) : () -> ()
    %mul3A_7 = arith.constant 160 : i32
    %mul3A_8 = arith.muli %add3A, %mul3A_7 : i32
    %add3A_9 = arith.constant 0 : i32
    %add3A_10 = arith.addi %mul3A_8, %add3A_9 : i32
    "tpu.region"() ({
      %run_scoped3A = tpu.sem_alloc : memref<!tpu.dma_semaphore, #tpu.memory_space<semaphore_mem>>
      %dma_start3A_85 = arith.constant 0 : i32
      %dma_start3A_86 = tpu.memref_slice %arg4[%add3A_10, %dma_start3A_85] : memref<5120x64xi32, #tpu.memory_space<hbm>> -> memref<80x64xi32, #tpu.memory_space<hbm>>
      %dma_start3A_87 = arith.constant 0 : i32
      %dma_start3A_88 = tpu.memref_slice %arg4[%add3A_10, %dma_start3A_87] : memref<5120x64xi32, #tpu.memory_space<hbm>> -> memref<80x64xi32, #tpu.memory_space<hbm>>
      tpu.enqueue_dma source(%dma_start3A_88 : memref<80x64xi32, #tpu.memory_space<hbm>>) target(%arg8 : memref<80x64xi32, #tpu.memory_space<vmem>>) target_semaphore(%run_scoped3A : memref<!tpu.dma_semaphore, #tpu.memory_space<semaphore_mem>>)
      %dma_wait3A_89 = arith.constant 0 : i32
      %dma_wait3A_90 = tpu.memref_slice %arg4[%add3A_10, %dma_wait3A_89] : memref<5120x64xi32, #tpu.memory_space<hbm>> -> memref<80x64xi32, #tpu.memory_space<hbm>>
      %dma_wait3A_91 = arith.constant 0 : i32
      %dma_wait3A_92 = tpu.memref_slice %arg4[%add3A_10, %dma_wait3A_91] : memref<5120x64xi32, #tpu.memory_space<hbm>> -> memref<80x64xi32, #tpu.memory_space<hbm>>
      tpu.wait_dma2 semaphore(%run_scoped3A : memref<!tpu.dma_semaphore, #tpu.memory_space<semaphore_mem>>) src(%dma_wait3A_92 : memref<80x64xi32, #tpu.memory_space<hbm>>) dst(%arg8 : memref<80x64xi32, #tpu.memory_space<vmem>>)
      tpu.yield
    }) : () -> ()
    %dma_start3A = arith.constant 0 : i32
    %dma_start3A_11 = arith.constant 0 : i32
    %dma_start3A_12 = tpu.memref_slice %arg7[%dma_start3A, %dma_start3A_11] : memref<40x128xi32, #tpu.memory_space<vmem>> -> memref<1x64xi32, #tpu.memory_space<vmem>>
    %dma_start3A_13 = tpu.memref_squeeze %dma_start3A_12 : memref<1x64xi32, #tpu.memory_space<vmem>> -> memref<64xi32, #tpu.memory_space<vmem>>
    %dma_start3A_14 = arith.constant 0 : i32
    %dma_start3A_15 = arith.constant 0 : i32
    %dma_start3A_16 = tpu.memref_slice %arg2[%dma_start3A_14, %dma_start3A_15] : memref<10240x128xf32, #tpu.memory_space<hbm>> -> memref<10240x128xf32, #tpu.memory_space<hbm>>
    tpu.enqueue_indirect_dma source(%dma_start3A_16 : memref<10240x128xf32, #tpu.memory_space<hbm>>) target(%arg9 : memref<64x128xf32, #tpu.memory_space<vmem>>) offsets(%dma_start3A_13 : memref<64xi32, #tpu.memory_space<vmem>>) semaphore(%arg14 : memref<!tpu.dma_semaphore, #tpu.memory_space<semaphore_mem>>)
    %dma_start3A_17 = arith.constant 0 : i32
    %dma_start3A_18 = arith.constant 64 : i32
    %dma_start3A_19 = tpu.memref_slice %arg7[%dma_start3A_17, %dma_start3A_18] : memref<40x128xi32, #tpu.memory_space<vmem>> -> memref<1x64xi32, #tpu.memory_space<vmem>>
    %dma_start3A_20 = tpu.memref_squeeze %dma_start3A_19 : memref<1x64xi32, #tpu.memory_space<vmem>> -> memref<64xi32, #tpu.memory_space<vmem>>
    %dma_start3A_21 = arith.constant 0 : i32
    %dma_start3A_22 = arith.constant 0 : i32
    %dma_start3A_23 = tpu.memref_slice %arg2[%dma_start3A_21, %dma_start3A_22] : memref<10240x128xf32, #tpu.memory_space<hbm>> -> memref<10240x128xf32, #tpu.memory_space<hbm>>
    tpu.enqueue_indirect_dma source(%dma_start3A_23 : memref<10240x128xf32, #tpu.memory_space<hbm>>) target(%arg10 : memref<64x128xf32, #tpu.memory_space<vmem>>) offsets(%dma_start3A_20 : memref<64xi32, #tpu.memory_space<vmem>>) semaphore(%arg15 : memref<!tpu.dma_semaphore, #tpu.memory_space<semaphore_mem>>)
    %scan3A = arith.constant 0 : i32
    %scan3A_24 = arith.constant 0 : i32
    %scan3A_25 = arith.constant 20 : i32
    %scan3A_26 = arith.addi %scan3A_24, %scan3A_25 : i32
    %scan3A_27 = arith.constant 1 : i32
    scf.for %scan3A_85 = %scan3A_24 to %scan3A_26 step %scan3A_27  : i32 {
      %mul3A_86 = arith.constant 4 : i32
      %mul3A_87 = arith.muli %scan3A_85, %mul3A_86 : i32
      %add3A_88 = arith.constant 0 : i32
      %add3A_89 = arith.addi %mul3A_87, %add3A_88 : i32
      %ge3A = arith.constant 2 : i32
      %ge3A_90 = arith.cmpi sge, %add3A_89, %ge3A : i32
      %convert_element_type3A = arith.extui %ge3A_90 : i1 to i32
      %cond3A = arith.constant 0 : i32
      %cond3A_91 = arith.cmpi ne, %convert_element_type3A, %cond3A : i32
      scf.if %cond3A_91 {
        %dma_wait3A_194 = arith.constant 0 : i32
        %dma_wait3A_195 = arith.constant 0 : i32
        %dma_wait3A_196 = tpu.memref_slice %arg13[%dma_wait3A_194, %dma_wait3A_195] : memref<10240x128xf32, #tpu.memory_space<vmem_shared>> -> memref<64x128xf32, #tpu.memory_space<vmem_shared>>
        %dma_wait3A_197 = arith.constant 0 : i32
        %dma_wait3A_198 = arith.constant 0 : i32
        %dma_wait3A_199 = tpu.memref_slice %arg13[%dma_wait3A_197, %dma_wait3A_198] : memref<10240x128xf32, #tpu.memory_space<vmem_shared>> -> memref<64x128xf32, #tpu.memory_space<vmem_shared>>
        tpu.wait_dma2 semaphore(%arg20 : memref<!tpu.dma_semaphore, #tpu.memory_space<semaphore_mem>>) src(%arg11 : memref<64x128xf32, #tpu.memory_space<vmem>>) dst(%dma_wait3A_199 : memref<64x128xf32, #tpu.memory_space<vmem_shared>>)
      } else {
      }
      %add3A_92 = arith.constant 2 : i32
      %add3A_93 = arith.addi %add3A_89, %add3A_92 : i32
      %lt3A = arith.constant 80 : i32
      %lt3A_94 = arith.cmpi slt, %add3A_93, %lt3A : i32
      %convert_element_type3A_95 = arith.extui %lt3A_94 : i1 to i32
      %cond3A_96 = arith.constant 0 : i32
      %cond3A_97 = arith.cmpi ne, %convert_element_type3A_95, %cond3A_96 : i32
      scf.if %cond3A_97 {
        %add3A_194 = arith.constant 2 : i32
        %add3A_195 = arith.addi %add3A_89, %add3A_194 : i32
        %jit3A = arith.constant 2 : i32
        %div3A = arith.divsi %add3A_195, %jit3A : i32
        %sign3A = arith.constant 0 : i32
        %sign3A_196 = arith.cmpi sgt, %add3A_195, %sign3A : i32
        %sign3A_197 = arith.extui %sign3A_196 : i1 to i32
        %sign3A_198 = arith.constant 0 : i32
        %sign3A_199 = arith.cmpi slt, %add3A_195, %sign3A_198 : i32
        %sign3A_200 = arith.extui %sign3A_199 : i1 to i32
        %sign3A_201 = arith.subi %sign3A_197, %sign3A_200 : i32
        %sign3A_202 = arith.constant 0 : i32
        %sign3A_203 = arith.cmpi sgt, %jit3A, %sign3A_202 : i32
        %sign3A_204 = arith.extui %sign3A_203 : i1 to i32
        %sign3A_205 = arith.constant 0 : i32
        %sign3A_206 = arith.cmpi slt, %jit3A, %sign3A_205 : i32
        %sign3A_207 = arith.extui %sign3A_206 : i1 to i32
        %sign3A_208 = arith.subi %sign3A_204, %sign3A_207 : i32
        %ne3A = arith.cmpi ne, %sign3A_201, %sign3A_208 : i32
        %rem3A = arith.remsi %add3A_195, %jit3A : i32
        %ne3A_209 = arith.constant 0 : i32
        %ne3A_210 = arith.cmpi ne, %rem3A, %ne3A_209 : i32
        %and3A = arith.andi %ne3A, %ne3A_210 : i1
        %sub3A = arith.constant 1 : i32
        %sub3A_211 = arith.subi %div3A, %sub3A : i32
        %select_n3A = arith.select %and3A, %sub3A_211, %div3A : i32
        %jit3A_212 = arith.constant 2 : i32
        %eq3A = arith.constant 0 : i32
        %eq3A_213 = arith.cmpi eq, %jit3A_212, %eq3A : i32
        %jit3A_214 = arith.constant 1 : i32
        %select_n3A_215 = arith.select %eq3A_213, %jit3A_214, %jit3A_212 : i32
        %rem3A_216 = arith.remsi %add3A_195, %select_n3A_215 : i32
        %ne3A_217 = arith.constant 0 : i32
        %ne3A_218 = arith.cmpi ne, %rem3A_216, %ne3A_217 : i32
        %lt3A_219 = arith.constant 0 : i32
        %lt3A_220 = arith.cmpi slt, %rem3A_216, %lt3A_219 : i32
        %lt3A_221 = arith.constant 0 : i32
        %lt3A_222 = arith.cmpi slt, %select_n3A_215, %lt3A_221 : i32
        %ne3A_223 = arith.xori %lt3A_220, %lt3A_222 : i1
        %and3A_224 = arith.andi %ne3A_223, %ne3A_218 : i1
        %add3A_225 = arith.addi %rem3A_216, %select_n3A_215 : i32
        %select_n3A_226 = arith.select %and3A_224, %add3A_225, %rem3A_216 : i32
        %mul3A_227 = arith.constant 64 : i32
        %mul3A_228 = arith.muli %select_n3A_226, %mul3A_227 : i32
        %dma_start3A_229 = tpu.memref_slice %arg7[%select_n3A, %mul3A_228] : memref<40x128xi32, #tpu.memory_space<vmem>> -> memref<1x64xi32, #tpu.memory_space<vmem>>
        %dma_start3A_230 = tpu.memref_squeeze %dma_start3A_229 : memref<1x64xi32, #tpu.memory_space<vmem>> -> memref<64xi32, #tpu.memory_space<vmem>>
        %dma_start3A_231 = arith.constant 0 : i32
        %dma_start3A_232 = arith.constant 0 : i32
        %dma_start3A_233 = tpu.memref_slice %arg2[%dma_start3A_231, %dma_start3A_232] : memref<10240x128xf32, #tpu.memory_space<hbm>> -> memref<10240x128xf32, #tpu.memory_space<hbm>>
        tpu.enqueue_indirect_dma source(%dma_start3A_233 : memref<10240x128xf32, #tpu.memory_space<hbm>>) target(%arg11 : memref<64x128xf32, #tpu.memory_space<vmem>>) offsets(%dma_start3A_230 : memref<64xi32, #tpu.memory_space<vmem>>) semaphore(%arg16 : memref<!tpu.dma_semaphore, #tpu.memory_space<semaphore_mem>>)
      } else {
      }
      %dma_wait3A_98 = arith.constant 0 : i32
      %dma_wait3A_99 = arith.constant 0 : i32
      %dma_wait3A_100 = tpu.memref_slice %arg2[%dma_wait3A_98, %dma_wait3A_99] : memref<10240x128xf32, #tpu.memory_space<hbm>> -> memref<64x128xf32, #tpu.memory_space<hbm>>
      %dma_wait3A_101 = arith.constant 0 : i32
      %dma_wait3A_102 = arith.constant 0 : i32
      %dma_wait3A_103 = tpu.memref_slice %arg2[%dma_wait3A_101, %dma_wait3A_102] : memref<10240x128xf32, #tpu.memory_space<hbm>> -> memref<64x128xf32, #tpu.memory_space<hbm>>
      tpu.wait_dma2 semaphore(%arg14 : memref<!tpu.dma_semaphore, #tpu.memory_space<semaphore_mem>>) src(%dma_wait3A_103 : memref<64x128xf32, #tpu.memory_space<hbm>>) dst(%arg9 : memref<64x128xf32, #tpu.memory_space<vmem>>)
      %dma_start3A_104 = arith.constant 0 : i32
      %dma_start3A_105 = tpu.memref_slice %arg8[%add3A_89, %dma_start3A_104] : memref<80x64xi32, #tpu.memory_space<vmem>> -> memref<1x64xi32, #tpu.memory_space<vmem>>
      %dma_start3A_106 = tpu.memref_squeeze %dma_start3A_105 : memref<1x64xi32, #tpu.memory_space<vmem>> -> memref<64xi32, #tpu.memory_space<vmem>>
      %dma_start3A_107 = arith.constant 0 : i32
      %dma_start3A_108 = arith.constant 0 : i32
      %dma_start3A_109 = tpu.memref_slice %arg13[%dma_start3A_107, %dma_start3A_108] : memref<10240x128xf32, #tpu.memory_space<vmem_shared>> -> memref<10240x128xf32, #tpu.memory_space<vmem_shared>>
      tpu.enqueue_indirect_dma source(%arg9 : memref<64x128xf32, #tpu.memory_space<vmem>>) target(%dma_start3A_109 : memref<10240x128xf32, #tpu.memory_space<vmem_shared>>) offsets(%dma_start3A_106 : memref<64xi32, #tpu.memory_space<vmem>>) semaphore(%arg18 : memref<!tpu.dma_semaphore, #tpu.memory_space<semaphore_mem>>) {add = true}
      %mul3A_110 = arith.constant 4 : i32
      %mul3A_111 = arith.muli %scan3A_85, %mul3A_110 : i32
      %add3A_112 = arith.constant 1 : i32
      %add3A_113 = arith.addi %mul3A_111, %add3A_112 : i32
      %ge3A_114 = arith.constant 2 : i32
      %ge3A_115 = arith.cmpi sge, %add3A_113, %ge3A_114 : i32
      %convert_element_type3A_116 = arith.extui %ge3A_115 : i1 to i32
      %cond3A_117 = arith.constant 0 : i32
      %cond3A_118 = arith.cmpi ne, %convert_element_type3A_116, %cond3A_117 : i32
      scf.if %cond3A_118 {
        %dma_wait3A_194 = arith.constant 0 : i32
        %dma_wait3A_195 = arith.constant 0 : i32
        %dma_wait3A_196 = tpu.memref_slice %arg13[%dma_wait3A_194, %dma_wait3A_195] : memref<10240x128xf32, #tpu.memory_space<vmem_shared>> -> memref<64x128xf32, #tpu.memory_space<vmem_shared>>
        %dma_wait3A_197 = arith.constant 0 : i32
        %dma_wait3A_198 = arith.constant 0 : i32
        %dma_wait3A_199 = tpu.memref_slice %arg13[%dma_wait3A_197, %dma_wait3A_198] : memref<10240x128xf32, #tpu.memory_space<vmem_shared>> -> memref<64x128xf32, #tpu.memory_space<vmem_shared>>
        tpu.wait_dma2 semaphore(%arg21 : memref<!tpu.dma_semaphore, #tpu.memory_space<semaphore_mem>>) src(%arg12 : memref<64x128xf32, #tpu.memory_space<vmem>>) dst(%dma_wait3A_199 : memref<64x128xf32, #tpu.memory_space<vmem_shared>>)
      } else {
      }
      %add3A_119 = arith.constant 2 : i32
      %add3A_120 = arith.addi %add3A_113, %add3A_119 : i32
      %lt3A_121 = arith.constant 80 : i32
      %lt3A_122 = arith.cmpi slt, %add3A_120, %lt3A_121 : i32
      %convert_element_type3A_123 = arith.extui %lt3A_122 : i1 to i32
      %cond3A_124 = arith.constant 0 : i32
      %cond3A_125 = arith.cmpi ne, %convert_element_type3A_123, %cond3A_124 : i32
      scf.if %cond3A_125 {
        %add3A_194 = arith.constant 2 : i32
        %add3A_195 = arith.addi %add3A_113, %add3A_194 : i32
        %jit3A = arith.constant 2 : i32
        %div3A = arith.divsi %add3A_195, %jit3A : i32
        %sign3A = arith.constant 0 : i32
        %sign3A_196 = arith.cmpi sgt, %add3A_195, %sign3A : i32
        %sign3A_197 = arith.extui %sign3A_196 : i1 to i32
        %sign3A_198 = arith.constant 0 : i32
        %sign3A_199 = arith.cmpi slt, %add3A_195, %sign3A_198 : i32
        %sign3A_200 = arith.extui %sign3A_199 : i1 to i32
        %sign3A_201 = arith.subi %sign3A_197, %sign3A_200 : i32
        %sign3A_202 = arith.constant 0 : i32
        %sign3A_203 = arith.cmpi sgt, %jit3A, %sign3A_202 : i32
        %sign3A_204 = arith.extui %sign3A_203 : i1 to i32
        %sign3A_205 = arith.constant 0 : i32
        %sign3A_206 = arith.cmpi slt, %jit3A, %sign3A_205 : i32
        %sign3A_207 = arith.extui %sign3A_206 : i1 to i32
        %sign3A_208 = arith.subi %sign3A_204, %sign3A_207 : i32
        %ne3A = arith.cmpi ne, %sign3A_201, %sign3A_208 : i32
        %rem3A = arith.remsi %add3A_195, %jit3A : i32
        %ne3A_209 = arith.constant 0 : i32
        %ne3A_210 = arith.cmpi ne, %rem3A, %ne3A_209 : i32
        %and3A = arith.andi %ne3A, %ne3A_210 : i1
        %sub3A = arith.constant 1 : i32
        %sub3A_211 = arith.subi %div3A, %sub3A : i32
        %select_n3A = arith.select %and3A, %sub3A_211, %div3A : i32
        %jit3A_212 = arith.constant 2 : i32
        %eq3A = arith.constant 0 : i32
        %eq3A_213 = arith.cmpi eq, %jit3A_212, %eq3A : i32
        %jit3A_214 = arith.constant 1 : i32
        %select_n3A_215 = arith.select %eq3A_213, %jit3A_214, %jit3A_212 : i32
        %rem3A_216 = arith.remsi %add3A_195, %select_n3A_215 : i32
        %ne3A_217 = arith.constant 0 : i32
        %ne3A_218 = arith.cmpi ne, %rem3A_216, %ne3A_217 : i32
        %lt3A_219 = arith.constant 0 : i32
        %lt3A_220 = arith.cmpi slt, %rem3A_216, %lt3A_219 : i32
        %lt3A_221 = arith.constant 0 : i32
        %lt3A_222 = arith.cmpi slt, %select_n3A_215, %lt3A_221 : i32
        %ne3A_223 = arith.xori %lt3A_220, %lt3A_222 : i1
        %and3A_224 = arith.andi %ne3A_223, %ne3A_218 : i1
        %add3A_225 = arith.addi %rem3A_216, %select_n3A_215 : i32
        %select_n3A_226 = arith.select %and3A_224, %add3A_225, %rem3A_216 : i32
        %mul3A_227 = arith.constant 64 : i32
        %mul3A_228 = arith.muli %select_n3A_226, %mul3A_227 : i32
        %dma_start3A_229 = tpu.memref_slice %arg7[%select_n3A, %mul3A_228] : memref<40x128xi32, #tpu.memory_space<vmem>> -> memref<1x64xi32, #tpu.memory_space<vmem>>
        %dma_start3A_230 = tpu.memref_squeeze %dma_start3A_229 : memref<1x64xi32, #tpu.memory_space<vmem>> -> memref<64xi32, #tpu.memory_space<vmem>>
        %dma_start3A_231 = arith.constant 0 : i32
        %dma_start3A_232 = arith.constant 0 : i32
        %dma_start3A_233 = tpu.memref_slice %arg2[%dma_start3A_231, %dma_start3A_232] : memref<10240x128xf32, #tpu.memory_space<hbm>> -> memref<10240x128xf32, #tpu.memory_space<hbm>>
        tpu.enqueue_indirect_dma source(%dma_start3A_233 : memref<10240x128xf32, #tpu.memory_space<hbm>>) target(%arg12 : memref<64x128xf32, #tpu.memory_space<vmem>>) offsets(%dma_start3A_230 : memref<64xi32, #tpu.memory_space<vmem>>) semaphore(%arg17 : memref<!tpu.dma_semaphore, #tpu.memory_space<semaphore_mem>>)
      } else {
      }
      %dma_wait3A_126 = arith.constant 0 : i32
      %dma_wait3A_127 = arith.constant 0 : i32
      %dma_wait3A_128 = tpu.memref_slice %arg2[%dma_wait3A_126, %dma_wait3A_127] : memref<10240x128xf32, #tpu.memory_space<hbm>> -> memref<64x128xf32, #tpu.memory_space<hbm>>
      %dma_wait3A_129 = arith.constant 0 : i32
      %dma_wait3A_130 = arith.constant 0 : i32
      %dma_wait3A_131 = tpu.memref_slice %arg2[%dma_wait3A_129, %dma_wait3A_130] : memref<10240x128xf32, #tpu.memory_space<hbm>> -> memref<64x128xf32, #tpu.memory_space<hbm>>
      tpu.wait_dma2 semaphore(%arg15 : memref<!tpu.dma_semaphore, #tpu.memory_space<semaphore_mem>>) src(%dma_wait3A_131 : memref<64x128xf32, #tpu.memory_space<hbm>>) dst(%arg10 : memref<64x128xf32, #tpu.memory_space<vmem>>)
      %dma_start3A_132 = arith.constant 0 : i32
      %dma_start3A_133 = tpu.memref_slice %arg8[%add3A_113, %dma_start3A_132] : memref<80x64xi32, #tpu.memory_space<vmem>> -> memref<1x64xi32, #tpu.memory_space<vmem>>
      %dma_start3A_134 = tpu.memref_squeeze %dma_start3A_133 : memref<1x64xi32, #tpu.memory_space<vmem>> -> memref<64xi32, #tpu.memory_space<vmem>>
      %dma_start3A_135 = arith.constant 0 : i32
      %dma_start3A_136 = arith.constant 0 : i32
      %dma_start3A_137 = tpu.memref_slice %arg13[%dma_start3A_135, %dma_start3A_136] : memref<10240x128xf32, #tpu.memory_space<vmem_shared>> -> memref<10240x128xf32, #tpu.memory_space<vmem_shared>>
      tpu.enqueue_indirect_dma source(%arg10 : memref<64x128xf32, #tpu.memory_space<vmem>>) target(%dma_start3A_137 : memref<10240x128xf32, #tpu.memory_space<vmem_shared>>) offsets(%dma_start3A_134 : memref<64xi32, #tpu.memory_space<vmem>>) semaphore(%arg19 : memref<!tpu.dma_semaphore, #tpu.memory_space<semaphore_mem>>) {add = true}
      %mul3A_138 = arith.constant 4 : i32
      %mul3A_139 = arith.muli %scan3A_85, %mul3A_138 : i32
      %add3A_140 = arith.constant 2 : i32
      %add3A_141 = arith.addi %mul3A_139, %add3A_140 : i32
      %ge3A_142 = arith.constant 2 : i32
      %ge3A_143 = arith.cmpi sge, %add3A_141, %ge3A_142 : i32
      %convert_element_type3A_144 = arith.extui %ge3A_143 : i1 to i32
      %cond3A_145 = arith.constant 0 : i32
      %cond3A_146 = arith.cmpi ne, %convert_element_type3A_144, %cond3A_145 : i32
      scf.if %cond3A_146 {
        %dma_wait3A_194 = arith.constant 0 : i32
        %dma_wait3A_195 = arith.constant 0 : i32
        %dma_wait3A_196 = tpu.memref_slice %arg13[%dma_wait3A_194, %dma_wait3A_195] : memref<10240x128xf32, #tpu.memory_space<vmem_shared>> -> memref<64x128xf32, #tpu.memory_space<vmem_shared>>
        %dma_wait3A_197 = arith.constant 0 : i32
        %dma_wait3A_198 = arith.constant 0 : i32
        %dma_wait3A_199 = tpu.memref_slice %arg13[%dma_wait3A_197, %dma_wait3A_198] : memref<10240x128xf32, #tpu.memory_space<vmem_shared>> -> memref<64x128xf32, #tpu.memory_space<vmem_shared>>
        tpu.wait_dma2 semaphore(%arg18 : memref<!tpu.dma_semaphore, #tpu.memory_space<semaphore_mem>>) src(%arg9 : memref<64x128xf32, #tpu.memory_space<vmem>>) dst(%dma_wait3A_199 : memref<64x128xf32, #tpu.memory_space<vmem_shared>>)
      } else {
      }
      %add3A_147 = arith.constant 2 : i32
      %add3A_148 = arith.addi %add3A_141, %add3A_147 : i32
      %lt3A_149 = arith.constant 80 : i32
      %lt3A_150 = arith.cmpi slt, %add3A_148, %lt3A_149 : i32
      %convert_element_type3A_151 = arith.extui %lt3A_150 : i1 to i32
      %cond3A_152 = arith.constant 0 : i32
      %cond3A_153 = arith.cmpi ne, %convert_element_type3A_151, %cond3A_152 : i32
      scf.if %cond3A_153 {
        %add3A_194 = arith.constant 2 : i32
        %add3A_195 = arith.addi %add3A_141, %add3A_194 : i32
        %jit3A = arith.constant 2 : i32
        %div3A = arith.divsi %add3A_195, %jit3A : i32
        %sign3A = arith.constant 0 : i32
        %sign3A_196 = arith.cmpi sgt, %add3A_195, %sign3A : i32
        %sign3A_197 = arith.extui %sign3A_196 : i1 to i32
        %sign3A_198 = arith.constant 0 : i32
        %sign3A_199 = arith.cmpi slt, %add3A_195, %sign3A_198 : i32
        %sign3A_200 = arith.extui %sign3A_199 : i1 to i32
        %sign3A_201 = arith.subi %sign3A_197, %sign3A_200 : i32
        %sign3A_202 = arith.constant 0 : i32
        %sign3A_203 = arith.cmpi sgt, %jit3A, %sign3A_202 : i32
        %sign3A_204 = arith.extui %sign3A_203 : i1 to i32
        %sign3A_205 = arith.constant 0 : i32
        %sign3A_206 = arith.cmpi slt, %jit3A, %sign3A_205 : i32
        %sign3A_207 = arith.extui %sign3A_206 : i1 to i32
        %sign3A_208 = arith.subi %sign3A_204, %sign3A_207 : i32
        %ne3A = arith.cmpi ne, %sign3A_201, %sign3A_208 : i32
        %rem3A = arith.remsi %add3A_195, %jit3A : i32
        %ne3A_209 = arith.constant 0 : i32
        %ne3A_210 = arith.cmpi ne, %rem3A, %ne3A_209 : i32
        %and3A = arith.andi %ne3A, %ne3A_210 : i1
        %sub3A = arith.constant 1 : i32
        %sub3A_211 = arith.subi %div3A, %sub3A : i32
        %select_n3A = arith.select %and3A, %sub3A_211, %div3A : i32
        %jit3A_212 = arith.constant 2 : i32
        %eq3A = arith.constant 0 : i32
        %eq3A_213 = arith.cmpi eq, %jit3A_212, %eq3A : i32
        %jit3A_214 = arith.constant 1 : i32
        %select_n3A_215 = arith.select %eq3A_213, %jit3A_214, %jit3A_212 : i32
        %rem3A_216 = arith.remsi %add3A_195, %select_n3A_215 : i32
        %ne3A_217 = arith.constant 0 : i32
        %ne3A_218 = arith.cmpi ne, %rem3A_216, %ne3A_217 : i32
        %lt3A_219 = arith.constant 0 : i32
        %lt3A_220 = arith.cmpi slt, %rem3A_216, %lt3A_219 : i32
        %lt3A_221 = arith.constant 0 : i32
        %lt3A_222 = arith.cmpi slt, %select_n3A_215, %lt3A_221 : i32
        %ne3A_223 = arith.xori %lt3A_220, %lt3A_222 : i1
        %and3A_224 = arith.andi %ne3A_223, %ne3A_218 : i1
        %add3A_225 = arith.addi %rem3A_216, %select_n3A_215 : i32
        %select_n3A_226 = arith.select %and3A_224, %add3A_225, %rem3A_216 : i32
        %mul3A_227 = arith.constant 64 : i32
        %mul3A_228 = arith.muli %select_n3A_226, %mul3A_227 : i32
        %dma_start3A_229 = tpu.memref_slice %arg7[%select_n3A, %mul3A_228] : memref<40x128xi32, #tpu.memory_space<vmem>> -> memref<1x64xi32, #tpu.memory_space<vmem>>
        %dma_start3A_230 = tpu.memref_squeeze %dma_start3A_229 : memref<1x64xi32, #tpu.memory_space<vmem>> -> memref<64xi32, #tpu.memory_space<vmem>>
        %dma_start3A_231 = arith.constant 0 : i32
        %dma_start3A_232 = arith.constant 0 : i32
        %dma_start3A_233 = tpu.memref_slice %arg2[%dma_start3A_231, %dma_start3A_232] : memref<10240x128xf32, #tpu.memory_space<hbm>> -> memref<10240x128xf32, #tpu.memory_space<hbm>>
        tpu.enqueue_indirect_dma source(%dma_start3A_233 : memref<10240x128xf32, #tpu.memory_space<hbm>>) target(%arg9 : memref<64x128xf32, #tpu.memory_space<vmem>>) offsets(%dma_start3A_230 : memref<64xi32, #tpu.memory_space<vmem>>) semaphore(%arg14 : memref<!tpu.dma_semaphore, #tpu.memory_space<semaphore_mem>>)
      } else {
      }
      %dma_wait3A_154 = arith.constant 0 : i32
      %dma_wait3A_155 = arith.constant 0 : i32
      %dma_wait3A_156 = tpu.memref_slice %arg2[%dma_wait3A_154, %dma_wait3A_155] : memref<10240x128xf32, #tpu.memory_space<hbm>> -> memref<64x128xf32, #tpu.memory_space<hbm>>
      %dma_wait3A_157 = arith.constant 0 : i32
      %dma_wait3A_158 = arith.constant 0 : i32
      %dma_wait3A_159 = tpu.memref_slice %arg2[%dma_wait3A_157, %dma_wait3A_158] : memref<10240x128xf32, #tpu.memory_space<hbm>> -> memref<64x128xf32, #tpu.memory_space<hbm>>
      tpu.wait_dma2 semaphore(%arg16 : memref<!tpu.dma_semaphore, #tpu.memory_space<semaphore_mem>>) src(%dma_wait3A_159 : memref<64x128xf32, #tpu.memory_space<hbm>>) dst(%arg11 : memref<64x128xf32, #tpu.memory_space<vmem>>)
      %dma_start3A_160 = arith.constant 0 : i32
      %dma_start3A_161 = tpu.memref_slice %arg8[%add3A_141, %dma_start3A_160] : memref<80x64xi32, #tpu.memory_space<vmem>> -> memref<1x64xi32, #tpu.memory_space<vmem>>
      %dma_start3A_162 = tpu.memref_squeeze %dma_start3A_161 : memref<1x64xi32, #tpu.memory_space<vmem>> -> memref<64xi32, #tpu.memory_space<vmem>>
      %dma_start3A_163 = arith.constant 0 : i32
      %dma_start3A_164 = arith.constant 0 : i32
      %dma_start3A_165 = tpu.memref_slice %arg13[%dma_start3A_163, %dma_start3A_164] : memref<10240x128xf32, #tpu.memory_space<vmem_shared>> -> memref<10240x128xf32, #tpu.memory_space<vmem_shared>>
      tpu.enqueue_indirect_dma source(%arg11 : memref<64x128xf32, #tpu.memory_space<vmem>>) target(%dma_start3A_165 : memref<10240x128xf32, #tpu.memory_space<vmem_shared>>) offsets(%dma_start3A_162 : memref<64xi32, #tpu.memory_space<vmem>>) semaphore(%arg20 : memref<!tpu.dma_semaphore, #tpu.memory_space<semaphore_mem>>) {add = true}
      %mul3A_166 = arith.constant 4 : i32
      %mul3A_167 = arith.muli %scan3A_85, %mul3A_166 : i32
      %add3A_168 = arith.constant 3 : i32
      %add3A_169 = arith.addi %mul3A_167, %add3A_168 : i32
      %ge3A_170 = arith.constant 2 : i32
      %ge3A_171 = arith.cmpi sge, %add3A_169, %ge3A_170 : i32
      %convert_element_type3A_172 = arith.extui %ge3A_171 : i1 to i32
      %cond3A_173 = arith.constant 0 : i32
      %cond3A_174 = arith.cmpi ne, %convert_element_type3A_172, %cond3A_173 : i32
      scf.if %cond3A_174 {
        %dma_wait3A_194 = arith.constant 0 : i32
        %dma_wait3A_195 = arith.constant 0 : i32
        %dma_wait3A_196 = tpu.memref_slice %arg13[%dma_wait3A_194, %dma_wait3A_195] : memref<10240x128xf32, #tpu.memory_space<vmem_shared>> -> memref<64x128xf32, #tpu.memory_space<vmem_shared>>
        %dma_wait3A_197 = arith.constant 0 : i32
        %dma_wait3A_198 = arith.constant 0 : i32
        %dma_wait3A_199 = tpu.memref_slice %arg13[%dma_wait3A_197, %dma_wait3A_198] : memref<10240x128xf32, #tpu.memory_space<vmem_shared>> -> memref<64x128xf32, #tpu.memory_space<vmem_shared>>
        tpu.wait_dma2 semaphore(%arg19 : memref<!tpu.dma_semaphore, #tpu.memory_space<semaphore_mem>>) src(%arg10 : memref<64x128xf32, #tpu.memory_space<vmem>>) dst(%dma_wait3A_199 : memref<64x128xf32, #tpu.memory_space<vmem_shared>>)
      } else {
      }
      %add3A_175 = arith.constant 2 : i32
      %add3A_176 = arith.addi %add3A_169, %add3A_175 : i32
      %lt3A_177 = arith.constant 80 : i32
      %lt3A_178 = arith.cmpi slt, %add3A_176, %lt3A_177 : i32
      %convert_element_type3A_179 = arith.extui %lt3A_178 : i1 to i32
      %cond3A_180 = arith.constant 0 : i32
      %cond3A_181 = arith.cmpi ne, %convert_element_type3A_179, %cond3A_180 : i32
      scf.if %cond3A_181 {
        %add3A_194 = arith.constant 2 : i32
        %add3A_195 = arith.addi %add3A_169, %add3A_194 : i32
        %jit3A = arith.constant 2 : i32
        %div3A = arith.divsi %add3A_195, %jit3A : i32
        %sign3A = arith.constant 0 : i32
        %sign3A_196 = arith.cmpi sgt, %add3A_195, %sign3A : i32
        %sign3A_197 = arith.extui %sign3A_196 : i1 to i32
        %sign3A_198 = arith.constant 0 : i32
        %sign3A_199 = arith.cmpi slt, %add3A_195, %sign3A_198 : i32
        %sign3A_200 = arith.extui %sign3A_199 : i1 to i32
        %sign3A_201 = arith.subi %sign3A_197, %sign3A_200 : i32
        %sign3A_202 = arith.constant 0 : i32
        %sign3A_203 = arith.cmpi sgt, %jit3A, %sign3A_202 : i32
        %sign3A_204 = arith.extui %sign3A_203 : i1 to i32
        %sign3A_205 = arith.constant 0 : i32
        %sign3A_206 = arith.cmpi slt, %jit3A, %sign3A_205 : i32
        %sign3A_207 = arith.extui %sign3A_206 : i1 to i32
        %sign3A_208 = arith.subi %sign3A_204, %sign3A_207 : i32
        %ne3A = arith.cmpi ne, %sign3A_201, %sign3A_208 : i32
        %rem3A = arith.remsi %add3A_195, %jit3A : i32
        %ne3A_209 = arith.constant 0 : i32
        %ne3A_210 = arith.cmpi ne, %rem3A, %ne3A_209 : i32
        %and3A = arith.andi %ne3A, %ne3A_210 : i1
        %sub3A = arith.constant 1 : i32
        %sub3A_211 = arith.subi %div3A, %sub3A : i32
        %select_n3A = arith.select %and3A, %sub3A_211, %div3A : i32
        %jit3A_212 = arith.constant 2 : i32
        %eq3A = arith.constant 0 : i32
        %eq3A_213 = arith.cmpi eq, %jit3A_212, %eq3A : i32
        %jit3A_214 = arith.constant 1 : i32
        %select_n3A_215 = arith.select %eq3A_213, %jit3A_214, %jit3A_212 : i32
        %rem3A_216 = arith.remsi %add3A_195, %select_n3A_215 : i32
        %ne3A_217 = arith.constant 0 : i32
        %ne3A_218 = arith.cmpi ne, %rem3A_216, %ne3A_217 : i32
        %lt3A_219 = arith.constant 0 : i32
        %lt3A_220 = arith.cmpi slt, %rem3A_216, %lt3A_219 : i32
        %lt3A_221 = arith.constant 0 : i32
        %lt3A_222 = arith.cmpi slt, %select_n3A_215, %lt3A_221 : i32
        %ne3A_223 = arith.xori %lt3A_220, %lt3A_222 : i1
        %and3A_224 = arith.andi %ne3A_223, %ne3A_218 : i1
        %add3A_225 = arith.addi %rem3A_216, %select_n3A_215 : i32
        %select_n3A_226 = arith.select %and3A_224, %add3A_225, %rem3A_216 : i32
        %mul3A_227 = arith.constant 64 : i32
        %mul3A_228 = arith.muli %select_n3A_226, %mul3A_227 : i32
        %dma_start3A_229 = tpu.memref_slice %arg7[%select_n3A, %mul3A_228] : memref<40x128xi32, #tpu.memory_space<vmem>> -> memref<1x64xi32, #tpu.memory_space<vmem>>
        %dma_start3A_230 = tpu.memref_squeeze %dma_start3A_229 : memref<1x64xi32, #tpu.memory_space<vmem>> -> memref<64xi32, #tpu.memory_space<vmem>>
        %dma_start3A_231 = arith.constant 0 : i32
        %dma_start3A_232 = arith.constant 0 : i32
        %dma_start3A_233 = tpu.memref_slice %arg2[%dma_start3A_231, %dma_start3A_232] : memref<10240x128xf32, #tpu.memory_space<hbm>> -> memref<10240x128xf32, #tpu.memory_space<hbm>>
        tpu.enqueue_indirect_dma source(%dma_start3A_233 : memref<10240x128xf32, #tpu.memory_space<hbm>>) target(%arg10 : memref<64x128xf32, #tpu.memory_space<vmem>>) offsets(%dma_start3A_230 : memref<64xi32, #tpu.memory_space<vmem>>) semaphore(%arg15 : memref<!tpu.dma_semaphore, #tpu.memory_space<semaphore_mem>>)
      } else {
      }
      %dma_wait3A_182 = arith.constant 0 : i32
      %dma_wait3A_183 = arith.constant 0 : i32
      %dma_wait3A_184 = tpu.memref_slice %arg2[%dma_wait3A_182, %dma_wait3A_183] : memref<10240x128xf32, #tpu.memory_space<hbm>> -> memref<64x128xf32, #tpu.memory_space<hbm>>
      %dma_wait3A_185 = arith.constant 0 : i32
      %dma_wait3A_186 = arith.constant 0 : i32
      %dma_wait3A_187 = tpu.memref_slice %arg2[%dma_wait3A_185, %dma_wait3A_186] : memref<10240x128xf32, #tpu.memory_space<hbm>> -> memref<64x128xf32, #tpu.memory_space<hbm>>
      tpu.wait_dma2 semaphore(%arg17 : memref<!tpu.dma_semaphore, #tpu.memory_space<semaphore_mem>>) src(%dma_wait3A_187 : memref<64x128xf32, #tpu.memory_space<hbm>>) dst(%arg12 : memref<64x128xf32, #tpu.memory_space<vmem>>)
      %dma_start3A_188 = arith.constant 0 : i32
      %dma_start3A_189 = tpu.memref_slice %arg8[%add3A_169, %dma_start3A_188] : memref<80x64xi32, #tpu.memory_space<vmem>> -> memref<1x64xi32, #tpu.memory_space<vmem>>
      %dma_start3A_190 = tpu.memref_squeeze %dma_start3A_189 : memref<1x64xi32, #tpu.memory_space<vmem>> -> memref<64xi32, #tpu.memory_space<vmem>>
      %dma_start3A_191 = arith.constant 0 : i32
      %dma_start3A_192 = arith.constant 0 : i32
      %dma_start3A_193 = tpu.memref_slice %arg13[%dma_start3A_191, %dma_start3A_192] : memref<10240x128xf32, #tpu.memory_space<vmem_shared>> -> memref<10240x128xf32, #tpu.memory_space<vmem_shared>>
      tpu.enqueue_indirect_dma source(%arg12 : memref<64x128xf32, #tpu.memory_space<vmem>>) target(%dma_start3A_193 : memref<10240x128xf32, #tpu.memory_space<vmem_shared>>) offsets(%dma_start3A_190 : memref<64xi32, #tpu.memory_space<vmem>>) semaphore(%arg21 : memref<!tpu.dma_semaphore, #tpu.memory_space<semaphore_mem>>) {add = true}
    }
    %scan3A_28 = arith.constant 20 : i32
    %dma_wait3A = arith.constant 0 : i32
    %dma_wait3A_29 = arith.constant 0 : i32
    %dma_wait3A_30 = tpu.memref_slice %arg13[%dma_wait3A, %dma_wait3A_29] : memref<10240x128xf32, #tpu.memory_space<vmem_shared>> -> memref<64x128xf32, #tpu.memory_space<vmem_shared>>
    %dma_wait3A_31 = arith.constant 0 : i32
    %dma_wait3A_32 = arith.constant 0 : i32
    %dma_wait3A_33 = tpu.memref_slice %arg13[%dma_wait3A_31, %dma_wait3A_32] : memref<10240x128xf32, #tpu.memory_space<vmem_shared>> -> memref<64x128xf32, #tpu.memory_space<vmem_shared>>
    tpu.wait_dma2 semaphore(%arg20 : memref<!tpu.dma_semaphore, #tpu.memory_space<semaphore_mem>>) src(%arg11 : memref<64x128xf32, #tpu.memory_space<vmem>>) dst(%dma_wait3A_33 : memref<64x128xf32, #tpu.memory_space<vmem_shared>>)
    %dma_wait3A_34 = arith.constant 0 : i32
    %dma_wait3A_35 = arith.constant 0 : i32
    %dma_wait3A_36 = tpu.memref_slice %arg13[%dma_wait3A_34, %dma_wait3A_35] : memref<10240x128xf32, #tpu.memory_space<vmem_shared>> -> memref<64x128xf32, #tpu.memory_space<vmem_shared>>
    %dma_wait3A_37 = arith.constant 0 : i32
    %dma_wait3A_38 = arith.constant 0 : i32
    %dma_wait3A_39 = tpu.memref_slice %arg13[%dma_wait3A_37, %dma_wait3A_38] : memref<10240x128xf32, #tpu.memory_space<vmem_shared>> -> memref<64x128xf32, #tpu.memory_space<vmem_shared>>
    tpu.wait_dma2 semaphore(%arg21 : memref<!tpu.dma_semaphore, #tpu.memory_space<semaphore_mem>>) src(%arg12 : memref<64x128xf32, #tpu.memory_space<vmem>>) dst(%dma_wait3A_39 : memref<64x128xf32, #tpu.memory_space<vmem_shared>>)
    %mul3A_40 = arith.constant 80 : i32
    %mul3A_41 = arith.muli %add3A, %mul3A_40 : i32
    %add3A_42 = arith.constant 40 : i32
    %add3A_43 = arith.addi %mul3A_41, %add3A_42 : i32
    "tpu.region"() ({
      %run_scoped3A = tpu.sem_alloc : memref<!tpu.dma_semaphore, #tpu.memory_space<semaphore_mem>>
      %dma_start3A_85 = arith.constant 0 : i32
      %dma_start3A_86 = tpu.memref_slice %arg3[%add3A_43, %dma_start3A_85] : memref<2560x128xi32, #tpu.memory_space<hbm>> -> memref<40x128xi32, #tpu.memory_space<hbm>>
      %dma_start3A_87 = arith.constant 0 : i32
      %dma_start3A_88 = tpu.memref_slice %arg3[%add3A_43, %dma_start3A_87] : memref<2560x128xi32, #tpu.memory_space<hbm>> -> memref<40x128xi32, #tpu.memory_space<hbm>>
      tpu.enqueue_dma source(%dma_start3A_88 : memref<40x128xi32, #tpu.memory_space<hbm>>) target(%arg7 : memref<40x128xi32, #tpu.memory_space<vmem>>) target_semaphore(%run_scoped3A : memref<!tpu.dma_semaphore, #tpu.memory_space<semaphore_mem>>)
      %dma_wait3A_89 = arith.constant 0 : i32
      %dma_wait3A_90 = tpu.memref_slice %arg3[%add3A_43, %dma_wait3A_89] : memref<2560x128xi32, #tpu.memory_space<hbm>> -> memref<40x128xi32, #tpu.memory_space<hbm>>
      %dma_wait3A_91 = arith.constant 0 : i32
      %dma_wait3A_92 = tpu.memref_slice %arg3[%add3A_43, %dma_wait3A_91] : memref<2560x128xi32, #tpu.memory_space<hbm>> -> memref<40x128xi32, #tpu.memory_space<hbm>>
      tpu.wait_dma2 semaphore(%run_scoped3A : memref<!tpu.dma_semaphore, #tpu.memory_space<semaphore_mem>>) src(%dma_wait3A_92 : memref<40x128xi32, #tpu.memory_space<hbm>>) dst(%arg7 : memref<40x128xi32, #tpu.memory_space<vmem>>)
      tpu.yield
    }) : () -> ()
    %mul3A_44 = arith.constant 160 : i32
    %mul3A_45 = arith.muli %add3A, %mul3A_44 : i32
    %add3A_46 = arith.constant 80 : i32
    %add3A_47 = arith.addi %mul3A_45, %add3A_46 : i32
    "tpu.region"() ({
      %run_scoped3A = tpu.sem_alloc : memref<!tpu.dma_semaphore, #tpu.memory_space<semaphore_mem>>
      %dma_start3A_85 = arith.constant 0 : i32
      %dma_start3A_86 = tpu.memref_slice %arg4[%add3A_47, %dma_start3A_85] : memref<5120x64xi32, #tpu.memory_space<hbm>> -> memref<80x64xi32, #tpu.memory_space<hbm>>
      %dma_start3A_87 = arith.constant 0 : i32
      %dma_start3A_88 = tpu.memref_slice %arg4[%add3A_47, %dma_start3A_87] : memref<5120x64xi32, #tpu.memory_space<hbm>> -> memref<80x64xi32, #tpu.memory_space<hbm>>
      tpu.enqueue_dma source(%dma_start3A_88 : memref<80x64xi32, #tpu.memory_space<hbm>>) target(%arg8 : memref<80x64xi32, #tpu.memory_space<vmem>>) target_semaphore(%run_scoped3A : memref<!tpu.dma_semaphore, #tpu.memory_space<semaphore_mem>>)
      %dma_wait3A_89 = arith.constant 0 : i32
      %dma_wait3A_90 = tpu.memref_slice %arg4[%add3A_47, %dma_wait3A_89] : memref<5120x64xi32, #tpu.memory_space<hbm>> -> memref<80x64xi32, #tpu.memory_space<hbm>>
      %dma_wait3A_91 = arith.constant 0 : i32
      %dma_wait3A_92 = tpu.memref_slice %arg4[%add3A_47, %dma_wait3A_91] : memref<5120x64xi32, #tpu.memory_space<hbm>> -> memref<80x64xi32, #tpu.memory_space<hbm>>
      tpu.wait_dma2 semaphore(%run_scoped3A : memref<!tpu.dma_semaphore, #tpu.memory_space<semaphore_mem>>) src(%dma_wait3A_92 : memref<80x64xi32, #tpu.memory_space<hbm>>) dst(%arg8 : memref<80x64xi32, #tpu.memory_space<vmem>>)
      tpu.yield
    }) : () -> ()
    %dma_start3A_48 = arith.constant 0 : i32
    %dma_start3A_49 = arith.constant 0 : i32
    %dma_start3A_50 = tpu.memref_slice %arg7[%dma_start3A_48, %dma_start3A_49] : memref<40x128xi32, #tpu.memory_space<vmem>> -> memref<1x64xi32, #tpu.memory_space<vmem>>
    %dma_start3A_51 = tpu.memref_squeeze %dma_start3A_50 : memref<1x64xi32, #tpu.memory_space<vmem>> -> memref<64xi32, #tpu.memory_space<vmem>>
    %dma_start3A_52 = arith.constant 0 : i32
    %dma_start3A_53 = arith.constant 0 : i32
    %dma_start3A_54 = tpu.memref_slice %arg2[%dma_start3A_52, %dma_start3A_53] : memref<10240x128xf32, #tpu.memory_space<hbm>> -> memref<10240x128xf32, #tpu.memory_space<hbm>>
    tpu.enqueue_indirect_dma source(%dma_start3A_54 : memref<10240x128xf32, #tpu.memory_space<hbm>>) target(%arg9 : memref<64x128xf32, #tpu.memory_space<vmem>>) offsets(%dma_start3A_51 : memref<64xi32, #tpu.memory_space<vmem>>) semaphore(%arg14 : memref<!tpu.dma_semaphore, #tpu.memory_space<semaphore_mem>>)
    %dma_start3A_55 = arith.constant 0 : i32
    %dma_start3A_56 = arith.constant 64 : i32
    %dma_start3A_57 = tpu.memref_slice %arg7[%dma_start3A_55, %dma_start3A_56] : memref<40x128xi32, #tpu.memory_space<vmem>> -> memref<1x64xi32, #tpu.memory_space<vmem>>
    %dma_start3A_58 = tpu.memref_squeeze %dma_start3A_57 : memref<1x64xi32, #tpu.memory_space<vmem>> -> memref<64xi32, #tpu.memory_space<vmem>>
    %dma_start3A_59 = arith.constant 0 : i32
    %dma_start3A_60 = arith.constant 0 : i32
    %dma_start3A_61 = tpu.memref_slice %arg2[%dma_start3A_59, %dma_start3A_60] : memref<10240x128xf32, #tpu.memory_space<hbm>> -> memref<10240x128xf32, #tpu.memory_space<hbm>>
    tpu.enqueue_indirect_dma source(%dma_start3A_61 : memref<10240x128xf32, #tpu.memory_space<hbm>>) target(%arg10 : memref<64x128xf32, #tpu.memory_space<vmem>>) offsets(%dma_start3A_58 : memref<64xi32, #tpu.memory_space<vmem>>) semaphore(%arg15 : memref<!tpu.dma_semaphore, #tpu.memory_space<semaphore_mem>>)
    %scan3A_62 = arith.constant 0 : i32
    %scan3A_63 = arith.constant 0 : i32
    %scan3A_64 = arith.constant 20 : i32
    %scan3A_65 = arith.addi %scan3A_63, %scan3A_64 : i32
    %scan3A_66 = arith.constant 1 : i32
    scf.for %scan3A_85 = %scan3A_63 to %scan3A_65 step %scan3A_66  : i32 {
      %mul3A_86 = arith.constant 4 : i32
      %mul3A_87 = arith.muli %scan3A_85, %mul3A_86 : i32
      %add3A_88 = arith.constant 0 : i32
      %add3A_89 = arith.addi %mul3A_87, %add3A_88 : i32
      %ge3A = arith.constant 2 : i32
      %ge3A_90 = arith.cmpi sge, %add3A_89, %ge3A : i32
      %convert_element_type3A = arith.extui %ge3A_90 : i1 to i32
      %cond3A = arith.constant 0 : i32
      %cond3A_91 = arith.cmpi ne, %convert_element_type3A, %cond3A : i32
      scf.if %cond3A_91 {
        %dma_wait3A_194 = arith.constant 0 : i32
        %dma_wait3A_195 = arith.constant 0 : i32
        %dma_wait3A_196 = tpu.memref_slice %arg13[%dma_wait3A_194, %dma_wait3A_195] : memref<10240x128xf32, #tpu.memory_space<vmem_shared>> -> memref<64x128xf32, #tpu.memory_space<vmem_shared>>
        %dma_wait3A_197 = arith.constant 0 : i32
        %dma_wait3A_198 = arith.constant 0 : i32
        %dma_wait3A_199 = tpu.memref_slice %arg13[%dma_wait3A_197, %dma_wait3A_198] : memref<10240x128xf32, #tpu.memory_space<vmem_shared>> -> memref<64x128xf32, #tpu.memory_space<vmem_shared>>
        tpu.wait_dma2 semaphore(%arg20 : memref<!tpu.dma_semaphore, #tpu.memory_space<semaphore_mem>>) src(%arg11 : memref<64x128xf32, #tpu.memory_space<vmem>>) dst(%dma_wait3A_199 : memref<64x128xf32, #tpu.memory_space<vmem_shared>>)
      } else {
      }
      %add3A_92 = arith.constant 2 : i32
      %add3A_93 = arith.addi %add3A_89, %add3A_92 : i32
      %lt3A = arith.constant 80 : i32
      %lt3A_94 = arith.cmpi slt, %add3A_93, %lt3A : i32
      %convert_element_type3A_95 = arith.extui %lt3A_94 : i1 to i32
      %cond3A_96 = arith.constant 0 : i32
      %cond3A_97 = arith.cmpi ne, %convert_element_type3A_95, %cond3A_96 : i32
      scf.if %cond3A_97 {
        %add3A_194 = arith.constant 2 : i32
        %add3A_195 = arith.addi %add3A_89, %add3A_194 : i32
        %jit3A = arith.constant 2 : i32
        %div3A = arith.divsi %add3A_195, %jit3A : i32
        %sign3A = arith.constant 0 : i32
        %sign3A_196 = arith.cmpi sgt, %add3A_195, %sign3A : i32
        %sign3A_197 = arith.extui %sign3A_196 : i1 to i32
        %sign3A_198 = arith.constant 0 : i32
        %sign3A_199 = arith.cmpi slt, %add3A_195, %sign3A_198 : i32
        %sign3A_200 = arith.extui %sign3A_199 : i1 to i32
        %sign3A_201 = arith.subi %sign3A_197, %sign3A_200 : i32
        %sign3A_202 = arith.constant 0 : i32
        %sign3A_203 = arith.cmpi sgt, %jit3A, %sign3A_202 : i32
        %sign3A_204 = arith.extui %sign3A_203 : i1 to i32
        %sign3A_205 = arith.constant 0 : i32
        %sign3A_206 = arith.cmpi slt, %jit3A, %sign3A_205 : i32
        %sign3A_207 = arith.extui %sign3A_206 : i1 to i32
        %sign3A_208 = arith.subi %sign3A_204, %sign3A_207 : i32
        %ne3A = arith.cmpi ne, %sign3A_201, %sign3A_208 : i32
        %rem3A = arith.remsi %add3A_195, %jit3A : i32
        %ne3A_209 = arith.constant 0 : i32
        %ne3A_210 = arith.cmpi ne, %rem3A, %ne3A_209 : i32
        %and3A = arith.andi %ne3A, %ne3A_210 : i1
        %sub3A = arith.constant 1 : i32
        %sub3A_211 = arith.subi %div3A, %sub3A : i32
        %select_n3A = arith.select %and3A, %sub3A_211, %div3A : i32
        %jit3A_212 = arith.constant 2 : i32
        %eq3A = arith.constant 0 : i32
        %eq3A_213 = arith.cmpi eq, %jit3A_212, %eq3A : i32
        %jit3A_214 = arith.constant 1 : i32
        %select_n3A_215 = arith.select %eq3A_213, %jit3A_214, %jit3A_212 : i32
        %rem3A_216 = arith.remsi %add3A_195, %select_n3A_215 : i32
        %ne3A_217 = arith.constant 0 : i32
        %ne3A_218 = arith.cmpi ne, %rem3A_216, %ne3A_217 : i32
        %lt3A_219 = arith.constant 0 : i32
        %lt3A_220 = arith.cmpi slt, %rem3A_216, %lt3A_219 : i32
        %lt3A_221 = arith.constant 0 : i32
        %lt3A_222 = arith.cmpi slt, %select_n3A_215, %lt3A_221 : i32
        %ne3A_223 = arith.xori %lt3A_220, %lt3A_222 : i1
        %and3A_224 = arith.andi %ne3A_223, %ne3A_218 : i1
        %add3A_225 = arith.addi %rem3A_216, %select_n3A_215 : i32
        %select_n3A_226 = arith.select %and3A_224, %add3A_225, %rem3A_216 : i32
        %mul3A_227 = arith.constant 64 : i32
        %mul3A_228 = arith.muli %select_n3A_226, %mul3A_227 : i32
        %dma_start3A_229 = tpu.memref_slice %arg7[%select_n3A, %mul3A_228] : memref<40x128xi32, #tpu.memory_space<vmem>> -> memref<1x64xi32, #tpu.memory_space<vmem>>
        %dma_start3A_230 = tpu.memref_squeeze %dma_start3A_229 : memref<1x64xi32, #tpu.memory_space<vmem>> -> memref<64xi32, #tpu.memory_space<vmem>>
        %dma_start3A_231 = arith.constant 0 : i32
        %dma_start3A_232 = arith.constant 0 : i32
        %dma_start3A_233 = tpu.memref_slice %arg2[%dma_start3A_231, %dma_start3A_232] : memref<10240x128xf32, #tpu.memory_space<hbm>> -> memref<10240x128xf32, #tpu.memory_space<hbm>>
        tpu.enqueue_indirect_dma source(%dma_start3A_233 : memref<10240x128xf32, #tpu.memory_space<hbm>>) target(%arg11 : memref<64x128xf32, #tpu.memory_space<vmem>>) offsets(%dma_start3A_230 : memref<64xi32, #tpu.memory_space<vmem>>) semaphore(%arg16 : memref<!tpu.dma_semaphore, #tpu.memory_space<semaphore_mem>>)
      } else {
      }
      %dma_wait3A_98 = arith.constant 0 : i32
      %dma_wait3A_99 = arith.constant 0 : i32
      %dma_wait3A_100 = tpu.memref_slice %arg2[%dma_wait3A_98, %dma_wait3A_99] : memref<10240x128xf32, #tpu.memory_space<hbm>> -> memref<64x128xf32, #tpu.memory_space<hbm>>
      %dma_wait3A_101 = arith.constant 0 : i32
      %dma_wait3A_102 = arith.constant 0 : i32
      %dma_wait3A_103 = tpu.memref_slice %arg2[%dma_wait3A_101, %dma_wait3A_102] : memref<10240x128xf32, #tpu.memory_space<hbm>> -> memref<64x128xf32, #tpu.memory_space<hbm>>
      tpu.wait_dma2 semaphore(%arg14 : memref<!tpu.dma_semaphore, #tpu.memory_space<semaphore_mem>>) src(%dma_wait3A_103 : memref<64x128xf32, #tpu.memory_space<hbm>>) dst(%arg9 : memref<64x128xf32, #tpu.memory_space<vmem>>)
      %dma_start3A_104 = arith.constant 0 : i32
      %dma_start3A_105 = tpu.memref_slice %arg8[%add3A_89, %dma_start3A_104] : memref<80x64xi32, #tpu.memory_space<vmem>> -> memref<1x64xi32, #tpu.memory_space<vmem>>
      %dma_start3A_106 = tpu.memref_squeeze %dma_start3A_105 : memref<1x64xi32, #tpu.memory_space<vmem>> -> memref<64xi32, #tpu.memory_space<vmem>>
      %dma_start3A_107 = arith.constant 0 : i32
      %dma_start3A_108 = arith.constant 0 : i32
      %dma_start3A_109 = tpu.memref_slice %arg13[%dma_start3A_107, %dma_start3A_108] : memref<10240x128xf32, #tpu.memory_space<vmem_shared>> -> memref<10240x128xf32, #tpu.memory_space<vmem_shared>>
      tpu.enqueue_indirect_dma source(%arg9 : memref<64x128xf32, #tpu.memory_space<vmem>>) target(%dma_start3A_109 : memref<10240x128xf32, #tpu.memory_space<vmem_shared>>) offsets(%dma_start3A_106 : memref<64xi32, #tpu.memory_space<vmem>>) semaphore(%arg18 : memref<!tpu.dma_semaphore, #tpu.memory_space<semaphore_mem>>) {add = true}
      %mul3A_110 = arith.constant 4 : i32
      %mul3A_111 = arith.muli %scan3A_85, %mul3A_110 : i32
      %add3A_112 = arith.constant 1 : i32
      %add3A_113 = arith.addi %mul3A_111, %add3A_112 : i32
      %ge3A_114 = arith.constant 2 : i32
      %ge3A_115 = arith.cmpi sge, %add3A_113, %ge3A_114 : i32
      %convert_element_type3A_116 = arith.extui %ge3A_115 : i1 to i32
      %cond3A_117 = arith.constant 0 : i32
      %cond3A_118 = arith.cmpi ne, %convert_element_type3A_116, %cond3A_117 : i32
      scf.if %cond3A_118 {
        %dma_wait3A_194 = arith.constant 0 : i32
        %dma_wait3A_195 = arith.constant 0 : i32
        %dma_wait3A_196 = tpu.memref_slice %arg13[%dma_wait3A_194, %dma_wait3A_195] : memref<10240x128xf32, #tpu.memory_space<vmem_shared>> -> memref<64x128xf32, #tpu.memory_space<vmem_shared>>
        %dma_wait3A_197 = arith.constant 0 : i32
        %dma_wait3A_198 = arith.constant 0 : i32
        %dma_wait3A_199 = tpu.memref_slice %arg13[%dma_wait3A_197, %dma_wait3A_198] : memref<10240x128xf32, #tpu.memory_space<vmem_shared>> -> memref<64x128xf32, #tpu.memory_space<vmem_shared>>
        tpu.wait_dma2 semaphore(%arg21 : memref<!tpu.dma_semaphore, #tpu.memory_space<semaphore_mem>>) src(%arg12 : memref<64x128xf32, #tpu.memory_space<vmem>>) dst(%dma_wait3A_199 : memref<64x128xf32, #tpu.memory_space<vmem_shared>>)
      } else {
      }
      %add3A_119 = arith.constant 2 : i32
      %add3A_120 = arith.addi %add3A_113, %add3A_119 : i32
      %lt3A_121 = arith.constant 80 : i32
      %lt3A_122 = arith.cmpi slt, %add3A_120, %lt3A_121 : i32
      %convert_element_type3A_123 = arith.extui %lt3A_122 : i1 to i32
      %cond3A_124 = arith.constant 0 : i32
      %cond3A_125 = arith.cmpi ne, %convert_element_type3A_123, %cond3A_124 : i32
      scf.if %cond3A_125 {
        %add3A_194 = arith.constant 2 : i32
        %add3A_195 = arith.addi %add3A_113, %add3A_194 : i32
        %jit3A = arith.constant 2 : i32
        %div3A = arith.divsi %add3A_195, %jit3A : i32
        %sign3A = arith.constant 0 : i32
        %sign3A_196 = arith.cmpi sgt, %add3A_195, %sign3A : i32
        %sign3A_197 = arith.extui %sign3A_196 : i1 to i32
        %sign3A_198 = arith.constant 0 : i32
        %sign3A_199 = arith.cmpi slt, %add3A_195, %sign3A_198 : i32
        %sign3A_200 = arith.extui %sign3A_199 : i1 to i32
        %sign3A_201 = arith.subi %sign3A_197, %sign3A_200 : i32
        %sign3A_202 = arith.constant 0 : i32
        %sign3A_203 = arith.cmpi sgt, %jit3A, %sign3A_202 : i32
        %sign3A_204 = arith.extui %sign3A_203 : i1 to i32
        %sign3A_205 = arith.constant 0 : i32
        %sign3A_206 = arith.cmpi slt, %jit3A, %sign3A_205 : i32
        %sign3A_207 = arith.extui %sign3A_206 : i1 to i32
        %sign3A_208 = arith.subi %sign3A_204, %sign3A_207 : i32
        %ne3A = arith.cmpi ne, %sign3A_201, %sign3A_208 : i32
        %rem3A = arith.remsi %add3A_195, %jit3A : i32
        %ne3A_209 = arith.constant 0 : i32
        %ne3A_210 = arith.cmpi ne, %rem3A, %ne3A_209 : i32
        %and3A = arith.andi %ne3A, %ne3A_210 : i1
        %sub3A = arith.constant 1 : i32
        %sub3A_211 = arith.subi %div3A, %sub3A : i32
        %select_n3A = arith.select %and3A, %sub3A_211, %div3A : i32
        %jit3A_212 = arith.constant 2 : i32
        %eq3A = arith.constant 0 : i32
        %eq3A_213 = arith.cmpi eq, %jit3A_212, %eq3A : i32
        %jit3A_214 = arith.constant 1 : i32
        %select_n3A_215 = arith.select %eq3A_213, %jit3A_214, %jit3A_212 : i32
        %rem3A_216 = arith.remsi %add3A_195, %select_n3A_215 : i32
        %ne3A_217 = arith.constant 0 : i32
        %ne3A_218 = arith.cmpi ne, %rem3A_216, %ne3A_217 : i32
        %lt3A_219 = arith.constant 0 : i32
        %lt3A_220 = arith.cmpi slt, %rem3A_216, %lt3A_219 : i32
        %lt3A_221 = arith.constant 0 : i32
        %lt3A_222 = arith.cmpi slt, %select_n3A_215, %lt3A_221 : i32
        %ne3A_223 = arith.xori %lt3A_220, %lt3A_222 : i1
        %and3A_224 = arith.andi %ne3A_223, %ne3A_218 : i1
        %add3A_225 = arith.addi %rem3A_216, %select_n3A_215 : i32
        %select_n3A_226 = arith.select %and3A_224, %add3A_225, %rem3A_216 : i32
        %mul3A_227 = arith.constant 64 : i32
        %mul3A_228 = arith.muli %select_n3A_226, %mul3A_227 : i32
        %dma_start3A_229 = tpu.memref_slice %arg7[%select_n3A, %mul3A_228] : memref<40x128xi32, #tpu.memory_space<vmem>> -> memref<1x64xi32, #tpu.memory_space<vmem>>
        %dma_start3A_230 = tpu.memref_squeeze %dma_start3A_229 : memref<1x64xi32, #tpu.memory_space<vmem>> -> memref<64xi32, #tpu.memory_space<vmem>>
        %dma_start3A_231 = arith.constant 0 : i32
        %dma_start3A_232 = arith.constant 0 : i32
        %dma_start3A_233 = tpu.memref_slice %arg2[%dma_start3A_231, %dma_start3A_232] : memref<10240x128xf32, #tpu.memory_space<hbm>> -> memref<10240x128xf32, #tpu.memory_space<hbm>>
        tpu.enqueue_indirect_dma source(%dma_start3A_233 : memref<10240x128xf32, #tpu.memory_space<hbm>>) target(%arg12 : memref<64x128xf32, #tpu.memory_space<vmem>>) offsets(%dma_start3A_230 : memref<64xi32, #tpu.memory_space<vmem>>) semaphore(%arg17 : memref<!tpu.dma_semaphore, #tpu.memory_space<semaphore_mem>>)
      } else {
      }
      %dma_wait3A_126 = arith.constant 0 : i32
      %dma_wait3A_127 = arith.constant 0 : i32
      %dma_wait3A_128 = tpu.memref_slice %arg2[%dma_wait3A_126, %dma_wait3A_127] : memref<10240x128xf32, #tpu.memory_space<hbm>> -> memref<64x128xf32, #tpu.memory_space<hbm>>
      %dma_wait3A_129 = arith.constant 0 : i32
      %dma_wait3A_130 = arith.constant 0 : i32
      %dma_wait3A_131 = tpu.memref_slice %arg2[%dma_wait3A_129, %dma_wait3A_130] : memref<10240x128xf32, #tpu.memory_space<hbm>> -> memref<64x128xf32, #tpu.memory_space<hbm>>
      tpu.wait_dma2 semaphore(%arg15 : memref<!tpu.dma_semaphore, #tpu.memory_space<semaphore_mem>>) src(%dma_wait3A_131 : memref<64x128xf32, #tpu.memory_space<hbm>>) dst(%arg10 : memref<64x128xf32, #tpu.memory_space<vmem>>)
      %dma_start3A_132 = arith.constant 0 : i32
      %dma_start3A_133 = tpu.memref_slice %arg8[%add3A_113, %dma_start3A_132] : memref<80x64xi32, #tpu.memory_space<vmem>> -> memref<1x64xi32, #tpu.memory_space<vmem>>
      %dma_start3A_134 = tpu.memref_squeeze %dma_start3A_133 : memref<1x64xi32, #tpu.memory_space<vmem>> -> memref<64xi32, #tpu.memory_space<vmem>>
      %dma_start3A_135 = arith.constant 0 : i32
      %dma_start3A_136 = arith.constant 0 : i32
      %dma_start3A_137 = tpu.memref_slice %arg13[%dma_start3A_135, %dma_start3A_136] : memref<10240x128xf32, #tpu.memory_space<vmem_shared>> -> memref<10240x128xf32, #tpu.memory_space<vmem_shared>>
      tpu.enqueue_indirect_dma source(%arg10 : memref<64x128xf32, #tpu.memory_space<vmem>>) target(%dma_start3A_137 : memref<10240x128xf32, #tpu.memory_space<vmem_shared>>) offsets(%dma_start3A_134 : memref<64xi32, #tpu.memory_space<vmem>>) semaphore(%arg19 : memref<!tpu.dma_semaphore, #tpu.memory_space<semaphore_mem>>) {add = true}
      %mul3A_138 = arith.constant 4 : i32
      %mul3A_139 = arith.muli %scan3A_85, %mul3A_138 : i32
      %add3A_140 = arith.constant 2 : i32
      %add3A_141 = arith.addi %mul3A_139, %add3A_140 : i32
      %ge3A_142 = arith.constant 2 : i32
      %ge3A_143 = arith.cmpi sge, %add3A_141, %ge3A_142 : i32
      %convert_element_type3A_144 = arith.extui %ge3A_143 : i1 to i32
      %cond3A_145 = arith.constant 0 : i32
      %cond3A_146 = arith.cmpi ne, %convert_element_type3A_144, %cond3A_145 : i32
      scf.if %cond3A_146 {
        %dma_wait3A_194 = arith.constant 0 : i32
        %dma_wait3A_195 = arith.constant 0 : i32
        %dma_wait3A_196 = tpu.memref_slice %arg13[%dma_wait3A_194, %dma_wait3A_195] : memref<10240x128xf32, #tpu.memory_space<vmem_shared>> -> memref<64x128xf32, #tpu.memory_space<vmem_shared>>
        %dma_wait3A_197 = arith.constant 0 : i32
        %dma_wait3A_198 = arith.constant 0 : i32
        %dma_wait3A_199 = tpu.memref_slice %arg13[%dma_wait3A_197, %dma_wait3A_198] : memref<10240x128xf32, #tpu.memory_space<vmem_shared>> -> memref<64x128xf32, #tpu.memory_space<vmem_shared>>
        tpu.wait_dma2 semaphore(%arg18 : memref<!tpu.dma_semaphore, #tpu.memory_space<semaphore_mem>>) src(%arg9 : memref<64x128xf32, #tpu.memory_space<vmem>>) dst(%dma_wait3A_199 : memref<64x128xf32, #tpu.memory_space<vmem_shared>>)
      } else {
      }
      %add3A_147 = arith.constant 2 : i32
      %add3A_148 = arith.addi %add3A_141, %add3A_147 : i32
      %lt3A_149 = arith.constant 80 : i32
      %lt3A_150 = arith.cmpi slt, %add3A_148, %lt3A_149 : i32
      %convert_element_type3A_151 = arith.extui %lt3A_150 : i1 to i32
      %cond3A_152 = arith.constant 0 : i32
      %cond3A_153 = arith.cmpi ne, %convert_element_type3A_151, %cond3A_152 : i32
      scf.if %cond3A_153 {
        %add3A_194 = arith.constant 2 : i32
        %add3A_195 = arith.addi %add3A_141, %add3A_194 : i32
        %jit3A = arith.constant 2 : i32
        %div3A = arith.divsi %add3A_195, %jit3A : i32
        %sign3A = arith.constant 0 : i32
        %sign3A_196 = arith.cmpi sgt, %add3A_195, %sign3A : i32
        %sign3A_197 = arith.extui %sign3A_196 : i1 to i32
        %sign3A_198 = arith.constant 0 : i32
        %sign3A_199 = arith.cmpi slt, %add3A_195, %sign3A_198 : i32
        %sign3A_200 = arith.extui %sign3A_199 : i1 to i32
        %sign3A_201 = arith.subi %sign3A_197, %sign3A_200 : i32
        %sign3A_202 = arith.constant 0 : i32
        %sign3A_203 = arith.cmpi sgt, %jit3A, %sign3A_202 : i32
        %sign3A_204 = arith.extui %sign3A_203 : i1 to i32
        %sign3A_205 = arith.constant 0 : i32
        %sign3A_206 = arith.cmpi slt, %jit3A, %sign3A_205 : i32
        %sign3A_207 = arith.extui %sign3A_206 : i1 to i32
        %sign3A_208 = arith.subi %sign3A_204, %sign3A_207 : i32
        %ne3A = arith.cmpi ne, %sign3A_201, %sign3A_208 : i32
        %rem3A = arith.remsi %add3A_195, %jit3A : i32
        %ne3A_209 = arith.constant 0 : i32
        %ne3A_210 = arith.cmpi ne, %rem3A, %ne3A_209 : i32
        %and3A = arith.andi %ne3A, %ne3A_210 : i1
        %sub3A = arith.constant 1 : i32
        %sub3A_211 = arith.subi %div3A, %sub3A : i32
        %select_n3A = arith.select %and3A, %sub3A_211, %div3A : i32
        %jit3A_212 = arith.constant 2 : i32
        %eq3A = arith.constant 0 : i32
        %eq3A_213 = arith.cmpi eq, %jit3A_212, %eq3A : i32
        %jit3A_214 = arith.constant 1 : i32
        %select_n3A_215 = arith.select %eq3A_213, %jit3A_214, %jit3A_212 : i32
        %rem3A_216 = arith.remsi %add3A_195, %select_n3A_215 : i32
        %ne3A_217 = arith.constant 0 : i32
        %ne3A_218 = arith.cmpi ne, %rem3A_216, %ne3A_217 : i32
        %lt3A_219 = arith.constant 0 : i32
        %lt3A_220 = arith.cmpi slt, %rem3A_216, %lt3A_219 : i32
        %lt3A_221 = arith.constant 0 : i32
        %lt3A_222 = arith.cmpi slt, %select_n3A_215, %lt3A_221 : i32
        %ne3A_223 = arith.xori %lt3A_220, %lt3A_222 : i1
        %and3A_224 = arith.andi %ne3A_223, %ne3A_218 : i1
        %add3A_225 = arith.addi %rem3A_216, %select_n3A_215 : i32
        %select_n3A_226 = arith.select %and3A_224, %add3A_225, %rem3A_216 : i32
        %mul3A_227 = arith.constant 64 : i32
        %mul3A_228 = arith.muli %select_n3A_226, %mul3A_227 : i32
        %dma_start3A_229 = tpu.memref_slice %arg7[%select_n3A, %mul3A_228] : memref<40x128xi32, #tpu.memory_space<vmem>> -> memref<1x64xi32, #tpu.memory_space<vmem>>
        %dma_start3A_230 = tpu.memref_squeeze %dma_start3A_229 : memref<1x64xi32, #tpu.memory_space<vmem>> -> memref<64xi32, #tpu.memory_space<vmem>>
        %dma_start3A_231 = arith.constant 0 : i32
        %dma_start3A_232 = arith.constant 0 : i32
        %dma_start3A_233 = tpu.memref_slice %arg2[%dma_start3A_231, %dma_start3A_232] : memref<10240x128xf32, #tpu.memory_space<hbm>> -> memref<10240x128xf32, #tpu.memory_space<hbm>>
        tpu.enqueue_indirect_dma source(%dma_start3A_233 : memref<10240x128xf32, #tpu.memory_space<hbm>>) target(%arg9 : memref<64x128xf32, #tpu.memory_space<vmem>>) offsets(%dma_start3A_230 : memref<64xi32, #tpu.memory_space<vmem>>) semaphore(%arg14 : memref<!tpu.dma_semaphore, #tpu.memory_space<semaphore_mem>>)
      } else {
      }
      %dma_wait3A_154 = arith.constant 0 : i32
      %dma_wait3A_155 = arith.constant 0 : i32
      %dma_wait3A_156 = tpu.memref_slice %arg2[%dma_wait3A_154, %dma_wait3A_155] : memref<10240x128xf32, #tpu.memory_space<hbm>> -> memref<64x128xf32, #tpu.memory_space<hbm>>
      %dma_wait3A_157 = arith.constant 0 : i32
      %dma_wait3A_158 = arith.constant 0 : i32
      %dma_wait3A_159 = tpu.memref_slice %arg2[%dma_wait3A_157, %dma_wait3A_158] : memref<10240x128xf32, #tpu.memory_space<hbm>> -> memref<64x128xf32, #tpu.memory_space<hbm>>
      tpu.wait_dma2 semaphore(%arg16 : memref<!tpu.dma_semaphore, #tpu.memory_space<semaphore_mem>>) src(%dma_wait3A_159 : memref<64x128xf32, #tpu.memory_space<hbm>>) dst(%arg11 : memref<64x128xf32, #tpu.memory_space<vmem>>)
      %dma_start3A_160 = arith.constant 0 : i32
      %dma_start3A_161 = tpu.memref_slice %arg8[%add3A_141, %dma_start3A_160] : memref<80x64xi32, #tpu.memory_space<vmem>> -> memref<1x64xi32, #tpu.memory_space<vmem>>
      %dma_start3A_162 = tpu.memref_squeeze %dma_start3A_161 : memref<1x64xi32, #tpu.memory_space<vmem>> -> memref<64xi32, #tpu.memory_space<vmem>>
      %dma_start3A_163 = arith.constant 0 : i32
      %dma_start3A_164 = arith.constant 0 : i32
      %dma_start3A_165 = tpu.memref_slice %arg13[%dma_start3A_163, %dma_start3A_164] : memref<10240x128xf32, #tpu.memory_space<vmem_shared>> -> memref<10240x128xf32, #tpu.memory_space<vmem_shared>>
      tpu.enqueue_indirect_dma source(%arg11 : memref<64x128xf32, #tpu.memory_space<vmem>>) target(%dma_start3A_165 : memref<10240x128xf32, #tpu.memory_space<vmem_shared>>) offsets(%dma_start3A_162 : memref<64xi32, #tpu.memory_space<vmem>>) semaphore(%arg20 : memref<!tpu.dma_semaphore, #tpu.memory_space<semaphore_mem>>) {add = true}
      %mul3A_166 = arith.constant 4 : i32
      %mul3A_167 = arith.muli %scan3A_85, %mul3A_166 : i32
      %add3A_168 = arith.constant 3 : i32
      %add3A_169 = arith.addi %mul3A_167, %add3A_168 : i32
      %ge3A_170 = arith.constant 2 : i32
      %ge3A_171 = arith.cmpi sge, %add3A_169, %ge3A_170 : i32
      %convert_element_type3A_172 = arith.extui %ge3A_171 : i1 to i32
      %cond3A_173 = arith.constant 0 : i32
      %cond3A_174 = arith.cmpi ne, %convert_element_type3A_172, %cond3A_173 : i32
      scf.if %cond3A_174 {
        %dma_wait3A_194 = arith.constant 0 : i32
        %dma_wait3A_195 = arith.constant 0 : i32
        %dma_wait3A_196 = tpu.memref_slice %arg13[%dma_wait3A_194, %dma_wait3A_195] : memref<10240x128xf32, #tpu.memory_space<vmem_shared>> -> memref<64x128xf32, #tpu.memory_space<vmem_shared>>
        %dma_wait3A_197 = arith.constant 0 : i32
        %dma_wait3A_198 = arith.constant 0 : i32
        %dma_wait3A_199 = tpu.memref_slice %arg13[%dma_wait3A_197, %dma_wait3A_198] : memref<10240x128xf32, #tpu.memory_space<vmem_shared>> -> memref<64x128xf32, #tpu.memory_space<vmem_shared>>
        tpu.wait_dma2 semaphore(%arg19 : memref<!tpu.dma_semaphore, #tpu.memory_space<semaphore_mem>>) src(%arg10 : memref<64x128xf32, #tpu.memory_space<vmem>>) dst(%dma_wait3A_199 : memref<64x128xf32, #tpu.memory_space<vmem_shared>>)
      } else {
      }
      %add3A_175 = arith.constant 2 : i32
      %add3A_176 = arith.addi %add3A_169, %add3A_175 : i32
      %lt3A_177 = arith.constant 80 : i32
      %lt3A_178 = arith.cmpi slt, %add3A_176, %lt3A_177 : i32
      %convert_element_type3A_179 = arith.extui %lt3A_178 : i1 to i32
      %cond3A_180 = arith.constant 0 : i32
      %cond3A_181 = arith.cmpi ne, %convert_element_type3A_179, %cond3A_180 : i32
      scf.if %cond3A_181 {
        %add3A_194 = arith.constant 2 : i32
        %add3A_195 = arith.addi %add3A_169, %add3A_194 : i32
        %jit3A = arith.constant 2 : i32
        %div3A = arith.divsi %add3A_195, %jit3A : i32
        %sign3A = arith.constant 0 : i32
        %sign3A_196 = arith.cmpi sgt, %add3A_195, %sign3A : i32
        %sign3A_197 = arith.extui %sign3A_196 : i1 to i32
        %sign3A_198 = arith.constant 0 : i32
        %sign3A_199 = arith.cmpi slt, %add3A_195, %sign3A_198 : i32
        %sign3A_200 = arith.extui %sign3A_199 : i1 to i32
        %sign3A_201 = arith.subi %sign3A_197, %sign3A_200 : i32
        %sign3A_202 = arith.constant 0 : i32
        %sign3A_203 = arith.cmpi sgt, %jit3A, %sign3A_202 : i32
        %sign3A_204 = arith.extui %sign3A_203 : i1 to i32
        %sign3A_205 = arith.constant 0 : i32
        %sign3A_206 = arith.cmpi slt, %jit3A, %sign3A_205 : i32
        %sign3A_207 = arith.extui %sign3A_206 : i1 to i32
        %sign3A_208 = arith.subi %sign3A_204, %sign3A_207 : i32
        %ne3A = arith.cmpi ne, %sign3A_201, %sign3A_208 : i32
        %rem3A = arith.remsi %add3A_195, %jit3A : i32
        %ne3A_209 = arith.constant 0 : i32
        %ne3A_210 = arith.cmpi ne, %rem3A, %ne3A_209 : i32
        %and3A = arith.andi %ne3A, %ne3A_210 : i1
        %sub3A = arith.constant 1 : i32
        %sub3A_211 = arith.subi %div3A, %sub3A : i32
        %select_n3A = arith.select %and3A, %sub3A_211, %div3A : i32
        %jit3A_212 = arith.constant 2 : i32
        %eq3A = arith.constant 0 : i32
        %eq3A_213 = arith.cmpi eq, %jit3A_212, %eq3A : i32
        %jit3A_214 = arith.constant 1 : i32
        %select_n3A_215 = arith.select %eq3A_213, %jit3A_214, %jit3A_212 : i32
        %rem3A_216 = arith.remsi %add3A_195, %select_n3A_215 : i32
        %ne3A_217 = arith.constant 0 : i32
        %ne3A_218 = arith.cmpi ne, %rem3A_216, %ne3A_217 : i32
        %lt3A_219 = arith.constant 0 : i32
        %lt3A_220 = arith.cmpi slt, %rem3A_216, %lt3A_219 : i32
        %lt3A_221 = arith.constant 0 : i32
        %lt3A_222 = arith.cmpi slt, %select_n3A_215, %lt3A_221 : i32
        %ne3A_223 = arith.xori %lt3A_220, %lt3A_222 : i1
        %and3A_224 = arith.andi %ne3A_223, %ne3A_218 : i1
        %add3A_225 = arith.addi %rem3A_216, %select_n3A_215 : i32
        %select_n3A_226 = arith.select %and3A_224, %add3A_225, %rem3A_216 : i32
        %mul3A_227 = arith.constant 64 : i32
        %mul3A_228 = arith.muli %select_n3A_226, %mul3A_227 : i32
        %dma_start3A_229 = tpu.memref_slice %arg7[%select_n3A, %mul3A_228] : memref<40x128xi32, #tpu.memory_space<vmem>> -> memref<1x64xi32, #tpu.memory_space<vmem>>
        %dma_start3A_230 = tpu.memref_squeeze %dma_start3A_229 : memref<1x64xi32, #tpu.memory_space<vmem>> -> memref<64xi32, #tpu.memory_space<vmem>>
        %dma_start3A_231 = arith.constant 0 : i32
        %dma_start3A_232 = arith.constant 0 : i32
        %dma_start3A_233 = tpu.memref_slice %arg2[%dma_start3A_231, %dma_start3A_232] : memref<10240x128xf32, #tpu.memory_space<hbm>> -> memref<10240x128xf32, #tpu.memory_space<hbm>>
        tpu.enqueue_indirect_dma source(%dma_start3A_233 : memref<10240x128xf32, #tpu.memory_space<hbm>>) target(%arg10 : memref<64x128xf32, #tpu.memory_space<vmem>>) offsets(%dma_start3A_230 : memref<64xi32, #tpu.memory_space<vmem>>) semaphore(%arg15 : memref<!tpu.dma_semaphore, #tpu.memory_space<semaphore_mem>>)
      } else {
      }
      %dma_wait3A_182 = arith.constant 0 : i32
      %dma_wait3A_183 = arith.constant 0 : i32
      %dma_wait3A_184 = tpu.memref_slice %arg2[%dma_wait3A_182, %dma_wait3A_183] : memref<10240x128xf32, #tpu.memory_space<hbm>> -> memref<64x128xf32, #tpu.memory_space<hbm>>
      %dma_wait3A_185 = arith.constant 0 : i32
      %dma_wait3A_186 = arith.constant 0 : i32
      %dma_wait3A_187 = tpu.memref_slice %arg2[%dma_wait3A_185, %dma_wait3A_186] : memref<10240x128xf32, #tpu.memory_space<hbm>> -> memref<64x128xf32, #tpu.memory_space<hbm>>
      tpu.wait_dma2 semaphore(%arg17 : memref<!tpu.dma_semaphore, #tpu.memory_space<semaphore_mem>>) src(%dma_wait3A_187 : memref<64x128xf32, #tpu.memory_space<hbm>>) dst(%arg12 : memref<64x128xf32, #tpu.memory_space<vmem>>)
      %dma_start3A_188 = arith.constant 0 : i32
      %dma_start3A_189 = tpu.memref_slice %arg8[%add3A_169, %dma_start3A_188] : memref<80x64xi32, #tpu.memory_space<vmem>> -> memref<1x64xi32, #tpu.memory_space<vmem>>
      %dma_start3A_190 = tpu.memref_squeeze %dma_start3A_189 : memref<1x64xi32, #tpu.memory_space<vmem>> -> memref<64xi32, #tpu.memory_space<vmem>>
      %dma_start3A_191 = arith.constant 0 : i32
      %dma_start3A_192 = arith.constant 0 : i32
      %dma_start3A_193 = tpu.memref_slice %arg13[%dma_start3A_191, %dma_start3A_192] : memref<10240x128xf32, #tpu.memory_space<vmem_shared>> -> memref<10240x128xf32, #tpu.memory_space<vmem_shared>>
      tpu.enqueue_indirect_dma source(%arg12 : memref<64x128xf32, #tpu.memory_space<vmem>>) target(%dma_start3A_193 : memref<10240x128xf32, #tpu.memory_space<vmem_shared>>) offsets(%dma_start3A_190 : memref<64xi32, #tpu.memory_space<vmem>>) semaphore(%arg21 : memref<!tpu.dma_semaphore, #tpu.memory_space<semaphore_mem>>) {add = true}
    }
    %scan3A_67 = arith.constant 20 : i32
    %dma_wait3A_68 = arith.constant 0 : i32
    %dma_wait3A_69 = arith.constant 0 : i32
    %dma_wait3A_70 = tpu.memref_slice %arg13[%dma_wait3A_68, %dma_wait3A_69] : memref<10240x128xf32, #tpu.memory_space<vmem_shared>> -> memref<64x128xf32, #tpu.memory_space<vmem_shared>>
    %dma_wait3A_71 = arith.constant 0 : i32
    %dma_wait3A_72 = arith.constant 0 : i32
    %dma_wait3A_73 = tpu.memref_slice %arg13[%dma_wait3A_71, %dma_wait3A_72] : memref<10240x128xf32, #tpu.memory_space<vmem_shared>> -> memref<64x128xf32, #tpu.memory_space<vmem_shared>>
    tpu.wait_dma2 semaphore(%arg20 : memref<!tpu.dma_semaphore, #tpu.memory_space<semaphore_mem>>) src(%arg11 : memref<64x128xf32, #tpu.memory_space<vmem>>) dst(%dma_wait3A_73 : memref<64x128xf32, #tpu.memory_space<vmem_shared>>)
    %dma_wait3A_74 = arith.constant 0 : i32
    %dma_wait3A_75 = arith.constant 0 : i32
    %dma_wait3A_76 = tpu.memref_slice %arg13[%dma_wait3A_74, %dma_wait3A_75] : memref<10240x128xf32, #tpu.memory_space<vmem_shared>> -> memref<64x128xf32, #tpu.memory_space<vmem_shared>>
    %dma_wait3A_77 = arith.constant 0 : i32
    %dma_wait3A_78 = arith.constant 0 : i32
    %dma_wait3A_79 = tpu.memref_slice %arg13[%dma_wait3A_77, %dma_wait3A_78] : memref<10240x128xf32, #tpu.memory_space<vmem_shared>> -> memref<64x128xf32, #tpu.memory_space<vmem_shared>>
    tpu.wait_dma2 semaphore(%arg21 : memref<!tpu.dma_semaphore, #tpu.memory_space<semaphore_mem>>) src(%arg12 : memref<64x128xf32, #tpu.memory_space<vmem>>) dst(%dma_wait3A_79 : memref<64x128xf32, #tpu.memory_space<vmem_shared>>)
    %barrier3A_80 = arith.constant 0 : index
    tpu.barrier barrier_id(%barrier3A_80)
    %mul3A_81 = arith.constant 640 : i32
    %mul3A_82 = arith.muli %arg1, %mul3A_81 : i32
    %mul3A_83 = arith.constant 640 : i32
    %mul3A_84 = arith.muli %arg1, %mul3A_83 : i32
    "tpu.region"() ({
      %run_scoped3A = tpu.sem_alloc : memref<!tpu.dma_semaphore, #tpu.memory_space<semaphore_mem>>
      %dma_start3A_85 = arith.constant 0 : i32
      %dma_start3A_86 = tpu.memref_slice %arg6[%arg0, %mul3A_84, %dma_start3A_85] : memref<2x10240x128xf32, #tpu.memory_space<hbm>> -> memref<1x640x128xf32, #tpu.memory_space<hbm>>
      %dma_start3A_87 = tpu.memref_squeeze %dma_start3A_86 : memref<1x640x128xf32, #tpu.memory_space<hbm>> -> memref<640x128xf32, #tpu.memory_space<hbm>>
      %dma_start3A_88 = arith.constant 0 : i32
      %dma_start3A_89 = tpu.memref_slice %arg13[%mul3A_82, %dma_start3A_88] : memref<10240x128xf32, #tpu.memory_space<vmem_shared>> -> memref<640x128xf32, #tpu.memory_space<vmem_shared>>
      tpu.enqueue_dma source(%dma_start3A_89 : memref<640x128xf32, #tpu.memory_space<vmem_shared>>) target(%dma_start3A_87 : memref<640x128xf32, #tpu.memory_space<hbm>>) target_semaphore(%run_scoped3A : memref<!tpu.dma_semaphore, #tpu.memory_space<semaphore_mem>>)
      %dma_wait3A_90 = arith.constant 0 : i32
      %dma_wait3A_91 = tpu.memref_slice %arg6[%arg0, %mul3A_84, %dma_wait3A_90] : memref<2x10240x128xf32, #tpu.memory_space<hbm>> -> memref<1x640x128xf32, #tpu.memory_space<hbm>>
      %dma_wait3A_92 = tpu.memref_squeeze %dma_wait3A_91 : memref<1x640x128xf32, #tpu.memory_space<hbm>> -> memref<640x128xf32, #tpu.memory_space<hbm>>
      %dma_wait3A_93 = arith.constant 0 : i32
      %dma_wait3A_94 = tpu.memref_slice %arg13[%mul3A_82, %dma_wait3A_93] : memref<10240x128xf32, #tpu.memory_space<vmem_shared>> -> memref<640x128xf32, #tpu.memory_space<vmem_shared>>
      tpu.wait_dma2 semaphore(%run_scoped3A : memref<!tpu.dma_semaphore, #tpu.memory_space<semaphore_mem>>) src(%dma_wait3A_94 : memref<640x128xf32, #tpu.memory_space<vmem_shared>>) dst(%dma_wait3A_92 : memref<640x128xf32, #tpu.memory_space<hbm>>)
      tpu.yield
    }) : () -> ()
    return
  }
}

#map = affine_map<(d0, d1) -> (0, 0)>
#map1 = affine_map<(d0, d1) -> (0, 0, 0)>
module attributes {stable_mosaic.version = 14 : i64} {
  func.func @_edge_body(%arg0: i32, %arg1: i32, %arg2: memref<10240x128xf32, #tpu.memory_space<hbm>>, %arg3: memref<2560x128xi32, #tpu.memory_space<hbm>>, %arg4: memref<5120x64xi32, #tpu.memory_space<hbm>>, %arg5: memref<640x128xf32, #tpu.memory_space<hbm>>, %arg6: memref<2x10240x128xf32, #tpu.memory_space<hbm>>, %arg7: memref<40x128xi32, #tpu.memory_space<vmem>>, %arg8: memref<80x64xi32, #tpu.memory_space<vmem>>, %arg9: memref<64x128xf32, #tpu.memory_space<vmem>>, %arg10: memref<64x128xf32, #tpu.memory_space<vmem>>, %arg11: memref<64x128xf32, #tpu.memory_space<vmem>>, %arg12: memref<64x128xf32, #tpu.memory_space<vmem>>, %arg13: memref<10240x128xf32, #tpu.memory_space<vmem_shared>>, %arg14: memref<!tpu.dma_semaphore, #tpu.memory_space<semaphore_mem>>, %arg15: memref<!tpu.dma_semaphore, #tpu.memory_space<semaphore_mem>>, %arg16: memref<!tpu.dma_semaphore, #tpu.memory_space<semaphore_mem>>, %arg17: memref<!tpu.dma_semaphore, #tpu.memory_space<semaphore_mem>>, %arg18: memref<!tpu.dma_semaphore, #tpu.memory_space<semaphore_mem>>, %arg19: memref<!tpu.dma_semaphore, #tpu.memory_space<semaphore_mem>>, %arg20: memref<!tpu.dma_semaphore, #tpu.memory_space<semaphore_mem>>, %arg21: memref<!tpu.dma_semaphore, #tpu.memory_space<semaphore_mem>>) attributes {dimension_semantics = [#tpu.dimension_semantics<core_parallel>, #tpu.dimension_semantics<subcore_parallel>], iteration_bounds = array<i64: 2, 16>, scalar_prefetch = 0 : i64, scratch_operands = 15 : i64, tpu.core_type = #tpu.core_type<sc_vector_subcore>, window_params = [{transform_indices = #map}, {transform_indices = #map}, {transform_indices = #map}, {transform_indices = #map}, {transform_indices = #map1}]} {
    %mul3A = arith.constant 16 : i32
    %mul3A_0 = arith.muli %arg0, %mul3A : i32
    %add3A = arith.addi %mul3A_0, %arg1 : i32
    %mul3A_1 = arith.constant 640 : i32
    %mul3A_2 = arith.muli %arg1, %mul3A_1 : i32
    "tpu.region"() ({
      %run_scoped3A = tpu.sem_alloc : memref<!tpu.dma_semaphore, #tpu.memory_space<semaphore_mem>>
      %dma_start3A_85 = arith.constant 0 : i32
      %dma_start3A_86 = tpu.memref_slice %arg13[%mul3A_2, %dma_start3A_85] : memref<10240x128xf32, #tpu.memory_space<vmem_shared>> -> memref<640x128xf32, #tpu.memory_space<vmem_shared>>
      tpu.enqueue_dma source(%arg5 : memref<640x128xf32, #tpu.memory_space<hbm>>) target(%dma_start3A_86 : memref<640x128xf32, #tpu.memory_space<vmem_shared>>) target_semaphore(%run_scoped3A : memref<!tpu.dma_semaphore, #tpu.memory_space<semaphore_mem>>)
      %dma_wait3A_87 = arith.constant 0 : i32
      %dma_wait3A_88 = tpu.memref_slice %arg13[%mul3A_2, %dma_wait3A_87] : memref<10240x128xf32, #tpu.memory_space<vmem_shared>> -> memref<640x128xf32, #tpu.memory_space<vmem_shared>>
      tpu.wait_dma2 semaphore(%run_scoped3A : memref<!tpu.dma_semaphore, #tpu.memory_space<semaphore_mem>>) src(%arg5 : memref<640x128xf32, #tpu.memory_space<hbm>>) dst(%dma_wait3A_88 : memref<640x128xf32, #tpu.memory_space<vmem_shared>>)
      tpu.yield
    }) : () -> ()
    %barrier3A = arith.constant 0 : index
    tpu.barrier barrier_id(%barrier3A)
    %mul3A_3 = arith.constant 80 : i32
    %mul3A_4 = arith.muli %add3A, %mul3A_3 : i32
    %add3A_5 = arith.constant 0 : i32
    %add3A_6 = arith.addi %mul3A_4, %add3A_5 : i32
    "tpu.region"() ({
      %run_scoped3A = tpu.sem_alloc : memref<!tpu.dma_semaphore, #tpu.memory_space<semaphore_mem>>
      %dma_start3A_85 = arith.constant 0 : i32
      %dma_start3A_86 = tpu.memref_slice %arg3[%add3A_6, %dma_start3A_85] : memref<2560x128xi32, #tpu.memory_space<hbm>> -> memref<40x128xi32, #tpu.memory_space<hbm>>
      %dma_start3A_87 = arith.constant 0 : i32
      %dma_start3A_88 = tpu.memref_slice %arg3[%add3A_6, %dma_start3A_87] : memref<2560x128xi32, #tpu.memory_space<hbm>> -> memref<40x128xi32, #tpu.memory_space<hbm>>
      tpu.enqueue_dma source(%dma_start3A_88 : memref<40x128xi32, #tpu.memory_space<hbm>>) target(%arg7 : memref<40x128xi32, #tpu.memory_space<vmem>>) target_semaphore(%run_scoped3A : memref<!tpu.dma_semaphore, #tpu.memory_space<semaphore_mem>>)
      %dma_wait3A_89 = arith.constant 0 : i32
      %dma_wait3A_90 = tpu.memref_slice %arg3[%add3A_6, %dma_wait3A_89] : memref<2560x128xi32, #tpu.memory_space<hbm>> -> memref<40x128xi32, #tpu.memory_space<hbm>>
      %dma_wait3A_91 = arith.constant 0 : i32
      %dma_wait3A_92 = tpu.memref_slice %arg3[%add3A_6, %dma_wait3A_91] : memref<2560x128xi32, #tpu.memory_space<hbm>> -> memref<40x128xi32, #tpu.memory_space<hbm>>
      tpu.wait_dma2 semaphore(%run_scoped3A : memref<!tpu.dma_semaphore, #tpu.memory_space<semaphore_mem>>) src(%dma_wait3A_92 : memref<40x128xi32, #tpu.memory_space<hbm>>) dst(%arg7 : memref<40x128xi32, #tpu.memory_space<vmem>>)
      tpu.yield
    }) : () -> ()
    %mul3A_7 = arith.constant 160 : i32
    %mul3A_8 = arith.muli %add3A, %mul3A_7 : i32
    %add3A_9 = arith.constant 0 : i32
    %add3A_10 = arith.addi %mul3A_8, %add3A_9 : i32
    "tpu.region"() ({
      %run_scoped3A = tpu.sem_alloc : memref<!tpu.dma_semaphore, #tpu.memory_space<semaphore_mem>>
      %dma_start3A_85 = arith.constant 0 : i32
      %dma_start3A_86 = tpu.memref_slice %arg4[%add3A_10, %dma_start3A_85] : memref<5120x64xi32, #tpu.memory_space<hbm>> -> memref<80x64xi32, #tpu.memory_space<hbm>>
      %dma_start3A_87 = arith.constant 0 : i32
      %dma_start3A_88 = tpu.memref_slice %arg4[%add3A_10, %dma_start3A_87] : memref<5120x64xi32, #tpu.memory_space<hbm>> -> memref<80x64xi32, #tpu.memory_space<hbm>>
      tpu.enqueue_dma source(%dma_start3A_88 : memref<80x64xi32, #tpu.memory_space<hbm>>) target(%arg8 : memref<80x64xi32, #tpu.memory_space<vmem>>) target_semaphore(%run_scoped3A : memref<!tpu.dma_semaphore, #tpu.memory_space<semaphore_mem>>)
      %dma_wait3A_89 = arith.constant 0 : i32
      %dma_wait3A_90 = tpu.memref_slice %arg4[%add3A_10, %dma_wait3A_89] : memref<5120x64xi32, #tpu.memory_space<hbm>> -> memref<80x64xi32, #tpu.memory_space<hbm>>
      %dma_wait3A_91 = arith.constant 0 : i32
      %dma_wait3A_92 = tpu.memref_slice %arg4[%add3A_10, %dma_wait3A_91] : memref<5120x64xi32, #tpu.memory_space<hbm>> -> memref<80x64xi32, #tpu.memory_space<hbm>>
      tpu.wait_dma2 semaphore(%run_scoped3A : memref<!tpu.dma_semaphore, #tpu.memory_space<semaphore_mem>>) src(%dma_wait3A_92 : memref<80x64xi32, #tpu.memory_space<hbm>>) dst(%arg8 : memref<80x64xi32, #tpu.memory_space<vmem>>)
      tpu.yield
    }) : () -> ()
    %dma_start3A = arith.constant 0 : i32
    %dma_start3A_11 = arith.constant 0 : i32
    %dma_start3A_12 = tpu.memref_slice %arg7[%dma_start3A, %dma_start3A_11] : memref<40x128xi32, #tpu.memory_space<vmem>> -> memref<1x64xi32, #tpu.memory_space<vmem>>
    %dma_start3A_13 = tpu.memref_squeeze %dma_start3A_12 : memref<1x64xi32, #tpu.memory_space<vmem>> -> memref<64xi32, #tpu.memory_space<vmem>>
    %dma_start3A_14 = arith.constant 0 : i32
    %dma_start3A_15 = arith.constant 0 : i32
    %dma_start3A_16 = tpu.memref_slice %arg2[%dma_start3A_14, %dma_start3A_15] : memref<10240x128xf32, #tpu.memory_space<hbm>> -> memref<10240x128xf32, #tpu.memory_space<hbm>>
    tpu.enqueue_indirect_dma source(%dma_start3A_16 : memref<10240x128xf32, #tpu.memory_space<hbm>>) target(%arg9 : memref<64x128xf32, #tpu.memory_space<vmem>>) offsets(%dma_start3A_13 : memref<64xi32, #tpu.memory_space<vmem>>) semaphore(%arg14 : memref<!tpu.dma_semaphore, #tpu.memory_space<semaphore_mem>>)
    %dma_start3A_17 = arith.constant 0 : i32
    %dma_start3A_18 = arith.constant 64 : i32
    %dma_start3A_19 = tpu.memref_slice %arg7[%dma_start3A_17, %dma_start3A_18] : memref<40x128xi32, #tpu.memory_space<vmem>> -> memref<1x64xi32, #tpu.memory_space<vmem>>
    %dma_start3A_20 = tpu.memref_squeeze %dma_start3A_19 : memref<1x64xi32, #tpu.memory_space<vmem>> -> memref<64xi32, #tpu.memory_space<vmem>>
    %dma_start3A_21 = arith.constant 0 : i32
    %dma_start3A_22 = arith.constant 0 : i32
    %dma_start3A_23 = tpu.memref_slice %arg2[%dma_start3A_21, %dma_start3A_22] : memref<10240x128xf32, #tpu.memory_space<hbm>> -> memref<10240x128xf32, #tpu.memory_space<hbm>>
    tpu.enqueue_indirect_dma source(%dma_start3A_23 : memref<10240x128xf32, #tpu.memory_space<hbm>>) target(%arg10 : memref<64x128xf32, #tpu.memory_space<vmem>>) offsets(%dma_start3A_20 : memref<64xi32, #tpu.memory_space<vmem>>) semaphore(%arg15 : memref<!tpu.dma_semaphore, #tpu.memory_space<semaphore_mem>>)
    %scan3A = arith.constant 0 : i32
    %scan3A_24 = arith.constant 0 : i32
    %scan3A_25 = arith.constant 20 : i32
    %scan3A_26 = arith.addi %scan3A_24, %scan3A_25 : i32
    %scan3A_27 = arith.constant 1 : i32
    scf.for %scan3A_85 = %scan3A_24 to %scan3A_26 step %scan3A_27  : i32 {
      %mul3A_86 = arith.constant 4 : i32
      %mul3A_87 = arith.muli %scan3A_85, %mul3A_86 : i32
      %add3A_88 = arith.constant 0 : i32
      %add3A_89 = arith.addi %mul3A_87, %add3A_88 : i32
      %ge3A = arith.constant 2 : i32
      %ge3A_90 = arith.cmpi sge, %add3A_89, %ge3A : i32
      %convert_element_type3A = arith.extui %ge3A_90 : i1 to i32
      %cond3A = arith.constant 0 : i32
      %cond3A_91 = arith.cmpi ne, %convert_element_type3A, %cond3A : i32
      scf.if %cond3A_91 {
        %dma_wait3A_194 = arith.constant 0 : i32
        %dma_wait3A_195 = arith.constant 0 : i32
        %dma_wait3A_196 = tpu.memref_slice %arg13[%dma_wait3A_194, %dma_wait3A_195] : memref<10240x128xf32, #tpu.memory_space<vmem_shared>> -> memref<64x128xf32, #tpu.memory_space<vmem_shared>>
        %dma_wait3A_197 = arith.constant 0 : i32
        %dma_wait3A_198 = arith.constant 0 : i32
        %dma_wait3A_199 = tpu.memref_slice %arg13[%dma_wait3A_197, %dma_wait3A_198] : memref<10240x128xf32, #tpu.memory_space<vmem_shared>> -> memref<64x128xf32, #tpu.memory_space<vmem_shared>>
        tpu.wait_dma2 semaphore(%arg20 : memref<!tpu.dma_semaphore, #tpu.memory_space<semaphore_mem>>) src(%arg11 : memref<64x128xf32, #tpu.memory_space<vmem>>) dst(%dma_wait3A_199 : memref<64x128xf32, #tpu.memory_space<vmem_shared>>)
      } else {
      }
      %add3A_92 = arith.constant 2 : i32
      %add3A_93 = arith.addi %add3A_89, %add3A_92 : i32
      %lt3A = arith.constant 80 : i32
      %lt3A_94 = arith.cmpi slt, %add3A_93, %lt3A : i32
      %convert_element_type3A_95 = arith.extui %lt3A_94 : i1 to i32
      %cond3A_96 = arith.constant 0 : i32
      %cond3A_97 = arith.cmpi ne, %convert_element_type3A_95, %cond3A_96 : i32
      scf.if %cond3A_97 {
        %add3A_194 = arith.constant 2 : i32
        %add3A_195 = arith.addi %add3A_89, %add3A_194 : i32
        %jit3A = arith.constant 2 : i32
        %div3A = arith.divsi %add3A_195, %jit3A : i32
        %sign3A = arith.constant 0 : i32
        %sign3A_196 = arith.cmpi sgt, %add3A_195, %sign3A : i32
        %sign3A_197 = arith.extui %sign3A_196 : i1 to i32
        %sign3A_198 = arith.constant 0 : i32
        %sign3A_199 = arith.cmpi slt, %add3A_195, %sign3A_198 : i32
        %sign3A_200 = arith.extui %sign3A_199 : i1 to i32
        %sign3A_201 = arith.subi %sign3A_197, %sign3A_200 : i32
        %sign3A_202 = arith.constant 0 : i32
        %sign3A_203 = arith.cmpi sgt, %jit3A, %sign3A_202 : i32
        %sign3A_204 = arith.extui %sign3A_203 : i1 to i32
        %sign3A_205 = arith.constant 0 : i32
        %sign3A_206 = arith.cmpi slt, %jit3A, %sign3A_205 : i32
        %sign3A_207 = arith.extui %sign3A_206 : i1 to i32
        %sign3A_208 = arith.subi %sign3A_204, %sign3A_207 : i32
        %ne3A = arith.cmpi ne, %sign3A_201, %sign3A_208 : i32
        %rem3A = arith.remsi %add3A_195, %jit3A : i32
        %ne3A_209 = arith.constant 0 : i32
        %ne3A_210 = arith.cmpi ne, %rem3A, %ne3A_209 : i32
        %and3A = arith.andi %ne3A, %ne3A_210 : i1
        %sub3A = arith.constant 1 : i32
        %sub3A_211 = arith.subi %div3A, %sub3A : i32
        %select_n3A = arith.select %and3A, %sub3A_211, %div3A : i32
        %jit3A_212 = arith.constant 2 : i32
        %eq3A = arith.constant 0 : i32
        %eq3A_213 = arith.cmpi eq, %jit3A_212, %eq3A : i32
        %jit3A_214 = arith.constant 1 : i32
        %select_n3A_215 = arith.select %eq3A_213, %jit3A_214, %jit3A_212 : i32
        %rem3A_216 = arith.remsi %add3A_195, %select_n3A_215 : i32
        %ne3A_217 = arith.constant 0 : i32
        %ne3A_218 = arith.cmpi ne, %rem3A_216, %ne3A_217 : i32
        %lt3A_219 = arith.constant 0 : i32
        %lt3A_220 = arith.cmpi slt, %rem3A_216, %lt3A_219 : i32
        %lt3A_221 = arith.constant 0 : i32
        %lt3A_222 = arith.cmpi slt, %select_n3A_215, %lt3A_221 : i32
        %ne3A_223 = arith.xori %lt3A_220, %lt3A_222 : i1
        %and3A_224 = arith.andi %ne3A_223, %ne3A_218 : i1
        %add3A_225 = arith.addi %rem3A_216, %select_n3A_215 : i32
        %select_n3A_226 = arith.select %and3A_224, %add3A_225, %rem3A_216 : i32
        %mul3A_227 = arith.constant 64 : i32
        %mul3A_228 = arith.muli %select_n3A_226, %mul3A_227 : i32
        %dma_start3A_229 = tpu.memref_slice %arg7[%select_n3A, %mul3A_228] : memref<40x128xi32, #tpu.memory_space<vmem>> -> memref<1x64xi32, #tpu.memory_space<vmem>>
        %dma_start3A_230 = tpu.memref_squeeze %dma_start3A_229 : memref<1x64xi32, #tpu.memory_space<vmem>> -> memref<64xi32, #tpu.memory_space<vmem>>
        %dma_start3A_231 = arith.constant 0 : i32
        %dma_start3A_232 = arith.constant 0 : i32
        %dma_start3A_233 = tpu.memref_slice %arg2[%dma_start3A_231, %dma_start3A_232] : memref<10240x128xf32, #tpu.memory_space<hbm>> -> memref<10240x128xf32, #tpu.memory_space<hbm>>
        tpu.enqueue_indirect_dma source(%dma_start3A_233 : memref<10240x128xf32, #tpu.memory_space<hbm>>) target(%arg11 : memref<64x128xf32, #tpu.memory_space<vmem>>) offsets(%dma_start3A_230 : memref<64xi32, #tpu.memory_space<vmem>>) semaphore(%arg16 : memref<!tpu.dma_semaphore, #tpu.memory_space<semaphore_mem>>)
      } else {
      }
      %dma_wait3A_98 = arith.constant 0 : i32
      %dma_wait3A_99 = arith.constant 0 : i32
      %dma_wait3A_100 = tpu.memref_slice %arg2[%dma_wait3A_98, %dma_wait3A_99] : memref<10240x128xf32, #tpu.memory_space<hbm>> -> memref<64x128xf32, #tpu.memory_space<hbm>>
      %dma_wait3A_101 = arith.constant 0 : i32
      %dma_wait3A_102 = arith.constant 0 : i32
      %dma_wait3A_103 = tpu.memref_slice %arg2[%dma_wait3A_101, %dma_wait3A_102] : memref<10240x128xf32, #tpu.memory_space<hbm>> -> memref<64x128xf32, #tpu.memory_space<hbm>>
      tpu.wait_dma2 semaphore(%arg14 : memref<!tpu.dma_semaphore, #tpu.memory_space<semaphore_mem>>) src(%dma_wait3A_103 : memref<64x128xf32, #tpu.memory_space<hbm>>) dst(%arg9 : memref<64x128xf32, #tpu.memory_space<vmem>>)
      %dma_start3A_104 = arith.constant 0 : i32
      %dma_start3A_105 = tpu.memref_slice %arg8[%add3A_89, %dma_start3A_104] : memref<80x64xi32, #tpu.memory_space<vmem>> -> memref<1x64xi32, #tpu.memory_space<vmem>>
      %dma_start3A_106 = tpu.memref_squeeze %dma_start3A_105 : memref<1x64xi32, #tpu.memory_space<vmem>> -> memref<64xi32, #tpu.memory_space<vmem>>
      %dma_start3A_107 = arith.constant 0 : i32
      %dma_start3A_108 = arith.constant 0 : i32
      %dma_start3A_109 = tpu.memref_slice %arg13[%dma_start3A_107, %dma_start3A_108] : memref<10240x128xf32, #tpu.memory_space<vmem_shared>> -> memref<10240x128xf32, #tpu.memory_space<vmem_shared>>
      tpu.enqueue_indirect_dma source(%arg9 : memref<64x128xf32, #tpu.memory_space<vmem>>) target(%dma_start3A_109 : memref<10240x128xf32, #tpu.memory_space<vmem_shared>>) offsets(%dma_start3A_106 : memref<64xi32, #tpu.memory_space<vmem>>) semaphore(%arg18 : memref<!tpu.dma_semaphore, #tpu.memory_space<semaphore_mem>>) {add = true}
      %mul3A_110 = arith.constant 4 : i32
      %mul3A_111 = arith.muli %scan3A_85, %mul3A_110 : i32
      %add3A_112 = arith.constant 1 : i32
      %add3A_113 = arith.addi %mul3A_111, %add3A_112 : i32
      %ge3A_114 = arith.constant 2 : i32
      %ge3A_115 = arith.cmpi sge, %add3A_113, %ge3A_114 : i32
      %convert_element_type3A_116 = arith.extui %ge3A_115 : i1 to i32
      %cond3A_117 = arith.constant 0 : i32
      %cond3A_118 = arith.cmpi ne, %convert_element_type3A_116, %cond3A_117 : i32
      scf.if %cond3A_118 {
        %dma_wait3A_194 = arith.constant 0 : i32
        %dma_wait3A_195 = arith.constant 0 : i32
        %dma_wait3A_196 = tpu.memref_slice %arg13[%dma_wait3A_194, %dma_wait3A_195] : memref<10240x128xf32, #tpu.memory_space<vmem_shared>> -> memref<64x128xf32, #tpu.memory_space<vmem_shared>>
        %dma_wait3A_197 = arith.constant 0 : i32
        %dma_wait3A_198 = arith.constant 0 : i32
        %dma_wait3A_199 = tpu.memref_slice %arg13[%dma_wait3A_197, %dma_wait3A_198] : memref<10240x128xf32, #tpu.memory_space<vmem_shared>> -> memref<64x128xf32, #tpu.memory_space<vmem_shared>>
        tpu.wait_dma2 semaphore(%arg21 : memref<!tpu.dma_semaphore, #tpu.memory_space<semaphore_mem>>) src(%arg12 : memref<64x128xf32, #tpu.memory_space<vmem>>) dst(%dma_wait3A_199 : memref<64x128xf32, #tpu.memory_space<vmem_shared>>)
      } else {
      }
      %add3A_119 = arith.constant 2 : i32
      %add3A_120 = arith.addi %add3A_113, %add3A_119 : i32
      %lt3A_121 = arith.constant 80 : i32
      %lt3A_122 = arith.cmpi slt, %add3A_120, %lt3A_121 : i32
      %convert_element_type3A_123 = arith.extui %lt3A_122 : i1 to i32
      %cond3A_124 = arith.constant 0 : i32
      %cond3A_125 = arith.cmpi ne, %convert_element_type3A_123, %cond3A_124 : i32
      scf.if %cond3A_125 {
        %add3A_194 = arith.constant 2 : i32
        %add3A_195 = arith.addi %add3A_113, %add3A_194 : i32
        %jit3A = arith.constant 2 : i32
        %div3A = arith.divsi %add3A_195, %jit3A : i32
        %sign3A = arith.constant 0 : i32
        %sign3A_196 = arith.cmpi sgt, %add3A_195, %sign3A : i32
        %sign3A_197 = arith.extui %sign3A_196 : i1 to i32
        %sign3A_198 = arith.constant 0 : i32
        %sign3A_199 = arith.cmpi slt, %add3A_195, %sign3A_198 : i32
        %sign3A_200 = arith.extui %sign3A_199 : i1 to i32
        %sign3A_201 = arith.subi %sign3A_197, %sign3A_200 : i32
        %sign3A_202 = arith.constant 0 : i32
        %sign3A_203 = arith.cmpi sgt, %jit3A, %sign3A_202 : i32
        %sign3A_204 = arith.extui %sign3A_203 : i1 to i32
        %sign3A_205 = arith.constant 0 : i32
        %sign3A_206 = arith.cmpi slt, %jit3A, %sign3A_205 : i32
        %sign3A_207 = arith.extui %sign3A_206 : i1 to i32
        %sign3A_208 = arith.subi %sign3A_204, %sign3A_207 : i32
        %ne3A = arith.cmpi ne, %sign3A_201, %sign3A_208 : i32
        %rem3A = arith.remsi %add3A_195, %jit3A : i32
        %ne3A_209 = arith.constant 0 : i32
        %ne3A_210 = arith.cmpi ne, %rem3A, %ne3A_209 : i32
        %and3A = arith.andi %ne3A, %ne3A_210 : i1
        %sub3A = arith.constant 1 : i32
        %sub3A_211 = arith.subi %div3A, %sub3A : i32
        %select_n3A = arith.select %and3A, %sub3A_211, %div3A : i32
        %jit3A_212 = arith.constant 2 : i32
        %eq3A = arith.constant 0 : i32
        %eq3A_213 = arith.cmpi eq, %jit3A_212, %eq3A : i32
        %jit3A_214 = arith.constant 1 : i32
        %select_n3A_215 = arith.select %eq3A_213, %jit3A_214, %jit3A_212 : i32
        %rem3A_216 = arith.remsi %add3A_195, %select_n3A_215 : i32
        %ne3A_217 = arith.constant 0 : i32
        %ne3A_218 = arith.cmpi ne, %rem3A_216, %ne3A_217 : i32
        %lt3A_219 = arith.constant 0 : i32
        %lt3A_220 = arith.cmpi slt, %rem3A_216, %lt3A_219 : i32
        %lt3A_221 = arith.constant 0 : i32
        %lt3A_222 = arith.cmpi slt, %select_n3A_215, %lt3A_221 : i32
        %ne3A_223 = arith.xori %lt3A_220, %lt3A_222 : i1
        %and3A_224 = arith.andi %ne3A_223, %ne3A_218 : i1
        %add3A_225 = arith.addi %rem3A_216, %select_n3A_215 : i32
        %select_n3A_226 = arith.select %and3A_224, %add3A_225, %rem3A_216 : i32
        %mul3A_227 = arith.constant 64 : i32
        %mul3A_228 = arith.muli %select_n3A_226, %mul3A_227 : i32
        %dma_start3A_229 = tpu.memref_slice %arg7[%select_n3A, %mul3A_228] : memref<40x128xi32, #tpu.memory_space<vmem>> -> memref<1x64xi32, #tpu.memory_space<vmem>>
        %dma_start3A_230 = tpu.memref_squeeze %dma_start3A_229 : memref<1x64xi32, #tpu.memory_space<vmem>> -> memref<64xi32, #tpu.memory_space<vmem>>
        %dma_start3A_231 = arith.constant 0 : i32
        %dma_start3A_232 = arith.constant 0 : i32
        %dma_start3A_233 = tpu.memref_slice %arg2[%dma_start3A_231, %dma_start3A_232] : memref<10240x128xf32, #tpu.memory_space<hbm>> -> memref<10240x128xf32, #tpu.memory_space<hbm>>
        tpu.enqueue_indirect_dma source(%dma_start3A_233 : memref<10240x128xf32, #tpu.memory_space<hbm>>) target(%arg12 : memref<64x128xf32, #tpu.memory_space<vmem>>) offsets(%dma_start3A_230 : memref<64xi32, #tpu.memory_space<vmem>>) semaphore(%arg17 : memref<!tpu.dma_semaphore, #tpu.memory_space<semaphore_mem>>)
      } else {
      }
      %dma_wait3A_126 = arith.constant 0 : i32
      %dma_wait3A_127 = arith.constant 0 : i32
      %dma_wait3A_128 = tpu.memref_slice %arg2[%dma_wait3A_126, %dma_wait3A_127] : memref<10240x128xf32, #tpu.memory_space<hbm>> -> memref<64x128xf32, #tpu.memory_space<hbm>>
      %dma_wait3A_129 = arith.constant 0 : i32
      %dma_wait3A_130 = arith.constant 0 : i32
      %dma_wait3A_131 = tpu.memref_slice %arg2[%dma_wait3A_129, %dma_wait3A_130] : memref<10240x128xf32, #tpu.memory_space<hbm>> -> memref<64x128xf32, #tpu.memory_space<hbm>>
      tpu.wait_dma2 semaphore(%arg15 : memref<!tpu.dma_semaphore, #tpu.memory_space<semaphore_mem>>) src(%dma_wait3A_131 : memref<64x128xf32, #tpu.memory_space<hbm>>) dst(%arg10 : memref<64x128xf32, #tpu.memory_space<vmem>>)
      %dma_start3A_132 = arith.constant 0 : i32
      %dma_start3A_133 = tpu.memref_slice %arg8[%add3A_113, %dma_start3A_132] : memref<80x64xi32, #tpu.memory_space<vmem>> -> memref<1x64xi32, #tpu.memory_space<vmem>>
      %dma_start3A_134 = tpu.memref_squeeze %dma_start3A_133 : memref<1x64xi32, #tpu.memory_space<vmem>> -> memref<64xi32, #tpu.memory_space<vmem>>
      %dma_start3A_135 = arith.constant 0 : i32
      %dma_start3A_136 = arith.constant 0 : i32
      %dma_start3A_137 = tpu.memref_slice %arg13[%dma_start3A_135, %dma_start3A_136] : memref<10240x128xf32, #tpu.memory_space<vmem_shared>> -> memref<10240x128xf32, #tpu.memory_space<vmem_shared>>
      tpu.enqueue_indirect_dma source(%arg10 : memref<64x128xf32, #tpu.memory_space<vmem>>) target(%dma_start3A_137 : memref<10240x128xf32, #tpu.memory_space<vmem_shared>>) offsets(%dma_start3A_134 : memref<64xi32, #tpu.memory_space<vmem>>) semaphore(%arg19 : memref<!tpu.dma_semaphore, #tpu.memory_space<semaphore_mem>>) {add = true}
      %mul3A_138 = arith.constant 4 : i32
      %mul3A_139 = arith.muli %scan3A_85, %mul3A_138 : i32
      %add3A_140 = arith.constant 2 : i32
      %add3A_141 = arith.addi %mul3A_139, %add3A_140 : i32
      %ge3A_142 = arith.constant 2 : i32
      %ge3A_143 = arith.cmpi sge, %add3A_141, %ge3A_142 : i32
      %convert_element_type3A_144 = arith.extui %ge3A_143 : i1 to i32
      %cond3A_145 = arith.constant 0 : i32
      %cond3A_146 = arith.cmpi ne, %convert_element_type3A_144, %cond3A_145 : i32
      scf.if %cond3A_146 {
        %dma_wait3A_194 = arith.constant 0 : i32
        %dma_wait3A_195 = arith.constant 0 : i32
        %dma_wait3A_196 = tpu.memref_slice %arg13[%dma_wait3A_194, %dma_wait3A_195] : memref<10240x128xf32, #tpu.memory_space<vmem_shared>> -> memref<64x128xf32, #tpu.memory_space<vmem_shared>>
        %dma_wait3A_197 = arith.constant 0 : i32
        %dma_wait3A_198 = arith.constant 0 : i32
        %dma_wait3A_199 = tpu.memref_slice %arg13[%dma_wait3A_197, %dma_wait3A_198] : memref<10240x128xf32, #tpu.memory_space<vmem_shared>> -> memref<64x128xf32, #tpu.memory_space<vmem_shared>>
        tpu.wait_dma2 semaphore(%arg18 : memref<!tpu.dma_semaphore, #tpu.memory_space<semaphore_mem>>) src(%arg9 : memref<64x128xf32, #tpu.memory_space<vmem>>) dst(%dma_wait3A_199 : memref<64x128xf32, #tpu.memory_space<vmem_shared>>)
      } else {
      }
      %add3A_147 = arith.constant 2 : i32
      %add3A_148 = arith.addi %add3A_141, %add3A_147 : i32
      %lt3A_149 = arith.constant 80 : i32
      %lt3A_150 = arith.cmpi slt, %add3A_148, %lt3A_149 : i32
      %convert_element_type3A_151 = arith.extui %lt3A_150 : i1 to i32
      %cond3A_152 = arith.constant 0 : i32
      %cond3A_153 = arith.cmpi ne, %convert_element_type3A_151, %cond3A_152 : i32
      scf.if %cond3A_153 {
        %add3A_194 = arith.constant 2 : i32
        %add3A_195 = arith.addi %add3A_141, %add3A_194 : i32
        %jit3A = arith.constant 2 : i32
        %div3A = arith.divsi %add3A_195, %jit3A : i32
        %sign3A = arith.constant 0 : i32
        %sign3A_196 = arith.cmpi sgt, %add3A_195, %sign3A : i32
        %sign3A_197 = arith.extui %sign3A_196 : i1 to i32
        %sign3A_198 = arith.constant 0 : i32
        %sign3A_199 = arith.cmpi slt, %add3A_195, %sign3A_198 : i32
        %sign3A_200 = arith.extui %sign3A_199 : i1 to i32
        %sign3A_201 = arith.subi %sign3A_197, %sign3A_200 : i32
        %sign3A_202 = arith.constant 0 : i32
        %sign3A_203 = arith.cmpi sgt, %jit3A, %sign3A_202 : i32
        %sign3A_204 = arith.extui %sign3A_203 : i1 to i32
        %sign3A_205 = arith.constant 0 : i32
        %sign3A_206 = arith.cmpi slt, %jit3A, %sign3A_205 : i32
        %sign3A_207 = arith.extui %sign3A_206 : i1 to i32
        %sign3A_208 = arith.subi %sign3A_204, %sign3A_207 : i32
        %ne3A = arith.cmpi ne, %sign3A_201, %sign3A_208 : i32
        %rem3A = arith.remsi %add3A_195, %jit3A : i32
        %ne3A_209 = arith.constant 0 : i32
        %ne3A_210 = arith.cmpi ne, %rem3A, %ne3A_209 : i32
        %and3A = arith.andi %ne3A, %ne3A_210 : i1
        %sub3A = arith.constant 1 : i32
        %sub3A_211 = arith.subi %div3A, %sub3A : i32
        %select_n3A = arith.select %and3A, %sub3A_211, %div3A : i32
        %jit3A_212 = arith.constant 2 : i32
        %eq3A = arith.constant 0 : i32
        %eq3A_213 = arith.cmpi eq, %jit3A_212, %eq3A : i32
        %jit3A_214 = arith.constant 1 : i32
        %select_n3A_215 = arith.select %eq3A_213, %jit3A_214, %jit3A_212 : i32
        %rem3A_216 = arith.remsi %add3A_195, %select_n3A_215 : i32
        %ne3A_217 = arith.constant 0 : i32
        %ne3A_218 = arith.cmpi ne, %rem3A_216, %ne3A_217 : i32
        %lt3A_219 = arith.constant 0 : i32
        %lt3A_220 = arith.cmpi slt, %rem3A_216, %lt3A_219 : i32
        %lt3A_221 = arith.constant 0 : i32
        %lt3A_222 = arith.cmpi slt, %select_n3A_215, %lt3A_221 : i32
        %ne3A_223 = arith.xori %lt3A_220, %lt3A_222 : i1
        %and3A_224 = arith.andi %ne3A_223, %ne3A_218 : i1
        %add3A_225 = arith.addi %rem3A_216, %select_n3A_215 : i32
        %select_n3A_226 = arith.select %and3A_224, %add3A_225, %rem3A_216 : i32
        %mul3A_227 = arith.constant 64 : i32
        %mul3A_228 = arith.muli %select_n3A_226, %mul3A_227 : i32
        %dma_start3A_229 = tpu.memref_slice %arg7[%select_n3A, %mul3A_228] : memref<40x128xi32, #tpu.memory_space<vmem>> -> memref<1x64xi32, #tpu.memory_space<vmem>>
        %dma_start3A_230 = tpu.memref_squeeze %dma_start3A_229 : memref<1x64xi32, #tpu.memory_space<vmem>> -> memref<64xi32, #tpu.memory_space<vmem>>
        %dma_start3A_231 = arith.constant 0 : i32
        %dma_start3A_232 = arith.constant 0 : i32
        %dma_start3A_233 = tpu.memref_slice %arg2[%dma_start3A_231, %dma_start3A_232] : memref<10240x128xf32, #tpu.memory_space<hbm>> -> memref<10240x128xf32, #tpu.memory_space<hbm>>
        tpu.enqueue_indirect_dma source(%dma_start3A_233 : memref<10240x128xf32, #tpu.memory_space<hbm>>) target(%arg9 : memref<64x128xf32, #tpu.memory_space<vmem>>) offsets(%dma_start3A_230 : memref<64xi32, #tpu.memory_space<vmem>>) semaphore(%arg14 : memref<!tpu.dma_semaphore, #tpu.memory_space<semaphore_mem>>)
      } else {
      }
      %dma_wait3A_154 = arith.constant 0 : i32
      %dma_wait3A_155 = arith.constant 0 : i32
      %dma_wait3A_156 = tpu.memref_slice %arg2[%dma_wait3A_154, %dma_wait3A_155] : memref<10240x128xf32, #tpu.memory_space<hbm>> -> memref<64x128xf32, #tpu.memory_space<hbm>>
      %dma_wait3A_157 = arith.constant 0 : i32
      %dma_wait3A_158 = arith.constant 0 : i32
      %dma_wait3A_159 = tpu.memref_slice %arg2[%dma_wait3A_157, %dma_wait3A_158] : memref<10240x128xf32, #tpu.memory_space<hbm>> -> memref<64x128xf32, #tpu.memory_space<hbm>>
      tpu.wait_dma2 semaphore(%arg16 : memref<!tpu.dma_semaphore, #tpu.memory_space<semaphore_mem>>) src(%dma_wait3A_159 : memref<64x128xf32, #tpu.memory_space<hbm>>) dst(%arg11 : memref<64x128xf32, #tpu.memory_space<vmem>>)
      %dma_start3A_160 = arith.constant 0 : i32
      %dma_start3A_161 = tpu.memref_slice %arg8[%add3A_141, %dma_start3A_160] : memref<80x64xi32, #tpu.memory_space<vmem>> -> memref<1x64xi32, #tpu.memory_space<vmem>>
      %dma_start3A_162 = tpu.memref_squeeze %dma_start3A_161 : memref<1x64xi32, #tpu.memory_space<vmem>> -> memref<64xi32, #tpu.memory_space<vmem>>
      %dma_start3A_163 = arith.constant 0 : i32
      %dma_start3A_164 = arith.constant 0 : i32
      %dma_start3A_165 = tpu.memref_slice %arg13[%dma_start3A_163, %dma_start3A_164] : memref<10240x128xf32, #tpu.memory_space<vmem_shared>> -> memref<10240x128xf32, #tpu.memory_space<vmem_shared>>
      tpu.enqueue_indirect_dma source(%arg11 : memref<64x128xf32, #tpu.memory_space<vmem>>) target(%dma_start3A_165 : memref<10240x128xf32, #tpu.memory_space<vmem_shared>>) offsets(%dma_start3A_162 : memref<64xi32, #tpu.memory_space<vmem>>) semaphore(%arg20 : memref<!tpu.dma_semaphore, #tpu.memory_space<semaphore_mem>>) {add = true}
      %mul3A_166 = arith.constant 4 : i32
      %mul3A_167 = arith.muli %scan3A_85, %mul3A_166 : i32
      %add3A_168 = arith.constant 3 : i32
      %add3A_169 = arith.addi %mul3A_167, %add3A_168 : i32
      %ge3A_170 = arith.constant 2 : i32
      %ge3A_171 = arith.cmpi sge, %add3A_169, %ge3A_170 : i32
      %convert_element_type3A_172 = arith.extui %ge3A_171 : i1 to i32
      %cond3A_173 = arith.constant 0 : i32
      %cond3A_174 = arith.cmpi ne, %convert_element_type3A_172, %cond3A_173 : i32
      scf.if %cond3A_174 {
        %dma_wait3A_194 = arith.constant 0 : i32
        %dma_wait3A_195 = arith.constant 0 : i32
        %dma_wait3A_196 = tpu.memref_slice %arg13[%dma_wait3A_194, %dma_wait3A_195] : memref<10240x128xf32, #tpu.memory_space<vmem_shared>> -> memref<64x128xf32, #tpu.memory_space<vmem_shared>>
        %dma_wait3A_197 = arith.constant 0 : i32
        %dma_wait3A_198 = arith.constant 0 : i32
        %dma_wait3A_199 = tpu.memref_slice %arg13[%dma_wait3A_197, %dma_wait3A_198] : memref<10240x128xf32, #tpu.memory_space<vmem_shared>> -> memref<64x128xf32, #tpu.memory_space<vmem_shared>>
        tpu.wait_dma2 semaphore(%arg19 : memref<!tpu.dma_semaphore, #tpu.memory_space<semaphore_mem>>) src(%arg10 : memref<64x128xf32, #tpu.memory_space<vmem>>) dst(%dma_wait3A_199 : memref<64x128xf32, #tpu.memory_space<vmem_shared>>)
      } else {
      }
      %add3A_175 = arith.constant 2 : i32
      %add3A_176 = arith.addi %add3A_169, %add3A_175 : i32
      %lt3A_177 = arith.constant 80 : i32
      %lt3A_178 = arith.cmpi slt, %add3A_176, %lt3A_177 : i32
      %convert_element_type3A_179 = arith.extui %lt3A_178 : i1 to i32
      %cond3A_180 = arith.constant 0 : i32
      %cond3A_181 = arith.cmpi ne, %convert_element_type3A_179, %cond3A_180 : i32
      scf.if %cond3A_181 {
        %add3A_194 = arith.constant 2 : i32
        %add3A_195 = arith.addi %add3A_169, %add3A_194 : i32
        %jit3A = arith.constant 2 : i32
        %div3A = arith.divsi %add3A_195, %jit3A : i32
        %sign3A = arith.constant 0 : i32
        %sign3A_196 = arith.cmpi sgt, %add3A_195, %sign3A : i32
        %sign3A_197 = arith.extui %sign3A_196 : i1 to i32
        %sign3A_198 = arith.constant 0 : i32
        %sign3A_199 = arith.cmpi slt, %add3A_195, %sign3A_198 : i32
        %sign3A_200 = arith.extui %sign3A_199 : i1 to i32
        %sign3A_201 = arith.subi %sign3A_197, %sign3A_200 : i32
        %sign3A_202 = arith.constant 0 : i32
        %sign3A_203 = arith.cmpi sgt, %jit3A, %sign3A_202 : i32
        %sign3A_204 = arith.extui %sign3A_203 : i1 to i32
        %sign3A_205 = arith.constant 0 : i32
        %sign3A_206 = arith.cmpi slt, %jit3A, %sign3A_205 : i32
        %sign3A_207 = arith.extui %sign3A_206 : i1 to i32
        %sign3A_208 = arith.subi %sign3A_204, %sign3A_207 : i32
        %ne3A = arith.cmpi ne, %sign3A_201, %sign3A_208 : i32
        %rem3A = arith.remsi %add3A_195, %jit3A : i32
        %ne3A_209 = arith.constant 0 : i32
        %ne3A_210 = arith.cmpi ne, %rem3A, %ne3A_209 : i32
        %and3A = arith.andi %ne3A, %ne3A_210 : i1
        %sub3A = arith.constant 1 : i32
        %sub3A_211 = arith.subi %div3A, %sub3A : i32
        %select_n3A = arith.select %and3A, %sub3A_211, %div3A : i32
        %jit3A_212 = arith.constant 2 : i32
        %eq3A = arith.constant 0 : i32
        %eq3A_213 = arith.cmpi eq, %jit3A_212, %eq3A : i32
        %jit3A_214 = arith.constant 1 : i32
        %select_n3A_215 = arith.select %eq3A_213, %jit3A_214, %jit3A_212 : i32
        %rem3A_216 = arith.remsi %add3A_195, %select_n3A_215 : i32
        %ne3A_217 = arith.constant 0 : i32
        %ne3A_218 = arith.cmpi ne, %rem3A_216, %ne3A_217 : i32
        %lt3A_219 = arith.constant 0 : i32
        %lt3A_220 = arith.cmpi slt, %rem3A_216, %lt3A_219 : i32
        %lt3A_221 = arith.constant 0 : i32
        %lt3A_222 = arith.cmpi slt, %select_n3A_215, %lt3A_221 : i32
        %ne3A_223 = arith.xori %lt3A_220, %lt3A_222 : i1
        %and3A_224 = arith.andi %ne3A_223, %ne3A_218 : i1
        %add3A_225 = arith.addi %rem3A_216, %select_n3A_215 : i32
        %select_n3A_226 = arith.select %and3A_224, %add3A_225, %rem3A_216 : i32
        %mul3A_227 = arith.constant 64 : i32
        %mul3A_228 = arith.muli %select_n3A_226, %mul3A_227 : i32
        %dma_start3A_229 = tpu.memref_slice %arg7[%select_n3A, %mul3A_228] : memref<40x128xi32, #tpu.memory_space<vmem>> -> memref<1x64xi32, #tpu.memory_space<vmem>>
        %dma_start3A_230 = tpu.memref_squeeze %dma_start3A_229 : memref<1x64xi32, #tpu.memory_space<vmem>> -> memref<64xi32, #tpu.memory_space<vmem>>
        %dma_start3A_231 = arith.constant 0 : i32
        %dma_start3A_232 = arith.constant 0 : i32
        %dma_start3A_233 = tpu.memref_slice %arg2[%dma_start3A_231, %dma_start3A_232] : memref<10240x128xf32, #tpu.memory_space<hbm>> -> memref<10240x128xf32, #tpu.memory_space<hbm>>
        tpu.enqueue_indirect_dma source(%dma_start3A_233 : memref<10240x128xf32, #tpu.memory_space<hbm>>) target(%arg10 : memref<64x128xf32, #tpu.memory_space<vmem>>) offsets(%dma_start3A_230 : memref<64xi32, #tpu.memory_space<vmem>>) semaphore(%arg15 : memref<!tpu.dma_semaphore, #tpu.memory_space<semaphore_mem>>)
      } else {
      }
      %dma_wait3A_182 = arith.constant 0 : i32
      %dma_wait3A_183 = arith.constant 0 : i32
      %dma_wait3A_184 = tpu.memref_slice %arg2[%dma_wait3A_182, %dma_wait3A_183] : memref<10240x128xf32, #tpu.memory_space<hbm>> -> memref<64x128xf32, #tpu.memory_space<hbm>>
      %dma_wait3A_185 = arith.constant 0 : i32
      %dma_wait3A_186 = arith.constant 0 : i32
      %dma_wait3A_187 = tpu.memref_slice %arg2[%dma_wait3A_185, %dma_wait3A_186] : memref<10240x128xf32, #tpu.memory_space<hbm>> -> memref<64x128xf32, #tpu.memory_space<hbm>>
      tpu.wait_dma2 semaphore(%arg17 : memref<!tpu.dma_semaphore, #tpu.memory_space<semaphore_mem>>) src(%dma_wait3A_187 : memref<64x128xf32, #tpu.memory_space<hbm>>) dst(%arg12 : memref<64x128xf32, #tpu.memory_space<vmem>>)
      %dma_start3A_188 = arith.constant 0 : i32
      %dma_start3A_189 = tpu.memref_slice %arg8[%add3A_169, %dma_start3A_188] : memref<80x64xi32, #tpu.memory_space<vmem>> -> memref<1x64xi32, #tpu.memory_space<vmem>>
      %dma_start3A_190 = tpu.memref_squeeze %dma_start3A_189 : memref<1x64xi32, #tpu.memory_space<vmem>> -> memref<64xi32, #tpu.memory_space<vmem>>
      %dma_start3A_191 = arith.constant 0 : i32
      %dma_start3A_192 = arith.constant 0 : i32
      %dma_start3A_193 = tpu.memref_slice %arg13[%dma_start3A_191, %dma_start3A_192] : memref<10240x128xf32, #tpu.memory_space<vmem_shared>> -> memref<10240x128xf32, #tpu.memory_space<vmem_shared>>
      tpu.enqueue_indirect_dma source(%arg12 : memref<64x128xf32, #tpu.memory_space<vmem>>) target(%dma_start3A_193 : memref<10240x128xf32, #tpu.memory_space<vmem_shared>>) offsets(%dma_start3A_190 : memref<64xi32, #tpu.memory_space<vmem>>) semaphore(%arg21 : memref<!tpu.dma_semaphore, #tpu.memory_space<semaphore_mem>>) {add = true}
    }
    %scan3A_28 = arith.constant 20 : i32
    %dma_wait3A = arith.constant 0 : i32
    %dma_wait3A_29 = arith.constant 0 : i32
    %dma_wait3A_30 = tpu.memref_slice %arg13[%dma_wait3A, %dma_wait3A_29] : memref<10240x128xf32, #tpu.memory_space<vmem_shared>> -> memref<64x128xf32, #tpu.memory_space<vmem_shared>>
    %dma_wait3A_31 = arith.constant 0 : i32
    %dma_wait3A_32 = arith.constant 0 : i32
    %dma_wait3A_33 = tpu.memref_slice %arg13[%dma_wait3A_31, %dma_wait3A_32] : memref<10240x128xf32, #tpu.memory_space<vmem_shared>> -> memref<64x128xf32, #tpu.memory_space<vmem_shared>>
    tpu.wait_dma2 semaphore(%arg20 : memref<!tpu.dma_semaphore, #tpu.memory_space<semaphore_mem>>) src(%arg11 : memref<64x128xf32, #tpu.memory_space<vmem>>) dst(%dma_wait3A_33 : memref<64x128xf32, #tpu.memory_space<vmem_shared>>)
    %dma_wait3A_34 = arith.constant 0 : i32
    %dma_wait3A_35 = arith.constant 0 : i32
    %dma_wait3A_36 = tpu.memref_slice %arg13[%dma_wait3A_34, %dma_wait3A_35] : memref<10240x128xf32, #tpu.memory_space<vmem_shared>> -> memref<64x128xf32, #tpu.memory_space<vmem_shared>>
    %dma_wait3A_37 = arith.constant 0 : i32
    %dma_wait3A_38 = arith.constant 0 : i32
    %dma_wait3A_39 = tpu.memref_slice %arg13[%dma_wait3A_37, %dma_wait3A_38] : memref<10240x128xf32, #tpu.memory_space<vmem_shared>> -> memref<64x128xf32, #tpu.memory_space<vmem_shared>>
    tpu.wait_dma2 semaphore(%arg21 : memref<!tpu.dma_semaphore, #tpu.memory_space<semaphore_mem>>) src(%arg12 : memref<64x128xf32, #tpu.memory_space<vmem>>) dst(%dma_wait3A_39 : memref<64x128xf32, #tpu.memory_space<vmem_shared>>)
    %mul3A_40 = arith.constant 80 : i32
    %mul3A_41 = arith.muli %add3A, %mul3A_40 : i32
    %add3A_42 = arith.constant 40 : i32
    %add3A_43 = arith.addi %mul3A_41, %add3A_42 : i32
    "tpu.region"() ({
      %run_scoped3A = tpu.sem_alloc : memref<!tpu.dma_semaphore, #tpu.memory_space<semaphore_mem>>
      %dma_start3A_85 = arith.constant 0 : i32
      %dma_start3A_86 = tpu.memref_slice %arg3[%add3A_43, %dma_start3A_85] : memref<2560x128xi32, #tpu.memory_space<hbm>> -> memref<40x128xi32, #tpu.memory_space<hbm>>
      %dma_start3A_87 = arith.constant 0 : i32
      %dma_start3A_88 = tpu.memref_slice %arg3[%add3A_43, %dma_start3A_87] : memref<2560x128xi32, #tpu.memory_space<hbm>> -> memref<40x128xi32, #tpu.memory_space<hbm>>
      tpu.enqueue_dma source(%dma_start3A_88 : memref<40x128xi32, #tpu.memory_space<hbm>>) target(%arg7 : memref<40x128xi32, #tpu.memory_space<vmem>>) target_semaphore(%run_scoped3A : memref<!tpu.dma_semaphore, #tpu.memory_space<semaphore_mem>>)
      %dma_wait3A_89 = arith.constant 0 : i32
      %dma_wait3A_90 = tpu.memref_slice %arg3[%add3A_43, %dma_wait3A_89] : memref<2560x128xi32, #tpu.memory_space<hbm>> -> memref<40x128xi32, #tpu.memory_space<hbm>>
      %dma_wait3A_91 = arith.constant 0 : i32
      %dma_wait3A_92 = tpu.memref_slice %arg3[%add3A_43, %dma_wait3A_91] : memref<2560x128xi32, #tpu.memory_space<hbm>> -> memref<40x128xi32, #tpu.memory_space<hbm>>
      tpu.wait_dma2 semaphore(%run_scoped3A : memref<!tpu.dma_semaphore, #tpu.memory_space<semaphore_mem>>) src(%dma_wait3A_92 : memref<40x128xi32, #tpu.memory_space<hbm>>) dst(%arg7 : memref<40x128xi32, #tpu.memory_space<vmem>>)
      tpu.yield
    }) : () -> ()
    %mul3A_44 = arith.constant 160 : i32
    %mul3A_45 = arith.muli %add3A, %mul3A_44 : i32
    %add3A_46 = arith.constant 80 : i32
    %add3A_47 = arith.addi %mul3A_45, %add3A_46 : i32
    "tpu.region"() ({
      %run_scoped3A = tpu.sem_alloc : memref<!tpu.dma_semaphore, #tpu.memory_space<semaphore_mem>>
      %dma_start3A_85 = arith.constant 0 : i32
      %dma_start3A_86 = tpu.memref_slice %arg4[%add3A_47, %dma_start3A_85] : memref<5120x64xi32, #tpu.memory_space<hbm>> -> memref<80x64xi32, #tpu.memory_space<hbm>>
      %dma_start3A_87 = arith.constant 0 : i32
      %dma_start3A_88 = tpu.memref_slice %arg4[%add3A_47, %dma_start3A_87] : memref<5120x64xi32, #tpu.memory_space<hbm>> -> memref<80x64xi32, #tpu.memory_space<hbm>>
      tpu.enqueue_dma source(%dma_start3A_88 : memref<80x64xi32, #tpu.memory_space<hbm>>) target(%arg8 : memref<80x64xi32, #tpu.memory_space<vmem>>) target_semaphore(%run_scoped3A : memref<!tpu.dma_semaphore, #tpu.memory_space<semaphore_mem>>)
      %dma_wait3A_89 = arith.constant 0 : i32
      %dma_wait3A_90 = tpu.memref_slice %arg4[%add3A_47, %dma_wait3A_89] : memref<5120x64xi32, #tpu.memory_space<hbm>> -> memref<80x64xi32, #tpu.memory_space<hbm>>
      %dma_wait3A_91 = arith.constant 0 : i32
      %dma_wait3A_92 = tpu.memref_slice %arg4[%add3A_47, %dma_wait3A_91] : memref<5120x64xi32, #tpu.memory_space<hbm>> -> memref<80x64xi32, #tpu.memory_space<hbm>>
      tpu.wait_dma2 semaphore(%run_scoped3A : memref<!tpu.dma_semaphore, #tpu.memory_space<semaphore_mem>>) src(%dma_wait3A_92 : memref<80x64xi32, #tpu.memory_space<hbm>>) dst(%arg8 : memref<80x64xi32, #tpu.memory_space<vmem>>)
      tpu.yield
    }) : () -> ()
    %dma_start3A_48 = arith.constant 0 : i32
    %dma_start3A_49 = arith.constant 0 : i32
    %dma_start3A_50 = tpu.memref_slice %arg7[%dma_start3A_48, %dma_start3A_49] : memref<40x128xi32, #tpu.memory_space<vmem>> -> memref<1x64xi32, #tpu.memory_space<vmem>>
    %dma_start3A_51 = tpu.memref_squeeze %dma_start3A_50 : memref<1x64xi32, #tpu.memory_space<vmem>> -> memref<64xi32, #tpu.memory_space<vmem>>
    %dma_start3A_52 = arith.constant 0 : i32
    %dma_start3A_53 = arith.constant 0 : i32
    %dma_start3A_54 = tpu.memref_slice %arg2[%dma_start3A_52, %dma_start3A_53] : memref<10240x128xf32, #tpu.memory_space<hbm>> -> memref<10240x128xf32, #tpu.memory_space<hbm>>
    tpu.enqueue_indirect_dma source(%dma_start3A_54 : memref<10240x128xf32, #tpu.memory_space<hbm>>) target(%arg9 : memref<64x128xf32, #tpu.memory_space<vmem>>) offsets(%dma_start3A_51 : memref<64xi32, #tpu.memory_space<vmem>>) semaphore(%arg14 : memref<!tpu.dma_semaphore, #tpu.memory_space<semaphore_mem>>)
    %dma_start3A_55 = arith.constant 0 : i32
    %dma_start3A_56 = arith.constant 64 : i32
    %dma_start3A_57 = tpu.memref_slice %arg7[%dma_start3A_55, %dma_start3A_56] : memref<40x128xi32, #tpu.memory_space<vmem>> -> memref<1x64xi32, #tpu.memory_space<vmem>>
    %dma_start3A_58 = tpu.memref_squeeze %dma_start3A_57 : memref<1x64xi32, #tpu.memory_space<vmem>> -> memref<64xi32, #tpu.memory_space<vmem>>
    %dma_start3A_59 = arith.constant 0 : i32
    %dma_start3A_60 = arith.constant 0 : i32
    %dma_start3A_61 = tpu.memref_slice %arg2[%dma_start3A_59, %dma_start3A_60] : memref<10240x128xf32, #tpu.memory_space<hbm>> -> memref<10240x128xf32, #tpu.memory_space<hbm>>
    tpu.enqueue_indirect_dma source(%dma_start3A_61 : memref<10240x128xf32, #tpu.memory_space<hbm>>) target(%arg10 : memref<64x128xf32, #tpu.memory_space<vmem>>) offsets(%dma_start3A_58 : memref<64xi32, #tpu.memory_space<vmem>>) semaphore(%arg15 : memref<!tpu.dma_semaphore, #tpu.memory_space<semaphore_mem>>)
    %scan3A_62 = arith.constant 0 : i32
    %scan3A_63 = arith.constant 0 : i32
    %scan3A_64 = arith.constant 20 : i32
    %scan3A_65 = arith.addi %scan3A_63, %scan3A_64 : i32
    %scan3A_66 = arith.constant 1 : i32
    scf.for %scan3A_85 = %scan3A_63 to %scan3A_65 step %scan3A_66  : i32 {
      %mul3A_86 = arith.constant 4 : i32
      %mul3A_87 = arith.muli %scan3A_85, %mul3A_86 : i32
      %add3A_88 = arith.constant 0 : i32
      %add3A_89 = arith.addi %mul3A_87, %add3A_88 : i32
      %ge3A = arith.constant 2 : i32
      %ge3A_90 = arith.cmpi sge, %add3A_89, %ge3A : i32
      %convert_element_type3A = arith.extui %ge3A_90 : i1 to i32
      %cond3A = arith.constant 0 : i32
      %cond3A_91 = arith.cmpi ne, %convert_element_type3A, %cond3A : i32
      scf.if %cond3A_91 {
        %dma_wait3A_194 = arith.constant 0 : i32
        %dma_wait3A_195 = arith.constant 0 : i32
        %dma_wait3A_196 = tpu.memref_slice %arg13[%dma_wait3A_194, %dma_wait3A_195] : memref<10240x128xf32, #tpu.memory_space<vmem_shared>> -> memref<64x128xf32, #tpu.memory_space<vmem_shared>>
        %dma_wait3A_197 = arith.constant 0 : i32
        %dma_wait3A_198 = arith.constant 0 : i32
        %dma_wait3A_199 = tpu.memref_slice %arg13[%dma_wait3A_197, %dma_wait3A_198] : memref<10240x128xf32, #tpu.memory_space<vmem_shared>> -> memref<64x128xf32, #tpu.memory_space<vmem_shared>>
        tpu.wait_dma2 semaphore(%arg20 : memref<!tpu.dma_semaphore, #tpu.memory_space<semaphore_mem>>) src(%arg11 : memref<64x128xf32, #tpu.memory_space<vmem>>) dst(%dma_wait3A_199 : memref<64x128xf32, #tpu.memory_space<vmem_shared>>)
      } else {
      }
      %add3A_92 = arith.constant 2 : i32
      %add3A_93 = arith.addi %add3A_89, %add3A_92 : i32
      %lt3A = arith.constant 80 : i32
      %lt3A_94 = arith.cmpi slt, %add3A_93, %lt3A : i32
      %convert_element_type3A_95 = arith.extui %lt3A_94 : i1 to i32
      %cond3A_96 = arith.constant 0 : i32
      %cond3A_97 = arith.cmpi ne, %convert_element_type3A_95, %cond3A_96 : i32
      scf.if %cond3A_97 {
        %add3A_194 = arith.constant 2 : i32
        %add3A_195 = arith.addi %add3A_89, %add3A_194 : i32
        %jit3A = arith.constant 2 : i32
        %div3A = arith.divsi %add3A_195, %jit3A : i32
        %sign3A = arith.constant 0 : i32
        %sign3A_196 = arith.cmpi sgt, %add3A_195, %sign3A : i32
        %sign3A_197 = arith.extui %sign3A_196 : i1 to i32
        %sign3A_198 = arith.constant 0 : i32
        %sign3A_199 = arith.cmpi slt, %add3A_195, %sign3A_198 : i32
        %sign3A_200 = arith.extui %sign3A_199 : i1 to i32
        %sign3A_201 = arith.subi %sign3A_197, %sign3A_200 : i32
        %sign3A_202 = arith.constant 0 : i32
        %sign3A_203 = arith.cmpi sgt, %jit3A, %sign3A_202 : i32
        %sign3A_204 = arith.extui %sign3A_203 : i1 to i32
        %sign3A_205 = arith.constant 0 : i32
        %sign3A_206 = arith.cmpi slt, %jit3A, %sign3A_205 : i32
        %sign3A_207 = arith.extui %sign3A_206 : i1 to i32
        %sign3A_208 = arith.subi %sign3A_204, %sign3A_207 : i32
        %ne3A = arith.cmpi ne, %sign3A_201, %sign3A_208 : i32
        %rem3A = arith.remsi %add3A_195, %jit3A : i32
        %ne3A_209 = arith.constant 0 : i32
        %ne3A_210 = arith.cmpi ne, %rem3A, %ne3A_209 : i32
        %and3A = arith.andi %ne3A, %ne3A_210 : i1
        %sub3A = arith.constant 1 : i32
        %sub3A_211 = arith.subi %div3A, %sub3A : i32
        %select_n3A = arith.select %and3A, %sub3A_211, %div3A : i32
        %jit3A_212 = arith.constant 2 : i32
        %eq3A = arith.constant 0 : i32
        %eq3A_213 = arith.cmpi eq, %jit3A_212, %eq3A : i32
        %jit3A_214 = arith.constant 1 : i32
        %select_n3A_215 = arith.select %eq3A_213, %jit3A_214, %jit3A_212 : i32
        %rem3A_216 = arith.remsi %add3A_195, %select_n3A_215 : i32
        %ne3A_217 = arith.constant 0 : i32
        %ne3A_218 = arith.cmpi ne, %rem3A_216, %ne3A_217 : i32
        %lt3A_219 = arith.constant 0 : i32
        %lt3A_220 = arith.cmpi slt, %rem3A_216, %lt3A_219 : i32
        %lt3A_221 = arith.constant 0 : i32
        %lt3A_222 = arith.cmpi slt, %select_n3A_215, %lt3A_221 : i32
        %ne3A_223 = arith.xori %lt3A_220, %lt3A_222 : i1
        %and3A_224 = arith.andi %ne3A_223, %ne3A_218 : i1
        %add3A_225 = arith.addi %rem3A_216, %select_n3A_215 : i32
        %select_n3A_226 = arith.select %and3A_224, %add3A_225, %rem3A_216 : i32
        %mul3A_227 = arith.constant 64 : i32
        %mul3A_228 = arith.muli %select_n3A_226, %mul3A_227 : i32
        %dma_start3A_229 = tpu.memref_slice %arg7[%select_n3A, %mul3A_228] : memref<40x128xi32, #tpu.memory_space<vmem>> -> memref<1x64xi32, #tpu.memory_space<vmem>>
        %dma_start3A_230 = tpu.memref_squeeze %dma_start3A_229 : memref<1x64xi32, #tpu.memory_space<vmem>> -> memref<64xi32, #tpu.memory_space<vmem>>
        %dma_start3A_231 = arith.constant 0 : i32
        %dma_start3A_232 = arith.constant 0 : i32
        %dma_start3A_233 = tpu.memref_slice %arg2[%dma_start3A_231, %dma_start3A_232] : memref<10240x128xf32, #tpu.memory_space<hbm>> -> memref<10240x128xf32, #tpu.memory_space<hbm>>
        tpu.enqueue_indirect_dma source(%dma_start3A_233 : memref<10240x128xf32, #tpu.memory_space<hbm>>) target(%arg11 : memref<64x128xf32, #tpu.memory_space<vmem>>) offsets(%dma_start3A_230 : memref<64xi32, #tpu.memory_space<vmem>>) semaphore(%arg16 : memref<!tpu.dma_semaphore, #tpu.memory_space<semaphore_mem>>)
      } else {
      }
      %dma_wait3A_98 = arith.constant 0 : i32
      %dma_wait3A_99 = arith.constant 0 : i32
      %dma_wait3A_100 = tpu.memref_slice %arg2[%dma_wait3A_98, %dma_wait3A_99] : memref<10240x128xf32, #tpu.memory_space<hbm>> -> memref<64x128xf32, #tpu.memory_space<hbm>>
      %dma_wait3A_101 = arith.constant 0 : i32
      %dma_wait3A_102 = arith.constant 0 : i32
      %dma_wait3A_103 = tpu.memref_slice %arg2[%dma_wait3A_101, %dma_wait3A_102] : memref<10240x128xf32, #tpu.memory_space<hbm>> -> memref<64x128xf32, #tpu.memory_space<hbm>>
      tpu.wait_dma2 semaphore(%arg14 : memref<!tpu.dma_semaphore, #tpu.memory_space<semaphore_mem>>) src(%dma_wait3A_103 : memref<64x128xf32, #tpu.memory_space<hbm>>) dst(%arg9 : memref<64x128xf32, #tpu.memory_space<vmem>>)
      %dma_start3A_104 = arith.constant 0 : i32
      %dma_start3A_105 = tpu.memref_slice %arg8[%add3A_89, %dma_start3A_104] : memref<80x64xi32, #tpu.memory_space<vmem>> -> memref<1x64xi32, #tpu.memory_space<vmem>>
      %dma_start3A_106 = tpu.memref_squeeze %dma_start3A_105 : memref<1x64xi32, #tpu.memory_space<vmem>> -> memref<64xi32, #tpu.memory_space<vmem>>
      %dma_start3A_107 = arith.constant 0 : i32
      %dma_start3A_108 = arith.constant 0 : i32
      %dma_start3A_109 = tpu.memref_slice %arg13[%dma_start3A_107, %dma_start3A_108] : memref<10240x128xf32, #tpu.memory_space<vmem_shared>> -> memref<10240x128xf32, #tpu.memory_space<vmem_shared>>
      tpu.enqueue_indirect_dma source(%arg9 : memref<64x128xf32, #tpu.memory_space<vmem>>) target(%dma_start3A_109 : memref<10240x128xf32, #tpu.memory_space<vmem_shared>>) offsets(%dma_start3A_106 : memref<64xi32, #tpu.memory_space<vmem>>) semaphore(%arg18 : memref<!tpu.dma_semaphore, #tpu.memory_space<semaphore_mem>>) {add = true}
      %mul3A_110 = arith.constant 4 : i32
      %mul3A_111 = arith.muli %scan3A_85, %mul3A_110 : i32
      %add3A_112 = arith.constant 1 : i32
      %add3A_113 = arith.addi %mul3A_111, %add3A_112 : i32
      %ge3A_114 = arith.constant 2 : i32
      %ge3A_115 = arith.cmpi sge, %add3A_113, %ge3A_114 : i32
      %convert_element_type3A_116 = arith.extui %ge3A_115 : i1 to i32
      %cond3A_117 = arith.constant 0 : i32
      %cond3A_118 = arith.cmpi ne, %convert_element_type3A_116, %cond3A_117 : i32
      scf.if %cond3A_118 {
        %dma_wait3A_194 = arith.constant 0 : i32
        %dma_wait3A_195 = arith.constant 0 : i32
        %dma_wait3A_196 = tpu.memref_slice %arg13[%dma_wait3A_194, %dma_wait3A_195] : memref<10240x128xf32, #tpu.memory_space<vmem_shared>> -> memref<64x128xf32, #tpu.memory_space<vmem_shared>>
        %dma_wait3A_197 = arith.constant 0 : i32
        %dma_wait3A_198 = arith.constant 0 : i32
        %dma_wait3A_199 = tpu.memref_slice %arg13[%dma_wait3A_197, %dma_wait3A_198] : memref<10240x128xf32, #tpu.memory_space<vmem_shared>> -> memref<64x128xf32, #tpu.memory_space<vmem_shared>>
        tpu.wait_dma2 semaphore(%arg21 : memref<!tpu.dma_semaphore, #tpu.memory_space<semaphore_mem>>) src(%arg12 : memref<64x128xf32, #tpu.memory_space<vmem>>) dst(%dma_wait3A_199 : memref<64x128xf32, #tpu.memory_space<vmem_shared>>)
      } else {
      }
      %add3A_119 = arith.constant 2 : i32
      %add3A_120 = arith.addi %add3A_113, %add3A_119 : i32
      %lt3A_121 = arith.constant 80 : i32
      %lt3A_122 = arith.cmpi slt, %add3A_120, %lt3A_121 : i32
      %convert_element_type3A_123 = arith.extui %lt3A_122 : i1 to i32
      %cond3A_124 = arith.constant 0 : i32
      %cond3A_125 = arith.cmpi ne, %convert_element_type3A_123, %cond3A_124 : i32
      scf.if %cond3A_125 {
        %add3A_194 = arith.constant 2 : i32
        %add3A_195 = arith.addi %add3A_113, %add3A_194 : i32
        %jit3A = arith.constant 2 : i32
        %div3A = arith.divsi %add3A_195, %jit3A : i32
        %sign3A = arith.constant 0 : i32
        %sign3A_196 = arith.cmpi sgt, %add3A_195, %sign3A : i32
        %sign3A_197 = arith.extui %sign3A_196 : i1 to i32
        %sign3A_198 = arith.constant 0 : i32
        %sign3A_199 = arith.cmpi slt, %add3A_195, %sign3A_198 : i32
        %sign3A_200 = arith.extui %sign3A_199 : i1 to i32
        %sign3A_201 = arith.subi %sign3A_197, %sign3A_200 : i32
        %sign3A_202 = arith.constant 0 : i32
        %sign3A_203 = arith.cmpi sgt, %jit3A, %sign3A_202 : i32
        %sign3A_204 = arith.extui %sign3A_203 : i1 to i32
        %sign3A_205 = arith.constant 0 : i32
        %sign3A_206 = arith.cmpi slt, %jit3A, %sign3A_205 : i32
        %sign3A_207 = arith.extui %sign3A_206 : i1 to i32
        %sign3A_208 = arith.subi %sign3A_204, %sign3A_207 : i32
        %ne3A = arith.cmpi ne, %sign3A_201, %sign3A_208 : i32
        %rem3A = arith.remsi %add3A_195, %jit3A : i32
        %ne3A_209 = arith.constant 0 : i32
        %ne3A_210 = arith.cmpi ne, %rem3A, %ne3A_209 : i32
        %and3A = arith.andi %ne3A, %ne3A_210 : i1
        %sub3A = arith.constant 1 : i32
        %sub3A_211 = arith.subi %div3A, %sub3A : i32
        %select_n3A = arith.select %and3A, %sub3A_211, %div3A : i32
        %jit3A_212 = arith.constant 2 : i32
        %eq3A = arith.constant 0 : i32
        %eq3A_213 = arith.cmpi eq, %jit3A_212, %eq3A : i32
        %jit3A_214 = arith.constant 1 : i32
        %select_n3A_215 = arith.select %eq3A_213, %jit3A_214, %jit3A_212 : i32
        %rem3A_216 = arith.remsi %add3A_195, %select_n3A_215 : i32
        %ne3A_217 = arith.constant 0 : i32
        %ne3A_218 = arith.cmpi ne, %rem3A_216, %ne3A_217 : i32
        %lt3A_219 = arith.constant 0 : i32
        %lt3A_220 = arith.cmpi slt, %rem3A_216, %lt3A_219 : i32
        %lt3A_221 = arith.constant 0 : i32
        %lt3A_222 = arith.cmpi slt, %select_n3A_215, %lt3A_221 : i32
        %ne3A_223 = arith.xori %lt3A_220, %lt3A_222 : i1
        %and3A_224 = arith.andi %ne3A_223, %ne3A_218 : i1
        %add3A_225 = arith.addi %rem3A_216, %select_n3A_215 : i32
        %select_n3A_226 = arith.select %and3A_224, %add3A_225, %rem3A_216 : i32
        %mul3A_227 = arith.constant 64 : i32
        %mul3A_228 = arith.muli %select_n3A_226, %mul3A_227 : i32
        %dma_start3A_229 = tpu.memref_slice %arg7[%select_n3A, %mul3A_228] : memref<40x128xi32, #tpu.memory_space<vmem>> -> memref<1x64xi32, #tpu.memory_space<vmem>>
        %dma_start3A_230 = tpu.memref_squeeze %dma_start3A_229 : memref<1x64xi32, #tpu.memory_space<vmem>> -> memref<64xi32, #tpu.memory_space<vmem>>
        %dma_start3A_231 = arith.constant 0 : i32
        %dma_start3A_232 = arith.constant 0 : i32
        %dma_start3A_233 = tpu.memref_slice %arg2[%dma_start3A_231, %dma_start3A_232] : memref<10240x128xf32, #tpu.memory_space<hbm>> -> memref<10240x128xf32, #tpu.memory_space<hbm>>
        tpu.enqueue_indirect_dma source(%dma_start3A_233 : memref<10240x128xf32, #tpu.memory_space<hbm>>) target(%arg12 : memref<64x128xf32, #tpu.memory_space<vmem>>) offsets(%dma_start3A_230 : memref<64xi32, #tpu.memory_space<vmem>>) semaphore(%arg17 : memref<!tpu.dma_semaphore, #tpu.memory_space<semaphore_mem>>)
      } else {
      }
      %dma_wait3A_126 = arith.constant 0 : i32
      %dma_wait3A_127 = arith.constant 0 : i32
      %dma_wait3A_128 = tpu.memref_slice %arg2[%dma_wait3A_126, %dma_wait3A_127] : memref<10240x128xf32, #tpu.memory_space<hbm>> -> memref<64x128xf32, #tpu.memory_space<hbm>>
      %dma_wait3A_129 = arith.constant 0 : i32
      %dma_wait3A_130 = arith.constant 0 : i32
      %dma_wait3A_131 = tpu.memref_slice %arg2[%dma_wait3A_129, %dma_wait3A_130] : memref<10240x128xf32, #tpu.memory_space<hbm>> -> memref<64x128xf32, #tpu.memory_space<hbm>>
      tpu.wait_dma2 semaphore(%arg15 : memref<!tpu.dma_semaphore, #tpu.memory_space<semaphore_mem>>) src(%dma_wait3A_131 : memref<64x128xf32, #tpu.memory_space<hbm>>) dst(%arg10 : memref<64x128xf32, #tpu.memory_space<vmem>>)
      %dma_start3A_132 = arith.constant 0 : i32
      %dma_start3A_133 = tpu.memref_slice %arg8[%add3A_113, %dma_start3A_132] : memref<80x64xi32, #tpu.memory_space<vmem>> -> memref<1x64xi32, #tpu.memory_space<vmem>>
      %dma_start3A_134 = tpu.memref_squeeze %dma_start3A_133 : memref<1x64xi32, #tpu.memory_space<vmem>> -> memref<64xi32, #tpu.memory_space<vmem>>
      %dma_start3A_135 = arith.constant 0 : i32
      %dma_start3A_136 = arith.constant 0 : i32
      %dma_start3A_137 = tpu.memref_slice %arg13[%dma_start3A_135, %dma_start3A_136] : memref<10240x128xf32, #tpu.memory_space<vmem_shared>> -> memref<10240x128xf32, #tpu.memory_space<vmem_shared>>
      tpu.enqueue_indirect_dma source(%arg10 : memref<64x128xf32, #tpu.memory_space<vmem>>) target(%dma_start3A_137 : memref<10240x128xf32, #tpu.memory_space<vmem_shared>>) offsets(%dma_start3A_134 : memref<64xi32, #tpu.memory_space<vmem>>) semaphore(%arg19 : memref<!tpu.dma_semaphore, #tpu.memory_space<semaphore_mem>>) {add = true}
      %mul3A_138 = arith.constant 4 : i32
      %mul3A_139 = arith.muli %scan3A_85, %mul3A_138 : i32
      %add3A_140 = arith.constant 2 : i32
      %add3A_141 = arith.addi %mul3A_139, %add3A_140 : i32
      %ge3A_142 = arith.constant 2 : i32
      %ge3A_143 = arith.cmpi sge, %add3A_141, %ge3A_142 : i32
      %convert_element_type3A_144 = arith.extui %ge3A_143 : i1 to i32
      %cond3A_145 = arith.constant 0 : i32
      %cond3A_146 = arith.cmpi ne, %convert_element_type3A_144, %cond3A_145 : i32
      scf.if %cond3A_146 {
        %dma_wait3A_194 = arith.constant 0 : i32
        %dma_wait3A_195 = arith.constant 0 : i32
        %dma_wait3A_196 = tpu.memref_slice %arg13[%dma_wait3A_194, %dma_wait3A_195] : memref<10240x128xf32, #tpu.memory_space<vmem_shared>> -> memref<64x128xf32, #tpu.memory_space<vmem_shared>>
        %dma_wait3A_197 = arith.constant 0 : i32
        %dma_wait3A_198 = arith.constant 0 : i32
        %dma_wait3A_199 = tpu.memref_slice %arg13[%dma_wait3A_197, %dma_wait3A_198] : memref<10240x128xf32, #tpu.memory_space<vmem_shared>> -> memref<64x128xf32, #tpu.memory_space<vmem_shared>>
        tpu.wait_dma2 semaphore(%arg18 : memref<!tpu.dma_semaphore, #tpu.memory_space<semaphore_mem>>) src(%arg9 : memref<64x128xf32, #tpu.memory_space<vmem>>) dst(%dma_wait3A_199 : memref<64x128xf32, #tpu.memory_space<vmem_shared>>)
      } else {
      }
      %add3A_147 = arith.constant 2 : i32
      %add3A_148 = arith.addi %add3A_141, %add3A_147 : i32
      %lt3A_149 = arith.constant 80 : i32
      %lt3A_150 = arith.cmpi slt, %add3A_148, %lt3A_149 : i32
      %convert_element_type3A_151 = arith.extui %lt3A_150 : i1 to i32
      %cond3A_152 = arith.constant 0 : i32
      %cond3A_153 = arith.cmpi ne, %convert_element_type3A_151, %cond3A_152 : i32
      scf.if %cond3A_153 {
        %add3A_194 = arith.constant 2 : i32
        %add3A_195 = arith.addi %add3A_141, %add3A_194 : i32
        %jit3A = arith.constant 2 : i32
        %div3A = arith.divsi %add3A_195, %jit3A : i32
        %sign3A = arith.constant 0 : i32
        %sign3A_196 = arith.cmpi sgt, %add3A_195, %sign3A : i32
        %sign3A_197 = arith.extui %sign3A_196 : i1 to i32
        %sign3A_198 = arith.constant 0 : i32
        %sign3A_199 = arith.cmpi slt, %add3A_195, %sign3A_198 : i32
        %sign3A_200 = arith.extui %sign3A_199 : i1 to i32
        %sign3A_201 = arith.subi %sign3A_197, %sign3A_200 : i32
        %sign3A_202 = arith.constant 0 : i32
        %sign3A_203 = arith.cmpi sgt, %jit3A, %sign3A_202 : i32
        %sign3A_204 = arith.extui %sign3A_203 : i1 to i32
        %sign3A_205 = arith.constant 0 : i32
        %sign3A_206 = arith.cmpi slt, %jit3A, %sign3A_205 : i32
        %sign3A_207 = arith.extui %sign3A_206 : i1 to i32
        %sign3A_208 = arith.subi %sign3A_204, %sign3A_207 : i32
        %ne3A = arith.cmpi ne, %sign3A_201, %sign3A_208 : i32
        %rem3A = arith.remsi %add3A_195, %jit3A : i32
        %ne3A_209 = arith.constant 0 : i32
        %ne3A_210 = arith.cmpi ne, %rem3A, %ne3A_209 : i32
        %and3A = arith.andi %ne3A, %ne3A_210 : i1
        %sub3A = arith.constant 1 : i32
        %sub3A_211 = arith.subi %div3A, %sub3A : i32
        %select_n3A = arith.select %and3A, %sub3A_211, %div3A : i32
        %jit3A_212 = arith.constant 2 : i32
        %eq3A = arith.constant 0 : i32
        %eq3A_213 = arith.cmpi eq, %jit3A_212, %eq3A : i32
        %jit3A_214 = arith.constant 1 : i32
        %select_n3A_215 = arith.select %eq3A_213, %jit3A_214, %jit3A_212 : i32
        %rem3A_216 = arith.remsi %add3A_195, %select_n3A_215 : i32
        %ne3A_217 = arith.constant 0 : i32
        %ne3A_218 = arith.cmpi ne, %rem3A_216, %ne3A_217 : i32
        %lt3A_219 = arith.constant 0 : i32
        %lt3A_220 = arith.cmpi slt, %rem3A_216, %lt3A_219 : i32
        %lt3A_221 = arith.constant 0 : i32
        %lt3A_222 = arith.cmpi slt, %select_n3A_215, %lt3A_221 : i32
        %ne3A_223 = arith.xori %lt3A_220, %lt3A_222 : i1
        %and3A_224 = arith.andi %ne3A_223, %ne3A_218 : i1
        %add3A_225 = arith.addi %rem3A_216, %select_n3A_215 : i32
        %select_n3A_226 = arith.select %and3A_224, %add3A_225, %rem3A_216 : i32
        %mul3A_227 = arith.constant 64 : i32
        %mul3A_228 = arith.muli %select_n3A_226, %mul3A_227 : i32
        %dma_start3A_229 = tpu.memref_slice %arg7[%select_n3A, %mul3A_228] : memref<40x128xi32, #tpu.memory_space<vmem>> -> memref<1x64xi32, #tpu.memory_space<vmem>>
        %dma_start3A_230 = tpu.memref_squeeze %dma_start3A_229 : memref<1x64xi32, #tpu.memory_space<vmem>> -> memref<64xi32, #tpu.memory_space<vmem>>
        %dma_start3A_231 = arith.constant 0 : i32
        %dma_start3A_232 = arith.constant 0 : i32
        %dma_start3A_233 = tpu.memref_slice %arg2[%dma_start3A_231, %dma_start3A_232] : memref<10240x128xf32, #tpu.memory_space<hbm>> -> memref<10240x128xf32, #tpu.memory_space<hbm>>
        tpu.enqueue_indirect_dma source(%dma_start3A_233 : memref<10240x128xf32, #tpu.memory_space<hbm>>) target(%arg9 : memref<64x128xf32, #tpu.memory_space<vmem>>) offsets(%dma_start3A_230 : memref<64xi32, #tpu.memory_space<vmem>>) semaphore(%arg14 : memref<!tpu.dma_semaphore, #tpu.memory_space<semaphore_mem>>)
      } else {
      }
      %dma_wait3A_154 = arith.constant 0 : i32
      %dma_wait3A_155 = arith.constant 0 : i32
      %dma_wait3A_156 = tpu.memref_slice %arg2[%dma_wait3A_154, %dma_wait3A_155] : memref<10240x128xf32, #tpu.memory_space<hbm>> -> memref<64x128xf32, #tpu.memory_space<hbm>>
      %dma_wait3A_157 = arith.constant 0 : i32
      %dma_wait3A_158 = arith.constant 0 : i32
      %dma_wait3A_159 = tpu.memref_slice %arg2[%dma_wait3A_157, %dma_wait3A_158] : memref<10240x128xf32, #tpu.memory_space<hbm>> -> memref<64x128xf32, #tpu.memory_space<hbm>>
      tpu.wait_dma2 semaphore(%arg16 : memref<!tpu.dma_semaphore, #tpu.memory_space<semaphore_mem>>) src(%dma_wait3A_159 : memref<64x128xf32, #tpu.memory_space<hbm>>) dst(%arg11 : memref<64x128xf32, #tpu.memory_space<vmem>>)
      %dma_start3A_160 = arith.constant 0 : i32
      %dma_start3A_161 = tpu.memref_slice %arg8[%add3A_141, %dma_start3A_160] : memref<80x64xi32, #tpu.memory_space<vmem>> -> memref<1x64xi32, #tpu.memory_space<vmem>>
      %dma_start3A_162 = tpu.memref_squeeze %dma_start3A_161 : memref<1x64xi32, #tpu.memory_space<vmem>> -> memref<64xi32, #tpu.memory_space<vmem>>
      %dma_start3A_163 = arith.constant 0 : i32
      %dma_start3A_164 = arith.constant 0 : i32
      %dma_start3A_165 = tpu.memref_slice %arg13[%dma_start3A_163, %dma_start3A_164] : memref<10240x128xf32, #tpu.memory_space<vmem_shared>> -> memref<10240x128xf32, #tpu.memory_space<vmem_shared>>
      tpu.enqueue_indirect_dma source(%arg11 : memref<64x128xf32, #tpu.memory_space<vmem>>) target(%dma_start3A_165 : memref<10240x128xf32, #tpu.memory_space<vmem_shared>>) offsets(%dma_start3A_162 : memref<64xi32, #tpu.memory_space<vmem>>) semaphore(%arg20 : memref<!tpu.dma_semaphore, #tpu.memory_space<semaphore_mem>>) {add = true}
      %mul3A_166 = arith.constant 4 : i32
      %mul3A_167 = arith.muli %scan3A_85, %mul3A_166 : i32
      %add3A_168 = arith.constant 3 : i32
      %add3A_169 = arith.addi %mul3A_167, %add3A_168 : i32
      %ge3A_170 = arith.constant 2 : i32
      %ge3A_171 = arith.cmpi sge, %add3A_169, %ge3A_170 : i32
      %convert_element_type3A_172 = arith.extui %ge3A_171 : i1 to i32
      %cond3A_173 = arith.constant 0 : i32
      %cond3A_174 = arith.cmpi ne, %convert_element_type3A_172, %cond3A_173 : i32
      scf.if %cond3A_174 {
        %dma_wait3A_194 = arith.constant 0 : i32
        %dma_wait3A_195 = arith.constant 0 : i32
        %dma_wait3A_196 = tpu.memref_slice %arg13[%dma_wait3A_194, %dma_wait3A_195] : memref<10240x128xf32, #tpu.memory_space<vmem_shared>> -> memref<64x128xf32, #tpu.memory_space<vmem_shared>>
        %dma_wait3A_197 = arith.constant 0 : i32
        %dma_wait3A_198 = arith.constant 0 : i32
        %dma_wait3A_199 = tpu.memref_slice %arg13[%dma_wait3A_197, %dma_wait3A_198] : memref<10240x128xf32, #tpu.memory_space<vmem_shared>> -> memref<64x128xf32, #tpu.memory_space<vmem_shared>>
        tpu.wait_dma2 semaphore(%arg19 : memref<!tpu.dma_semaphore, #tpu.memory_space<semaphore_mem>>) src(%arg10 : memref<64x128xf32, #tpu.memory_space<vmem>>) dst(%dma_wait3A_199 : memref<64x128xf32, #tpu.memory_space<vmem_shared>>)
      } else {
      }
      %add3A_175 = arith.constant 2 : i32
      %add3A_176 = arith.addi %add3A_169, %add3A_175 : i32
      %lt3A_177 = arith.constant 80 : i32
      %lt3A_178 = arith.cmpi slt, %add3A_176, %lt3A_177 : i32
      %convert_element_type3A_179 = arith.extui %lt3A_178 : i1 to i32
      %cond3A_180 = arith.constant 0 : i32
      %cond3A_181 = arith.cmpi ne, %convert_element_type3A_179, %cond3A_180 : i32
      scf.if %cond3A_181 {
        %add3A_194 = arith.constant 2 : i32
        %add3A_195 = arith.addi %add3A_169, %add3A_194 : i32
        %jit3A = arith.constant 2 : i32
        %div3A = arith.divsi %add3A_195, %jit3A : i32
        %sign3A = arith.constant 0 : i32
        %sign3A_196 = arith.cmpi sgt, %add3A_195, %sign3A : i32
        %sign3A_197 = arith.extui %sign3A_196 : i1 to i32
        %sign3A_198 = arith.constant 0 : i32
        %sign3A_199 = arith.cmpi slt, %add3A_195, %sign3A_198 : i32
        %sign3A_200 = arith.extui %sign3A_199 : i1 to i32
        %sign3A_201 = arith.subi %sign3A_197, %sign3A_200 : i32
        %sign3A_202 = arith.constant 0 : i32
        %sign3A_203 = arith.cmpi sgt, %jit3A, %sign3A_202 : i32
        %sign3A_204 = arith.extui %sign3A_203 : i1 to i32
        %sign3A_205 = arith.constant 0 : i32
        %sign3A_206 = arith.cmpi slt, %jit3A, %sign3A_205 : i32
        %sign3A_207 = arith.extui %sign3A_206 : i1 to i32
        %sign3A_208 = arith.subi %sign3A_204, %sign3A_207 : i32
        %ne3A = arith.cmpi ne, %sign3A_201, %sign3A_208 : i32
        %rem3A = arith.remsi %add3A_195, %jit3A : i32
        %ne3A_209 = arith.constant 0 : i32
        %ne3A_210 = arith.cmpi ne, %rem3A, %ne3A_209 : i32
        %and3A = arith.andi %ne3A, %ne3A_210 : i1
        %sub3A = arith.constant 1 : i32
        %sub3A_211 = arith.subi %div3A, %sub3A : i32
        %select_n3A = arith.select %and3A, %sub3A_211, %div3A : i32
        %jit3A_212 = arith.constant 2 : i32
        %eq3A = arith.constant 0 : i32
        %eq3A_213 = arith.cmpi eq, %jit3A_212, %eq3A : i32
        %jit3A_214 = arith.constant 1 : i32
        %select_n3A_215 = arith.select %eq3A_213, %jit3A_214, %jit3A_212 : i32
        %rem3A_216 = arith.remsi %add3A_195, %select_n3A_215 : i32
        %ne3A_217 = arith.constant 0 : i32
        %ne3A_218 = arith.cmpi ne, %rem3A_216, %ne3A_217 : i32
        %lt3A_219 = arith.constant 0 : i32
        %lt3A_220 = arith.cmpi slt, %rem3A_216, %lt3A_219 : i32
        %lt3A_221 = arith.constant 0 : i32
        %lt3A_222 = arith.cmpi slt, %select_n3A_215, %lt3A_221 : i32
        %ne3A_223 = arith.xori %lt3A_220, %lt3A_222 : i1
        %and3A_224 = arith.andi %ne3A_223, %ne3A_218 : i1
        %add3A_225 = arith.addi %rem3A_216, %select_n3A_215 : i32
        %select_n3A_226 = arith.select %and3A_224, %add3A_225, %rem3A_216 : i32
        %mul3A_227 = arith.constant 64 : i32
        %mul3A_228 = arith.muli %select_n3A_226, %mul3A_227 : i32
        %dma_start3A_229 = tpu.memref_slice %arg7[%select_n3A, %mul3A_228] : memref<40x128xi32, #tpu.memory_space<vmem>> -> memref<1x64xi32, #tpu.memory_space<vmem>>
        %dma_start3A_230 = tpu.memref_squeeze %dma_start3A_229 : memref<1x64xi32, #tpu.memory_space<vmem>> -> memref<64xi32, #tpu.memory_space<vmem>>
        %dma_start3A_231 = arith.constant 0 : i32
        %dma_start3A_232 = arith.constant 0 : i32
        %dma_start3A_233 = tpu.memref_slice %arg2[%dma_start3A_231, %dma_start3A_232] : memref<10240x128xf32, #tpu.memory_space<hbm>> -> memref<10240x128xf32, #tpu.memory_space<hbm>>
        tpu.enqueue_indirect_dma source(%dma_start3A_233 : memref<10240x128xf32, #tpu.memory_space<hbm>>) target(%arg10 : memref<64x128xf32, #tpu.memory_space<vmem>>) offsets(%dma_start3A_230 : memref<64xi32, #tpu.memory_space<vmem>>) semaphore(%arg15 : memref<!tpu.dma_semaphore, #tpu.memory_space<semaphore_mem>>)
      } else {
      }
      %dma_wait3A_182 = arith.constant 0 : i32
      %dma_wait3A_183 = arith.constant 0 : i32
      %dma_wait3A_184 = tpu.memref_slice %arg2[%dma_wait3A_182, %dma_wait3A_183] : memref<10240x128xf32, #tpu.memory_space<hbm>> -> memref<64x128xf32, #tpu.memory_space<hbm>>
      %dma_wait3A_185 = arith.constant 0 : i32
      %dma_wait3A_186 = arith.constant 0 : i32
      %dma_wait3A_187 = tpu.memref_slice %arg2[%dma_wait3A_185, %dma_wait3A_186] : memref<10240x128xf32, #tpu.memory_space<hbm>> -> memref<64x128xf32, #tpu.memory_space<hbm>>
      tpu.wait_dma2 semaphore(%arg17 : memref<!tpu.dma_semaphore, #tpu.memory_space<semaphore_mem>>) src(%dma_wait3A_187 : memref<64x128xf32, #tpu.memory_space<hbm>>) dst(%arg12 : memref<64x128xf32, #tpu.memory_space<vmem>>)
      %dma_start3A_188 = arith.constant 0 : i32
      %dma_start3A_189 = tpu.memref_slice %arg8[%add3A_169, %dma_start3A_188] : memref<80x64xi32, #tpu.memory_space<vmem>> -> memref<1x64xi32, #tpu.memory_space<vmem>>
      %dma_start3A_190 = tpu.memref_squeeze %dma_start3A_189 : memref<1x64xi32, #tpu.memory_space<vmem>> -> memref<64xi32, #tpu.memory_space<vmem>>
      %dma_start3A_191 = arith.constant 0 : i32
      %dma_start3A_192 = arith.constant 0 : i32
      %dma_start3A_193 = tpu.memref_slice %arg13[%dma_start3A_191, %dma_start3A_192] : memref<10240x128xf32, #tpu.memory_space<vmem_shared>> -> memref<10240x128xf32, #tpu.memory_space<vmem_shared>>
      tpu.enqueue_indirect_dma source(%arg12 : memref<64x128xf32, #tpu.memory_space<vmem>>) target(%dma_start3A_193 : memref<10240x128xf32, #tpu.memory_space<vmem_shared>>) offsets(%dma_start3A_190 : memref<64xi32, #tpu.memory_space<vmem>>) semaphore(%arg21 : memref<!tpu.dma_semaphore, #tpu.memory_space<semaphore_mem>>) {add = true}
    }
    %scan3A_67 = arith.constant 20 : i32
    %dma_wait3A_68 = arith.constant 0 : i32
    %dma_wait3A_69 = arith.constant 0 : i32
    %dma_wait3A_70 = tpu.memref_slice %arg13[%dma_wait3A_68, %dma_wait3A_69] : memref<10240x128xf32, #tpu.memory_space<vmem_shared>> -> memref<64x128xf32, #tpu.memory_space<vmem_shared>>
    %dma_wait3A_71 = arith.constant 0 : i32
    %dma_wait3A_72 = arith.constant 0 : i32
    %dma_wait3A_73 = tpu.memref_slice %arg13[%dma_wait3A_71, %dma_wait3A_72] : memref<10240x128xf32, #tpu.memory_space<vmem_shared>> -> memref<64x128xf32, #tpu.memory_space<vmem_shared>>
    tpu.wait_dma2 semaphore(%arg20 : memref<!tpu.dma_semaphore, #tpu.memory_space<semaphore_mem>>) src(%arg11 : memref<64x128xf32, #tpu.memory_space<vmem>>) dst(%dma_wait3A_73 : memref<64x128xf32, #tpu.memory_space<vmem_shared>>)
    %dma_wait3A_74 = arith.constant 0 : i32
    %dma_wait3A_75 = arith.constant 0 : i32
    %dma_wait3A_76 = tpu.memref_slice %arg13[%dma_wait3A_74, %dma_wait3A_75] : memref<10240x128xf32, #tpu.memory_space<vmem_shared>> -> memref<64x128xf32, #tpu.memory_space<vmem_shared>>
    %dma_wait3A_77 = arith.constant 0 : i32
    %dma_wait3A_78 = arith.constant 0 : i32
    %dma_wait3A_79 = tpu.memref_slice %arg13[%dma_wait3A_77, %dma_wait3A_78] : memref<10240x128xf32, #tpu.memory_space<vmem_shared>> -> memref<64x128xf32, #tpu.memory_space<vmem_shared>>
    tpu.wait_dma2 semaphore(%arg21 : memref<!tpu.dma_semaphore, #tpu.memory_space<semaphore_mem>>) src(%arg12 : memref<64x128xf32, #tpu.memory_space<vmem>>) dst(%dma_wait3A_79 : memref<64x128xf32, #tpu.memory_space<vmem_shared>>)
    %barrier3A_80 = arith.constant 0 : index
    tpu.barrier barrier_id(%barrier3A_80)
    %mul3A_81 = arith.constant 640 : i32
    %mul3A_82 = arith.muli %arg1, %mul3A_81 : i32
    %mul3A_83 = arith.constant 640 : i32
    %mul3A_84 = arith.muli %arg1, %mul3A_83 : i32
    "tpu.region"() ({
      %run_scoped3A = tpu.sem_alloc : memref<!tpu.dma_semaphore, #tpu.memory_space<semaphore_mem>>
      %dma_start3A_85 = arith.constant 0 : i32
      %dma_start3A_86 = tpu.memref_slice %arg6[%arg0, %mul3A_84, %dma_start3A_85] : memref<2x10240x128xf32, #tpu.memory_space<hbm>> -> memref<1x640x128xf32, #tpu.memory_space<hbm>>
      %dma_start3A_87 = tpu.memref_squeeze %dma_start3A_86 : memref<1x640x128xf32, #tpu.memory_space<hbm>> -> memref<640x128xf32, #tpu.memory_space<hbm>>
      %dma_start3A_88 = arith.constant 0 : i32
      %dma_start3A_89 = tpu.memref_slice %arg13[%mul3A_82, %dma_start3A_88] : memref<10240x128xf32, #tpu.memory_space<vmem_shared>> -> memref<640x128xf32, #tpu.memory_space<vmem_shared>>
      tpu.enqueue_dma source(%dma_start3A_89 : memref<640x128xf32, #tpu.memory_space<vmem_shared>>) target(%dma_start3A_87 : memref<640x128xf32, #tpu.memory_space<hbm>>) target_semaphore(%run_scoped3A : memref<!tpu.dma_semaphore, #tpu.memory_space<semaphore_mem>>)
      %dma_wait3A_90 = arith.constant 0 : i32
      %dma_wait3A_91 = tpu.memref_slice %arg6[%arg0, %mul3A_84, %dma_wait3A_90] : memref<2x10240x128xf32, #tpu.memory_space<hbm>> -> memref<1x640x128xf32, #tpu.memory_space<hbm>>
      %dma_wait3A_92 = tpu.memref_squeeze %dma_wait3A_91 : memref<1x640x128xf32, #tpu.memory_space<hbm>> -> memref<640x128xf32, #tpu.memory_space<hbm>>
      %dma_wait3A_93 = arith.constant 0 : i32
      %dma_wait3A_94 = tpu.memref_slice %arg13[%mul3A_82, %dma_wait3A_93] : memref<10240x128xf32, #tpu.memory_space<vmem_shared>> -> memref<640x128xf32, #tpu.memory_space<vmem_shared>>
      tpu.wait_dma2 semaphore(%run_scoped3A : memref<!tpu.dma_semaphore, #tpu.memory_space<semaphore_mem>>) src(%dma_wait3A_94 : memref<640x128xf32, #tpu.memory_space<vmem_shared>>) dst(%dma_wait3A_92 : memref<640x128xf32, #tpu.memory_space<hbm>>)
      tpu.yield
    }) : () -> ()
    return
  }
}

#map = affine_map<(d0, d1) -> (0, 0)>
#map1 = affine_map<(d0, d1) -> (0, 0, 0)>
module attributes {stable_mosaic.version = 14 : i64} {
  func.func @_edge_body(%arg0: i32, %arg1: i32, %arg2: memref<10240x128xf32, #tpu.memory_space<hbm>>, %arg3: memref<2560x128xi32, #tpu.memory_space<hbm>>, %arg4: memref<5120x64xi32, #tpu.memory_space<hbm>>, %arg5: memref<640x128xf32, #tpu.memory_space<hbm>>, %arg6: memref<2x10240x128xf32, #tpu.memory_space<hbm>>, %arg7: memref<40x128xi32, #tpu.memory_space<vmem>>, %arg8: memref<80x64xi32, #tpu.memory_space<vmem>>, %arg9: memref<64x128xf32, #tpu.memory_space<vmem>>, %arg10: memref<64x128xf32, #tpu.memory_space<vmem>>, %arg11: memref<64x128xf32, #tpu.memory_space<vmem>>, %arg12: memref<64x128xf32, #tpu.memory_space<vmem>>, %arg13: memref<10240x128xf32, #tpu.memory_space<vmem_shared>>, %arg14: memref<!tpu.dma_semaphore, #tpu.memory_space<semaphore_mem>>, %arg15: memref<!tpu.dma_semaphore, #tpu.memory_space<semaphore_mem>>, %arg16: memref<!tpu.dma_semaphore, #tpu.memory_space<semaphore_mem>>, %arg17: memref<!tpu.dma_semaphore, #tpu.memory_space<semaphore_mem>>, %arg18: memref<!tpu.dma_semaphore, #tpu.memory_space<semaphore_mem>>, %arg19: memref<!tpu.dma_semaphore, #tpu.memory_space<semaphore_mem>>, %arg20: memref<!tpu.dma_semaphore, #tpu.memory_space<semaphore_mem>>, %arg21: memref<!tpu.dma_semaphore, #tpu.memory_space<semaphore_mem>>) attributes {dimension_semantics = [#tpu.dimension_semantics<core_parallel>, #tpu.dimension_semantics<subcore_parallel>], iteration_bounds = array<i64: 2, 16>, scalar_prefetch = 0 : i64, scratch_operands = 15 : i64, tpu.core_type = #tpu.core_type<sc_vector_subcore>, window_params = [{transform_indices = #map}, {transform_indices = #map}, {transform_indices = #map}, {transform_indices = #map}, {transform_indices = #map1}]} {
    %mul3A = arith.constant 16 : i32
    %mul3A_0 = arith.muli %arg0, %mul3A : i32
    %add3A = arith.addi %mul3A_0, %arg1 : i32
    %mul3A_1 = arith.constant 640 : i32
    %mul3A_2 = arith.muli %arg1, %mul3A_1 : i32
    "tpu.region"() ({
      %run_scoped3A = tpu.sem_alloc : memref<!tpu.dma_semaphore, #tpu.memory_space<semaphore_mem>>
      %dma_start3A_85 = arith.constant 0 : i32
      %dma_start3A_86 = tpu.memref_slice %arg13[%mul3A_2, %dma_start3A_85] : memref<10240x128xf32, #tpu.memory_space<vmem_shared>> -> memref<640x128xf32, #tpu.memory_space<vmem_shared>>
      tpu.enqueue_dma source(%arg5 : memref<640x128xf32, #tpu.memory_space<hbm>>) target(%dma_start3A_86 : memref<640x128xf32, #tpu.memory_space<vmem_shared>>) target_semaphore(%run_scoped3A : memref<!tpu.dma_semaphore, #tpu.memory_space<semaphore_mem>>)
      %dma_wait3A_87 = arith.constant 0 : i32
      %dma_wait3A_88 = tpu.memref_slice %arg13[%mul3A_2, %dma_wait3A_87] : memref<10240x128xf32, #tpu.memory_space<vmem_shared>> -> memref<640x128xf32, #tpu.memory_space<vmem_shared>>
      tpu.wait_dma2 semaphore(%run_scoped3A : memref<!tpu.dma_semaphore, #tpu.memory_space<semaphore_mem>>) src(%arg5 : memref<640x128xf32, #tpu.memory_space<hbm>>) dst(%dma_wait3A_88 : memref<640x128xf32, #tpu.memory_space<vmem_shared>>)
      tpu.yield
    }) : () -> ()
    %barrier3A = arith.constant 0 : index
    tpu.barrier barrier_id(%barrier3A)
    %mul3A_3 = arith.constant 80 : i32
    %mul3A_4 = arith.muli %add3A, %mul3A_3 : i32
    %add3A_5 = arith.constant 0 : i32
    %add3A_6 = arith.addi %mul3A_4, %add3A_5 : i32
    "tpu.region"() ({
      %run_scoped3A = tpu.sem_alloc : memref<!tpu.dma_semaphore, #tpu.memory_space<semaphore_mem>>
      %dma_start3A_85 = arith.constant 0 : i32
      %dma_start3A_86 = tpu.memref_slice %arg3[%add3A_6, %dma_start3A_85] : memref<2560x128xi32, #tpu.memory_space<hbm>> -> memref<40x128xi32, #tpu.memory_space<hbm>>
      %dma_start3A_87 = arith.constant 0 : i32
      %dma_start3A_88 = tpu.memref_slice %arg3[%add3A_6, %dma_start3A_87] : memref<2560x128xi32, #tpu.memory_space<hbm>> -> memref<40x128xi32, #tpu.memory_space<hbm>>
      tpu.enqueue_dma source(%dma_start3A_88 : memref<40x128xi32, #tpu.memory_space<hbm>>) target(%arg7 : memref<40x128xi32, #tpu.memory_space<vmem>>) target_semaphore(%run_scoped3A : memref<!tpu.dma_semaphore, #tpu.memory_space<semaphore_mem>>)
      %dma_wait3A_89 = arith.constant 0 : i32
      %dma_wait3A_90 = tpu.memref_slice %arg3[%add3A_6, %dma_wait3A_89] : memref<2560x128xi32, #tpu.memory_space<hbm>> -> memref<40x128xi32, #tpu.memory_space<hbm>>
      %dma_wait3A_91 = arith.constant 0 : i32
      %dma_wait3A_92 = tpu.memref_slice %arg3[%add3A_6, %dma_wait3A_91] : memref<2560x128xi32, #tpu.memory_space<hbm>> -> memref<40x128xi32, #tpu.memory_space<hbm>>
      tpu.wait_dma2 semaphore(%run_scoped3A : memref<!tpu.dma_semaphore, #tpu.memory_space<semaphore_mem>>) src(%dma_wait3A_92 : memref<40x128xi32, #tpu.memory_space<hbm>>) dst(%arg7 : memref<40x128xi32, #tpu.memory_space<vmem>>)
      tpu.yield
    }) : () -> ()
    %mul3A_7 = arith.constant 160 : i32
    %mul3A_8 = arith.muli %add3A, %mul3A_7 : i32
    %add3A_9 = arith.constant 0 : i32
    %add3A_10 = arith.addi %mul3A_8, %add3A_9 : i32
    "tpu.region"() ({
      %run_scoped3A = tpu.sem_alloc : memref<!tpu.dma_semaphore, #tpu.memory_space<semaphore_mem>>
      %dma_start3A_85 = arith.constant 0 : i32
      %dma_start3A_86 = tpu.memref_slice %arg4[%add3A_10, %dma_start3A_85] : memref<5120x64xi32, #tpu.memory_space<hbm>> -> memref<80x64xi32, #tpu.memory_space<hbm>>
      %dma_start3A_87 = arith.constant 0 : i32
      %dma_start3A_88 = tpu.memref_slice %arg4[%add3A_10, %dma_start3A_87] : memref<5120x64xi32, #tpu.memory_space<hbm>> -> memref<80x64xi32, #tpu.memory_space<hbm>>
      tpu.enqueue_dma source(%dma_start3A_88 : memref<80x64xi32, #tpu.memory_space<hbm>>) target(%arg8 : memref<80x64xi32, #tpu.memory_space<vmem>>) target_semaphore(%run_scoped3A : memref<!tpu.dma_semaphore, #tpu.memory_space<semaphore_mem>>)
      %dma_wait3A_89 = arith.constant 0 : i32
      %dma_wait3A_90 = tpu.memref_slice %arg4[%add3A_10, %dma_wait3A_89] : memref<5120x64xi32, #tpu.memory_space<hbm>> -> memref<80x64xi32, #tpu.memory_space<hbm>>
      %dma_wait3A_91 = arith.constant 0 : i32
      %dma_wait3A_92 = tpu.memref_slice %arg4[%add3A_10, %dma_wait3A_91] : memref<5120x64xi32, #tpu.memory_space<hbm>> -> memref<80x64xi32, #tpu.memory_space<hbm>>
      tpu.wait_dma2 semaphore(%run_scoped3A : memref<!tpu.dma_semaphore, #tpu.memory_space<semaphore_mem>>) src(%dma_wait3A_92 : memref<80x64xi32, #tpu.memory_space<hbm>>) dst(%arg8 : memref<80x64xi32, #tpu.memory_space<vmem>>)
      tpu.yield
    }) : () -> ()
    %dma_start3A = arith.constant 0 : i32
    %dma_start3A_11 = arith.constant 0 : i32
    %dma_start3A_12 = tpu.memref_slice %arg7[%dma_start3A, %dma_start3A_11] : memref<40x128xi32, #tpu.memory_space<vmem>> -> memref<1x64xi32, #tpu.memory_space<vmem>>
    %dma_start3A_13 = tpu.memref_squeeze %dma_start3A_12 : memref<1x64xi32, #tpu.memory_space<vmem>> -> memref<64xi32, #tpu.memory_space<vmem>>
    %dma_start3A_14 = arith.constant 0 : i32
    %dma_start3A_15 = arith.constant 0 : i32
    %dma_start3A_16 = tpu.memref_slice %arg2[%dma_start3A_14, %dma_start3A_15] : memref<10240x128xf32, #tpu.memory_space<hbm>> -> memref<10240x128xf32, #tpu.memory_space<hbm>>
    tpu.enqueue_indirect_dma source(%dma_start3A_16 : memref<10240x128xf32, #tpu.memory_space<hbm>>) target(%arg9 : memref<64x128xf32, #tpu.memory_space<vmem>>) offsets(%dma_start3A_13 : memref<64xi32, #tpu.memory_space<vmem>>) semaphore(%arg14 : memref<!tpu.dma_semaphore, #tpu.memory_space<semaphore_mem>>)
    %dma_start3A_17 = arith.constant 0 : i32
    %dma_start3A_18 = arith.constant 64 : i32
    %dma_start3A_19 = tpu.memref_slice %arg7[%dma_start3A_17, %dma_start3A_18] : memref<40x128xi32, #tpu.memory_space<vmem>> -> memref<1x64xi32, #tpu.memory_space<vmem>>
    %dma_start3A_20 = tpu.memref_squeeze %dma_start3A_19 : memref<1x64xi32, #tpu.memory_space<vmem>> -> memref<64xi32, #tpu.memory_space<vmem>>
    %dma_start3A_21 = arith.constant 0 : i32
    %dma_start3A_22 = arith.constant 0 : i32
    %dma_start3A_23 = tpu.memref_slice %arg2[%dma_start3A_21, %dma_start3A_22] : memref<10240x128xf32, #tpu.memory_space<hbm>> -> memref<10240x128xf32, #tpu.memory_space<hbm>>
    tpu.enqueue_indirect_dma source(%dma_start3A_23 : memref<10240x128xf32, #tpu.memory_space<hbm>>) target(%arg10 : memref<64x128xf32, #tpu.memory_space<vmem>>) offsets(%dma_start3A_20 : memref<64xi32, #tpu.memory_space<vmem>>) semaphore(%arg15 : memref<!tpu.dma_semaphore, #tpu.memory_space<semaphore_mem>>)
    %scan3A = arith.constant 0 : i32
    %scan3A_24 = arith.constant 0 : i32
    %scan3A_25 = arith.constant 20 : i32
    %scan3A_26 = arith.addi %scan3A_24, %scan3A_25 : i32
    %scan3A_27 = arith.constant 1 : i32
    scf.for %scan3A_85 = %scan3A_24 to %scan3A_26 step %scan3A_27  : i32 {
      %mul3A_86 = arith.constant 4 : i32
      %mul3A_87 = arith.muli %scan3A_85, %mul3A_86 : i32
      %add3A_88 = arith.constant 0 : i32
      %add3A_89 = arith.addi %mul3A_87, %add3A_88 : i32
      %ge3A = arith.constant 2 : i32
      %ge3A_90 = arith.cmpi sge, %add3A_89, %ge3A : i32
      %convert_element_type3A = arith.extui %ge3A_90 : i1 to i32
      %cond3A = arith.constant 0 : i32
      %cond3A_91 = arith.cmpi ne, %convert_element_type3A, %cond3A : i32
      scf.if %cond3A_91 {
        %dma_wait3A_194 = arith.constant 0 : i32
        %dma_wait3A_195 = arith.constant 0 : i32
        %dma_wait3A_196 = tpu.memref_slice %arg13[%dma_wait3A_194, %dma_wait3A_195] : memref<10240x128xf32, #tpu.memory_space<vmem_shared>> -> memref<64x128xf32, #tpu.memory_space<vmem_shared>>
        %dma_wait3A_197 = arith.constant 0 : i32
        %dma_wait3A_198 = arith.constant 0 : i32
        %dma_wait3A_199 = tpu.memref_slice %arg13[%dma_wait3A_197, %dma_wait3A_198] : memref<10240x128xf32, #tpu.memory_space<vmem_shared>> -> memref<64x128xf32, #tpu.memory_space<vmem_shared>>
        tpu.wait_dma2 semaphore(%arg20 : memref<!tpu.dma_semaphore, #tpu.memory_space<semaphore_mem>>) src(%arg11 : memref<64x128xf32, #tpu.memory_space<vmem>>) dst(%dma_wait3A_199 : memref<64x128xf32, #tpu.memory_space<vmem_shared>>)
      } else {
      }
      %add3A_92 = arith.constant 2 : i32
      %add3A_93 = arith.addi %add3A_89, %add3A_92 : i32
      %lt3A = arith.constant 80 : i32
      %lt3A_94 = arith.cmpi slt, %add3A_93, %lt3A : i32
      %convert_element_type3A_95 = arith.extui %lt3A_94 : i1 to i32
      %cond3A_96 = arith.constant 0 : i32
      %cond3A_97 = arith.cmpi ne, %convert_element_type3A_95, %cond3A_96 : i32
      scf.if %cond3A_97 {
        %add3A_194 = arith.constant 2 : i32
        %add3A_195 = arith.addi %add3A_89, %add3A_194 : i32
        %jit3A = arith.constant 2 : i32
        %div3A = arith.divsi %add3A_195, %jit3A : i32
        %sign3A = arith.constant 0 : i32
        %sign3A_196 = arith.cmpi sgt, %add3A_195, %sign3A : i32
        %sign3A_197 = arith.extui %sign3A_196 : i1 to i32
        %sign3A_198 = arith.constant 0 : i32
        %sign3A_199 = arith.cmpi slt, %add3A_195, %sign3A_198 : i32
        %sign3A_200 = arith.extui %sign3A_199 : i1 to i32
        %sign3A_201 = arith.subi %sign3A_197, %sign3A_200 : i32
        %sign3A_202 = arith.constant 0 : i32
        %sign3A_203 = arith.cmpi sgt, %jit3A, %sign3A_202 : i32
        %sign3A_204 = arith.extui %sign3A_203 : i1 to i32
        %sign3A_205 = arith.constant 0 : i32
        %sign3A_206 = arith.cmpi slt, %jit3A, %sign3A_205 : i32
        %sign3A_207 = arith.extui %sign3A_206 : i1 to i32
        %sign3A_208 = arith.subi %sign3A_204, %sign3A_207 : i32
        %ne3A = arith.cmpi ne, %sign3A_201, %sign3A_208 : i32
        %rem3A = arith.remsi %add3A_195, %jit3A : i32
        %ne3A_209 = arith.constant 0 : i32
        %ne3A_210 = arith.cmpi ne, %rem3A, %ne3A_209 : i32
        %and3A = arith.andi %ne3A, %ne3A_210 : i1
        %sub3A = arith.constant 1 : i32
        %sub3A_211 = arith.subi %div3A, %sub3A : i32
        %select_n3A = arith.select %and3A, %sub3A_211, %div3A : i32
        %jit3A_212 = arith.constant 2 : i32
        %eq3A = arith.constant 0 : i32
        %eq3A_213 = arith.cmpi eq, %jit3A_212, %eq3A : i32
        %jit3A_214 = arith.constant 1 : i32
        %select_n3A_215 = arith.select %eq3A_213, %jit3A_214, %jit3A_212 : i32
        %rem3A_216 = arith.remsi %add3A_195, %select_n3A_215 : i32
        %ne3A_217 = arith.constant 0 : i32
        %ne3A_218 = arith.cmpi ne, %rem3A_216, %ne3A_217 : i32
        %lt3A_219 = arith.constant 0 : i32
        %lt3A_220 = arith.cmpi slt, %rem3A_216, %lt3A_219 : i32
        %lt3A_221 = arith.constant 0 : i32
        %lt3A_222 = arith.cmpi slt, %select_n3A_215, %lt3A_221 : i32
        %ne3A_223 = arith.xori %lt3A_220, %lt3A_222 : i1
        %and3A_224 = arith.andi %ne3A_223, %ne3A_218 : i1
        %add3A_225 = arith.addi %rem3A_216, %select_n3A_215 : i32
        %select_n3A_226 = arith.select %and3A_224, %add3A_225, %rem3A_216 : i32
        %mul3A_227 = arith.constant 64 : i32
        %mul3A_228 = arith.muli %select_n3A_226, %mul3A_227 : i32
        %dma_start3A_229 = tpu.memref_slice %arg7[%select_n3A, %mul3A_228] : memref<40x128xi32, #tpu.memory_space<vmem>> -> memref<1x64xi32, #tpu.memory_space<vmem>>
        %dma_start3A_230 = tpu.memref_squeeze %dma_start3A_229 : memref<1x64xi32, #tpu.memory_space<vmem>> -> memref<64xi32, #tpu.memory_space<vmem>>
        %dma_start3A_231 = arith.constant 0 : i32
        %dma_start3A_232 = arith.constant 0 : i32
        %dma_start3A_233 = tpu.memref_slice %arg2[%dma_start3A_231, %dma_start3A_232] : memref<10240x128xf32, #tpu.memory_space<hbm>> -> memref<10240x128xf32, #tpu.memory_space<hbm>>
        tpu.enqueue_indirect_dma source(%dma_start3A_233 : memref<10240x128xf32, #tpu.memory_space<hbm>>) target(%arg11 : memref<64x128xf32, #tpu.memory_space<vmem>>) offsets(%dma_start3A_230 : memref<64xi32, #tpu.memory_space<vmem>>) semaphore(%arg16 : memref<!tpu.dma_semaphore, #tpu.memory_space<semaphore_mem>>)
      } else {
      }
      %dma_wait3A_98 = arith.constant 0 : i32
      %dma_wait3A_99 = arith.constant 0 : i32
      %dma_wait3A_100 = tpu.memref_slice %arg2[%dma_wait3A_98, %dma_wait3A_99] : memref<10240x128xf32, #tpu.memory_space<hbm>> -> memref<64x128xf32, #tpu.memory_space<hbm>>
      %dma_wait3A_101 = arith.constant 0 : i32
      %dma_wait3A_102 = arith.constant 0 : i32
      %dma_wait3A_103 = tpu.memref_slice %arg2[%dma_wait3A_101, %dma_wait3A_102] : memref<10240x128xf32, #tpu.memory_space<hbm>> -> memref<64x128xf32, #tpu.memory_space<hbm>>
      tpu.wait_dma2 semaphore(%arg14 : memref<!tpu.dma_semaphore, #tpu.memory_space<semaphore_mem>>) src(%dma_wait3A_103 : memref<64x128xf32, #tpu.memory_space<hbm>>) dst(%arg9 : memref<64x128xf32, #tpu.memory_space<vmem>>)
      %dma_start3A_104 = arith.constant 0 : i32
      %dma_start3A_105 = tpu.memref_slice %arg8[%add3A_89, %dma_start3A_104] : memref<80x64xi32, #tpu.memory_space<vmem>> -> memref<1x64xi32, #tpu.memory_space<vmem>>
      %dma_start3A_106 = tpu.memref_squeeze %dma_start3A_105 : memref<1x64xi32, #tpu.memory_space<vmem>> -> memref<64xi32, #tpu.memory_space<vmem>>
      %dma_start3A_107 = arith.constant 0 : i32
      %dma_start3A_108 = arith.constant 0 : i32
      %dma_start3A_109 = tpu.memref_slice %arg13[%dma_start3A_107, %dma_start3A_108] : memref<10240x128xf32, #tpu.memory_space<vmem_shared>> -> memref<10240x128xf32, #tpu.memory_space<vmem_shared>>
      tpu.enqueue_indirect_dma source(%arg9 : memref<64x128xf32, #tpu.memory_space<vmem>>) target(%dma_start3A_109 : memref<10240x128xf32, #tpu.memory_space<vmem_shared>>) offsets(%dma_start3A_106 : memref<64xi32, #tpu.memory_space<vmem>>) semaphore(%arg18 : memref<!tpu.dma_semaphore, #tpu.memory_space<semaphore_mem>>) {add = true}
      %mul3A_110 = arith.constant 4 : i32
      %mul3A_111 = arith.muli %scan3A_85, %mul3A_110 : i32
      %add3A_112 = arith.constant 1 : i32
      %add3A_113 = arith.addi %mul3A_111, %add3A_112 : i32
      %ge3A_114 = arith.constant 2 : i32
      %ge3A_115 = arith.cmpi sge, %add3A_113, %ge3A_114 : i32
      %convert_element_type3A_116 = arith.extui %ge3A_115 : i1 to i32
      %cond3A_117 = arith.constant 0 : i32
      %cond3A_118 = arith.cmpi ne, %convert_element_type3A_116, %cond3A_117 : i32
      scf.if %cond3A_118 {
        %dma_wait3A_194 = arith.constant 0 : i32
        %dma_wait3A_195 = arith.constant 0 : i32
        %dma_wait3A_196 = tpu.memref_slice %arg13[%dma_wait3A_194, %dma_wait3A_195] : memref<10240x128xf32, #tpu.memory_space<vmem_shared>> -> memref<64x128xf32, #tpu.memory_space<vmem_shared>>
        %dma_wait3A_197 = arith.constant 0 : i32
        %dma_wait3A_198 = arith.constant 0 : i32
        %dma_wait3A_199 = tpu.memref_slice %arg13[%dma_wait3A_197, %dma_wait3A_198] : memref<10240x128xf32, #tpu.memory_space<vmem_shared>> -> memref<64x128xf32, #tpu.memory_space<vmem_shared>>
        tpu.wait_dma2 semaphore(%arg21 : memref<!tpu.dma_semaphore, #tpu.memory_space<semaphore_mem>>) src(%arg12 : memref<64x128xf32, #tpu.memory_space<vmem>>) dst(%dma_wait3A_199 : memref<64x128xf32, #tpu.memory_space<vmem_shared>>)
      } else {
      }
      %add3A_119 = arith.constant 2 : i32
      %add3A_120 = arith.addi %add3A_113, %add3A_119 : i32
      %lt3A_121 = arith.constant 80 : i32
      %lt3A_122 = arith.cmpi slt, %add3A_120, %lt3A_121 : i32
      %convert_element_type3A_123 = arith.extui %lt3A_122 : i1 to i32
      %cond3A_124 = arith.constant 0 : i32
      %cond3A_125 = arith.cmpi ne, %convert_element_type3A_123, %cond3A_124 : i32
      scf.if %cond3A_125 {
        %add3A_194 = arith.constant 2 : i32
        %add3A_195 = arith.addi %add3A_113, %add3A_194 : i32
        %jit3A = arith.constant 2 : i32
        %div3A = arith.divsi %add3A_195, %jit3A : i32
        %sign3A = arith.constant 0 : i32
        %sign3A_196 = arith.cmpi sgt, %add3A_195, %sign3A : i32
        %sign3A_197 = arith.extui %sign3A_196 : i1 to i32
        %sign3A_198 = arith.constant 0 : i32
        %sign3A_199 = arith.cmpi slt, %add3A_195, %sign3A_198 : i32
        %sign3A_200 = arith.extui %sign3A_199 : i1 to i32
        %sign3A_201 = arith.subi %sign3A_197, %sign3A_200 : i32
        %sign3A_202 = arith.constant 0 : i32
        %sign3A_203 = arith.cmpi sgt, %jit3A, %sign3A_202 : i32
        %sign3A_204 = arith.extui %sign3A_203 : i1 to i32
        %sign3A_205 = arith.constant 0 : i32
        %sign3A_206 = arith.cmpi slt, %jit3A, %sign3A_205 : i32
        %sign3A_207 = arith.extui %sign3A_206 : i1 to i32
        %sign3A_208 = arith.subi %sign3A_204, %sign3A_207 : i32
        %ne3A = arith.cmpi ne, %sign3A_201, %sign3A_208 : i32
        %rem3A = arith.remsi %add3A_195, %jit3A : i32
        %ne3A_209 = arith.constant 0 : i32
        %ne3A_210 = arith.cmpi ne, %rem3A, %ne3A_209 : i32
        %and3A = arith.andi %ne3A, %ne3A_210 : i1
        %sub3A = arith.constant 1 : i32
        %sub3A_211 = arith.subi %div3A, %sub3A : i32
        %select_n3A = arith.select %and3A, %sub3A_211, %div3A : i32
        %jit3A_212 = arith.constant 2 : i32
        %eq3A = arith.constant 0 : i32
        %eq3A_213 = arith.cmpi eq, %jit3A_212, %eq3A : i32
        %jit3A_214 = arith.constant 1 : i32
        %select_n3A_215 = arith.select %eq3A_213, %jit3A_214, %jit3A_212 : i32
        %rem3A_216 = arith.remsi %add3A_195, %select_n3A_215 : i32
        %ne3A_217 = arith.constant 0 : i32
        %ne3A_218 = arith.cmpi ne, %rem3A_216, %ne3A_217 : i32
        %lt3A_219 = arith.constant 0 : i32
        %lt3A_220 = arith.cmpi slt, %rem3A_216, %lt3A_219 : i32
        %lt3A_221 = arith.constant 0 : i32
        %lt3A_222 = arith.cmpi slt, %select_n3A_215, %lt3A_221 : i32
        %ne3A_223 = arith.xori %lt3A_220, %lt3A_222 : i1
        %and3A_224 = arith.andi %ne3A_223, %ne3A_218 : i1
        %add3A_225 = arith.addi %rem3A_216, %select_n3A_215 : i32
        %select_n3A_226 = arith.select %and3A_224, %add3A_225, %rem3A_216 : i32
        %mul3A_227 = arith.constant 64 : i32
        %mul3A_228 = arith.muli %select_n3A_226, %mul3A_227 : i32
        %dma_start3A_229 = tpu.memref_slice %arg7[%select_n3A, %mul3A_228] : memref<40x128xi32, #tpu.memory_space<vmem>> -> memref<1x64xi32, #tpu.memory_space<vmem>>
        %dma_start3A_230 = tpu.memref_squeeze %dma_start3A_229 : memref<1x64xi32, #tpu.memory_space<vmem>> -> memref<64xi32, #tpu.memory_space<vmem>>
        %dma_start3A_231 = arith.constant 0 : i32
        %dma_start3A_232 = arith.constant 0 : i32
        %dma_start3A_233 = tpu.memref_slice %arg2[%dma_start3A_231, %dma_start3A_232] : memref<10240x128xf32, #tpu.memory_space<hbm>> -> memref<10240x128xf32, #tpu.memory_space<hbm>>
        tpu.enqueue_indirect_dma source(%dma_start3A_233 : memref<10240x128xf32, #tpu.memory_space<hbm>>) target(%arg12 : memref<64x128xf32, #tpu.memory_space<vmem>>) offsets(%dma_start3A_230 : memref<64xi32, #tpu.memory_space<vmem>>) semaphore(%arg17 : memref<!tpu.dma_semaphore, #tpu.memory_space<semaphore_mem>>)
      } else {
      }
      %dma_wait3A_126 = arith.constant 0 : i32
      %dma_wait3A_127 = arith.constant 0 : i32
      %dma_wait3A_128 = tpu.memref_slice %arg2[%dma_wait3A_126, %dma_wait3A_127] : memref<10240x128xf32, #tpu.memory_space<hbm>> -> memref<64x128xf32, #tpu.memory_space<hbm>>
      %dma_wait3A_129 = arith.constant 0 : i32
      %dma_wait3A_130 = arith.constant 0 : i32
      %dma_wait3A_131 = tpu.memref_slice %arg2[%dma_wait3A_129, %dma_wait3A_130] : memref<10240x128xf32, #tpu.memory_space<hbm>> -> memref<64x128xf32, #tpu.memory_space<hbm>>
      tpu.wait_dma2 semaphore(%arg15 : memref<!tpu.dma_semaphore, #tpu.memory_space<semaphore_mem>>) src(%dma_wait3A_131 : memref<64x128xf32, #tpu.memory_space<hbm>>) dst(%arg10 : memref<64x128xf32, #tpu.memory_space<vmem>>)
      %dma_start3A_132 = arith.constant 0 : i32
      %dma_start3A_133 = tpu.memref_slice %arg8[%add3A_113, %dma_start3A_132] : memref<80x64xi32, #tpu.memory_space<vmem>> -> memref<1x64xi32, #tpu.memory_space<vmem>>
      %dma_start3A_134 = tpu.memref_squeeze %dma_start3A_133 : memref<1x64xi32, #tpu.memory_space<vmem>> -> memref<64xi32, #tpu.memory_space<vmem>>
      %dma_start3A_135 = arith.constant 0 : i32
      %dma_start3A_136 = arith.constant 0 : i32
      %dma_start3A_137 = tpu.memref_slice %arg13[%dma_start3A_135, %dma_start3A_136] : memref<10240x128xf32, #tpu.memory_space<vmem_shared>> -> memref<10240x128xf32, #tpu.memory_space<vmem_shared>>
      tpu.enqueue_indirect_dma source(%arg10 : memref<64x128xf32, #tpu.memory_space<vmem>>) target(%dma_start3A_137 : memref<10240x128xf32, #tpu.memory_space<vmem_shared>>) offsets(%dma_start3A_134 : memref<64xi32, #tpu.memory_space<vmem>>) semaphore(%arg19 : memref<!tpu.dma_semaphore, #tpu.memory_space<semaphore_mem>>) {add = true}
      %mul3A_138 = arith.constant 4 : i32
      %mul3A_139 = arith.muli %scan3A_85, %mul3A_138 : i32
      %add3A_140 = arith.constant 2 : i32
      %add3A_141 = arith.addi %mul3A_139, %add3A_140 : i32
      %ge3A_142 = arith.constant 2 : i32
      %ge3A_143 = arith.cmpi sge, %add3A_141, %ge3A_142 : i32
      %convert_element_type3A_144 = arith.extui %ge3A_143 : i1 to i32
      %cond3A_145 = arith.constant 0 : i32
      %cond3A_146 = arith.cmpi ne, %convert_element_type3A_144, %cond3A_145 : i32
      scf.if %cond3A_146 {
        %dma_wait3A_194 = arith.constant 0 : i32
        %dma_wait3A_195 = arith.constant 0 : i32
        %dma_wait3A_196 = tpu.memref_slice %arg13[%dma_wait3A_194, %dma_wait3A_195] : memref<10240x128xf32, #tpu.memory_space<vmem_shared>> -> memref<64x128xf32, #tpu.memory_space<vmem_shared>>
        %dma_wait3A_197 = arith.constant 0 : i32
        %dma_wait3A_198 = arith.constant 0 : i32
        %dma_wait3A_199 = tpu.memref_slice %arg13[%dma_wait3A_197, %dma_wait3A_198] : memref<10240x128xf32, #tpu.memory_space<vmem_shared>> -> memref<64x128xf32, #tpu.memory_space<vmem_shared>>
        tpu.wait_dma2 semaphore(%arg18 : memref<!tpu.dma_semaphore, #tpu.memory_space<semaphore_mem>>) src(%arg9 : memref<64x128xf32, #tpu.memory_space<vmem>>) dst(%dma_wait3A_199 : memref<64x128xf32, #tpu.memory_space<vmem_shared>>)
      } else {
      }
      %add3A_147 = arith.constant 2 : i32
      %add3A_148 = arith.addi %add3A_141, %add3A_147 : i32
      %lt3A_149 = arith.constant 80 : i32
      %lt3A_150 = arith.cmpi slt, %add3A_148, %lt3A_149 : i32
      %convert_element_type3A_151 = arith.extui %lt3A_150 : i1 to i32
      %cond3A_152 = arith.constant 0 : i32
      %cond3A_153 = arith.cmpi ne, %convert_element_type3A_151, %cond3A_152 : i32
      scf.if %cond3A_153 {
        %add3A_194 = arith.constant 2 : i32
        %add3A_195 = arith.addi %add3A_141, %add3A_194 : i32
        %jit3A = arith.constant 2 : i32
        %div3A = arith.divsi %add3A_195, %jit3A : i32
        %sign3A = arith.constant 0 : i32
        %sign3A_196 = arith.cmpi sgt, %add3A_195, %sign3A : i32
        %sign3A_197 = arith.extui %sign3A_196 : i1 to i32
        %sign3A_198 = arith.constant 0 : i32
        %sign3A_199 = arith.cmpi slt, %add3A_195, %sign3A_198 : i32
        %sign3A_200 = arith.extui %sign3A_199 : i1 to i32
        %sign3A_201 = arith.subi %sign3A_197, %sign3A_200 : i32
        %sign3A_202 = arith.constant 0 : i32
        %sign3A_203 = arith.cmpi sgt, %jit3A, %sign3A_202 : i32
        %sign3A_204 = arith.extui %sign3A_203 : i1 to i32
        %sign3A_205 = arith.constant 0 : i32
        %sign3A_206 = arith.cmpi slt, %jit3A, %sign3A_205 : i32
        %sign3A_207 = arith.extui %sign3A_206 : i1 to i32
        %sign3A_208 = arith.subi %sign3A_204, %sign3A_207 : i32
        %ne3A = arith.cmpi ne, %sign3A_201, %sign3A_208 : i32
        %rem3A = arith.remsi %add3A_195, %jit3A : i32
        %ne3A_209 = arith.constant 0 : i32
        %ne3A_210 = arith.cmpi ne, %rem3A, %ne3A_209 : i32
        %and3A = arith.andi %ne3A, %ne3A_210 : i1
        %sub3A = arith.constant 1 : i32
        %sub3A_211 = arith.subi %div3A, %sub3A : i32
        %select_n3A = arith.select %and3A, %sub3A_211, %div3A : i32
        %jit3A_212 = arith.constant 2 : i32
        %eq3A = arith.constant 0 : i32
        %eq3A_213 = arith.cmpi eq, %jit3A_212, %eq3A : i32
        %jit3A_214 = arith.constant 1 : i32
        %select_n3A_215 = arith.select %eq3A_213, %jit3A_214, %jit3A_212 : i32
        %rem3A_216 = arith.remsi %add3A_195, %select_n3A_215 : i32
        %ne3A_217 = arith.constant 0 : i32
        %ne3A_218 = arith.cmpi ne, %rem3A_216, %ne3A_217 : i32
        %lt3A_219 = arith.constant 0 : i32
        %lt3A_220 = arith.cmpi slt, %rem3A_216, %lt3A_219 : i32
        %lt3A_221 = arith.constant 0 : i32
        %lt3A_222 = arith.cmpi slt, %select_n3A_215, %lt3A_221 : i32
        %ne3A_223 = arith.xori %lt3A_220, %lt3A_222 : i1
        %and3A_224 = arith.andi %ne3A_223, %ne3A_218 : i1
        %add3A_225 = arith.addi %rem3A_216, %select_n3A_215 : i32
        %select_n3A_226 = arith.select %and3A_224, %add3A_225, %rem3A_216 : i32
        %mul3A_227 = arith.constant 64 : i32
        %mul3A_228 = arith.muli %select_n3A_226, %mul3A_227 : i32
        %dma_start3A_229 = tpu.memref_slice %arg7[%select_n3A, %mul3A_228] : memref<40x128xi32, #tpu.memory_space<vmem>> -> memref<1x64xi32, #tpu.memory_space<vmem>>
        %dma_start3A_230 = tpu.memref_squeeze %dma_start3A_229 : memref<1x64xi32, #tpu.memory_space<vmem>> -> memref<64xi32, #tpu.memory_space<vmem>>
        %dma_start3A_231 = arith.constant 0 : i32
        %dma_start3A_232 = arith.constant 0 : i32
        %dma_start3A_233 = tpu.memref_slice %arg2[%dma_start3A_231, %dma_start3A_232] : memref<10240x128xf32, #tpu.memory_space<hbm>> -> memref<10240x128xf32, #tpu.memory_space<hbm>>
        tpu.enqueue_indirect_dma source(%dma_start3A_233 : memref<10240x128xf32, #tpu.memory_space<hbm>>) target(%arg9 : memref<64x128xf32, #tpu.memory_space<vmem>>) offsets(%dma_start3A_230 : memref<64xi32, #tpu.memory_space<vmem>>) semaphore(%arg14 : memref<!tpu.dma_semaphore, #tpu.memory_space<semaphore_mem>>)
      } else {
      }
      %dma_wait3A_154 = arith.constant 0 : i32
      %dma_wait3A_155 = arith.constant 0 : i32
      %dma_wait3A_156 = tpu.memref_slice %arg2[%dma_wait3A_154, %dma_wait3A_155] : memref<10240x128xf32, #tpu.memory_space<hbm>> -> memref<64x128xf32, #tpu.memory_space<hbm>>
      %dma_wait3A_157 = arith.constant 0 : i32
      %dma_wait3A_158 = arith.constant 0 : i32
      %dma_wait3A_159 = tpu.memref_slice %arg2[%dma_wait3A_157, %dma_wait3A_158] : memref<10240x128xf32, #tpu.memory_space<hbm>> -> memref<64x128xf32, #tpu.memory_space<hbm>>
      tpu.wait_dma2 semaphore(%arg16 : memref<!tpu.dma_semaphore, #tpu.memory_space<semaphore_mem>>) src(%dma_wait3A_159 : memref<64x128xf32, #tpu.memory_space<hbm>>) dst(%arg11 : memref<64x128xf32, #tpu.memory_space<vmem>>)
      %dma_start3A_160 = arith.constant 0 : i32
      %dma_start3A_161 = tpu.memref_slice %arg8[%add3A_141, %dma_start3A_160] : memref<80x64xi32, #tpu.memory_space<vmem>> -> memref<1x64xi32, #tpu.memory_space<vmem>>
      %dma_start3A_162 = tpu.memref_squeeze %dma_start3A_161 : memref<1x64xi32, #tpu.memory_space<vmem>> -> memref<64xi32, #tpu.memory_space<vmem>>
      %dma_start3A_163 = arith.constant 0 : i32
      %dma_start3A_164 = arith.constant 0 : i32
      %dma_start3A_165 = tpu.memref_slice %arg13[%dma_start3A_163, %dma_start3A_164] : memref<10240x128xf32, #tpu.memory_space<vmem_shared>> -> memref<10240x128xf32, #tpu.memory_space<vmem_shared>>
      tpu.enqueue_indirect_dma source(%arg11 : memref<64x128xf32, #tpu.memory_space<vmem>>) target(%dma_start3A_165 : memref<10240x128xf32, #tpu.memory_space<vmem_shared>>) offsets(%dma_start3A_162 : memref<64xi32, #tpu.memory_space<vmem>>) semaphore(%arg20 : memref<!tpu.dma_semaphore, #tpu.memory_space<semaphore_mem>>) {add = true}
      %mul3A_166 = arith.constant 4 : i32
      %mul3A_167 = arith.muli %scan3A_85, %mul3A_166 : i32
      %add3A_168 = arith.constant 3 : i32
      %add3A_169 = arith.addi %mul3A_167, %add3A_168 : i32
      %ge3A_170 = arith.constant 2 : i32
      %ge3A_171 = arith.cmpi sge, %add3A_169, %ge3A_170 : i32
      %convert_element_type3A_172 = arith.extui %ge3A_171 : i1 to i32
      %cond3A_173 = arith.constant 0 : i32
      %cond3A_174 = arith.cmpi ne, %convert_element_type3A_172, %cond3A_173 : i32
      scf.if %cond3A_174 {
        %dma_wait3A_194 = arith.constant 0 : i32
        %dma_wait3A_195 = arith.constant 0 : i32
        %dma_wait3A_196 = tpu.memref_slice %arg13[%dma_wait3A_194, %dma_wait3A_195] : memref<10240x128xf32, #tpu.memory_space<vmem_shared>> -> memref<64x128xf32, #tpu.memory_space<vmem_shared>>
        %dma_wait3A_197 = arith.constant 0 : i32
        %dma_wait3A_198 = arith.constant 0 : i32
        %dma_wait3A_199 = tpu.memref_slice %arg13[%dma_wait3A_197, %dma_wait3A_198] : memref<10240x128xf32, #tpu.memory_space<vmem_shared>> -> memref<64x128xf32, #tpu.memory_space<vmem_shared>>
        tpu.wait_dma2 semaphore(%arg19 : memref<!tpu.dma_semaphore, #tpu.memory_space<semaphore_mem>>) src(%arg10 : memref<64x128xf32, #tpu.memory_space<vmem>>) dst(%dma_wait3A_199 : memref<64x128xf32, #tpu.memory_space<vmem_shared>>)
      } else {
      }
      %add3A_175 = arith.constant 2 : i32
      %add3A_176 = arith.addi %add3A_169, %add3A_175 : i32
      %lt3A_177 = arith.constant 80 : i32
      %lt3A_178 = arith.cmpi slt, %add3A_176, %lt3A_177 : i32
      %convert_element_type3A_179 = arith.extui %lt3A_178 : i1 to i32
      %cond3A_180 = arith.constant 0 : i32
      %cond3A_181 = arith.cmpi ne, %convert_element_type3A_179, %cond3A_180 : i32
      scf.if %cond3A_181 {
        %add3A_194 = arith.constant 2 : i32
        %add3A_195 = arith.addi %add3A_169, %add3A_194 : i32
        %jit3A = arith.constant 2 : i32
        %div3A = arith.divsi %add3A_195, %jit3A : i32
        %sign3A = arith.constant 0 : i32
        %sign3A_196 = arith.cmpi sgt, %add3A_195, %sign3A : i32
        %sign3A_197 = arith.extui %sign3A_196 : i1 to i32
        %sign3A_198 = arith.constant 0 : i32
        %sign3A_199 = arith.cmpi slt, %add3A_195, %sign3A_198 : i32
        %sign3A_200 = arith.extui %sign3A_199 : i1 to i32
        %sign3A_201 = arith.subi %sign3A_197, %sign3A_200 : i32
        %sign3A_202 = arith.constant 0 : i32
        %sign3A_203 = arith.cmpi sgt, %jit3A, %sign3A_202 : i32
        %sign3A_204 = arith.extui %sign3A_203 : i1 to i32
        %sign3A_205 = arith.constant 0 : i32
        %sign3A_206 = arith.cmpi slt, %jit3A, %sign3A_205 : i32
        %sign3A_207 = arith.extui %sign3A_206 : i1 to i32
        %sign3A_208 = arith.subi %sign3A_204, %sign3A_207 : i32
        %ne3A = arith.cmpi ne, %sign3A_201, %sign3A_208 : i32
        %rem3A = arith.remsi %add3A_195, %jit3A : i32
        %ne3A_209 = arith.constant 0 : i32
        %ne3A_210 = arith.cmpi ne, %rem3A, %ne3A_209 : i32
        %and3A = arith.andi %ne3A, %ne3A_210 : i1
        %sub3A = arith.constant 1 : i32
        %sub3A_211 = arith.subi %div3A, %sub3A : i32
        %select_n3A = arith.select %and3A, %sub3A_211, %div3A : i32
        %jit3A_212 = arith.constant 2 : i32
        %eq3A = arith.constant 0 : i32
        %eq3A_213 = arith.cmpi eq, %jit3A_212, %eq3A : i32
        %jit3A_214 = arith.constant 1 : i32
        %select_n3A_215 = arith.select %eq3A_213, %jit3A_214, %jit3A_212 : i32
        %rem3A_216 = arith.remsi %add3A_195, %select_n3A_215 : i32
        %ne3A_217 = arith.constant 0 : i32
        %ne3A_218 = arith.cmpi ne, %rem3A_216, %ne3A_217 : i32
        %lt3A_219 = arith.constant 0 : i32
        %lt3A_220 = arith.cmpi slt, %rem3A_216, %lt3A_219 : i32
        %lt3A_221 = arith.constant 0 : i32
        %lt3A_222 = arith.cmpi slt, %select_n3A_215, %lt3A_221 : i32
        %ne3A_223 = arith.xori %lt3A_220, %lt3A_222 : i1
        %and3A_224 = arith.andi %ne3A_223, %ne3A_218 : i1
        %add3A_225 = arith.addi %rem3A_216, %select_n3A_215 : i32
        %select_n3A_226 = arith.select %and3A_224, %add3A_225, %rem3A_216 : i32
        %mul3A_227 = arith.constant 64 : i32
        %mul3A_228 = arith.muli %select_n3A_226, %mul3A_227 : i32
        %dma_start3A_229 = tpu.memref_slice %arg7[%select_n3A, %mul3A_228] : memref<40x128xi32, #tpu.memory_space<vmem>> -> memref<1x64xi32, #tpu.memory_space<vmem>>
        %dma_start3A_230 = tpu.memref_squeeze %dma_start3A_229 : memref<1x64xi32, #tpu.memory_space<vmem>> -> memref<64xi32, #tpu.memory_space<vmem>>
        %dma_start3A_231 = arith.constant 0 : i32
        %dma_start3A_232 = arith.constant 0 : i32
        %dma_start3A_233 = tpu.memref_slice %arg2[%dma_start3A_231, %dma_start3A_232] : memref<10240x128xf32, #tpu.memory_space<hbm>> -> memref<10240x128xf32, #tpu.memory_space<hbm>>
        tpu.enqueue_indirect_dma source(%dma_start3A_233 : memref<10240x128xf32, #tpu.memory_space<hbm>>) target(%arg10 : memref<64x128xf32, #tpu.memory_space<vmem>>) offsets(%dma_start3A_230 : memref<64xi32, #tpu.memory_space<vmem>>) semaphore(%arg15 : memref<!tpu.dma_semaphore, #tpu.memory_space<semaphore_mem>>)
      } else {
      }
      %dma_wait3A_182 = arith.constant 0 : i32
      %dma_wait3A_183 = arith.constant 0 : i32
      %dma_wait3A_184 = tpu.memref_slice %arg2[%dma_wait3A_182, %dma_wait3A_183] : memref<10240x128xf32, #tpu.memory_space<hbm>> -> memref<64x128xf32, #tpu.memory_space<hbm>>
      %dma_wait3A_185 = arith.constant 0 : i32
      %dma_wait3A_186 = arith.constant 0 : i32
      %dma_wait3A_187 = tpu.memref_slice %arg2[%dma_wait3A_185, %dma_wait3A_186] : memref<10240x128xf32, #tpu.memory_space<hbm>> -> memref<64x128xf32, #tpu.memory_space<hbm>>
      tpu.wait_dma2 semaphore(%arg17 : memref<!tpu.dma_semaphore, #tpu.memory_space<semaphore_mem>>) src(%dma_wait3A_187 : memref<64x128xf32, #tpu.memory_space<hbm>>) dst(%arg12 : memref<64x128xf32, #tpu.memory_space<vmem>>)
      %dma_start3A_188 = arith.constant 0 : i32
      %dma_start3A_189 = tpu.memref_slice %arg8[%add3A_169, %dma_start3A_188] : memref<80x64xi32, #tpu.memory_space<vmem>> -> memref<1x64xi32, #tpu.memory_space<vmem>>
      %dma_start3A_190 = tpu.memref_squeeze %dma_start3A_189 : memref<1x64xi32, #tpu.memory_space<vmem>> -> memref<64xi32, #tpu.memory_space<vmem>>
      %dma_start3A_191 = arith.constant 0 : i32
      %dma_start3A_192 = arith.constant 0 : i32
      %dma_start3A_193 = tpu.memref_slice %arg13[%dma_start3A_191, %dma_start3A_192] : memref<10240x128xf32, #tpu.memory_space<vmem_shared>> -> memref<10240x128xf32, #tpu.memory_space<vmem_shared>>
      tpu.enqueue_indirect_dma source(%arg12 : memref<64x128xf32, #tpu.memory_space<vmem>>) target(%dma_start3A_193 : memref<10240x128xf32, #tpu.memory_space<vmem_shared>>) offsets(%dma_start3A_190 : memref<64xi32, #tpu.memory_space<vmem>>) semaphore(%arg21 : memref<!tpu.dma_semaphore, #tpu.memory_space<semaphore_mem>>) {add = true}
    }
    %scan3A_28 = arith.constant 20 : i32
    %dma_wait3A = arith.constant 0 : i32
    %dma_wait3A_29 = arith.constant 0 : i32
    %dma_wait3A_30 = tpu.memref_slice %arg13[%dma_wait3A, %dma_wait3A_29] : memref<10240x128xf32, #tpu.memory_space<vmem_shared>> -> memref<64x128xf32, #tpu.memory_space<vmem_shared>>
    %dma_wait3A_31 = arith.constant 0 : i32
    %dma_wait3A_32 = arith.constant 0 : i32
    %dma_wait3A_33 = tpu.memref_slice %arg13[%dma_wait3A_31, %dma_wait3A_32] : memref<10240x128xf32, #tpu.memory_space<vmem_shared>> -> memref<64x128xf32, #tpu.memory_space<vmem_shared>>
    tpu.wait_dma2 semaphore(%arg20 : memref<!tpu.dma_semaphore, #tpu.memory_space<semaphore_mem>>) src(%arg11 : memref<64x128xf32, #tpu.memory_space<vmem>>) dst(%dma_wait3A_33 : memref<64x128xf32, #tpu.memory_space<vmem_shared>>)
    %dma_wait3A_34 = arith.constant 0 : i32
    %dma_wait3A_35 = arith.constant 0 : i32
    %dma_wait3A_36 = tpu.memref_slice %arg13[%dma_wait3A_34, %dma_wait3A_35] : memref<10240x128xf32, #tpu.memory_space<vmem_shared>> -> memref<64x128xf32, #tpu.memory_space<vmem_shared>>
    %dma_wait3A_37 = arith.constant 0 : i32
    %dma_wait3A_38 = arith.constant 0 : i32
    %dma_wait3A_39 = tpu.memref_slice %arg13[%dma_wait3A_37, %dma_wait3A_38] : memref<10240x128xf32, #tpu.memory_space<vmem_shared>> -> memref<64x128xf32, #tpu.memory_space<vmem_shared>>
    tpu.wait_dma2 semaphore(%arg21 : memref<!tpu.dma_semaphore, #tpu.memory_space<semaphore_mem>>) src(%arg12 : memref<64x128xf32, #tpu.memory_space<vmem>>) dst(%dma_wait3A_39 : memref<64x128xf32, #tpu.memory_space<vmem_shared>>)
    %mul3A_40 = arith.constant 80 : i32
    %mul3A_41 = arith.muli %add3A, %mul3A_40 : i32
    %add3A_42 = arith.constant 40 : i32
    %add3A_43 = arith.addi %mul3A_41, %add3A_42 : i32
    "tpu.region"() ({
      %run_scoped3A = tpu.sem_alloc : memref<!tpu.dma_semaphore, #tpu.memory_space<semaphore_mem>>
      %dma_start3A_85 = arith.constant 0 : i32
      %dma_start3A_86 = tpu.memref_slice %arg3[%add3A_43, %dma_start3A_85] : memref<2560x128xi32, #tpu.memory_space<hbm>> -> memref<40x128xi32, #tpu.memory_space<hbm>>
      %dma_start3A_87 = arith.constant 0 : i32
      %dma_start3A_88 = tpu.memref_slice %arg3[%add3A_43, %dma_start3A_87] : memref<2560x128xi32, #tpu.memory_space<hbm>> -> memref<40x128xi32, #tpu.memory_space<hbm>>
      tpu.enqueue_dma source(%dma_start3A_88 : memref<40x128xi32, #tpu.memory_space<hbm>>) target(%arg7 : memref<40x128xi32, #tpu.memory_space<vmem>>) target_semaphore(%run_scoped3A : memref<!tpu.dma_semaphore, #tpu.memory_space<semaphore_mem>>)
      %dma_wait3A_89 = arith.constant 0 : i32
      %dma_wait3A_90 = tpu.memref_slice %arg3[%add3A_43, %dma_wait3A_89] : memref<2560x128xi32, #tpu.memory_space<hbm>> -> memref<40x128xi32, #tpu.memory_space<hbm>>
      %dma_wait3A_91 = arith.constant 0 : i32
      %dma_wait3A_92 = tpu.memref_slice %arg3[%add3A_43, %dma_wait3A_91] : memref<2560x128xi32, #tpu.memory_space<hbm>> -> memref<40x128xi32, #tpu.memory_space<hbm>>
      tpu.wait_dma2 semaphore(%run_scoped3A : memref<!tpu.dma_semaphore, #tpu.memory_space<semaphore_mem>>) src(%dma_wait3A_92 : memref<40x128xi32, #tpu.memory_space<hbm>>) dst(%arg7 : memref<40x128xi32, #tpu.memory_space<vmem>>)
      tpu.yield
    }) : () -> ()
    %mul3A_44 = arith.constant 160 : i32
    %mul3A_45 = arith.muli %add3A, %mul3A_44 : i32
    %add3A_46 = arith.constant 80 : i32
    %add3A_47 = arith.addi %mul3A_45, %add3A_46 : i32
    "tpu.region"() ({
      %run_scoped3A = tpu.sem_alloc : memref<!tpu.dma_semaphore, #tpu.memory_space<semaphore_mem>>
      %dma_start3A_85 = arith.constant 0 : i32
      %dma_start3A_86 = tpu.memref_slice %arg4[%add3A_47, %dma_start3A_85] : memref<5120x64xi32, #tpu.memory_space<hbm>> -> memref<80x64xi32, #tpu.memory_space<hbm>>
      %dma_start3A_87 = arith.constant 0 : i32
      %dma_start3A_88 = tpu.memref_slice %arg4[%add3A_47, %dma_start3A_87] : memref<5120x64xi32, #tpu.memory_space<hbm>> -> memref<80x64xi32, #tpu.memory_space<hbm>>
      tpu.enqueue_dma source(%dma_start3A_88 : memref<80x64xi32, #tpu.memory_space<hbm>>) target(%arg8 : memref<80x64xi32, #tpu.memory_space<vmem>>) target_semaphore(%run_scoped3A : memref<!tpu.dma_semaphore, #tpu.memory_space<semaphore_mem>>)
      %dma_wait3A_89 = arith.constant 0 : i32
      %dma_wait3A_90 = tpu.memref_slice %arg4[%add3A_47, %dma_wait3A_89] : memref<5120x64xi32, #tpu.memory_space<hbm>> -> memref<80x64xi32, #tpu.memory_space<hbm>>
      %dma_wait3A_91 = arith.constant 0 : i32
      %dma_wait3A_92 = tpu.memref_slice %arg4[%add3A_47, %dma_wait3A_91] : memref<5120x64xi32, #tpu.memory_space<hbm>> -> memref<80x64xi32, #tpu.memory_space<hbm>>
      tpu.wait_dma2 semaphore(%run_scoped3A : memref<!tpu.dma_semaphore, #tpu.memory_space<semaphore_mem>>) src(%dma_wait3A_92 : memref<80x64xi32, #tpu.memory_space<hbm>>) dst(%arg8 : memref<80x64xi32, #tpu.memory_space<vmem>>)
      tpu.yield
    }) : () -> ()
    %dma_start3A_48 = arith.constant 0 : i32
    %dma_start3A_49 = arith.constant 0 : i32
    %dma_start3A_50 = tpu.memref_slice %arg7[%dma_start3A_48, %dma_start3A_49] : memref<40x128xi32, #tpu.memory_space<vmem>> -> memref<1x64xi32, #tpu.memory_space<vmem>>
    %dma_start3A_51 = tpu.memref_squeeze %dma_start3A_50 : memref<1x64xi32, #tpu.memory_space<vmem>> -> memref<64xi32, #tpu.memory_space<vmem>>
    %dma_start3A_52 = arith.constant 0 : i32
    %dma_start3A_53 = arith.constant 0 : i32
    %dma_start3A_54 = tpu.memref_slice %arg2[%dma_start3A_52, %dma_start3A_53] : memref<10240x128xf32, #tpu.memory_space<hbm>> -> memref<10240x128xf32, #tpu.memory_space<hbm>>
    tpu.enqueue_indirect_dma source(%dma_start3A_54 : memref<10240x128xf32, #tpu.memory_space<hbm>>) target(%arg9 : memref<64x128xf32, #tpu.memory_space<vmem>>) offsets(%dma_start3A_51 : memref<64xi32, #tpu.memory_space<vmem>>) semaphore(%arg14 : memref<!tpu.dma_semaphore, #tpu.memory_space<semaphore_mem>>)
    %dma_start3A_55 = arith.constant 0 : i32
    %dma_start3A_56 = arith.constant 64 : i32
    %dma_start3A_57 = tpu.memref_slice %arg7[%dma_start3A_55, %dma_start3A_56] : memref<40x128xi32, #tpu.memory_space<vmem>> -> memref<1x64xi32, #tpu.memory_space<vmem>>
    %dma_start3A_58 = tpu.memref_squeeze %dma_start3A_57 : memref<1x64xi32, #tpu.memory_space<vmem>> -> memref<64xi32, #tpu.memory_space<vmem>>
    %dma_start3A_59 = arith.constant 0 : i32
    %dma_start3A_60 = arith.constant 0 : i32
    %dma_start3A_61 = tpu.memref_slice %arg2[%dma_start3A_59, %dma_start3A_60] : memref<10240x128xf32, #tpu.memory_space<hbm>> -> memref<10240x128xf32, #tpu.memory_space<hbm>>
    tpu.enqueue_indirect_dma source(%dma_start3A_61 : memref<10240x128xf32, #tpu.memory_space<hbm>>) target(%arg10 : memref<64x128xf32, #tpu.memory_space<vmem>>) offsets(%dma_start3A_58 : memref<64xi32, #tpu.memory_space<vmem>>) semaphore(%arg15 : memref<!tpu.dma_semaphore, #tpu.memory_space<semaphore_mem>>)
    %scan3A_62 = arith.constant 0 : i32
    %scan3A_63 = arith.constant 0 : i32
    %scan3A_64 = arith.constant 20 : i32
    %scan3A_65 = arith.addi %scan3A_63, %scan3A_64 : i32
    %scan3A_66 = arith.constant 1 : i32
    scf.for %scan3A_85 = %scan3A_63 to %scan3A_65 step %scan3A_66  : i32 {
      %mul3A_86 = arith.constant 4 : i32
      %mul3A_87 = arith.muli %scan3A_85, %mul3A_86 : i32
      %add3A_88 = arith.constant 0 : i32
      %add3A_89 = arith.addi %mul3A_87, %add3A_88 : i32
      %ge3A = arith.constant 2 : i32
      %ge3A_90 = arith.cmpi sge, %add3A_89, %ge3A : i32
      %convert_element_type3A = arith.extui %ge3A_90 : i1 to i32
      %cond3A = arith.constant 0 : i32
      %cond3A_91 = arith.cmpi ne, %convert_element_type3A, %cond3A : i32
      scf.if %cond3A_91 {
        %dma_wait3A_194 = arith.constant 0 : i32
        %dma_wait3A_195 = arith.constant 0 : i32
        %dma_wait3A_196 = tpu.memref_slice %arg13[%dma_wait3A_194, %dma_wait3A_195] : memref<10240x128xf32, #tpu.memory_space<vmem_shared>> -> memref<64x128xf32, #tpu.memory_space<vmem_shared>>
        %dma_wait3A_197 = arith.constant 0 : i32
        %dma_wait3A_198 = arith.constant 0 : i32
        %dma_wait3A_199 = tpu.memref_slice %arg13[%dma_wait3A_197, %dma_wait3A_198] : memref<10240x128xf32, #tpu.memory_space<vmem_shared>> -> memref<64x128xf32, #tpu.memory_space<vmem_shared>>
        tpu.wait_dma2 semaphore(%arg20 : memref<!tpu.dma_semaphore, #tpu.memory_space<semaphore_mem>>) src(%arg11 : memref<64x128xf32, #tpu.memory_space<vmem>>) dst(%dma_wait3A_199 : memref<64x128xf32, #tpu.memory_space<vmem_shared>>)
      } else {
      }
      %add3A_92 = arith.constant 2 : i32
      %add3A_93 = arith.addi %add3A_89, %add3A_92 : i32
      %lt3A = arith.constant 80 : i32
      %lt3A_94 = arith.cmpi slt, %add3A_93, %lt3A : i32
      %convert_element_type3A_95 = arith.extui %lt3A_94 : i1 to i32
      %cond3A_96 = arith.constant 0 : i32
      %cond3A_97 = arith.cmpi ne, %convert_element_type3A_95, %cond3A_96 : i32
      scf.if %cond3A_97 {
        %add3A_194 = arith.constant 2 : i32
        %add3A_195 = arith.addi %add3A_89, %add3A_194 : i32
        %jit3A = arith.constant 2 : i32
        %div3A = arith.divsi %add3A_195, %jit3A : i32
        %sign3A = arith.constant 0 : i32
        %sign3A_196 = arith.cmpi sgt, %add3A_195, %sign3A : i32
        %sign3A_197 = arith.extui %sign3A_196 : i1 to i32
        %sign3A_198 = arith.constant 0 : i32
        %sign3A_199 = arith.cmpi slt, %add3A_195, %sign3A_198 : i32
        %sign3A_200 = arith.extui %sign3A_199 : i1 to i32
        %sign3A_201 = arith.subi %sign3A_197, %sign3A_200 : i32
        %sign3A_202 = arith.constant 0 : i32
        %sign3A_203 = arith.cmpi sgt, %jit3A, %sign3A_202 : i32
        %sign3A_204 = arith.extui %sign3A_203 : i1 to i32
        %sign3A_205 = arith.constant 0 : i32
        %sign3A_206 = arith.cmpi slt, %jit3A, %sign3A_205 : i32
        %sign3A_207 = arith.extui %sign3A_206 : i1 to i32
        %sign3A_208 = arith.subi %sign3A_204, %sign3A_207 : i32
        %ne3A = arith.cmpi ne, %sign3A_201, %sign3A_208 : i32
        %rem3A = arith.remsi %add3A_195, %jit3A : i32
        %ne3A_209 = arith.constant 0 : i32
        %ne3A_210 = arith.cmpi ne, %rem3A, %ne3A_209 : i32
        %and3A = arith.andi %ne3A, %ne3A_210 : i1
        %sub3A = arith.constant 1 : i32
        %sub3A_211 = arith.subi %div3A, %sub3A : i32
        %select_n3A = arith.select %and3A, %sub3A_211, %div3A : i32
        %jit3A_212 = arith.constant 2 : i32
        %eq3A = arith.constant 0 : i32
        %eq3A_213 = arith.cmpi eq, %jit3A_212, %eq3A : i32
        %jit3A_214 = arith.constant 1 : i32
        %select_n3A_215 = arith.select %eq3A_213, %jit3A_214, %jit3A_212 : i32
        %rem3A_216 = arith.remsi %add3A_195, %select_n3A_215 : i32
        %ne3A_217 = arith.constant 0 : i32
        %ne3A_218 = arith.cmpi ne, %rem3A_216, %ne3A_217 : i32
        %lt3A_219 = arith.constant 0 : i32
        %lt3A_220 = arith.cmpi slt, %rem3A_216, %lt3A_219 : i32
        %lt3A_221 = arith.constant 0 : i32
        %lt3A_222 = arith.cmpi slt, %select_n3A_215, %lt3A_221 : i32
        %ne3A_223 = arith.xori %lt3A_220, %lt3A_222 : i1
        %and3A_224 = arith.andi %ne3A_223, %ne3A_218 : i1
        %add3A_225 = arith.addi %rem3A_216, %select_n3A_215 : i32
        %select_n3A_226 = arith.select %and3A_224, %add3A_225, %rem3A_216 : i32
        %mul3A_227 = arith.constant 64 : i32
        %mul3A_228 = arith.muli %select_n3A_226, %mul3A_227 : i32
        %dma_start3A_229 = tpu.memref_slice %arg7[%select_n3A, %mul3A_228] : memref<40x128xi32, #tpu.memory_space<vmem>> -> memref<1x64xi32, #tpu.memory_space<vmem>>
        %dma_start3A_230 = tpu.memref_squeeze %dma_start3A_229 : memref<1x64xi32, #tpu.memory_space<vmem>> -> memref<64xi32, #tpu.memory_space<vmem>>
        %dma_start3A_231 = arith.constant 0 : i32
        %dma_start3A_232 = arith.constant 0 : i32
        %dma_start3A_233 = tpu.memref_slice %arg2[%dma_start3A_231, %dma_start3A_232] : memref<10240x128xf32, #tpu.memory_space<hbm>> -> memref<10240x128xf32, #tpu.memory_space<hbm>>
        tpu.enqueue_indirect_dma source(%dma_start3A_233 : memref<10240x128xf32, #tpu.memory_space<hbm>>) target(%arg11 : memref<64x128xf32, #tpu.memory_space<vmem>>) offsets(%dma_start3A_230 : memref<64xi32, #tpu.memory_space<vmem>>) semaphore(%arg16 : memref<!tpu.dma_semaphore, #tpu.memory_space<semaphore_mem>>)
      } else {
      }
      %dma_wait3A_98 = arith.constant 0 : i32
      %dma_wait3A_99 = arith.constant 0 : i32
      %dma_wait3A_100 = tpu.memref_slice %arg2[%dma_wait3A_98, %dma_wait3A_99] : memref<10240x128xf32, #tpu.memory_space<hbm>> -> memref<64x128xf32, #tpu.memory_space<hbm>>
      %dma_wait3A_101 = arith.constant 0 : i32
      %dma_wait3A_102 = arith.constant 0 : i32
      %dma_wait3A_103 = tpu.memref_slice %arg2[%dma_wait3A_101, %dma_wait3A_102] : memref<10240x128xf32, #tpu.memory_space<hbm>> -> memref<64x128xf32, #tpu.memory_space<hbm>>
      tpu.wait_dma2 semaphore(%arg14 : memref<!tpu.dma_semaphore, #tpu.memory_space<semaphore_mem>>) src(%dma_wait3A_103 : memref<64x128xf32, #tpu.memory_space<hbm>>) dst(%arg9 : memref<64x128xf32, #tpu.memory_space<vmem>>)
      %dma_start3A_104 = arith.constant 0 : i32
      %dma_start3A_105 = tpu.memref_slice %arg8[%add3A_89, %dma_start3A_104] : memref<80x64xi32, #tpu.memory_space<vmem>> -> memref<1x64xi32, #tpu.memory_space<vmem>>
      %dma_start3A_106 = tpu.memref_squeeze %dma_start3A_105 : memref<1x64xi32, #tpu.memory_space<vmem>> -> memref<64xi32, #tpu.memory_space<vmem>>
      %dma_start3A_107 = arith.constant 0 : i32
      %dma_start3A_108 = arith.constant 0 : i32
      %dma_start3A_109 = tpu.memref_slice %arg13[%dma_start3A_107, %dma_start3A_108] : memref<10240x128xf32, #tpu.memory_space<vmem_shared>> -> memref<10240x128xf32, #tpu.memory_space<vmem_shared>>
      tpu.enqueue_indirect_dma source(%arg9 : memref<64x128xf32, #tpu.memory_space<vmem>>) target(%dma_start3A_109 : memref<10240x128xf32, #tpu.memory_space<vmem_shared>>) offsets(%dma_start3A_106 : memref<64xi32, #tpu.memory_space<vmem>>) semaphore(%arg18 : memref<!tpu.dma_semaphore, #tpu.memory_space<semaphore_mem>>) {add = true}
      %mul3A_110 = arith.constant 4 : i32
      %mul3A_111 = arith.muli %scan3A_85, %mul3A_110 : i32
      %add3A_112 = arith.constant 1 : i32
      %add3A_113 = arith.addi %mul3A_111, %add3A_112 : i32
      %ge3A_114 = arith.constant 2 : i32
      %ge3A_115 = arith.cmpi sge, %add3A_113, %ge3A_114 : i32
      %convert_element_type3A_116 = arith.extui %ge3A_115 : i1 to i32
      %cond3A_117 = arith.constant 0 : i32
      %cond3A_118 = arith.cmpi ne, %convert_element_type3A_116, %cond3A_117 : i32
      scf.if %cond3A_118 {
        %dma_wait3A_194 = arith.constant 0 : i32
        %dma_wait3A_195 = arith.constant 0 : i32
        %dma_wait3A_196 = tpu.memref_slice %arg13[%dma_wait3A_194, %dma_wait3A_195] : memref<10240x128xf32, #tpu.memory_space<vmem_shared>> -> memref<64x128xf32, #tpu.memory_space<vmem_shared>>
        %dma_wait3A_197 = arith.constant 0 : i32
        %dma_wait3A_198 = arith.constant 0 : i32
        %dma_wait3A_199 = tpu.memref_slice %arg13[%dma_wait3A_197, %dma_wait3A_198] : memref<10240x128xf32, #tpu.memory_space<vmem_shared>> -> memref<64x128xf32, #tpu.memory_space<vmem_shared>>
        tpu.wait_dma2 semaphore(%arg21 : memref<!tpu.dma_semaphore, #tpu.memory_space<semaphore_mem>>) src(%arg12 : memref<64x128xf32, #tpu.memory_space<vmem>>) dst(%dma_wait3A_199 : memref<64x128xf32, #tpu.memory_space<vmem_shared>>)
      } else {
      }
      %add3A_119 = arith.constant 2 : i32
      %add3A_120 = arith.addi %add3A_113, %add3A_119 : i32
      %lt3A_121 = arith.constant 80 : i32
      %lt3A_122 = arith.cmpi slt, %add3A_120, %lt3A_121 : i32
      %convert_element_type3A_123 = arith.extui %lt3A_122 : i1 to i32
      %cond3A_124 = arith.constant 0 : i32
      %cond3A_125 = arith.cmpi ne, %convert_element_type3A_123, %cond3A_124 : i32
      scf.if %cond3A_125 {
        %add3A_194 = arith.constant 2 : i32
        %add3A_195 = arith.addi %add3A_113, %add3A_194 : i32
        %jit3A = arith.constant 2 : i32
        %div3A = arith.divsi %add3A_195, %jit3A : i32
        %sign3A = arith.constant 0 : i32
        %sign3A_196 = arith.cmpi sgt, %add3A_195, %sign3A : i32
        %sign3A_197 = arith.extui %sign3A_196 : i1 to i32
        %sign3A_198 = arith.constant 0 : i32
        %sign3A_199 = arith.cmpi slt, %add3A_195, %sign3A_198 : i32
        %sign3A_200 = arith.extui %sign3A_199 : i1 to i32
        %sign3A_201 = arith.subi %sign3A_197, %sign3A_200 : i32
        %sign3A_202 = arith.constant 0 : i32
        %sign3A_203 = arith.cmpi sgt, %jit3A, %sign3A_202 : i32
        %sign3A_204 = arith.extui %sign3A_203 : i1 to i32
        %sign3A_205 = arith.constant 0 : i32
        %sign3A_206 = arith.cmpi slt, %jit3A, %sign3A_205 : i32
        %sign3A_207 = arith.extui %sign3A_206 : i1 to i32
        %sign3A_208 = arith.subi %sign3A_204, %sign3A_207 : i32
        %ne3A = arith.cmpi ne, %sign3A_201, %sign3A_208 : i32
        %rem3A = arith.remsi %add3A_195, %jit3A : i32
        %ne3A_209 = arith.constant 0 : i32
        %ne3A_210 = arith.cmpi ne, %rem3A, %ne3A_209 : i32
        %and3A = arith.andi %ne3A, %ne3A_210 : i1
        %sub3A = arith.constant 1 : i32
        %sub3A_211 = arith.subi %div3A, %sub3A : i32
        %select_n3A = arith.select %and3A, %sub3A_211, %div3A : i32
        %jit3A_212 = arith.constant 2 : i32
        %eq3A = arith.constant 0 : i32
        %eq3A_213 = arith.cmpi eq, %jit3A_212, %eq3A : i32
        %jit3A_214 = arith.constant 1 : i32
        %select_n3A_215 = arith.select %eq3A_213, %jit3A_214, %jit3A_212 : i32
        %rem3A_216 = arith.remsi %add3A_195, %select_n3A_215 : i32
        %ne3A_217 = arith.constant 0 : i32
        %ne3A_218 = arith.cmpi ne, %rem3A_216, %ne3A_217 : i32
        %lt3A_219 = arith.constant 0 : i32
        %lt3A_220 = arith.cmpi slt, %rem3A_216, %lt3A_219 : i32
        %lt3A_221 = arith.constant 0 : i32
        %lt3A_222 = arith.cmpi slt, %select_n3A_215, %lt3A_221 : i32
        %ne3A_223 = arith.xori %lt3A_220, %lt3A_222 : i1
        %and3A_224 = arith.andi %ne3A_223, %ne3A_218 : i1
        %add3A_225 = arith.addi %rem3A_216, %select_n3A_215 : i32
        %select_n3A_226 = arith.select %and3A_224, %add3A_225, %rem3A_216 : i32
        %mul3A_227 = arith.constant 64 : i32
        %mul3A_228 = arith.muli %select_n3A_226, %mul3A_227 : i32
        %dma_start3A_229 = tpu.memref_slice %arg7[%select_n3A, %mul3A_228] : memref<40x128xi32, #tpu.memory_space<vmem>> -> memref<1x64xi32, #tpu.memory_space<vmem>>
        %dma_start3A_230 = tpu.memref_squeeze %dma_start3A_229 : memref<1x64xi32, #tpu.memory_space<vmem>> -> memref<64xi32, #tpu.memory_space<vmem>>
        %dma_start3A_231 = arith.constant 0 : i32
        %dma_start3A_232 = arith.constant 0 : i32
        %dma_start3A_233 = tpu.memref_slice %arg2[%dma_start3A_231, %dma_start3A_232] : memref<10240x128xf32, #tpu.memory_space<hbm>> -> memref<10240x128xf32, #tpu.memory_space<hbm>>
        tpu.enqueue_indirect_dma source(%dma_start3A_233 : memref<10240x128xf32, #tpu.memory_space<hbm>>) target(%arg12 : memref<64x128xf32, #tpu.memory_space<vmem>>) offsets(%dma_start3A_230 : memref<64xi32, #tpu.memory_space<vmem>>) semaphore(%arg17 : memref<!tpu.dma_semaphore, #tpu.memory_space<semaphore_mem>>)
      } else {
      }
      %dma_wait3A_126 = arith.constant 0 : i32
      %dma_wait3A_127 = arith.constant 0 : i32
      %dma_wait3A_128 = tpu.memref_slice %arg2[%dma_wait3A_126, %dma_wait3A_127] : memref<10240x128xf32, #tpu.memory_space<hbm>> -> memref<64x128xf32, #tpu.memory_space<hbm>>
      %dma_wait3A_129 = arith.constant 0 : i32
      %dma_wait3A_130 = arith.constant 0 : i32
      %dma_wait3A_131 = tpu.memref_slice %arg2[%dma_wait3A_129, %dma_wait3A_130] : memref<10240x128xf32, #tpu.memory_space<hbm>> -> memref<64x128xf32, #tpu.memory_space<hbm>>
      tpu.wait_dma2 semaphore(%arg15 : memref<!tpu.dma_semaphore, #tpu.memory_space<semaphore_mem>>) src(%dma_wait3A_131 : memref<64x128xf32, #tpu.memory_space<hbm>>) dst(%arg10 : memref<64x128xf32, #tpu.memory_space<vmem>>)
      %dma_start3A_132 = arith.constant 0 : i32
      %dma_start3A_133 = tpu.memref_slice %arg8[%add3A_113, %dma_start3A_132] : memref<80x64xi32, #tpu.memory_space<vmem>> -> memref<1x64xi32, #tpu.memory_space<vmem>>
      %dma_start3A_134 = tpu.memref_squeeze %dma_start3A_133 : memref<1x64xi32, #tpu.memory_space<vmem>> -> memref<64xi32, #tpu.memory_space<vmem>>
      %dma_start3A_135 = arith.constant 0 : i32
      %dma_start3A_136 = arith.constant 0 : i32
      %dma_start3A_137 = tpu.memref_slice %arg13[%dma_start3A_135, %dma_start3A_136] : memref<10240x128xf32, #tpu.memory_space<vmem_shared>> -> memref<10240x128xf32, #tpu.memory_space<vmem_shared>>
      tpu.enqueue_indirect_dma source(%arg10 : memref<64x128xf32, #tpu.memory_space<vmem>>) target(%dma_start3A_137 : memref<10240x128xf32, #tpu.memory_space<vmem_shared>>) offsets(%dma_start3A_134 : memref<64xi32, #tpu.memory_space<vmem>>) semaphore(%arg19 : memref<!tpu.dma_semaphore, #tpu.memory_space<semaphore_mem>>) {add = true}
      %mul3A_138 = arith.constant 4 : i32
      %mul3A_139 = arith.muli %scan3A_85, %mul3A_138 : i32
      %add3A_140 = arith.constant 2 : i32
      %add3A_141 = arith.addi %mul3A_139, %add3A_140 : i32
      %ge3A_142 = arith.constant 2 : i32
      %ge3A_143 = arith.cmpi sge, %add3A_141, %ge3A_142 : i32
      %convert_element_type3A_144 = arith.extui %ge3A_143 : i1 to i32
      %cond3A_145 = arith.constant 0 : i32
      %cond3A_146 = arith.cmpi ne, %convert_element_type3A_144, %cond3A_145 : i32
      scf.if %cond3A_146 {
        %dma_wait3A_194 = arith.constant 0 : i32
        %dma_wait3A_195 = arith.constant 0 : i32
        %dma_wait3A_196 = tpu.memref_slice %arg13[%dma_wait3A_194, %dma_wait3A_195] : memref<10240x128xf32, #tpu.memory_space<vmem_shared>> -> memref<64x128xf32, #tpu.memory_space<vmem_shared>>
        %dma_wait3A_197 = arith.constant 0 : i32
        %dma_wait3A_198 = arith.constant 0 : i32
        %dma_wait3A_199 = tpu.memref_slice %arg13[%dma_wait3A_197, %dma_wait3A_198] : memref<10240x128xf32, #tpu.memory_space<vmem_shared>> -> memref<64x128xf32, #tpu.memory_space<vmem_shared>>
        tpu.wait_dma2 semaphore(%arg18 : memref<!tpu.dma_semaphore, #tpu.memory_space<semaphore_mem>>) src(%arg9 : memref<64x128xf32, #tpu.memory_space<vmem>>) dst(%dma_wait3A_199 : memref<64x128xf32, #tpu.memory_space<vmem_shared>>)
      } else {
      }
      %add3A_147 = arith.constant 2 : i32
      %add3A_148 = arith.addi %add3A_141, %add3A_147 : i32
      %lt3A_149 = arith.constant 80 : i32
      %lt3A_150 = arith.cmpi slt, %add3A_148, %lt3A_149 : i32
      %convert_element_type3A_151 = arith.extui %lt3A_150 : i1 to i32
      %cond3A_152 = arith.constant 0 : i32
      %cond3A_153 = arith.cmpi ne, %convert_element_type3A_151, %cond3A_152 : i32
      scf.if %cond3A_153 {
        %add3A_194 = arith.constant 2 : i32
        %add3A_195 = arith.addi %add3A_141, %add3A_194 : i32
        %jit3A = arith.constant 2 : i32
        %div3A = arith.divsi %add3A_195, %jit3A : i32
        %sign3A = arith.constant 0 : i32
        %sign3A_196 = arith.cmpi sgt, %add3A_195, %sign3A : i32
        %sign3A_197 = arith.extui %sign3A_196 : i1 to i32
        %sign3A_198 = arith.constant 0 : i32
        %sign3A_199 = arith.cmpi slt, %add3A_195, %sign3A_198 : i32
        %sign3A_200 = arith.extui %sign3A_199 : i1 to i32
        %sign3A_201 = arith.subi %sign3A_197, %sign3A_200 : i32
        %sign3A_202 = arith.constant 0 : i32
        %sign3A_203 = arith.cmpi sgt, %jit3A, %sign3A_202 : i32
        %sign3A_204 = arith.extui %sign3A_203 : i1 to i32
        %sign3A_205 = arith.constant 0 : i32
        %sign3A_206 = arith.cmpi slt, %jit3A, %sign3A_205 : i32
        %sign3A_207 = arith.extui %sign3A_206 : i1 to i32
        %sign3A_208 = arith.subi %sign3A_204, %sign3A_207 : i32
        %ne3A = arith.cmpi ne, %sign3A_201, %sign3A_208 : i32
        %rem3A = arith.remsi %add3A_195, %jit3A : i32
        %ne3A_209 = arith.constant 0 : i32
        %ne3A_210 = arith.cmpi ne, %rem3A, %ne3A_209 : i32
        %and3A = arith.andi %ne3A, %ne3A_210 : i1
        %sub3A = arith.constant 1 : i32
        %sub3A_211 = arith.subi %div3A, %sub3A : i32
        %select_n3A = arith.select %and3A, %sub3A_211, %div3A : i32
        %jit3A_212 = arith.constant 2 : i32
        %eq3A = arith.constant 0 : i32
        %eq3A_213 = arith.cmpi eq, %jit3A_212, %eq3A : i32
        %jit3A_214 = arith.constant 1 : i32
        %select_n3A_215 = arith.select %eq3A_213, %jit3A_214, %jit3A_212 : i32
        %rem3A_216 = arith.remsi %add3A_195, %select_n3A_215 : i32
        %ne3A_217 = arith.constant 0 : i32
        %ne3A_218 = arith.cmpi ne, %rem3A_216, %ne3A_217 : i32
        %lt3A_219 = arith.constant 0 : i32
        %lt3A_220 = arith.cmpi slt, %rem3A_216, %lt3A_219 : i32
        %lt3A_221 = arith.constant 0 : i32
        %lt3A_222 = arith.cmpi slt, %select_n3A_215, %lt3A_221 : i32
        %ne3A_223 = arith.xori %lt3A_220, %lt3A_222 : i1
        %and3A_224 = arith.andi %ne3A_223, %ne3A_218 : i1
        %add3A_225 = arith.addi %rem3A_216, %select_n3A_215 : i32
        %select_n3A_226 = arith.select %and3A_224, %add3A_225, %rem3A_216 : i32
        %mul3A_227 = arith.constant 64 : i32
        %mul3A_228 = arith.muli %select_n3A_226, %mul3A_227 : i32
        %dma_start3A_229 = tpu.memref_slice %arg7[%select_n3A, %mul3A_228] : memref<40x128xi32, #tpu.memory_space<vmem>> -> memref<1x64xi32, #tpu.memory_space<vmem>>
        %dma_start3A_230 = tpu.memref_squeeze %dma_start3A_229 : memref<1x64xi32, #tpu.memory_space<vmem>> -> memref<64xi32, #tpu.memory_space<vmem>>
        %dma_start3A_231 = arith.constant 0 : i32
        %dma_start3A_232 = arith.constant 0 : i32
        %dma_start3A_233 = tpu.memref_slice %arg2[%dma_start3A_231, %dma_start3A_232] : memref<10240x128xf32, #tpu.memory_space<hbm>> -> memref<10240x128xf32, #tpu.memory_space<hbm>>
        tpu.enqueue_indirect_dma source(%dma_start3A_233 : memref<10240x128xf32, #tpu.memory_space<hbm>>) target(%arg9 : memref<64x128xf32, #tpu.memory_space<vmem>>) offsets(%dma_start3A_230 : memref<64xi32, #tpu.memory_space<vmem>>) semaphore(%arg14 : memref<!tpu.dma_semaphore, #tpu.memory_space<semaphore_mem>>)
      } else {
      }
      %dma_wait3A_154 = arith.constant 0 : i32
      %dma_wait3A_155 = arith.constant 0 : i32
      %dma_wait3A_156 = tpu.memref_slice %arg2[%dma_wait3A_154, %dma_wait3A_155] : memref<10240x128xf32, #tpu.memory_space<hbm>> -> memref<64x128xf32, #tpu.memory_space<hbm>>
      %dma_wait3A_157 = arith.constant 0 : i32
      %dma_wait3A_158 = arith.constant 0 : i32
      %dma_wait3A_159 = tpu.memref_slice %arg2[%dma_wait3A_157, %dma_wait3A_158] : memref<10240x128xf32, #tpu.memory_space<hbm>> -> memref<64x128xf32, #tpu.memory_space<hbm>>
      tpu.wait_dma2 semaphore(%arg16 : memref<!tpu.dma_semaphore, #tpu.memory_space<semaphore_mem>>) src(%dma_wait3A_159 : memref<64x128xf32, #tpu.memory_space<hbm>>) dst(%arg11 : memref<64x128xf32, #tpu.memory_space<vmem>>)
      %dma_start3A_160 = arith.constant 0 : i32
      %dma_start3A_161 = tpu.memref_slice %arg8[%add3A_141, %dma_start3A_160] : memref<80x64xi32, #tpu.memory_space<vmem>> -> memref<1x64xi32, #tpu.memory_space<vmem>>
      %dma_start3A_162 = tpu.memref_squeeze %dma_start3A_161 : memref<1x64xi32, #tpu.memory_space<vmem>> -> memref<64xi32, #tpu.memory_space<vmem>>
      %dma_start3A_163 = arith.constant 0 : i32
      %dma_start3A_164 = arith.constant 0 : i32
      %dma_start3A_165 = tpu.memref_slice %arg13[%dma_start3A_163, %dma_start3A_164] : memref<10240x128xf32, #tpu.memory_space<vmem_shared>> -> memref<10240x128xf32, #tpu.memory_space<vmem_shared>>
      tpu.enqueue_indirect_dma source(%arg11 : memref<64x128xf32, #tpu.memory_space<vmem>>) target(%dma_start3A_165 : memref<10240x128xf32, #tpu.memory_space<vmem_shared>>) offsets(%dma_start3A_162 : memref<64xi32, #tpu.memory_space<vmem>>) semaphore(%arg20 : memref<!tpu.dma_semaphore, #tpu.memory_space<semaphore_mem>>) {add = true}
      %mul3A_166 = arith.constant 4 : i32
      %mul3A_167 = arith.muli %scan3A_85, %mul3A_166 : i32
      %add3A_168 = arith.constant 3 : i32
      %add3A_169 = arith.addi %mul3A_167, %add3A_168 : i32
      %ge3A_170 = arith.constant 2 : i32
      %ge3A_171 = arith.cmpi sge, %add3A_169, %ge3A_170 : i32
      %convert_element_type3A_172 = arith.extui %ge3A_171 : i1 to i32
      %cond3A_173 = arith.constant 0 : i32
      %cond3A_174 = arith.cmpi ne, %convert_element_type3A_172, %cond3A_173 : i32
      scf.if %cond3A_174 {
        %dma_wait3A_194 = arith.constant 0 : i32
        %dma_wait3A_195 = arith.constant 0 : i32
        %dma_wait3A_196 = tpu.memref_slice %arg13[%dma_wait3A_194, %dma_wait3A_195] : memref<10240x128xf32, #tpu.memory_space<vmem_shared>> -> memref<64x128xf32, #tpu.memory_space<vmem_shared>>
        %dma_wait3A_197 = arith.constant 0 : i32
        %dma_wait3A_198 = arith.constant 0 : i32
        %dma_wait3A_199 = tpu.memref_slice %arg13[%dma_wait3A_197, %dma_wait3A_198] : memref<10240x128xf32, #tpu.memory_space<vmem_shared>> -> memref<64x128xf32, #tpu.memory_space<vmem_shared>>
        tpu.wait_dma2 semaphore(%arg19 : memref<!tpu.dma_semaphore, #tpu.memory_space<semaphore_mem>>) src(%arg10 : memref<64x128xf32, #tpu.memory_space<vmem>>) dst(%dma_wait3A_199 : memref<64x128xf32, #tpu.memory_space<vmem_shared>>)
      } else {
      }
      %add3A_175 = arith.constant 2 : i32
      %add3A_176 = arith.addi %add3A_169, %add3A_175 : i32
      %lt3A_177 = arith.constant 80 : i32
      %lt3A_178 = arith.cmpi slt, %add3A_176, %lt3A_177 : i32
      %convert_element_type3A_179 = arith.extui %lt3A_178 : i1 to i32
      %cond3A_180 = arith.constant 0 : i32
      %cond3A_181 = arith.cmpi ne, %convert_element_type3A_179, %cond3A_180 : i32
      scf.if %cond3A_181 {
        %add3A_194 = arith.constant 2 : i32
        %add3A_195 = arith.addi %add3A_169, %add3A_194 : i32
        %jit3A = arith.constant 2 : i32
        %div3A = arith.divsi %add3A_195, %jit3A : i32
        %sign3A = arith.constant 0 : i32
        %sign3A_196 = arith.cmpi sgt, %add3A_195, %sign3A : i32
        %sign3A_197 = arith.extui %sign3A_196 : i1 to i32
        %sign3A_198 = arith.constant 0 : i32
        %sign3A_199 = arith.cmpi slt, %add3A_195, %sign3A_198 : i32
        %sign3A_200 = arith.extui %sign3A_199 : i1 to i32
        %sign3A_201 = arith.subi %sign3A_197, %sign3A_200 : i32
        %sign3A_202 = arith.constant 0 : i32
        %sign3A_203 = arith.cmpi sgt, %jit3A, %sign3A_202 : i32
        %sign3A_204 = arith.extui %sign3A_203 : i1 to i32
        %sign3A_205 = arith.constant 0 : i32
        %sign3A_206 = arith.cmpi slt, %jit3A, %sign3A_205 : i32
        %sign3A_207 = arith.extui %sign3A_206 : i1 to i32
        %sign3A_208 = arith.subi %sign3A_204, %sign3A_207 : i32
        %ne3A = arith.cmpi ne, %sign3A_201, %sign3A_208 : i32
        %rem3A = arith.remsi %add3A_195, %jit3A : i32
        %ne3A_209 = arith.constant 0 : i32
        %ne3A_210 = arith.cmpi ne, %rem3A, %ne3A_209 : i32
        %and3A = arith.andi %ne3A, %ne3A_210 : i1
        %sub3A = arith.constant 1 : i32
        %sub3A_211 = arith.subi %div3A, %sub3A : i32
        %select_n3A = arith.select %and3A, %sub3A_211, %div3A : i32
        %jit3A_212 = arith.constant 2 : i32
        %eq3A = arith.constant 0 : i32
        %eq3A_213 = arith.cmpi eq, %jit3A_212, %eq3A : i32
        %jit3A_214 = arith.constant 1 : i32
        %select_n3A_215 = arith.select %eq3A_213, %jit3A_214, %jit3A_212 : i32
        %rem3A_216 = arith.remsi %add3A_195, %select_n3A_215 : i32
        %ne3A_217 = arith.constant 0 : i32
        %ne3A_218 = arith.cmpi ne, %rem3A_216, %ne3A_217 : i32
        %lt3A_219 = arith.constant 0 : i32
        %lt3A_220 = arith.cmpi slt, %rem3A_216, %lt3A_219 : i32
        %lt3A_221 = arith.constant 0 : i32
        %lt3A_222 = arith.cmpi slt, %select_n3A_215, %lt3A_221 : i32
        %ne3A_223 = arith.xori %lt3A_220, %lt3A_222 : i1
        %and3A_224 = arith.andi %ne3A_223, %ne3A_218 : i1
        %add3A_225 = arith.addi %rem3A_216, %select_n3A_215 : i32
        %select_n3A_226 = arith.select %and3A_224, %add3A_225, %rem3A_216 : i32
        %mul3A_227 = arith.constant 64 : i32
        %mul3A_228 = arith.muli %select_n3A_226, %mul3A_227 : i32
        %dma_start3A_229 = tpu.memref_slice %arg7[%select_n3A, %mul3A_228] : memref<40x128xi32, #tpu.memory_space<vmem>> -> memref<1x64xi32, #tpu.memory_space<vmem>>
        %dma_start3A_230 = tpu.memref_squeeze %dma_start3A_229 : memref<1x64xi32, #tpu.memory_space<vmem>> -> memref<64xi32, #tpu.memory_space<vmem>>
        %dma_start3A_231 = arith.constant 0 : i32
        %dma_start3A_232 = arith.constant 0 : i32
        %dma_start3A_233 = tpu.memref_slice %arg2[%dma_start3A_231, %dma_start3A_232] : memref<10240x128xf32, #tpu.memory_space<hbm>> -> memref<10240x128xf32, #tpu.memory_space<hbm>>
        tpu.enqueue_indirect_dma source(%dma_start3A_233 : memref<10240x128xf32, #tpu.memory_space<hbm>>) target(%arg10 : memref<64x128xf32, #tpu.memory_space<vmem>>) offsets(%dma_start3A_230 : memref<64xi32, #tpu.memory_space<vmem>>) semaphore(%arg15 : memref<!tpu.dma_semaphore, #tpu.memory_space<semaphore_mem>>)
      } else {
      }
      %dma_wait3A_182 = arith.constant 0 : i32
      %dma_wait3A_183 = arith.constant 0 : i32
      %dma_wait3A_184 = tpu.memref_slice %arg2[%dma_wait3A_182, %dma_wait3A_183] : memref<10240x128xf32, #tpu.memory_space<hbm>> -> memref<64x128xf32, #tpu.memory_space<hbm>>
      %dma_wait3A_185 = arith.constant 0 : i32
      %dma_wait3A_186 = arith.constant 0 : i32
      %dma_wait3A_187 = tpu.memref_slice %arg2[%dma_wait3A_185, %dma_wait3A_186] : memref<10240x128xf32, #tpu.memory_space<hbm>> -> memref<64x128xf32, #tpu.memory_space<hbm>>
      tpu.wait_dma2 semaphore(%arg17 : memref<!tpu.dma_semaphore, #tpu.memory_space<semaphore_mem>>) src(%dma_wait3A_187 : memref<64x128xf32, #tpu.memory_space<hbm>>) dst(%arg12 : memref<64x128xf32, #tpu.memory_space<vmem>>)
      %dma_start3A_188 = arith.constant 0 : i32
      %dma_start3A_189 = tpu.memref_slice %arg8[%add3A_169, %dma_start3A_188] : memref<80x64xi32, #tpu.memory_space<vmem>> -> memref<1x64xi32, #tpu.memory_space<vmem>>
      %dma_start3A_190 = tpu.memref_squeeze %dma_start3A_189 : memref<1x64xi32, #tpu.memory_space<vmem>> -> memref<64xi32, #tpu.memory_space<vmem>>
      %dma_start3A_191 = arith.constant 0 : i32
      %dma_start3A_192 = arith.constant 0 : i32
      %dma_start3A_193 = tpu.memref_slice %arg13[%dma_start3A_191, %dma_start3A_192] : memref<10240x128xf32, #tpu.memory_space<vmem_shared>> -> memref<10240x128xf32, #tpu.memory_space<vmem_shared>>
      tpu.enqueue_indirect_dma source(%arg12 : memref<64x128xf32, #tpu.memory_space<vmem>>) target(%dma_start3A_193 : memref<10240x128xf32, #tpu.memory_space<vmem_shared>>) offsets(%dma_start3A_190 : memref<64xi32, #tpu.memory_space<vmem>>) semaphore(%arg21 : memref<!tpu.dma_semaphore, #tpu.memory_space<semaphore_mem>>) {add = true}
    }
    %scan3A_67 = arith.constant 20 : i32
    %dma_wait3A_68 = arith.constant 0 : i32
    %dma_wait3A_69 = arith.constant 0 : i32
    %dma_wait3A_70 = tpu.memref_slice %arg13[%dma_wait3A_68, %dma_wait3A_69] : memref<10240x128xf32, #tpu.memory_space<vmem_shared>> -> memref<64x128xf32, #tpu.memory_space<vmem_shared>>
    %dma_wait3A_71 = arith.constant 0 : i32
    %dma_wait3A_72 = arith.constant 0 : i32
    %dma_wait3A_73 = tpu.memref_slice %arg13[%dma_wait3A_71, %dma_wait3A_72] : memref<10240x128xf32, #tpu.memory_space<vmem_shared>> -> memref<64x128xf32, #tpu.memory_space<vmem_shared>>
    tpu.wait_dma2 semaphore(%arg20 : memref<!tpu.dma_semaphore, #tpu.memory_space<semaphore_mem>>) src(%arg11 : memref<64x128xf32, #tpu.memory_space<vmem>>) dst(%dma_wait3A_73 : memref<64x128xf32, #tpu.memory_space<vmem_shared>>)
    %dma_wait3A_74 = arith.constant 0 : i32
    %dma_wait3A_75 = arith.constant 0 : i32
    %dma_wait3A_76 = tpu.memref_slice %arg13[%dma_wait3A_74, %dma_wait3A_75] : memref<10240x128xf32, #tpu.memory_space<vmem_shared>> -> memref<64x128xf32, #tpu.memory_space<vmem_shared>>
    %dma_wait3A_77 = arith.constant 0 : i32
    %dma_wait3A_78 = arith.constant 0 : i32
    %dma_wait3A_79 = tpu.memref_slice %arg13[%dma_wait3A_77, %dma_wait3A_78] : memref<10240x128xf32, #tpu.memory_space<vmem_shared>> -> memref<64x128xf32, #tpu.memory_space<vmem_shared>>
    tpu.wait_dma2 semaphore(%arg21 : memref<!tpu.dma_semaphore, #tpu.memory_space<semaphore_mem>>) src(%arg12 : memref<64x128xf32, #tpu.memory_space<vmem>>) dst(%dma_wait3A_79 : memref<64x128xf32, #tpu.memory_space<vmem_shared>>)
    %barrier3A_80 = arith.constant 0 : index
    tpu.barrier barrier_id(%barrier3A_80)
    %mul3A_81 = arith.constant 640 : i32
    %mul3A_82 = arith.muli %arg1, %mul3A_81 : i32
    %mul3A_83 = arith.constant 640 : i32
    %mul3A_84 = arith.muli %arg1, %mul3A_83 : i32
    "tpu.region"() ({
      %run_scoped3A = tpu.sem_alloc : memref<!tpu.dma_semaphore, #tpu.memory_space<semaphore_mem>>
      %dma_start3A_85 = arith.constant 0 : i32
      %dma_start3A_86 = tpu.memref_slice %arg6[%arg0, %mul3A_84, %dma_start3A_85] : memref<2x10240x128xf32, #tpu.memory_space<hbm>> -> memref<1x640x128xf32, #tpu.memory_space<hbm>>
      %dma_start3A_87 = tpu.memref_squeeze %dma_start3A_86 : memref<1x640x128xf32, #tpu.memory_space<hbm>> -> memref<640x128xf32, #tpu.memory_space<hbm>>
      %dma_start3A_88 = arith.constant 0 : i32
      %dma_start3A_89 = tpu.memref_slice %arg13[%mul3A_82, %dma_start3A_88] : memref<10240x128xf32, #tpu.memory_space<vmem_shared>> -> memref<640x128xf32, #tpu.memory_space<vmem_shared>>
      tpu.enqueue_dma source(%dma_start3A_89 : memref<640x128xf32, #tpu.memory_space<vmem_shared>>) target(%dma_start3A_87 : memref<640x128xf32, #tpu.memory_space<hbm>>) target_semaphore(%run_scoped3A : memref<!tpu.dma_semaphore, #tpu.memory_space<semaphore_mem>>)
      %dma_wait3A_90 = arith.constant 0 : i32
      %dma_wait3A_91 = tpu.memref_slice %arg6[%arg0, %mul3A_84, %dma_wait3A_90] : memref<2x10240x128xf32, #tpu.memory_space<hbm>> -> memref<1x640x128xf32, #tpu.memory_space<hbm>>
      %dma_wait3A_92 = tpu.memref_squeeze %dma_wait3A_91 : memref<1x640x128xf32, #tpu.memory_space<hbm>> -> memref<640x128xf32, #tpu.memory_space<hbm>>
      %dma_wait3A_93 = arith.constant 0 : i32
      %dma_wait3A_94 = tpu.memref_slice %arg13[%mul3A_82, %dma_wait3A_93] : memref<10240x128xf32, #tpu.memory_space<vmem_shared>> -> memref<640x128xf32, #tpu.memory_space<vmem_shared>>
      tpu.wait_dma2 semaphore(%run_scoped3A : memref<!tpu.dma_semaphore, #tpu.memory_space<semaphore_mem>>) src(%dma_wait3A_94 : memref<640x128xf32, #tpu.memory_space<vmem_shared>>) dst(%dma_wait3A_92 : memref<640x128xf32, #tpu.memory_space<hbm>>)
      tpu.yield
    }) : () -> ()
    return
  }
}

module attributes {stable_mosaic.version = 14 : i64} {
  func.func @_tch_body(%arg0: i32, %arg1: memref<512x128xf32, #tpu.memory_space<vmem>>, %arg2: memref<128x128xf32, #tpu.memory_space<vmem>>, %arg3: memref<1x128xf32, #tpu.memory_space<vmem>>, %arg4: memref<512x128xf32, #tpu.memory_space<vmem>>) attributes {dimension_semantics = [#tpu.dimension_semantics<arbitrary>], iteration_bounds = array<i64: 20>, scalar_prefetch = 0 : i64, scratch_operands = 0 : i64, tpu.core_type = #tpu.core_type<tc>, window_params = [{transform_indices = @transform_0, window_bounds = array<i64: 512, 128>}, {pipeline_mode = #tpu.pipeline_mode<synchronous>, transform_indices = @transform_1, window_bounds = array<i64: 128, 128>}, {pipeline_mode = #tpu.pipeline_mode<synchronous>, transform_indices = @transform_2, window_bounds = array<i64: 1, 128>}, {transform_indices = @transform_3, window_bounds = array<i64: 512, 128>}]} {
    %get3A = arith.constant 0 : index
    %get3A_0 = arith.constant 0 : index
    %get3A_1 = vector.load %arg1[%get3A, %get3A_0] : memref<512x128xf32, #tpu.memory_space<vmem>>, vector<512x128xf32>
    %get3A_2 = arith.constant 0 : index
    %get3A_3 = arith.constant 0 : index
    %get3A_4 = vector.load %arg2[%get3A_2, %get3A_3] : memref<128x128xf32, #tpu.memory_space<vmem>>, vector<128x128xf32>
    %dot_general3A = arith.constant dense<0.000000e+00> : vector<512x128xf32>
    %dot_general3A_5 = tpu.matmul %get3A_1, %get3A_4, %dot_general3A {dimension_numbers = #tpu.dot_dimension_numbers<[1], [0], [0], [1], [0, 0, 1, 1], [], []>, precision = #tpu.contract_precision<fp32>, transpose_lhs_hint = false} : vector<512x128xf32>, vector<128x128xf32>, vector<512x128xf32> -> vector<512x128xf32>
    %get3A_6 = arith.constant 0 : index
    %get3A_7 = arith.constant 0 : index
    %get3A_8 = vector.load %arg3[%get3A_6, %get3A_7] : memref<1x128xf32, #tpu.memory_space<vmem>>, vector<1x128xf32>
    %add3A = vector.broadcast %get3A_8 : vector<1x128xf32> to vector<512x128xf32>
    %add3A_9 = arith.addf %dot_general3A_5, %add3A : vector<512x128xf32>
    %max3A = arith.constant 0.000000e+00 : f32
    %max3A_10 = vector.broadcast %max3A : f32 to vector<512x128xf32>
    %max3A_11 = arith.maximumf %add3A_9, %max3A_10 : vector<512x128xf32>
    %swap3A = arith.constant 0 : index
    %swap3A_12 = arith.constant 0 : index
    %swap3A_13 = vector.load %arg4[%swap3A, %swap3A_12] : memref<512x128xf32, #tpu.memory_space<vmem>>, vector<512x128xf32>
    tpu.vector_store %arg4[%swap3A, %swap3A_12], %max3A_11 {strides = array<i32>} : memref<512x128xf32, #tpu.memory_space<vmem>>, vector<512x128xf32>,
    return
  }
  func.func @transform_0(%arg0: i32) -> (i32, i32) {
    %c0_i32 = arith.constant 0 : i32
    %c0_i32_0 = arith.constant 0 : i32
    return %arg0, %c0_i32 : i32, i32
  }
  func.func @transform_1(%arg0: i32) -> (i32, i32) {
    %c0_i32 = arith.constant 0 : i32
    %c0_i32_0 = arith.constant 0 : i32
    %c0_i32_1 = arith.constant 0 : i32
    return %c0_i32, %c0_i32_0 : i32, i32
  }
  func.func @transform_2(%arg0: i32) -> (i32, i32) {
    %c0_i32 = arith.constant 0 : i32
    %c0_i32_0 = arith.constant 0 : i32
    %c0_i32_1 = arith.constant 0 : i32
    return %c0_i32, %c0_i32_0 : i32, i32
  }
  func.func @transform_3(%arg0: i32) -> (i32, i32) {
    %c0_i32 = arith.constant 0 : i32
    %c0_i32_0 = arith.constant 0 : i32
    return %arg0, %c0_i32 : i32, i32
  }
}

module attributes {stable_mosaic.version = 14 : i64} {
  func.func @_tcy0_body(%arg0: i32, %arg1: memref<512x128xf32, #tpu.memory_space<vmem>>, %arg2: memref<128x128xf32, #tpu.memory_space<vmem>>, %arg3: memref<2x512x128xf32, #tpu.memory_space<vmem>>, %arg4: memref<512x128xf32, #tpu.memory_space<vmem>>, %arg5: memref<512x1xf32, #tpu.memory_space<vmem>>) attributes {dimension_semantics = [#tpu.dimension_semantics<arbitrary>], iteration_bounds = array<i64: 20>, scalar_prefetch = 0 : i64, scratch_operands = 0 : i64, tpu.core_type = #tpu.core_type<tc>, window_params = [{transform_indices = @transform_0, window_bounds = array<i64: 512, 128>}, {pipeline_mode = #tpu.pipeline_mode<synchronous>, transform_indices = @transform_1, window_bounds = array<i64: 128, 128>}, {transform_indices = @transform_2, window_bounds = array<i64: 2, 512, 128>}, {transform_indices = @transform_3, window_bounds = array<i64: 512, 128>}, {transform_indices = @transform_4, window_bounds = array<i64: 512, 1>}]} {
    %get3A = arith.constant 0 : index
    %get3A_0 = arith.constant 0 : index
    %get3A_1 = arith.constant 0 : index
    %get3A_2 = vector.load %arg3[%get3A, %get3A_0, %get3A_1] : memref<2x512x128xf32, #tpu.memory_space<vmem>>, vector<1x512x1xf32>
    %get3A_3 = vector.shape_cast %get3A_2 : vector<1x512x1xf32> to vector<512xf32>
    %get3A_4 = arith.constant 1 : index
    %get3A_5 = arith.constant 0 : index
    %get3A_6 = arith.constant 0 : index
    %get3A_7 = vector.load %arg3[%get3A_4, %get3A_5, %get3A_6] : memref<2x512x128xf32, #tpu.memory_space<vmem>>, vector<1x512x1xf32>
    %get3A_8 = vector.shape_cast %get3A_7 : vector<1x512x1xf32> to vector<512xf32>
    %add3A = arith.addf %get3A_3, %get3A_8 : vector<512xf32>
    %add3A_9 = arith.constant 1.000000e+00 : f32
    %add3A_10 = vector.broadcast %add3A_9 : f32 to vector<512xf32>
    %add3A_11 = arith.addf %add3A, %add3A_10 : vector<512xf32>
    %rsqrt3A = math.rsqrt %add3A_11 : vector<512xf32>
    %broadcast_in_dim3A = vector.shape_cast %rsqrt3A : vector<512xf32> to vector<512x1xf32>
    %get3A_12 = arith.constant 0 : index
    %get3A_13 = arith.constant 0 : index
    %get3A_14 = vector.load %arg1[%get3A_12, %get3A_13] : memref<512x128xf32, #tpu.memory_space<vmem>>, vector<512x128xf32>
    %get3A_15 = arith.constant 0 : index
    %get3A_16 = arith.constant 0 : index
    %get3A_17 = vector.load %arg2[%get3A_15, %get3A_16] : memref<128x128xf32, #tpu.memory_space<vmem>>, vector<128x128xf32>
    %dot_general3A = arith.constant dense<0.000000e+00> : vector<512x128xf32>
    %dot_general3A_18 = tpu.matmul %get3A_14, %get3A_17, %dot_general3A {dimension_numbers = #tpu.dot_dimension_numbers<[1], [0], [0], [1], [0, 0, 1, 1], [], []>, precision = #tpu.contract_precision<fp32>, transpose_lhs_hint = false} : vector<512x128xf32>, vector<128x128xf32>, vector<512x128xf32> -> vector<512x128xf32>
    %mul3A = vector.broadcast %broadcast_in_dim3A : vector<512x1xf32> to vector<512x128xf32>
    %mul3A_19 = arith.mulf %dot_general3A_18, %mul3A : vector<512x128xf32>
    %swap3A = arith.constant 0 : index
    %swap3A_20 = arith.constant 0 : index
    %swap3A_21 = vector.load %arg4[%swap3A, %swap3A_20] : memref<512x128xf32, #tpu.memory_space<vmem>>, vector<512x128xf32>
    tpu.vector_store %arg4[%swap3A, %swap3A_20], %mul3A_19 {strides = array<i32>} : memref<512x128xf32, #tpu.memory_space<vmem>>, vector<512x128xf32>,
    %swap3A_22 = arith.constant 0 : index
    %swap3A_23 = arith.constant 0 : index
    %swap3A_24 = vector.load %arg5[%swap3A_22, %swap3A_23] : memref<512x1xf32, #tpu.memory_space<vmem>>, vector<512x1xf32>
    tpu.vector_store %arg5[%swap3A_22, %swap3A_23], %broadcast_in_dim3A {strides = array<i32>} : memref<512x1xf32, #tpu.memory_space<vmem>>, vector<512x1xf32>,
    return
  }
  func.func @transform_0(%arg0: i32) -> (i32, i32) {
    %c0_i32 = arith.constant 0 : i32
    %c0_i32_0 = arith.constant 0 : i32
    return %arg0, %c0_i32 : i32, i32
  }
  func.func @transform_1(%arg0: i32) -> (i32, i32) {
    %c0_i32 = arith.constant 0 : i32
    %c0_i32_0 = arith.constant 0 : i32
    %c0_i32_1 = arith.constant 0 : i32
    return %c0_i32, %c0_i32_0 : i32, i32
  }
  func.func @transform_2(%arg0: i32) -> (i32, i32, i32) {
    %c0_i32 = arith.constant 0 : i32
    %c0_i32_0 = arith.constant 0 : i32
    %c0_i32_1 = arith.constant 0 : i32
    return %c0_i32, %arg0, %c0_i32_0 : i32, i32, i32
  }
  func.func @transform_3(%arg0: i32) -> (i32, i32) {
    %c0_i32 = arith.constant 0 : i32
    %c0_i32_0 = arith.constant 0 : i32
    return %arg0, %c0_i32 : i32, i32
  }
  func.func @transform_4(%arg0: i32) -> (i32, i32) {
    %c0_i32 = arith.constant 0 : i32
    %c0_i32_0 = arith.constant 0 : i32
    return %arg0, %c0_i32 : i32, i32
  }
}

module attributes {stable_mosaic.version = 14 : i64} {
  func.func @_tcmid_body(%arg0: i32, %arg1: memref<2x512x128xf32, #tpu.memory_space<vmem>>, %arg2: memref<512x128xf32, #tpu.memory_space<vmem>>, %arg3: memref<512x128xf32, #tpu.memory_space<vmem>>, %arg4: memref<512x1xf32, #tpu.memory_space<vmem>>, %arg5: memref<128x128xf32, #tpu.memory_space<vmem>>, %arg6: memref<1x128xf32, #tpu.memory_space<vmem>>, %arg7: memref<512x128xf32, #tpu.memory_space<vmem>>, %arg8: memref<512x128xf32, #tpu.memory_space<vmem>>) attributes {dimension_semantics = [#tpu.dimension_semantics<arbitrary>], iteration_bounds = array<i64: 20>, scalar_prefetch = 0 : i64, scratch_operands = 0 : i64, tpu.core_type = #tpu.core_type<tc>, window_params = [{transform_indices = @transform_0, window_bounds = array<i64: 2, 512, 128>}, {transform_indices = @transform_1, window_bounds = array<i64: 512, 128>}, {transform_indices = @transform_2, window_bounds = array<i64: 512, 128>}, {transform_indices = @transform_3, window_bounds = array<i64: 512, 1>}, {pipeline_mode = #tpu.pipeline_mode<synchronous>, transform_indices = @transform_4, window_bounds = array<i64: 128, 128>}, {pipeline_mode = #tpu.pipeline_mode<synchronous>, transform_indices = @transform_5, window_bounds = array<i64: 1, 128>}, {transform_indices = @transform_6, window_bounds = array<i64: 512, 128>}, {transform_indices = @transform_7, window_bounds = array<i64: 512, 128>}]} {
    %get3A = arith.constant 0 : index
    %get3A_0 = arith.constant 0 : index
    %get3A_1 = vector.load %arg4[%get3A, %get3A_0] : memref<512x1xf32, #tpu.memory_space<vmem>>, vector<512x1xf32>
    %get3A_2 = arith.constant 0 : index
    %get3A_3 = arith.constant 0 : index
    %get3A_4 = arith.constant 0 : index
    %get3A_5 = vector.load %arg1[%get3A_2, %get3A_3, %get3A_4] : memref<2x512x128xf32, #tpu.memory_space<vmem>>, vector<1x512x128xf32>
    %get3A_6 = vector.shape_cast %get3A_5 : vector<1x512x128xf32> to vector<512x128xf32>
    %get3A_7 = arith.constant 1 : index
    %get3A_8 = arith.constant 0 : index
    %get3A_9 = arith.constant 0 : index
    %get3A_10 = vector.load %arg1[%get3A_7, %get3A_8, %get3A_9] : memref<2x512x128xf32, #tpu.memory_space<vmem>>, vector<1x512x128xf32>
    %get3A_11 = vector.shape_cast %get3A_10 : vector<1x512x128xf32> to vector<512x128xf32>
    %add3A = arith.addf %get3A_6, %get3A_11 : vector<512x128xf32>
    %get3A_12 = arith.constant 0 : index
    %get3A_13 = arith.constant 0 : index
    %get3A_14 = vector.load %arg2[%get3A_12, %get3A_13] : memref<512x128xf32, #tpu.memory_space<vmem>>, vector<512x128xf32>
    %add3A_15 = arith.addf %add3A, %get3A_14 : vector<512x128xf32>
    %mul3A = vector.broadcast %get3A_1 : vector<512x1xf32> to vector<512x128xf32>
    %mul3A_16 = arith.mulf %add3A_15, %mul3A : vector<512x128xf32>
    %get3A_17 = arith.constant 0 : index
    %get3A_18 = arith.constant 0 : index
    %get3A_19 = vector.load %arg6[%get3A_17, %get3A_18] : memref<1x128xf32, #tpu.memory_space<vmem>>, vector<1x128xf32>
    %add3A_20 = vector.broadcast %get3A_19 : vector<1x128xf32> to vector<512x128xf32>
    %add3A_21 = arith.addf %mul3A_16, %add3A_20 : vector<512x128xf32>
    %max3A = arith.constant 0.000000e+00 : f32
    %max3A_22 = vector.broadcast %max3A : f32 to vector<512x128xf32>
    %max3A_23 = arith.maximumf %add3A_21, %max3A_22 : vector<512x128xf32>
    %get3A_24 = arith.constant 0 : index
    %get3A_25 = arith.constant 0 : index
    %get3A_26 = vector.load %arg3[%get3A_24, %get3A_25] : memref<512x128xf32, #tpu.memory_space<vmem>>, vector<512x128xf32>
    %add3A_27 = arith.addf %max3A_23, %get3A_26 : vector<512x128xf32>
    %swap3A = arith.constant 0 : index
    %swap3A_28 = arith.constant 0 : index
    %swap3A_29 = vector.load %arg7[%swap3A, %swap3A_28] : memref<512x128xf32, #tpu.memory_space<vmem>>, vector<512x128xf32>
    tpu.vector_store %arg7[%swap3A, %swap3A_28], %add3A_27 {strides = array<i32>} : memref<512x128xf32, #tpu.memory_space<vmem>>, vector<512x128xf32>,
    %get3A_30 = arith.constant 0 : index
    %get3A_31 = arith.constant 0 : index
    %get3A_32 = vector.load %arg5[%get3A_30, %get3A_31] : memref<128x128xf32, #tpu.memory_space<vmem>>, vector<128x128xf32>
    %dot_general3A = arith.constant dense<0.000000e+00> : vector<512x128xf32>
    %dot_general3A_33 = tpu.matmul %add3A_27, %get3A_32, %dot_general3A {dimension_numbers = #tpu.dot_dimension_numbers<[1], [0], [0], [1], [0, 0, 1, 1], [], []>, precision = #tpu.contract_precision<fp32>, transpose_lhs_hint = false} : vector<512x128xf32>, vector<128x128xf32>, vector<512x128xf32> -> vector<512x128xf32>
    %mul3A_34 = vector.broadcast %get3A_1 : vector<512x1xf32> to vector<512x128xf32>
    %mul3A_35 = arith.mulf %dot_general3A_33, %mul3A_34 : vector<512x128xf32>
    %swap3A_36 = arith.constant 0 : index
    %swap3A_37 = arith.constant 0 : index
    %swap3A_38 = vector.load %arg8[%swap3A_36, %swap3A_37] : memref<512x128xf32, #tpu.memory_space<vmem>>, vector<512x128xf32>
    tpu.vector_store %arg8[%swap3A_36, %swap3A_37], %mul3A_35 {strides = array<i32>} : memref<512x128xf32, #tpu.memory_space<vmem>>, vector<512x128xf32>,
    return
  }
  func.func @transform_0(%arg0: i32) -> (i32, i32, i32) {
    %c0_i32 = arith.constant 0 : i32
    %c0_i32_0 = arith.constant 0 : i32
    %c0_i32_1 = arith.constant 0 : i32
    return %c0_i32, %arg0, %c0_i32_0 : i32, i32, i32
  }
  func.func @transform_1(%arg0: i32) -> (i32, i32) {
    %c0_i32 = arith.constant 0 : i32
    %c0_i32_0 = arith.constant 0 : i32
    return %arg0, %c0_i32 : i32, i32
  }
  func.func @transform_2(%arg0: i32) -> (i32, i32) {
    %c0_i32 = arith.constant 0 : i32
    %c0_i32_0 = arith.constant 0 : i32
    return %arg0, %c0_i32 : i32, i32
  }
  func.func @transform_3(%arg0: i32) -> (i32, i32) {
    %c0_i32 = arith.constant 0 : i32
    %c0_i32_0 = arith.constant 0 : i32
    return %arg0, %c0_i32 : i32, i32
  }
  func.func @transform_4(%arg0: i32) -> (i32, i32) {
    %c0_i32 = arith.constant 0 : i32
    %c0_i32_0 = arith.constant 0 : i32
    %c0_i32_1 = arith.constant 0 : i32
    return %c0_i32, %c0_i32_0 : i32, i32
  }
  func.func @transform_5(%arg0: i32) -> (i32, i32) {
    %c0_i32 = arith.constant 0 : i32
    %c0_i32_0 = arith.constant 0 : i32
    %c0_i32_1 = arith.constant 0 : i32
    return %c0_i32, %c0_i32_0 : i32, i32
  }
  func.func @transform_6(%arg0: i32) -> (i32, i32) {
    %c0_i32 = arith.constant 0 : i32
    %c0_i32_0 = arith.constant 0 : i32
    return %arg0, %c0_i32 : i32, i32
  }
  func.func @transform_7(%arg0: i32) -> (i32, i32) {
    %c0_i32 = arith.constant 0 : i32
    %c0_i32_0 = arith.constant 0 : i32
    return %arg0, %c0_i32 : i32, i32
  }
}

module attributes {stable_mosaic.version = 14 : i64} {
  func.func @_tcmid_body(%arg0: i32, %arg1: memref<2x512x128xf32, #tpu.memory_space<vmem>>, %arg2: memref<512x128xf32, #tpu.memory_space<vmem>>, %arg3: memref<512x128xf32, #tpu.memory_space<vmem>>, %arg4: memref<512x1xf32, #tpu.memory_space<vmem>>, %arg5: memref<128x128xf32, #tpu.memory_space<vmem>>, %arg6: memref<1x128xf32, #tpu.memory_space<vmem>>, %arg7: memref<512x128xf32, #tpu.memory_space<vmem>>, %arg8: memref<512x128xf32, #tpu.memory_space<vmem>>) attributes {dimension_semantics = [#tpu.dimension_semantics<arbitrary>], iteration_bounds = array<i64: 20>, scalar_prefetch = 0 : i64, scratch_operands = 0 : i64, tpu.core_type = #tpu.core_type<tc>, window_params = [{transform_indices = @transform_0, window_bounds = array<i64: 2, 512, 128>}, {transform_indices = @transform_1, window_bounds = array<i64: 512, 128>}, {transform_indices = @transform_2, window_bounds = array<i64: 512, 128>}, {transform_indices = @transform_3, window_bounds = array<i64: 512, 1>}, {pipeline_mode = #tpu.pipeline_mode<synchronous>, transform_indices = @transform_4, window_bounds = array<i64: 128, 128>}, {pipeline_mode = #tpu.pipeline_mode<synchronous>, transform_indices = @transform_5, window_bounds = array<i64: 1, 128>}, {transform_indices = @transform_6, window_bounds = array<i64: 512, 128>}, {transform_indices = @transform_7, window_bounds = array<i64: 512, 128>}]} {
    %get3A = arith.constant 0 : index
    %get3A_0 = arith.constant 0 : index
    %get3A_1 = vector.load %arg4[%get3A, %get3A_0] : memref<512x1xf32, #tpu.memory_space<vmem>>, vector<512x1xf32>
    %get3A_2 = arith.constant 0 : index
    %get3A_3 = arith.constant 0 : index
    %get3A_4 = arith.constant 0 : index
    %get3A_5 = vector.load %arg1[%get3A_2, %get3A_3, %get3A_4] : memref<2x512x128xf32, #tpu.memory_space<vmem>>, vector<1x512x128xf32>
    %get3A_6 = vector.shape_cast %get3A_5 : vector<1x512x128xf32> to vector<512x128xf32>
    %get3A_7 = arith.constant 1 : index
    %get3A_8 = arith.constant 0 : index
    %get3A_9 = arith.constant 0 : index
    %get3A_10 = vector.load %arg1[%get3A_7, %get3A_8, %get3A_9] : memref<2x512x128xf32, #tpu.memory_space<vmem>>, vector<1x512x128xf32>
    %get3A_11 = vector.shape_cast %get3A_10 : vector<1x512x128xf32> to vector<512x128xf32>
    %add3A = arith.addf %get3A_6, %get3A_11 : vector<512x128xf32>
    %get3A_12 = arith.constant 0 : index
    %get3A_13 = arith.constant 0 : index
    %get3A_14 = vector.load %arg2[%get3A_12, %get3A_13] : memref<512x128xf32, #tpu.memory_space<vmem>>, vector<512x128xf32>
    %add3A_15 = arith.addf %add3A, %get3A_14 : vector<512x128xf32>
    %mul3A = vector.broadcast %get3A_1 : vector<512x1xf32> to vector<512x128xf32>
    %mul3A_16 = arith.mulf %add3A_15, %mul3A : vector<512x128xf32>
    %get3A_17 = arith.constant 0 : index
    %get3A_18 = arith.constant 0 : index
    %get3A_19 = vector.load %arg6[%get3A_17, %get3A_18] : memref<1x128xf32, #tpu.memory_space<vmem>>, vector<1x128xf32>
    %add3A_20 = vector.broadcast %get3A_19 : vector<1x128xf32> to vector<512x128xf32>
    %add3A_21 = arith.addf %mul3A_16, %add3A_20 : vector<512x128xf32>
    %max3A = arith.constant 0.000000e+00 : f32
    %max3A_22 = vector.broadcast %max3A : f32 to vector<512x128xf32>
    %max3A_23 = arith.maximumf %add3A_21, %max3A_22 : vector<512x128xf32>
    %get3A_24 = arith.constant 0 : index
    %get3A_25 = arith.constant 0 : index
    %get3A_26 = vector.load %arg3[%get3A_24, %get3A_25] : memref<512x128xf32, #tpu.memory_space<vmem>>, vector<512x128xf32>
    %add3A_27 = arith.addf %max3A_23, %get3A_26 : vector<512x128xf32>
    %swap3A = arith.constant 0 : index
    %swap3A_28 = arith.constant 0 : index
    %swap3A_29 = vector.load %arg7[%swap3A, %swap3A_28] : memref<512x128xf32, #tpu.memory_space<vmem>>, vector<512x128xf32>
    tpu.vector_store %arg7[%swap3A, %swap3A_28], %add3A_27 {strides = array<i32>} : memref<512x128xf32, #tpu.memory_space<vmem>>, vector<512x128xf32>,
    %get3A_30 = arith.constant 0 : index
    %get3A_31 = arith.constant 0 : index
    %get3A_32 = vector.load %arg5[%get3A_30, %get3A_31] : memref<128x128xf32, #tpu.memory_space<vmem>>, vector<128x128xf32>
    %dot_general3A = arith.constant dense<0.000000e+00> : vector<512x128xf32>
    %dot_general3A_33 = tpu.matmul %add3A_27, %get3A_32, %dot_general3A {dimension_numbers = #tpu.dot_dimension_numbers<[1], [0], [0], [1], [0, 0, 1, 1], [], []>, precision = #tpu.contract_precision<fp32>, transpose_lhs_hint = false} : vector<512x128xf32>, vector<128x128xf32>, vector<512x128xf32> -> vector<512x128xf32>
    %mul3A_34 = vector.broadcast %get3A_1 : vector<512x1xf32> to vector<512x128xf32>
    %mul3A_35 = arith.mulf %dot_general3A_33, %mul3A_34 : vector<512x128xf32>
    %swap3A_36 = arith.constant 0 : index
    %swap3A_37 = arith.constant 0 : index
    %swap3A_38 = vector.load %arg8[%swap3A_36, %swap3A_37] : memref<512x128xf32, #tpu.memory_space<vmem>>, vector<512x128xf32>
    tpu.vector_store %arg8[%swap3A_36, %swap3A_37], %mul3A_35 {strides = array<i32>} : memref<512x128xf32, #tpu.memory_space<vmem>>, vector<512x128xf32>,
    return
  }
  func.func @transform_0(%arg0: i32) -> (i32, i32, i32) {
    %c0_i32 = arith.constant 0 : i32
    %c0_i32_0 = arith.constant 0 : i32
    %c0_i32_1 = arith.constant 0 : i32
    return %c0_i32, %arg0, %c0_i32_0 : i32, i32, i32
  }
  func.func @transform_1(%arg0: i32) -> (i32, i32) {
    %c0_i32 = arith.constant 0 : i32
    %c0_i32_0 = arith.constant 0 : i32
    return %arg0, %c0_i32 : i32, i32
  }
  func.func @transform_2(%arg0: i32) -> (i32, i32) {
    %c0_i32 = arith.constant 0 : i32
    %c0_i32_0 = arith.constant 0 : i32
    return %arg0, %c0_i32 : i32, i32
  }
  func.func @transform_3(%arg0: i32) -> (i32, i32) {
    %c0_i32 = arith.constant 0 : i32
    %c0_i32_0 = arith.constant 0 : i32
    return %arg0, %c0_i32 : i32, i32
  }
  func.func @transform_4(%arg0: i32) -> (i32, i32) {
    %c0_i32 = arith.constant 0 : i32
    %c0_i32_0 = arith.constant 0 : i32
    %c0_i32_1 = arith.constant 0 : i32
    return %c0_i32, %c0_i32_0 : i32, i32
  }
  func.func @transform_5(%arg0: i32) -> (i32, i32) {
    %c0_i32 = arith.constant 0 : i32
    %c0_i32_0 = arith.constant 0 : i32
    %c0_i32_1 = arith.constant 0 : i32
    return %c0_i32, %c0_i32_0 : i32, i32
  }
  func.func @transform_6(%arg0: i32) -> (i32, i32) {
    %c0_i32 = arith.constant 0 : i32
    %c0_i32_0 = arith.constant 0 : i32
    return %arg0, %c0_i32 : i32, i32
  }
  func.func @transform_7(%arg0: i32) -> (i32, i32) {
    %c0_i32 = arith.constant 0 : i32
    %c0_i32_0 = arith.constant 0 : i32
    return %arg0, %c0_i32 : i32, i32
  }
}

module attributes {stable_mosaic.version = 14 : i64} {
  func.func @_tcfin_body(%arg0: i32, %arg1: memref<2x512x128xf32, #tpu.memory_space<vmem>>, %arg2: memref<512x128xf32, #tpu.memory_space<vmem>>, %arg3: memref<512x1xf32, #tpu.memory_space<vmem>>, %arg4: memref<1x128xf32, #tpu.memory_space<vmem>>, %arg5: memref<512x128xf32, #tpu.memory_space<vmem>>) attributes {dimension_semantics = [#tpu.dimension_semantics<arbitrary>], iteration_bounds = array<i64: 20>, scalar_prefetch = 0 : i64, scratch_operands = 0 : i64, tpu.core_type = #tpu.core_type<tc>, window_params = [{transform_indices = @transform_0, window_bounds = array<i64: 2, 512, 128>}, {transform_indices = @transform_1, window_bounds = array<i64: 512, 128>}, {transform_indices = @transform_2, window_bounds = array<i64: 512, 1>}, {pipeline_mode = #tpu.pipeline_mode<synchronous>, transform_indices = @transform_3, window_bounds = array<i64: 1, 128>}, {transform_indices = @transform_4, window_bounds = array<i64: 512, 128>}]} {
    %get3A = arith.constant 0 : index
    %get3A_0 = arith.constant 0 : index
    %get3A_1 = arith.constant 0 : index
    %get3A_2 = vector.load %arg1[%get3A, %get3A_0, %get3A_1] : memref<2x512x128xf32, #tpu.memory_space<vmem>>, vector<1x512x128xf32>
    %get3A_3 = vector.shape_cast %get3A_2 : vector<1x512x128xf32> to vector<512x128xf32>
    %get3A_4 = arith.constant 1 : index
    %get3A_5 = arith.constant 0 : index
    %get3A_6 = arith.constant 0 : index
    %get3A_7 = vector.load %arg1[%get3A_4, %get3A_5, %get3A_6] : memref<2x512x128xf32, #tpu.memory_space<vmem>>, vector<1x512x128xf32>
    %get3A_8 = vector.shape_cast %get3A_7 : vector<1x512x128xf32> to vector<512x128xf32>
    %add3A = arith.addf %get3A_3, %get3A_8 : vector<512x128xf32>
    %get3A_9 = arith.constant 0 : index
    %get3A_10 = arith.constant 0 : index
    %get3A_11 = vector.load %arg2[%get3A_9, %get3A_10] : memref<512x128xf32, #tpu.memory_space<vmem>>, vector<512x128xf32>
    %add3A_12 = arith.addf %add3A, %get3A_11 : vector<512x128xf32>
    %get3A_13 = arith.constant 0 : index
    %get3A_14 = arith.constant 0 : index
    %get3A_15 = vector.load %arg3[%get3A_13, %get3A_14] : memref<512x1xf32, #tpu.memory_space<vmem>>, vector<512x1xf32>
    %mul3A = vector.broadcast %get3A_15 : vector<512x1xf32> to vector<512x128xf32>
    %mul3A_16 = arith.mulf %add3A_12, %mul3A : vector<512x128xf32>
    %get3A_17 = arith.constant 0 : index
    %get3A_18 = arith.constant 0 : index
    %get3A_19 = vector.load %arg4[%get3A_17, %get3A_18] : memref<1x128xf32, #tpu.memory_space<vmem>>, vector<1x128xf32>
    %add3A_20 = vector.broadcast %get3A_19 : vector<1x128xf32> to vector<512x128xf32>
    %add3A_21 = arith.addf %mul3A_16, %add3A_20 : vector<512x128xf32>
    %swap3A = arith.constant 0 : index
    %swap3A_22 = arith.constant 0 : index
    %swap3A_23 = vector.load %arg5[%swap3A, %swap3A_22] : memref<512x128xf32, #tpu.memory_space<vmem>>, vector<512x128xf32>
    tpu.vector_store %arg5[%swap3A, %swap3A_22], %add3A_21 {strides = array<i32>} : memref<512x128xf32, #tpu.memory_space<vmem>>, vector<512x128xf32>,
    return
  }
  func.func @transform_0(%arg0: i32) -> (i32, i32, i32) {
    %c0_i32 = arith.constant 0 : i32
    %c0_i32_0 = arith.constant 0 : i32
    %c0_i32_1 = arith.constant 0 : i32
    return %c0_i32, %arg0, %c0_i32_0 : i32, i32, i32
  }
  func.func @transform_1(%arg0: i32) -> (i32, i32) {
    %c0_i32 = arith.constant 0 : i32
    %c0_i32_0 = arith.constant 0 : i32
    return %arg0, %c0_i32 : i32, i32
  }
  func.func @transform_2(%arg0: i32) -> (i32, i32) {
    %c0_i32 = arith.constant 0 : i32
    %c0_i32_0 = arith.constant 0 : i32
    return %arg0, %c0_i32 : i32, i32
  }
  func.func @transform_3(%arg0: i32) -> (i32, i32) {
    %c0_i32 = arith.constant 0 : i32
    %c0_i32_0 = arith.constant 0 : i32
    %c0_i32_1 = arith.constant 0 : i32
    return %c0_i32, %c0_i32_0 : i32, i32
  }
  func.func @transform_4(%arg0: i32) -> (i32, i32) {
    %c0_i32 = arith.constant 0 : i32
    %c0_i32_0 = arith.constant 0 : i32
    return %arg0, %c0_i32 : i32, i32
  }
}

</mosaic_0001>

<sc_bundles>
// kernel: kernel.11.cloned.1.call-start
scs
__scs_entry_jumppad:
0x0: {  	(pc) =	sbr.rel $0x88, $3  }
0x1: {  	(tag) =	ssettag $0x0;
	lr =	simm.s32 $0x1  }
0x2: {  	[smem:$0x3F91] =	sst lr;
	_ =	strace $0xD0000000  }
0x3: {  	_ = 	snop  }
0x4: {  	_ = 	snop  }
0x5: {  	_ = 	snop  }
0x6: {  	_ = 	snop  }
0x7: {  	_ = 	snop  }
__scs_overlays_trampoline_lowered:
0x8: {  	[smem:$0x3FA0] =	sst s0  }
0x9: {  	[smem:$0x3FA1] =	sst s1  }
0xa: {  	[smem:$0x3FA2] =	sst s2  }
0xb: {  	[smem:$0x3FA3] =	sst s3  }
0xc: {  	[smem:$0x3FA4] =	sst s4  }
0xd: {  	[smem:$0x3FA5] =	sst s5  }
0xe: {  	[smem:$0x3FA6] =	sst s6  }
0xf: {  	[smem:$0x3FA7] =	sst s7  }
0x10: {  	[smem:$0x3FA8] =	sst s8  }
0x11: {  	[smem:$0x3FA9] =	sst s9;
	s0 =	simm.s32 @!p0 $0x0  }
0x12: {  	s1 =	sld [smem:$0x3F8F];
	s0 =	simm.s32 @p0 $0x1  }
0x13: {  	[smem:$0x3FAA] =	sst s0;
	s0 =	simm.s32 @!p1 $0x0  }
0x14: {  	s2 =	sld [smem:$0x3F8E];
	s0 =	simm.s32 @p1 $0x1  }
0x15: {  	[smem:$0x3FAB] =	sst s0;
	s0 =	simm.s32 @!p2 $0x0  }
0x16: {  	s3 =	sld [smem:$0x3FDB];
	s0 =	simm.s32 @p2 $0x1  }
0x17: {  	s4 =	simm.s32 $0x1BF5;
	[smem:$0x3FAD] =	sst s0  }
0x18: {  	s0 =	sld [smem:$0x3F90];
	_ =	swait.ge [sflag:s4], $0x0  }
0x19: {  	s7 =	sld [smem:$0x3F91]  }
0x1a: {  	s8 =	sadd.s32 $0xFFFFE003, lr  }
0x1b: {  	s9 =	sadd.s32 $0xFFFFFEF7, lr;
	s5 =	simm.s32 $0xFFFFFFFF;
	p2 =	slt.u32 s8, $0xFFFFF086  }
0x1c: {  	p1 =	slt.u32 s9, $0xF7A;
	s5 =	simm.s32 @!p2 $0x0  }
0x1d: {  	s5 =	simm.s32 @p1 $0x1;
	p0 =	seq.s32 s7, s2  }
0x1e: {  	s7 =	smul.u32 @!p0 $0xF7A, s2;
	p2 =	seq.s32 @!p0 s5, $0x0  }
0x1f: {  	s9 =	smul.u32 $0xF7A, s1;
	s8 =	simm.s32 @!p0 $0x1BF5;
	p2 =	por !p2, p0  }
0x20: {  	[sflag:s8] =	ssyncset.s32 @!p0 $0xFFFFF086;
	s6 =	sadd.s32 @!p0 s3, s7;
	s7 =	simm.s32 @!p0 $0x108  }
0x21: {  	s3 =	sadd.s32 s3, s9;
	s6 =	sadd.s32 @!p0 $0x88, s6;
	s7 =	simm.s32 @p2 $0x1082  }
0x22: {  	[simem:s7], [sflag:s8] =	dma.local @!p0 [hbm:s6], $0xF7A  }
0x23: {  	s9 =	sor.u32 $0xD0000000, s2;
	s6 =	simm.s32 $0x108;
	_ =	swait.ge @!p0 [sflag:s8], $0x0  }
0x24: {  	s3 =	sadd.s32 $0x88, s3;
	s6 =	simm.s32 @!p1 $0x1082;
	[sflag:s4] =	ssyncset.s32 $0xFFFFF086  }
0x25: {  	[simem:s6], [sflag:s4] =	dma.local [hbm:s3], $0xF7A  }
0x26: {  	[smem:$0x3F91] =	sst s1;
	(tag) =	ssettag s2;
	_ =	strace s9  }
0x27: {  	s1 =	sld [smem:$0x3FA1]  }
0x28: {  	s2 =	sld [smem:$0x3FA2]  }
0x29: {  	s4 =	sld [smem:$0x3FA4]  }
0x2a: {  	p0 =	seq.s32 s5, $0x0;
	s5 =	sld [smem:$0x3FA5]  }
0x2b: {  	s6 =	sld [smem:$0x3FA6]  }
0x2c: {  	s7 =	sld [smem:$0x3FA7]  }
0x2d: {  	s3 =	simm.s32 $0x108;
	s8 =	sld [smem:$0x3FA8]  }
0x2e: {  	s3 =	simm.s32 @!p0 $0x1082;
	s9 =	sld [smem:$0x3FA9]  }
0x2f: {  	lr =	sadd.s32 s0, s3;
	s0 =	sld [smem:$0x3FA0]  }
0x30: {  	s3 =	sld [smem:$0x3FA3]  }
0x31: {  	[smem:$0x3FAC] =	sst s10  }
0x32: {  	s10 =	sld [smem:$0x3FAA];
	_ =	sdelay $0x3  }
0x33: {  	p0 =	seq.s32 s10, $0x1;
	s10 =	sld [smem:$0x3FAC];
	_ =	sdelay $0x3  }
0x34: {  	[smem:$0x3FAC] =	sst s10  }
0x35: {  	s10 =	sld [smem:$0x3FAB];
	_ =	sdelay $0x3  }
0x36: {  	p1 =	seq.s32 s10, $0x1;
	s10 =	sld [smem:$0x3FAC];
	_ =	sdelay $0x3  }
0x37: {  	[smem:$0x3FAC] =	sst s10  }
0x38: {  	s10 =	sld [smem:$0x3FAD]  }
0x39: {  	_ = 	snop;
	(pc) =	sbr.ind lr, $3  }
0x3a: {  	_ = 	snop  }
0x3b: {  	_ = 	snop  }
0x3c: {  	p2 =	seq.s32 s10, $0x1;
	s10 =	sld [smem:$0x3FAC]  }
0x3d: {  	_ =	shalt  }
0x3e: {  	_ =	shalt  }
0x3f: {  	_ =	shalt  }
0x40: {  	_ =	shalt  }
0x41: {  	_ =	shalt  }
0x42: {  	_ =	shalt  }
0x43: {  	_ =	shalt  }
0x44: {  	_ =	shalt  }
0x45: {  	_ =	shalt  }
0x46: {  	_ =	shalt  }
0x47: {  	_ =	shalt  }
0x48: {  	_ =	shalt  }
0x49: {  	_ =	shalt  }
0x4a: {  	_ =	shalt  }
0x4b: {  	_ =	shalt  }
0x4c: {  	_ =	shalt  }
0x4d: {  	_ =	shalt  }
0x4e: {  	_ =	shalt  }
0x4f: {  	_ =	shalt  }
0x50: {  	_ =	shalt  }
0x51: {  	_ =	shalt  }
0x52: {  	_ =	shalt  }
0x53: {  	_ =	shalt  }
0x54: {  	_ =	shalt  }
0x55: {  	_ =	shalt  }
0x56: {  	_ =	shalt  }
0x57: {  	_ =	shalt  }
0x58: {  	_ =	shalt  }
0x59: {  	_ =	shalt  }
0x5a: {  	_ =	shalt  }
0x5b: {  	_ =	shalt  }
0x5c: {  	_ =	shalt  }
0x5d: {  	_ =	shalt  }
0x5e: {  	_ =	shalt  }
0x5f: {  	_ =	shalt  }
0x60: {  	_ =	shalt  }
0x61: {  	_ =	shalt  }
0x62: {  	_ =	shalt  }
0x63: {  	_ =	shalt  }
0x64: {  	_ =	shalt  }
0x65: {  	_ =	shalt  }
0x66: {  	_ =	shalt  }
0x67: {  	_ =	shalt  }
0x68: {  	_ =	shalt  }
0x69: {  	_ =	shalt  }
0x6a: {  	_ =	shalt  }
0x6b: {  	_ =	shalt  }
0x6c: {  	_ =	shalt  }
0x6d: {  	_ =	shalt  }
0x6e: {  	_ =	shalt  }
0x6f: {  	_ =	shalt  }
0x70: {  	_ =	shalt  }
0x71: {  	_ =	shalt  }
0x72: {  	_ =	shalt  }
0x73: {  	_ =	shalt  }
0x74: {  	_ =	shalt  }
0x75: {  	_ =	shalt  }
0x76: {  	_ =	shalt  }
0x77: {  	_ =	shalt  }
0x78: {  	_ =	shalt  }
0x79: {  	_ =	shalt  }
0x7a: {  	_ =	shalt  }
0x7b: {  	_ =	shalt  }
0x7c: {  	_ =	shalt  }
0x7d: {  	_ =	shalt  }
0x7e: {  	_ =	shalt  }
0x7f: {  	_ =	shalt  }
0x80: {  	_ =	shalt  }
0x81: {  	_ =	shalt  }
0x82: {  	_ =	shalt  }
0x83: {  	_ =	shalt  }
0x84: {  	_ =	shalt  }
0x85: {  	_ =	shalt  }
0x86: {  	_ =	shalt  }
0x87: {  	_ =	shalt  }
.Lfunc_end0:
.L_simem_size_0:
called_computation_lowered:
.L_overlay_start_0:
0x88: {  	s2 =	sld [smem:$0x3FD9]  }
0x89: {  	s3 =	sld [smem:$0x3FFE];
	_ =	sdelay $0x1  }
0x8a: {  	s1 =	srdreg.scid  }
0x8b: {  	s0 =	sand.u32 $0x1, s1  }
0x8c: {  	s16 =	sshll.u32 s0, $0xA;
	s2 =	sadd.s32 s3, s2  }
0x8d: {  	s2 =	sadd.s32 s2, s16  }
0x8e: {  	[smem:$0x3FB8] =	sst s2  }
0x8f: {  	_ = 	snop  }
0x90: {  	(tm) =	ssettm $0x1  }
0x91: {  	s17 =	sld [smem:$0x3FFB];
	_ =	sdelay $0x3  }
0x92: {  	_ =	strace s17  }
0x93: {  	s2 =	sld [smem:$0x3FFC];
	_ =	sdelay $0x3  }
0x94: {  	_ =	strace s2  }
0x95: {  	s2 =	sld [smem:$0x3FFD];
	_ =	sdelay $0x3  }
0x96: {  	_ =	strace s2  }
0x97: {  	_ =	strace $0x8FFFFFFF  }
0x98: {  	s18 =	sld [smem:$0x3FDB];
	_ =	sdelay $0x1  }
0x99: {  	s19 =	simm.s32 $_scs_section_size  }
0x9a: {  	s4 =	simm.s32 $_size__tile_overlayer_lowered;
	s5 =	simm.s32 $_tile_overlayer_lowered  }
0x9b: {  	s22 =	simm.s32 $0x1BFF;
	s21 =	sshll.u32 s5, $0x1;
	s2 =	sadd.s32 s19, s18  }
0x9c: {  	s6 =	simm.s32 $0x0;
	s20 =	sshll.u32 s4, $0x1;
	s4 =	sadd.s32 s21, s2  }
0x9d: {  	[timem:s6], [sflag:s22] =	dma.local [hbm:s4], s20  }
0x9e: {  	_ =	swait.ge [sflag:s22], s20  }
0x9f: {  	s3 =	ssub.s32 $0x0, s20;
	[sflag:s22] =	ssyncset.done $0x0  }
0xa0: {  	[sflag:s22] =	ssyncadd.s32 s3;
	_ =	sdelay $0x1  }
0xa1: {  	s23 =	simm.s32 $0x1B8B  }
0xa2: {  	_ =	swait.ge [sflag:s23], $0x1  }
0xa3: {  	[sflag:s23] =	ssyncset.done $0x0  }
0xa4: {  	s25 =	simm.s32 $0x1B8E;
	s24 =	sld [smem:$0x3FFE];
	[sflag:s23] =	ssyncadd.s32 $0xFFFFFFFF  }
0xa5: {  	s26 =	simm.s32 $execute0_lowered;
	[smem:$0x3FD2] =	sst s25  }
0xa6: {  	s4 =	sshll.u32 s26, $0x1;
	_ =	strace $0x80000046;
	[dreg:$0x1] =	wrdreg $0xFFFFFFFF  }
0xa7: {  	s28 =	simm.s32 $_size_execute0_lowered;
	s2 =	sadd.s32 s2, s4;
	[dreg:$0x0] =	wrdreg $0x0  }
0xa8: {  	s4 =	sshll.u32 s28, $0x1;
	[dreg:$0x2] =	wrdreg s2  }
0xa9: {  	[dreg:$0x3] =	wrdreg s4  }
0xaa: {  	[dreg:$0x4] =	wrdreg $0xC0  }
0xab: {  	_ =	task [dreg:s6], $0x5FFFF  }
0xac: {  	[dreg:$0x1] =	wrdreg $0xFFFFFFFF  }
0xad: {  	[dreg:$0x0] =	wrdreg $0x60  }
0xae: {  	[dreg:$0x2] =	wrdreg s24  }
0xaf: {  	[dreg:$0x3] =	wrdreg $0x68000  }
0xb0: {  	[dreg:$0x4] =	wrdreg $0x9  }
0xb1: {  	_ =	task.clear_ibuf [dreg:s6], $0x5FFFF;
	_ =	strace $0x90000046  }
0xb2: {  	s29 =	simm.s32 $0x9;
	_ =	strace $0x80000048  }
0xb3: {  	_ =	swait.ge [sflag:s29], $0x1  }
0xb4: {  	[sflag:s29] =	ssyncadd.s32 $0xFFFFFFFF  }
0xb5: {  	_ =	strace $0x90000048  }
0xb6: {  	_ =	sfence  }
0xb7: {  	s30 =	sld [smem:$0x0];
	_ =	sdelay $0x2  }
0xb8: {  	s31 =	sshll.u32 s1, $0xD;
	s1 =	sshrl.u32 s1, $0x2  }
0xb9: {  	s3 =	sand.u32 $0x4000, s31;
	s1 =	sadd.s32 s1, s30  }
0xba: {  	s0 =	sor.u32 s3, s0;
	s1 =	sshll.u32 s1, $0x11  }
0xbb: {  	s0 =	sor.u32 s1, s0  }
0xbc: {  	s0 =	sadd.s32 $0x8F2B, s0  }
0xbd: {  	[sflag:s0] =	ssyncadd.remote.s32 $0x1  }
0xbe: {  	_ =	sfence.sel $0xFFFF  }
0xbf: {  	[dreg:$0x0] =	wrdreg $0xFFFFFFFF;
	(pc) =	sbr.abs _section_cstart, $3  }
0xc0: {  	[dreg:$0x1] =	wrdreg $0xFFFFFFFF  }
0xc1: {  	_ =	task.clear_ibuf [dreg:s6], $0x2FFFF;
	_ =	strace $0x9FFFFFFF  }
0xc2: {  	(tm) =	ssettm $0x7FFFFFFF  }
0xc3: {  	_ =	shalt  }
tec
execute0_lowered:
.L_overlay_start_1:
0x0: {  	(tag) =	ssettag $0x1  }
0x1: {  	s7 =	rddreg [dreg:$0x0]  }
0x2: {  	s0 =	srdreg.scid;
	s2 =	rddreg [dreg:$0x1];
	s3 =	simm.s32 $0x0  }
0x3: {  	s13 =	simm.s32 $0x80;
	s14 =	simm.s32 $0x1;
	s6 =	sand.u32 $0x1, s0  }
0x4: {  	s15 =	simm.s32 $0x0;
	s0 =	stileid.u32;
	s5 =	smul.u32 $0x140000, s6  }
0x5: {  	[smem:$0x7FF] =	sst s3;
	s1 =	sshll.u32 s6, $0x4;
	s8 =	smul.u32 $0x14000, s0  }
0x6: {  	s10 =	smul.u32 $0x50000, s0;
	s6 =	ssub.s32 $0x2, s6;
	s1 =	sor.u32 s0, s1  }
0x7: {  	s11 =	sshll.u32 s0, $0x6;
	s31 =	sshrl.u32 s6, $0x1;
	s4 =	smul.u32 $0x500, s1  }
0x8: {  	s1 =	rddreg [dreg:$0x2];
	_ =	strace $0x80000047;
	s5 =	sadd.s32 s8, s5  }
0x9: {  	s10 =	sshrl.u32 s10, $0x2;
	s12 =	ssub.s32 s6, s31;
	s6 =	sor.u32 $0x1C02, s11  }
0xa: {  	s11 =	simm.s32 $0x2;
	s8 =	sshrl.u32 s5, $0x3;
	s5 =	sadd.s32 $0x12A00, s7  }
0xb: {  	s10 =	sadd.s32 s10, s2;
	s9 =	sadd.s32 s4, s7;
	s4 =	sadd.s32 $0x10200, s7  }
0xc: {  	s8 =	sadd.s32 s8, s7;
	s10 =	sshrl.u32 s10, $0x3;
	s7 =	sadd.s32 $0x6200, s9  }
0xd: {  	s8 =	sadd.s32 $0x13200, s8;
	s9 =	smax.u32 s12, $0x1;
	s12 =	simm.s32 $0x2800  }
.LBB2_1:
0xe: {  	[spmem:s10], [sflag:s6] =	dma.local [hbm:s4], $0x2800  }
0xf: {  	_ =	swait.ge [sflag:s11], $0x2800  }
0x10: {  	[sflag:s11] =	ssyncset.done $0x0  }
0x11: {  	[sflag:s11] =	ssyncadd.s32 $0xFFFFD800  }
0x12: {  	[tilespmem:s12], [sflag:$0x2] =	stream.linear.gather [hbm4b:s5+s3], $0x4000, $0x38;
	[tilespmem:$0x1A800] =	vst v63  }
0x13: {  	_ =	swait.ge [sflag:s11], $0x4000  }
0x14: {  	[sflag:s11] =	ssyncset.done $0x0  }
0x15: {  	[sflag:s11] =	ssyncadd.s32 $0xFFFFC000  }
0x16: {  	[tilespmem:s3], [sflag:$0x2] =	stream.linear.gather [hbm4b:s7+s3], $0x2800, $0x38;
	[tilespmem:$0x1A800] =	vst v63  }
0x17: {  	_ =	swait.ge [sflag:s11], $0x2800  }
0x18: {  	[sflag:s11] =	ssyncset.done $0x0  }
0x19: {  	p0 =	por $0x1, $0x1;
	[sflag:s11] =	ssyncadd.s32 $0xFFFFD800  }
0x1a: {  	s17 =	simm.s32 @!p0 $0x1;
	[bflag:$0x0] =	sbarrier.arrive $0xFFFF  }
0x1b: {  	_ =	swait.ge @!p0 [sflag:s17], $0x4000  }
0x1c: {  	s16 =	simm.s32 $0x1;
	[sflag:s17] =	ssyncset.done @!p0 $0x0  }
0x1d: {  	s18 =	simm.s32 $0x0;
	[sflag:s17] =	ssyncadd.s32 @!p0 $0xFFFFC000;
	s17 =	simm.s32 $0x80  }
.LBB2_2:
0x1e: {  	[spmem:s2] =	stream.indirect.scatter.add.f32 [tilespmem:s12], [sflag:$0x1], $0x80, s18, s13, $0xb8;
	[tilespmem:$0x1A800] =	vst v63  }
0x1f: {  	p0 =	slt.u32 s16, $0x8;
	s16 =	sadd.s32 $0x1, s16  }
0x20: {  	p1 =	sne.s32 s16, $0x50  }
.Ltmp0:
0x21: {  	(pc) =	sbr.rel @p1 .LBB2_2-.Ltmp0, $4  }
0x22: {  	s18 =	smov.u32 s17;
	s19 =	simm.s32 @!p0 $0x1  }
0x23: {  	_ =	swait.ge @!p0 [sflag:s19], $0x4000  }
0x24: {  	[sflag:s19] =	ssyncset.done @!p0 $0x0  }
0x25: {  	s17 =	sadd.s32 $0x80, s17;
	[sflag:s19] =	ssyncadd.s32 @!p0 $0xFFFFC000  }
0x26: {  	[spmem:s2] =	stream.indirect.scatter.add.f32 [tilespmem:s12], [sflag:$0x1], $0x80, s18, s13, $0xb8;
	[tilespmem:$0x1A800] =	vst v63  }
0x27: {  	_ =	swait.ge [sflag:s14], $0x4000  }
0x28: {  	[sflag:s14] =	ssyncset.done $0x0  }
0x29: {  	[sflag:s14] =	ssyncadd.s32 $0xFFFFC000  }
0x2a: {  	_ =	swait.ge [sflag:s14], $0x4000  }
0x2b: {  	[sflag:s14] =	ssyncset.done $0x0  }
0x2c: {  	[sflag:s14] =	ssyncadd.s32 $0xFFFFC000  }
0x2d: {  	_ =	swait.ge [sflag:s14], $0x4000  }
0x2e: {  	[sflag:s14] =	ssyncset.done $0x0  }
0x2f: {  	[sflag:s14] =	ssyncadd.s32 $0xFFFFC000  }
0x30: {  	_ =	swait.ge [sflag:s14], $0x4000  }
0x31: {  	[sflag:s14] =	ssyncset.done $0x0  }
0x32: {  	[sflag:s14] =	ssyncadd.s32 $0xFFFFC000  }
0x33: {  	_ =	swait.ge [sflag:s14], $0x4000  }
0x34: {  	[sflag:s14] =	ssyncset.done $0x0  }
0x35: {  	[sflag:s14] =	ssyncadd.s32 $0xFFFFC000  }
0x36: {  	_ =	swait.ge [sflag:s14], $0x4000  }
0x37: {  	[sflag:s14] =	ssyncset.done $0x0  }
0x38: {  	[sflag:s14] =	ssyncadd.s32 $0xFFFFC000  }
0x39: {  	_ =	swait.ge [sflag:s14], $0x4000  }
0x3a: {  	[sflag:s14] =	ssyncset.done $0x0  }
0x3b: {  	[sflag:s14] =	ssyncadd.s32 $0xFFFFC000  }
0x3c: {  	_ =	swait.ge [sflag:s14], $0x4000  }
0x3d: {  	s15 =	sadd.s32 $0x1, s15;
	[sflag:s14] =	ssyncset.done $0x0  }
0x3e: {  	p0 =	sne.s32 s15, s9;
	[sflag:s14] =	ssyncadd.s32 $0xFFFFC000  }
.Ltmp1:
0x3f: {  	[bflag:$0x0] =	sbarrier.arrive $0xFFFF;
	(pc) =	sbr.rel @p0 .LBB2_1-.Ltmp1, $4  }
0x40: {  	[hbm:s8], [sflag:s6] =	dma.local [spmem:s10], $0x2800  }
0x41: {  	_ =	swait.ge [sflag:s11], $0x2800  }
0x42: {  	[sflag:s11] =	ssyncset.done $0x0  }
0x43: {  	[sflag:s11] =	ssyncadd.s32 $0xFFFFD800  }
0x44: {  	_ =	sfence.sel $0x180000  }
0x45: {  	[bflag:$0x0] =	sbarrier.arrive $0xFFFF  }
0x46: {  	p0 =	sne.s32 s0, $0x0;
	_ =	strace $0x90000047  }
0x47: {  	s0 =	sadd.s32 @!p0 $0x100000, s1;
	[bflag:$0x2] =	sbarrier.arrive $0xFFFF  }
0x48: {  	[sflag:s0] =	ssyncadd.tile.s32 @!p0 $0x1;
	_ =	shalt  }
.Lfunc_end2:
_tile_overlayer_lowered:
.L_overlay_start_2:
0x49: {  	(tag) =	ssettag $0x2  }
0x4a: {  	s0 =	rddreg [dreg:$0x0];
	s2 =	stileid.u32  }
0x4b: {  	s1 =	rddreg [dreg:$0x1];
	p0 =	sne.s32 s2, $0x0  }
0x4c: {  	s3 =	rddreg [dreg:$0x2];
	[bflag:$0x3] =	sbarrier.arrive $0xFFFF;
	s2 =	simm.s32 @!p0 $0x1C02  }
0x4d: {  	[timem:s3], [sflag:s2] =	dma.local @!p0 [hbm:s0], s1  }
0x4e: {  	s0 =	simm.s32 @!p0 $0x2  }
0x4f: {  	_ =	swait.ge @!p0 [sflag:s0], s1  }
0x50: {  	s1 =	ssub.s32 @!p0 $0x0, s1;
	[sflag:s0] =	ssyncset.done @!p0 $0x0  }
0x51: {  	[sflag:s0] =	ssyncadd.s32 @!p0 s1  }
0x52: {  	[bflag:$0x3] =	sbarrier.arrive $0xFFFF  }
0x53: {  	_ =	shalt  }

// kernel: kernel.14.cloned.1.call-start
scs
__scs_entry_jumppad:
0x0: {  	(pc) =	sbr.rel $0x88, $3  }
0x1: {  	(tag) =	ssettag $0x0;
	lr =	simm.s32 $0x1  }
0x2: {  	[smem:$0x3F91] =	sst lr;
	_ =	strace $0xD0000000  }
0x3: {  	_ = 	snop  }
0x4: {  	_ = 	snop  }
0x5: {  	_ = 	snop  }
0x6: {  	_ = 	snop  }
0x7: {  	_ = 	snop  }
__scs_overlays_trampoline_lowered:
0x8: {  	[smem:$0x3FA0] =	sst s0  }
0x9: {  	[smem:$0x3FA1] =	sst s1  }
0xa: {  	[smem:$0x3FA2] =	sst s2  }
0xb: {  	[smem:$0x3FA3] =	sst s3  }
0xc: {  	[smem:$0x3FA4] =	sst s4  }
0xd: {  	[smem:$0x3FA5] =	sst s5  }
0xe: {  	[smem:$0x3FA6] =	sst s6  }
0xf: {  	[smem:$0x3FA7] =	sst s7  }
0x10: {  	[smem:$0x3FA8] =	sst s8  }
0x11: {  	[smem:$0x3FA9] =	sst s9;
	s0 =	simm.s32 @!p0 $0x0  }
0x12: {  	s1 =	sld [smem:$0x3F8F];
	s0 =	simm.s32 @p0 $0x1  }
0x13: {  	[smem:$0x3FAA] =	sst s0;
	s0 =	simm.s32 @!p1 $0x0  }
0x14: {  	s2 =	sld [smem:$0x3F8E];
	s0 =	simm.s32 @p1 $0x1  }
0x15: {  	[smem:$0x3FAB] =	sst s0;
	s0 =	simm.s32 @!p2 $0x0  }
0x16: {  	s3 =	sld [smem:$0x3FDB];
	s0 =	simm.s32 @p2 $0x1  }
0x17: {  	s4 =	simm.s32 $0x1BF5;
	[smem:$0x3FAD] =	sst s0  }
0x18: {  	s0 =	sld [smem:$0x3F90];
	_ =	swait.ge [sflag:s4], $0x0  }
0x19: {  	s7 =	sld [smem:$0x3F91]  }
0x1a: {  	s8 =	sadd.s32 $0xFFFFE003, lr  }
0x1b: {  	s9 =	sadd.s32 $0xFFFFFEF7, lr;
	s5 =	simm.s32 $0xFFFFFFFF;
	p2 =	slt.u32 s8, $0xFFFFF086  }
0x1c: {  	p1 =	slt.u32 s9, $0xF7A;
	s5 =	simm.s32 @!p2 $0x0  }
0x1d: {  	s5 =	simm.s32 @p1 $0x1;
	p0 =	seq.s32 s7, s2  }
0x1e: {  	s7 =	smul.u32 @!p0 $0xF7A, s2;
	p2 =	seq.s32 @!p0 s5, $0x0  }
0x1f: {  	s9 =	smul.u32 $0xF7A, s1;
	s8 =	simm.s32 @!p0 $0x1BF5;
	p2 =	por !p2, p0  }
0x20: {  	[sflag:s8] =	ssyncset.s32 @!p0 $0xFFFFF086;
	s6 =	sadd.s32 @!p0 s3, s7;
	s7 =	simm.s32 @!p0 $0x108  }
0x21: {  	s3 =	sadd.s32 s3, s9;
	s6 =	sadd.s32 @!p0 $0x88, s6;
	s7 =	simm.s32 @p2 $0x1082  }
0x22: {  	[simem:s7], [sflag:s8] =	dma.local @!p0 [hbm:s6], $0xF7A  }
0x23: {  	s9 =	sor.u32 $0xD0000000, s2;
	s6 =	simm.s32 $0x108;
	_ =	swait.ge @!p0 [sflag:s8], $0x0  }
0x24: {  	s3 =	sadd.s32 $0x88, s3;
	s6 =	simm.s32 @!p1 $0x1082;
	[sflag:s4] =	ssyncset.s32 $0xFFFFF086  }
0x25: {  	[simem:s6], [sflag:s4] =	dma.local [hbm:s3], $0xF7A  }
0x26: {  	[smem:$0x3F91] =	sst s1;
	(tag) =	ssettag s2;
	_ =	strace s9  }
0x27: {  	s1 =	sld [smem:$0x3FA1]  }
0x28: {  	s2 =	sld [smem:$0x3FA2]  }
0x29: {  	s4 =	sld [smem:$0x3FA4]  }
0x2a: {  	p0 =	seq.s32 s5, $0x0;
	s5 =	sld [smem:$0x3FA5]  }
0x2b: {  	s6 =	sld [smem:$0x3FA6]  }
0x2c: {  	s7 =	sld [smem:$0x3FA7]  }
0x2d: {  	s3 =	simm.s32 $0x108;
	s8 =	sld [smem:$0x3FA8]  }
0x2e: {  	s3 =	simm.s32 @!p0 $0x1082;
	s9 =	sld [smem:$0x3FA9]  }
0x2f: {  	lr =	sadd.s32 s0, s3;
	s0 =	sld [smem:$0x3FA0]  }
0x30: {  	s3 =	sld [smem:$0x3FA3]  }
0x31: {  	[smem:$0x3FAC] =	sst s10  }
0x32: {  	s10 =	sld [smem:$0x3FAA];
	_ =	sdelay $0x3  }
0x33: {  	p0 =	seq.s32 s10, $0x1;
	s10 =	sld [smem:$0x3FAC];
	_ =	sdelay $0x3  }
0x34: {  	[smem:$0x3FAC] =	sst s10  }
0x35: {  	s10 =	sld [smem:$0x3FAB];
	_ =	sdelay $0x3  }
0x36: {  	p1 =	seq.s32 s10, $0x1;
	s10 =	sld [smem:$0x3FAC];
	_ =	sdelay $0x3  }
0x37: {  	[smem:$0x3FAC] =	sst s10  }
0x38: {  	s10 =	sld [smem:$0x3FAD]  }
0x39: {  	_ = 	snop;
	(pc) =	sbr.ind lr, $3  }
0x3a: {  	_ = 	snop  }
0x3b: {  	_ = 	snop  }
0x3c: {  	p2 =	seq.s32 s10, $0x1;
	s10 =	sld [smem:$0x3FAC]  }
0x3d: {  	_ =	shalt  }
0x3e: {  	_ =	shalt  }
0x3f: {  	_ =	shalt  }
0x40: {  	_ =	shalt  }
0x41: {  	_ =	shalt  }
0x42: {  	_ =	shalt  }
0x43: {  	_ =	shalt  }
0x44: {  	_ =	shalt  }
0x45: {  	_ =	shalt  }
0x46: {  	_ =	shalt  }
0x47: {  	_ =	shalt  }
0x48: {  	_ =	shalt  }
0x49: {  	_ =	shalt  }
0x4a: {  	_ =	shalt  }
0x4b: {  	_ =	shalt  }
0x4c: {  	_ =	shalt  }
0x4d: {  	_ =	shalt  }
0x4e: {  	_ =	shalt  }
0x4f: {  	_ =	shalt  }
0x50: {  	_ =	shalt  }
0x51: {  	_ =	shalt  }
0x52: {  	_ =	shalt  }
0x53: {  	_ =	shalt  }
0x54: {  	_ =	shalt  }
0x55: {  	_ =	shalt  }
0x56: {  	_ =	shalt  }
0x57: {  	_ =	shalt  }
0x58: {  	_ =	shalt  }
0x59: {  	_ =	shalt  }
0x5a: {  	_ =	shalt  }
0x5b: {  	_ =	shalt  }
0x5c: {  	_ =	shalt  }
0x5d: {  	_ =	shalt  }
0x5e: {  	_ =	shalt  }
0x5f: {  	_ =	shalt  }
0x60: {  	_ =	shalt  }
0x61: {  	_ =	shalt  }
0x62: {  	_ =	shalt  }
0x63: {  	_ =	shalt  }
0x64: {  	_ =	shalt  }
0x65: {  	_ =	shalt  }
0x66: {  	_ =	shalt  }
0x67: {  	_ =	shalt  }
0x68: {  	_ =	shalt  }
0x69: {  	_ =	shalt  }
0x6a: {  	_ =	shalt  }
0x6b: {  	_ =	shalt  }
0x6c: {  	_ =	shalt  }
0x6d: {  	_ =	shalt  }
0x6e: {  	_ =	shalt  }
0x6f: {  	_ =	shalt  }
0x70: {  	_ =	shalt  }
0x71: {  	_ =	shalt  }
0x72: {  	_ =	shalt  }
0x73: {  	_ =	shalt  }
0x74: {  	_ =	shalt  }
0x75: {  	_ =	shalt  }
0x76: {  	_ =	shalt  }
0x77: {  	_ =	shalt  }
0x78: {  	_ =	shalt  }
0x79: {  	_ =	shalt  }
0x7a: {  	_ =	shalt  }
0x7b: {  	_ =	shalt  }
0x7c: {  	_ =	shalt  }
0x7d: {  	_ =	shalt  }
0x7e: {  	_ =	shalt  }
0x7f: {  	_ =	shalt  }
0x80: {  	_ =	shalt  }
0x81: {  	_ =	shalt  }
0x82: {  	_ =	shalt  }
0x83: {  	_ =	shalt  }
0x84: {  	_ =	shalt  }
0x85: {  	_ =	shalt  }
0x86: {  	_ =	shalt  }
0x87: {  	_ =	shalt  }
.Lfunc_end0:
.L_simem_size_0:
called_computation.1_lowered:
.L_overlay_start_0:
0x88: {  	s2 =	sld [smem:$0x3FD9]  }
0x89: {  	s3 =	sld [smem:$0x3FFE];
	_ =	sdelay $0x1  }
0x8a: {  	s1 =	srdreg.scid  }
0x8b: {  	s0 =	sand.u32 $0x1, s1  }
0x8c: {  	s17 =	sshll.u32 s0, $0xA;
	s2 =	sadd.s32 s3, s2  }
0x8d: {  	s2 =	sadd.s32 s2, s17  }
0x8e: {  	[smem:$0x3FB8] =	sst s2  }
0x8f: {  	_ = 	snop  }
0x90: {  	s2 =	sld [smem:$0x3FD0];
	(tm) =	ssettm $0x1  }
0x91: {  	s18 =	sld [smem:$0x3FFB];
	_ =	sdelay $0x3  }
0x92: {  	_ =	strace s18  }
0x93: {  	s3 =	sld [smem:$0x3FFC];
	_ =	sdelay $0x3  }
0x94: {  	_ =	strace s3  }
0x95: {  	s3 =	sld [smem:$0x3FFD];
	_ =	sdelay $0x3  }
0x96: {  	_ =	strace s3  }
0x97: {  	_ =	strace $0x8FFFFFFF  }
0x98: {  	s19 =	sld [smem:$0x3FDB];
	_ =	sdelay $0x1  }
0x99: {  	s4 =	simm.s32 $_scs_section_size  }
0x9a: {  	s5 =	simm.s32 $_size__tile_overlayer_lowered;
	s6 =	simm.s32 $_tile_overlayer_lowered  }
0x9b: {  	s22 =	simm.s32 $0x1BFF;
	s21 =	sshll.u32 s6, $0x1;
	s3 =	sadd.s32 s4, s19  }
0x9c: {  	s7 =	simm.s32 $0x0;
	s20 =	sshll.u32 s5, $0x1;
	s5 =	sadd.s32 s21, s3  }
0x9d: {  	[timem:s7], [sflag:s22] =	dma.local [hbm:s5], s20  }
0x9e: {  	_ =	swait.ge [sflag:s22], s20  }
0x9f: {  	s4 =	ssub.s32 $0x0, s20;
	[sflag:s22] =	ssyncset.done $0x0  }
0xa0: {  	[sflag:s22] =	ssyncadd.s32 s4;
	_ =	sdelay $0x1  }
0xa1: {  	s23 =	simm.s32 $0x1B8B  }
0xa2: {  	_ =	swait.ge [sflag:s23], $0x1  }
0xa3: {  	[sflag:s23] =	ssyncset.done $0x0  }
0xa4: {  	s25 =	simm.s32 $0x1B8E;
	s24 =	sld [smem:$0x3FFE];
	[sflag:s23] =	ssyncadd.s32 $0xFFFFFFFF  }
0xa5: {  	s26 =	simm.s32 $execute0_lowered;
	[smem:$0x3FD2] =	sst s25  }
0xa6: {  	s5 =	sshll.u32 s26, $0x1;
	_ =	strace $0x80000049;
	[dreg:$0x1] =	wrdreg $0xFFFFFFFF  }
0xa7: {  	s28 =	simm.s32 $_size_execute0_lowered;
	s3 =	sadd.s32 s3, s5;
	[dreg:$0x0] =	wrdreg $0x0  }
0xa8: {  	s5 =	sshll.u32 s28, $0x1;
	[dreg:$0x2] =	wrdreg s3  }
0xa9: {  	[dreg:$0x3] =	wrdreg s5  }
0xaa: {  	[dreg:$0x4] =	wrdreg $0xC0  }
0xab: {  	_ =	task [dreg:s7], $0x5FFFF  }
0xac: {  	[dreg:$0x1] =	wrdreg $0xFFFFFFFF  }
0xad: {  	[dreg:$0x0] =	wrdreg $0x60  }
0xae: {  	[dreg:$0x2] =	wrdreg s24  }
0xaf: {  	[dreg:$0x3] =	wrdreg s2  }
0xb0: {  	[dreg:$0x4] =	wrdreg $0xBC000  }
0xb1: {  	[dreg:$0x5] =	wrdreg $0x9  }
0xb2: {  	_ =	task.clear_ibuf [dreg:s7], $0x6FFFF;
	_ =	strace $0x90000049  }
0xb3: {  	s29 =	simm.s32 $0x9;
	_ =	strace $0x8000004B  }
0xb4: {  	_ =	swait.ge [sflag:s29], $0x1  }
0xb5: {  	[sflag:s29] =	ssyncadd.s32 $0xFFFFFFFF  }
0xb6: {  	_ =	strace $0x9000004B  }
0xb7: {  	_ =	sfence  }
0xb8: {  	s30 =	sld [smem:$0x0];
	_ =	sdelay $0x2  }
0xb9: {  	s31 =	sshll.u32 s1, $0xD;
	s1 =	sshrl.u32 s1, $0x2  }
0xba: {  	s3 =	sand.u32 $0x4000, s31;
	s1 =	sadd.s32 s1, s30  }
0xbb: {  	s0 =	sor.u32 s3, s0;
	s1 =	sshll.u32 s1, $0x11  }
0xbc: {  	s0 =	sor.u32 s1, s0  }
0xbd: {  	s0 =	sadd.s32 $0x8F2B, s0  }
0xbe: {  	[sflag:s0] =	ssyncadd.remote.s32 $0x1  }
0xbf: {  	_ =	sfence.sel $0xFFFF  }
0xc0: {  	[dreg:$0x0] =	wrdreg $0xFFFFFFFF;
	(pc) =	sbr.abs _section_cstart, $3  }
0xc1: {  	[dreg:$0x1] =	wrdreg $0xFFFFFFFF  }
0xc2: {  	_ =	task.clear_ibuf [dreg:s7], $0x2FFFF;
	_ =	strace $0x9FFFFFFF  }
0xc3: {  	(tm) =	ssettm $0x7FFFFFFF  }
tec
execute0_lowered:
.L_overlay_start_1:
0x0: {  	(tag) =	ssettag $0x1  }
0x1: {  	s0 =	rddreg [dreg:$0x0]  }
0x2: {  	s2 =	rddreg [dreg:$0x1]  }
0x3: {  	s1 =	rddreg [dreg:$0x2];
	s3 =	srdreg.scid  }
0x4: {  	s12 =	stileid.u32;
	s14 =	simm.s32 $0x9;
	s15 =	simm.s32 $0x1400  }
0x5: {  	s16 =	simm.s32 $0x40;
	s17 =	simm.s32 $0x3C00;
	s18 =	simm.s32 $0x5C00  }
0x6: {  	s29 =	simm.s32 $0x3;
	s31 =	simm.s32 $0x6;
	s5 =	sand.u32 $0x1, s3  }
0x7: {  	s3 =	simm.s32 $0x0;
	s7 =	smul.u32 $0x14000, s12;
	s4 =	sadd.s32 $0x12A00, s0  }
0x8: {  	s8 =	sadd.s32 $0x63200, s0;
	s19 =	sadd.s32 $0x10200, s0;
	s9 =	smul.u32 $0x50000, s12  }
0x9: {  	s24 =	sshll.u32 s12, $0x6;
	s6 =	smul.u32 $0x140000, s5;
	[smem:$0x7FF] =	sst s3  }
0xa: {  	s20 =	sshll.u32 s5, $0x4;
	s5 =	ssub.s32 $0x2, s5;
	_ =	strace $0x8000004A  }
0xb: {  	[dreg:$0x4] =	wrdreg s19;
	s21 =	sshrl.u32 s5, $0x1;
	s22 =	sshrl.u32 s9, $0x2  }
0xc: {  	s19 =	simm.s32 $0x3B00;
	s6 =	sadd.s32 s7, s6;
	s7 =	sor.u32 s12, s20  }
0xd: {  	s5 =	ssub.s32 s5, s21;
	s11 =	sadd.s32 s22, s1;
	s10 =	smul.u32 $0x500, s7  }
0xe: {  	s20 =	simm.s32 $0x7C00;
	s21 =	simm.s32 $0x1;
	s23 =	smul.u32 $0x2800, s7  }
0xf: {  	s12 =	simm.s32 $0x3A80;
	s22 =	simm.s32 $0x3B80;
	s25 =	smul.u32 $0x5000, s7  }
0x10: {  	s6 =	sshrl.u32 s6, $0x3;
	s7 =	smul.u32 $0xA00, s7;
	s30 =	smax.u32 s5, $0x1  }
0x11: {  	s13 =	sshrl.u32 s11, $0x3;
	s11 =	simm.s32 $0x13C0;
	s0 =	sadd.s32 s6, s0  }
0x12: {  	s6 =	sor.u32 $0x1C09, s24;
	[dreg:$0xa] =	wrdreg s30;
	s24 =	simm.s32 $0x2  }
0x13: {  	s9 =	sshrl.u32 s23, $0x3;
	s10 =	sadd.s32 s8, s10;
	s26 =	sshrl.u32 s25, $0x3  }
0x14: {  	s7 =	sadd.s32 s2, s7;
	s0 =	sadd.s32 $0x6D200, s0;
	[dreg:$0x5] =	wrdreg s10  }
0x15: {  	s23 =	simm.s32 $0x9C00;
	s25 =	simm.s32 $0x0;
	[dreg:$0x6] =	wrdreg s7  }
0x16: {  	s8 =	sadd.s32 s8, s9;
	s2 =	sadd.s32 s2, s26;
	[dreg:$0x9] =	wrdreg s0  }
0x17: {  	s26 =	simm.s32 $0x5;
	s7 =	simm.s32 $0x7;
	s28 =	sadd.s32 $0x280, s8  }
0x18: {  	s10 =	simm.s32 $0x3A00;
	s2 =	sadd.s32 $0x500, s2;
	[dreg:$0x7] =	wrdreg s28  }
0x19: {  	s8 =	simm.s32 $0x8;
	[dreg:$0x8] =	wrdreg s2;
	s2 =	simm.s32 $0x4  }
.LBB2_1:
0x1a: {  	s0 =	rddreg [dreg:$0x4]  }
0x1b: {  	[spmem:s13], [sflag:s6] =	dma.local [hbm:s0], $0x2800  }
0x1c: {  	_ =	swait.ge [sflag:s14], $0x2800  }
0x1d: {  	[sflag:s14] =	ssyncset.done $0x0  }
0x1e: {  	[sflag:s14] =	ssyncadd.s32 $0xFFFFD800  }
0x1f: {  	[bflag:$0x0] =	sbarrier.arrive $0xFFFF  }
0x20: {  	s5 =	rddreg [dreg:$0x5]  }
0x21: {  	[tilespmem:s3], [sflag:$0x9] =	stream.linear.gather [hbm4b:s5+s3], $0x1400, $0x38;
	[tilespmem:$0x1FC00] =	vst v63  }
0x22: {  	_ =	swait.ge [sflag:s14], $0x1400  }
0x23: {  	[sflag:s14] =	ssyncset.done $0x0  }
0x24: {  	s9 =	rddreg [dreg:$0x6];
	[sflag:s14] =	ssyncadd.s32 $0xFFFFEC00  }
0x25: {  	[tilespmem:s15], [sflag:$0x9] =	stream.linear.gather [hbm4b:s9+s3], $0x2800, $0x38;
	[tilespmem:$0x1FC00] =	vst v63  }
0x26: {  	_ =	swait.ge [sflag:s14], $0x2800  }
0x27: {  	[sflag:s14] =	ssyncset.done $0x0  }
0x28: {  	[sflag:s14] =	ssyncadd.s32 $0xFFFFD800  }
0x29: {  	[tilespmem:s17], [sflag:$0x1] =	stream.indirect.gather [hbm4b:s4+s16], $0x80, s3, s16, $0xb8;
	[tilespmem:$0x1FC00] =	vst v63  }
0x2a: {  	_ = 	snop  }
0x2b: {  	[tilespmem:s18], [sflag:$0x2] =	stream.indirect.gather [hbm4b:s4+s16], $0x80, s16, s16, $0xb8;
	[tilespmem:$0x1FC00] =	vst v63  }
0x2c: {  	s5 =	simm.s32 $0x80  }
0x2d: {  	[tilespmem:s20], [sflag:$0x3] =	stream.indirect.gather [hbm4b:s4+s16], $0x80, s5, s16, $0xb8;
	[tilespmem:$0x1FC00] =	vst v63  }
0x2e: {  	_ =	swait.ge [sflag:s21], $0x2000  }
0x2f: {  	[sflag:s21] =	ssyncset.done $0x0  }
0x30: {  	[sflag:s21] =	ssyncadd.s32 $0xFFFFE000  }
0x31: {  	[spmem:s1] =	stream.indirect.scatter.add.f32 [tilespmem:s17], [sflag:$0x5], $0x80, s15, s16, $0xb8;
	[tilespmem:$0x1FC00] =	vst v63  }
0x32: {  	s9 =	simm.s32 $0xC0  }
0x33: {  	[tilespmem:s23], [sflag:$0x4] =	stream.indirect.gather [hbm4b:s4+s16], $0x80, s9, s16, $0xb8;
	[tilespmem:$0x1FC00] =	vst v63  }
0x34: {  	_ =	swait.ge [sflag:s24], $0x2000  }
0x35: {  	[sflag:s24] =	ssyncset.done $0x0  }
0x36: {  	s5 =	simm.s32 $0x1480;
	[sflag:s24] =	ssyncadd.s32 $0xFFFFE000  }
0x37: {  	[spmem:s1] =	stream.indirect.scatter.add.f32 [tilespmem:s18], [sflag:$0x6], $0x80, s5, s16, $0xb8;
	[tilespmem:$0x1FC00] =	vst v63  }
0x38: {  	_ =	swait.ge [sflag:s26], $0x2000  }
0x39: {  	[sflag:s26] =	ssyncset.done $0x0  }
0x3a: {  	s9 =	simm.s32 $0x100;
	[sflag:s26] =	ssyncadd.s32 $0xFFFFE000  }
0x3b: {  	[tilespmem:s17], [sflag:$0x1] =	stream.indirect.gather [hbm4b:s4+s16], $0x80, s9, s16, $0xb8;
	[tilespmem:$0x1FC00] =	vst v63  }
0x3c: {  	_ =	swait.ge [sflag:s29], $0x2000  }
0x3d: {  	[sflag:s29] =	ssyncset.done $0x0  }
0x3e: {  	s5 =	simm.s32 $0x1500;
	[sflag:s29] =	ssyncadd.s32 $0xFFFFE000  }
0x3f: {  	[spmem:s1] =	stream.indirect.scatter.add.f32 [tilespmem:s20], [sflag:$0x7], $0x80, s5, s16, $0xb8;
	[tilespmem:$0x1FC00] =	vst v63  }
0x40: {  	_ =	swait.ge [sflag:s31], $0x2000  }
0x41: {  	[sflag:s31] =	ssyncset.done $0x0  }
0x42: {  	s9 =	simm.s32 $0x140;
	[sflag:s31] =	ssyncadd.s32 $0xFFFFE000  }
0x43: {  	[tilespmem:s18], [sflag:$0x2] =	stream.indirect.gather [hbm4b:s4+s16], $0x80, s9, s16, $0xb8;
	[tilespmem:$0x1FC00] =	vst v63  }
0x44: {  	_ =	swait.ge [sflag:s2], $0x2000  }
0x45: {  	[sflag:s2] =	ssyncset.done $0x0  }
0x46: {  	s5 =	simm.s32 $0x1580;
	[sflag:s2] =	ssyncadd.s32 $0xFFFFE000  }
0x47: {  	[spmem:s1] =	stream.indirect.scatter.add.f32 [tilespmem:s23], [sflag:$0x8], $0x80, s5, s16, $0xb8;
	[tilespmem:$0x1FC00] =	vst v63  }
0x48: {  	_ =	swait.ge [sflag:s7], $0x2000  }
0x49: {  	[sflag:s7] =	ssyncset.done $0x0  }
0x4a: {  	s9 =	simm.s32 $0x180;
	[sflag:s7] =	ssyncadd.s32 $0xFFFFE000  }
0x4b: {  	[tilespmem:s20], [sflag:$0x3] =	stream.indirect.gather [hbm4b:s4+s16], $0x80, s9, s16, $0xb8;
	[tilespmem:$0x1FC00] =	vst v63  }
0x4c: {  	_ =	swait.ge [sflag:s21], $0x2000  }
0x4d: {  	[sflag:s21] =	ssyncset.done $0x0  }
0x4e: {  	s5 =	simm.s32 $0x1600;
	[sflag:s21] =	ssyncadd.s32 $0xFFFFE000  }
0x4f: {  	[spmem:s1] =	stream.indirect.scatter.add.f32 [tilespmem:s17], [sflag:$0x5], $0x80, s5, s16, $0xb8;
	[tilespmem:$0x1FC00] =	vst v63  }
0x50: {  	_ =	swait.ge [sflag:s8], $0x2000  }
0x51: {  	[sflag:s8] =	ssyncset.done $0x0  }
0x52: {  	s9 =	simm.s32 $0x1C0;
	[sflag:s8] =	ssyncadd.s32 $0xFFFFE000  }
0x53: {  	[tilespmem:s23], [sflag:$0x4] =	stream.indirect.gather [hbm4b:s4+s16], $0x80, s9, s16, $0xb8;
	[tilespmem:$0x1FC00] =	vst v63  }
0x54: {  	_ =	swait.ge [sflag:s24], $0x2000  }
0x55: {  	[sflag:s24] =	ssyncset.done $0x0  }
0x56: {  	s5 =	simm.s32 $0x1680;
	[sflag:s24] =	ssyncadd.s32 $0xFFFFE000  }
0x57: {  	[spmem:s1] =	stream.indirect.scatter.add.f32 [tilespmem:s18], [sflag:$0x6], $0x80, s5, s16, $0xb8;
	[tilespmem:$0x1FC00] =	vst v63  }
0x58: {  	_ =	swait.ge [sflag:s26], $0x2000  }
0x59: {  	[sflag:s26] =	ssyncset.done $0x0  }
0x5a: {  	s9 =	simm.s32 $0x200;
	[sflag:s26] =	ssyncadd.s32 $0xFFFFE000  }
0x5b: {  	[tilespmem:s17], [sflag:$0x1] =	stream.indirect.gather [hbm4b:s4+s16], $0x80, s9, s16, $0xb8;
	[tilespmem:$0x1FC00] =	vst v63  }
0x5c: {  	_ =	swait.ge [sflag:s29], $0x2000  }
0x5d: {  	[sflag:s29] =	ssyncset.done $0x0  }
0x5e: {  	s5 =	simm.s32 $0x1700;
	[sflag:s29] =	ssyncadd.s32 $0xFFFFE000  }
0x5f: {  	[spmem:s1] =	stream.indirect.scatter.add.f32 [tilespmem:s20], [sflag:$0x7], $0x80, s5, s16, $0xb8;
	[tilespmem:$0x1FC00] =	vst v63  }
0x60: {  	_ =	swait.ge [sflag:s31], $0x2000  }
0x61: {  	[sflag:s31] =	ssyncset.done $0x0  }
0x62: {  	s9 =	simm.s32 $0x240;
	[sflag:s31] =	ssyncadd.s32 $0xFFFFE000  }
0x63: {  	[tilespmem:s18], [sflag:$0x2] =	stream.indirect.gather [hbm4b:s4+s16], $0x80, s9, s16, $0xb8;
	[tilespmem:$0x1FC00] =	vst v63  }
0x64: {  	_ =	swait.ge [sflag:s2], $0x2000  }
0x65: {  	s28 =	simm.s32 $0x1780;
	[sflag:s2] =	ssyncset.done $0x0  }
0x66: {  	s30 =	simm.s32 $0x400;
	s0 =	simm.s32 $0x1980;
	[sflag:s2] =	ssyncadd.s32 $0xFFFFE000  }
.LBB2_2:
0x67: {  	[spmem:s1] =	stream.indirect.scatter.add.f32 [tilespmem:s23], [sflag:$0x8], $0x80, s28, s16, $0xb8;
	[tilespmem:$0x1FC00] =	vst v63  }
0x68: {  	s5 =	smov.u32 s30;
	s28 =	smov.u32 s0  }
0x69: {  	p0 =	sne.s32 s30, $0x4400;
	s30 =	sadd.s32 $0x400, s30;
	_ =	swait.ge [sflag:s7], $0x2000  }
0x6a: {  	s5 =	sshra.s32 s5, $0x2;
	[sflag:s7] =	ssyncset.done $0x0  }
0x6b: {  	s9 =	sadd.s32 $0x180, s5;
	[sflag:s7] =	ssyncadd.s32 $0xFFFFE000  }
0x6c: {  	[tilespmem:s20], [sflag:$0x3] =	stream.indirect.gather [hbm4b:s4+s16], $0x80, s9, s16, $0xb8;
	[tilespmem:$0x1FC00] =	vst v63  }
0x6d: {  	_ =	swait.ge [sflag:s21], $0x2000  }
0x6e: {  	[sflag:s21] =	ssyncset.done $0x0  }
0x6f: {  	s9 =	sadd.s32 $0xFFFFFE80, s0;
	[sflag:s21] =	ssyncadd.s32 $0xFFFFE000  }
0x70: {  	[spmem:s1] =	stream.indirect.scatter.add.f32 [tilespmem:s17], [sflag:$0x5], $0x80, s9, s16, $0xb8;
	[tilespmem:$0x1FC00] =	vst v63  }
0x71: {  	_ =	swait.ge [sflag:s8], $0x2000  }
0x72: {  	[sflag:s8] =	ssyncset.done $0x0  }
0x73: {  	s9 =	sadd.s32 $0x1C0, s5;
	[sflag:s8] =	ssyncadd.s32 $0xFFFFE000  }
0x74: {  	[tilespmem:s23], [sflag:$0x4] =	stream.indirect.gather [hbm4b:s4+s16], $0x80, s9, s16, $0xb8;
	[tilespmem:$0x1FC00] =	vst v63  }
0x75: {  	_ =	swait.ge [sflag:s24], $0x2000  }
0x76: {  	[sflag:s24] =	ssyncset.done $0x0  }
0x77: {  	s9 =	sadd.s32 $0xFFFFFF00, s0;
	[sflag:s24] =	ssyncadd.s32 $0xFFFFE000  }
0x78: {  	[spmem:s1] =	stream.indirect.scatter.add.f32 [tilespmem:s18], [sflag:$0x6], $0x80, s9, s16, $0xb8;
	[tilespmem:$0x1FC00] =	vst v63  }
0x79: {  	_ =	swait.ge [sflag:s26], $0x2000  }
0x7a: {  	[sflag:s26] =	ssyncset.done $0x0  }
0x7b: {  	s9 =	sadd.s32 $0x200, s5;
	[sflag:s26] =	ssyncadd.s32 $0xFFFFE000  }
0x7c: {  	[tilespmem:s17], [sflag:$0x1] =	stream.indirect.gather [hbm4b:s4+s16], $0x80, s9, s16, $0xb8;
	[tilespmem:$0x1FC00] =	vst v63  }
0x7d: {  	_ =	swait.ge [sflag:s29], $0x2000  }
0x7e: {  	[sflag:s29] =	ssyncset.done $0x0  }
0x7f: {  	s9 =	sadd.s32 $0xFFFFFF80, s0;
	[sflag:s29] =	ssyncadd.s32 $0xFFFFE000  }
0x80: {  	[spmem:s1] =	stream.indirect.scatter.add.f32 [tilespmem:s20], [sflag:$0x7], $0x80, s9, s16, $0xb8;
	[tilespmem:$0x1FC00] =	vst v63  }
0x81: {  	_ =	swait.ge [sflag:s31], $0x2000  }
0x82: {  	[sflag:s31] =	ssyncset.done $0x0  }
.Ltmp0:
0x83: {  	s5 =	sadd.s32 $0x240, s5;
	[sflag:s31] =	ssyncadd.s32 $0xFFFFE000;
	(pc) =	sbr.rel @p0 .LBB2_2-.Ltmp0, $4  }
0x84: {  	[tilespmem:s18], [sflag:$0x2] =	stream.indirect.gather [hbm4b:s4+s16], $0x80, s5, s16, $0xb8;
	[tilespmem:$0x1FC00] =	vst v63  }
0x85: {  	_ =	swait.ge [sflag:s2], $0x2000  }
0x86: {  	[sflag:s2] =	ssyncset.done $0x0  }
0x87: {  	s0 =	sadd.s32 $0x200, s0;
	[sflag:s2] =	ssyncadd.s32 $0xFFFFE000  }
0x88: {  	[spmem:s1] =	stream.indirect.scatter.add.f32 [tilespmem:s23], [sflag:$0x8], $0x80, s28, s16, $0xb8;
	[tilespmem:$0x1FC00] =	vst v63  }
0x89: {  	_ =	swait.ge [sflag:s7], $0x2000  }
0x8a: {  	[sflag:s7] =	ssyncset.done $0x0  }
0x8b: {  	s0 =	simm.s32 $0x1380;
	[sflag:s7] =	ssyncadd.s32 $0xFFFFE000  }
0x8c: {  	[tilespmem:s20], [sflag:$0x3] =	stream.indirect.gather [hbm4b:s4+s16], $0x80, s0, s16, $0xb8;
	[tilespmem:$0x1FC00] =	vst v63  }
0x8d: {  	_ =	swait.ge [sflag:s21], $0x2000  }
0x8e: {  	[sflag:s21] =	ssyncset.done $0x0  }
0x8f: {  	[sflag:s21] =	ssyncadd.s32 $0xFFFFE000  }
0x90: {  	[spmem:s1] =	stream.indirect.scatter.add.f32 [tilespmem:s17], [sflag:$0x5], $0x80, s10, s16, $0xb8;
	[tilespmem:$0x1FC00] =	vst v63  }
0x91: {  	_ =	swait.ge [sflag:s8], $0x2000  }
0x92: {  	[sflag:s8] =	ssyncset.done $0x0  }
0x93: {  	[sflag:s8] =	ssyncadd.s32 $0xFFFFE000  }
0x94: {  	[tilespmem:s23], [sflag:$0x4] =	stream.indirect.gather [hbm4b:s4+s16], $0x80, s11, s16, $0xb8;
	[tilespmem:$0x1FC00] =	vst v63  }
0x95: {  	_ =	swait.ge [sflag:s24], $0x2000  }
0x96: {  	[sflag:s24] =	ssyncset.done $0x0  }
0x97: {  	[sflag:s24] =	ssyncadd.s32 $0xFFFFE000  }
0x98: {  	[spmem:s1] =	stream.indirect.scatter.add.f32 [tilespmem:s18], [sflag:$0x6], $0x80, s12, s16, $0xb8;
	[tilespmem:$0x1FC00] =	vst v63  }
0x99: {  	_ =	swait.ge [sflag:s26], $0x2000  }
0x9a: {  	[sflag:s26] =	ssyncset.done $0x0  }
0x9b: {  	[sflag:s26] =	ssyncadd.s32 $0xFFFFE000  }
0x9c: {  	_ =	swait.ge [sflag:s29], $0x2000  }
0x9d: {  	[sflag:s29] =	ssyncset.done $0x0  }
0x9e: {  	[sflag:s29] =	ssyncadd.s32 $0xFFFFE000  }
0x9f: {  	[spmem:s1] =	stream.indirect.scatter.add.f32 [tilespmem:s20], [sflag:$0x7], $0x80, s19, s16, $0xb8;
	[tilespmem:$0x1FC00] =	vst v63  }
0xa0: {  	_ =	swait.ge [sflag:s31], $0x2000  }
0xa1: {  	[sflag:s31] =	ssyncset.done $0x0  }
0xa2: {  	[sflag:s31] =	ssyncadd.s32 $0xFFFFE000  }
0xa3: {  	_ =	swait.ge [sflag:s2], $0x2000  }
0xa4: {  	[sflag:s2] =	ssyncset.done $0x0  }
0xa5: {  	[sflag:s2] =	ssyncadd.s32 $0xFFFFE000  }
0xa6: {  	[spmem:s1] =	stream.indirect.scatter.add.f32 [tilespmem:s23], [sflag:$0x8], $0x80, s22, s16, $0xb8;
	[tilespmem:$0x1FC00] =	vst v63  }
0xa7: {  	_ =	swait.ge [sflag:s7], $0x2000  }
0xa8: {  	[sflag:s7] =	ssyncset.done $0x0  }
0xa9: {  	[sflag:s7] =	ssyncadd.s32 $0xFFFFE000  }
0xaa: {  	_ =	swait.ge [sflag:s8], $0x2000  }
0xab: {  	[sflag:s8] =	ssyncset.done $0x0  }
0xac: {  	s0 =	simm.s32 $0x0;
	s5 =	rddreg [dreg:$0x7];
	[sflag:s8] =	ssyncadd.s32 $0xFFFFE000  }
0xad: {  	[tilespmem:s0], [sflag:$0x9] =	stream.linear.gather [hbm4b:s5+s0], $0x1400, $0x38;
	[tilespmem:$0x1FC00] =	vst v63  }
0xae: {  	_ =	swait.ge [sflag:s14], $0x1400  }
0xaf: {  	[sflag:s14] =	ssyncset.done $0x0  }
0xb0: {  	s9 =	rddreg [dreg:$0x8];
	[sflag:s14] =	ssyncadd.s32 $0xFFFFEC00  }
0xb1: {  	[tilespmem:s15], [sflag:$0x9] =	stream.linear.gather [hbm4b:s9+s0], $0x2800, $0x38;
	[tilespmem:$0x1FC00] =	vst v63  }
0xb2: {  	_ =	swait.ge [sflag:s14], $0x2800  }
0xb3: {  	[sflag:s14] =	ssyncset.done $0x0  }
0xb4: {  	[sflag:s14] =	ssyncadd.s32 $0xFFFFD800  }
0xb5: {  	[tilespmem:s17], [sflag:$0x1] =	stream.indirect.gather [hbm4b:s4+s16], $0x80, s0, s16, $0xb8;
	[tilespmem:$0x1FC00] =	vst v63  }
0xb6: {  	_ = 	snop  }
0xb7: {  	[tilespmem:s18], [sflag:$0x2] =	stream.indirect.gather [hbm4b:s4+s16], $0x80, s16, s16, $0xb8;
	[tilespmem:$0x1FC00] =	vst v63  }
0xb8: {  	s5 =	simm.s32 $0x80  }
0xb9: {  	[tilespmem:s20], [sflag:$0x3] =	stream.indirect.gather [hbm4b:s4+s16], $0x80, s5, s16, $0xb8;
	[tilespmem:$0x1FC00] =	vst v63  }
0xba: {  	_ =	swait.ge [sflag:s21], $0x2000  }
0xbb: {  	[sflag:s21] =	ssyncset.done $0x0  }
0xbc: {  	[sflag:s21] =	ssyncadd.s32 $0xFFFFE000  }
0xbd: {  	[spmem:s1] =	stream.indirect.scatter.add.f32 [tilespmem:s17], [sflag:$0x5], $0x80, s15, s16, $0xb8;
	[tilespmem:$0x1FC00] =	vst v63  }
0xbe: {  	s9 =	simm.s32 $0xC0  }
0xbf: {  	[tilespmem:s23], [sflag:$0x4] =	stream.indirect.gather [hbm4b:s4+s16], $0x80, s9, s16, $0xb8;
	[tilespmem:$0x1FC00] =	vst v63  }
0xc0: {  	_ =	swait.ge [sflag:s24], $0x2000  }
0xc1: {  	[sflag:s24] =	ssyncset.done $0x0  }
0xc2: {  	s5 =	simm.s32 $0x1480;
	[sflag:s24] =	ssyncadd.s32 $0xFFFFE000  }
0xc3: {  	[spmem:s1] =	stream.indirect.scatter.add.f32 [tilespmem:s18], [sflag:$0x6], $0x80, s5, s16, $0xb8;
	[tilespmem:$0x1FC00] =	vst v63  }
0xc4: {  	_ =	swait.ge [sflag:s26], $0x2000  }
0xc5: {  	[sflag:s26] =	ssyncset.done $0x0  }
0xc6: {  	s9 =	simm.s32 $0x100;
	[sflag:s26] =	ssyncadd.s32 $0xFFFFE000  }
0xc7: {  	[tilespmem:s17], [sflag:$0x1] =	stream.indirect.gather [hbm4b:s4+s16], $0x80, s9, s16, $0xb8;
	[tilespmem:$0x1FC00] =	vst v63  }
0xc8: {  	_ =	swait.ge [sflag:s29], $0x2000  }
0xc9: {  	[sflag:s29] =	ssyncset.done $0x0  }
0xca: {  	s5 =	simm.s32 $0x1500;
	[sflag:s29] =	ssyncadd.s32 $0xFFFFE000  }
0xcb: {  	[spmem:s1] =	stream.indirect.scatter.add.f32 [tilespmem:s20], [sflag:$0x7], $0x80, s5, s16, $0xb8;
	[tilespmem:$0x1FC00] =	vst v63  }
0xcc: {  	_ =	swait.ge [sflag:s31], $0x2000  }
0xcd: {  	[sflag:s31] =	ssyncset.done $0x0  }
0xce: {  	s9 =	simm.s32 $0x140;
	[sflag:s31] =	ssyncadd.s32 $0xFFFFE000  }
0xcf: {  	[tilespmem:s18], [sflag:$0x2] =	stream.indirect.gather [hbm4b:s4+s16], $0x80, s9, s16, $0xb8;
	[tilespmem:$0x1FC00] =	vst v63  }
0xd0: {  	_ =	swait.ge [sflag:s2], $0x2000  }
0xd1: {  	[sflag:s2] =	ssyncset.done $0x0  }
0xd2: {  	s5 =	simm.s32 $0x1580;
	[sflag:s2] =	ssyncadd.s32 $0xFFFFE000  }
0xd3: {  	[spmem:s1] =	stream.indirect.scatter.add.f32 [tilespmem:s23], [sflag:$0x8], $0x80, s5, s16, $0xb8;
	[tilespmem:$0x1FC00] =	vst v63  }
0xd4: {  	_ =	swait.ge [sflag:s7], $0x2000  }
0xd5: {  	[sflag:s7] =	ssyncset.done $0x0  }
0xd6: {  	s9 =	simm.s32 $0x180;
	[sflag:s7] =	ssyncadd.s32 $0xFFFFE000  }
0xd7: {  	[tilespmem:s20], [sflag:$0x3] =	stream.indirect.gather [hbm4b:s4+s16], $0x80, s9, s16, $0xb8;
	[tilespmem:$0x1FC00] =	vst v63  }
0xd8: {  	_ =	swait.ge [sflag:s21], $0x2000  }
0xd9: {  	[sflag:s21] =	ssyncset.done $0x0  }
0xda: {  	s5 =	simm.s32 $0x1600;
	[sflag:s21] =	ssyncadd.s32 $0xFFFFE000  }
0xdb: {  	[spmem:s1] =	stream.indirect.scatter.add.f32 [tilespmem:s17], [sflag:$0x5], $0x80, s5, s16, $0xb8;
	[tilespmem:$0x1FC00] =	vst v63  }
0xdc: {  	_ =	swait.ge [sflag:s8], $0x2000  }
0xdd: {  	[sflag:s8] =	ssyncset.done $0x0  }
0xde: {  	s9 =	simm.s32 $0x1C0;
	[sflag:s8] =	ssyncadd.s32 $0xFFFFE000  }
0xdf: {  	[tilespmem:s23], [sflag:$0x4] =	stream.indirect.gather [hbm4b:s4+s16], $0x80, s9, s16, $0xb8;
	[tilespmem:$0x1FC00] =	vst v63  }
0xe0: {  	_ =	swait.ge [sflag:s24], $0x2000  }
0xe1: {  	[sflag:s24] =	ssyncset.done $0x0  }
0xe2: {  	s5 =	simm.s32 $0x1680;
	[sflag:s24] =	ssyncadd.s32 $0xFFFFE000  }
0xe3: {  	[spmem:s1] =	stream.indirect.scatter.add.f32 [tilespmem:s18], [sflag:$0x6], $0x80, s5, s16, $0xb8;
	[tilespmem:$0x1FC00] =	vst v63  }
0xe4: {  	_ =	swait.ge [sflag:s26], $0x2000  }
0xe5: {  	[sflag:s26] =	ssyncset.done $0x0  }
0xe6: {  	s9 =	simm.s32 $0x200;
	[sflag:s26] =	ssyncadd.s32 $0xFFFFE000  }
0xe7: {  	[tilespmem:s17], [sflag:$0x1] =	stream.indirect.gather [hbm4b:s4+s16], $0x80, s9, s16, $0xb8;
	[tilespmem:$0x1FC00] =	vst v63  }
0xe8: {  	_ =	swait.ge [sflag:s29], $0x2000  }
0xe9: {  	[sflag:s29] =	ssyncset.done $0x0  }
0xea: {  	s5 =	simm.s32 $0x1700;
	[sflag:s29] =	ssyncadd.s32 $0xFFFFE000  }
0xeb: {  	[spmem:s1] =	stream.indirect.scatter.add.f32 [tilespmem:s20], [sflag:$0x7], $0x80, s5, s16, $0xb8;
	[tilespmem:$0x1FC00] =	vst v63  }
0xec: {  	_ =	swait.ge [sflag:s31], $0x2000  }
0xed: {  	[sflag:s31] =	ssyncset.done $0x0  }
0xee: {  	s9 =	simm.s32 $0x240;
	[sflag:s31] =	ssyncadd.s32 $0xFFFFE000  }
0xef: {  	[tilespmem:s18], [sflag:$0x2] =	stream.indirect.gather [hbm4b:s4+s16], $0x80, s9, s16, $0xb8;
	[tilespmem:$0x1FC00] =	vst v63  }
0xf0: {  	_ =	swait.ge [sflag:s2], $0x2000  }
0xf1: {  	s28 =	simm.s32 $0x1780;
	[sflag:s2] =	ssyncset.done $0x0  }
0xf2: {  	s30 =	simm.s32 $0x400;
	s0 =	simm.s32 $0x1980;
	[sflag:s2] =	ssyncadd.s32 $0xFFFFE000  }
.LBB2_4:
0xf3: {  	[spmem:s1] =	stream.indirect.scatter.add.f32 [tilespmem:s23], [sflag:$0x8], $0x80, s28, s16, $0xb8;
	[tilespmem:$0x1FC00] =	vst v63  }
0xf4: {  	s5 =	smov.u32 s30;
	s28 =	smov.u32 s0  }
0xf5: {  	p0 =	sne.s32 s30, $0x4400;
	s30 =	sadd.s32 $0x400, s30;
	_ =	swait.ge [sflag:s7], $0x2000  }
0xf6: {  	s5 =	sshra.s32 s5, $0x2;
	[sflag:s7] =	ssyncset.done $0x0  }
0xf7: {  	s9 =	sadd.s32 $0x180, s5;
	[sflag:s7] =	ssyncadd.s32 $0xFFFFE000  }
0xf8: {  	[tilespmem:s20], [sflag:$0x3] =	stream.indirect.gather [hbm4b:s4+s16], $0x80, s9, s16, $0xb8;
	[tilespmem:$0x1FC00] =	vst v63  }
0xf9: {  	_ =	swait.ge [sflag:s21], $0x2000  }
0xfa: {  	[sflag:s21] =	ssyncset.done $0x0  }
0xfb: {  	s9 =	sadd.s32 $0xFFFFFE80, s0;
	[sflag:s21] =	ssyncadd.s32 $0xFFFFE000  }
0xfc: {  	[spmem:s1] =	stream.indirect.scatter.add.f32 [tilespmem:s17], [sflag:$0x5], $0x80, s9, s16, $0xb8;
	[tilespmem:$0x1FC00] =	vst v63  }
0xfd: {  	_ =	swait.ge [sflag:s8], $0x2000  }
0xfe: {  	[sflag:s8] =	ssyncset.done $0x0  }
0xff: {  	s9 =	sadd.s32 $0x1C0, s5;
	[sflag:s8] =	ssyncadd.s32 $0xFFFFE000  }
0x100: {  	[tilespmem:s23], [sflag:$0x4] =	stream.indirect.gather [hbm4b:s4+s16], $0x80, s9, s16, $0xb8;
	[tilespmem:$0x1FC00] =	vst v63  }
0x101: {  	_ =	swait.ge [sflag:s24], $0x2000  }
0x102: {  	[sflag:s24] =	ssyncset.done $0x0  }
0x103: {  	s9 =	sadd.s32 $0xFFFFFF00, s0;
	[sflag:s24] =	ssyncadd.s32 $0xFFFFE000  }
0x104: {  	[spmem:s1] =	stream.indirect.scatter.add.f32 [tilespmem:s18], [sflag:$0x6], $0x80, s9, s16, $0xb8;
	[tilespmem:$0x1FC00] =	vst v63  }
0x105: {  	_ =	swait.ge [sflag:s26], $0x2000  }
0x106: {  	[sflag:s26] =	ssyncset.done $0x0  }
0x107: {  	s9 =	sadd.s32 $0x200, s5;
	[sflag:s26] =	ssyncadd.s32 $0xFFFFE000  }
0x108: {  	[tilespmem:s17], [sflag:$0x1] =	stream.indirect.gather [hbm4b:s4+s16], $0x80, s9, s16, $0xb8;
	[tilespmem:$0x1FC00] =	vst v63  }
0x109: {  	_ =	swait.ge [sflag:s29], $0x2000  }
0x10a: {  	[sflag:s29] =	ssyncset.done $0x0  }
0x10b: {  	s9 =	sadd.s32 $0xFFFFFF80, s0;
	[sflag:s29] =	ssyncadd.s32 $0xFFFFE000  }
0x10c: {  	[spmem:s1] =	stream.indirect.scatter.add.f32 [tilespmem:s20], [sflag:$0x7], $0x80, s9, s16, $0xb8;
	[tilespmem:$0x1FC00] =	vst v63  }
0x10d: {  	_ =	swait.ge [sflag:s31], $0x2000  }
0x10e: {  	[sflag:s31] =	ssyncset.done $0x0  }
.Ltmp1:
0x10f: {  	s5 =	sadd.s32 $0x240, s5;
	[sflag:s31] =	ssyncadd.s32 $0xFFFFE000;
	(pc) =	sbr.rel @p0 .LBB2_4-.Ltmp1, $4  }
0x110: {  	[tilespmem:s18], [sflag:$0x2] =	stream.indirect.gather [hbm4b:s4+s16], $0x80, s5, s16, $0xb8;
	[tilespmem:$0x1FC00] =	vst v63  }
0x111: {  	_ =	swait.ge [sflag:s2], $0x2000  }
0x112: {  	[sflag:s2] =	ssyncset.done $0x0  }
0x113: {  	s0 =	sadd.s32 $0x200, s0;
	[sflag:s2] =	ssyncadd.s32 $0xFFFFE000  }
0x114: {  	[spmem:s1] =	stream.indirect.scatter.add.f32 [tilespmem:s23], [sflag:$0x8], $0x80, s28, s16, $0xb8;
	[tilespmem:$0x1FC00] =	vst v63  }
0x115: {  	_ =	swait.ge [sflag:s7], $0x2000  }
0x116: {  	[sflag:s7] =	ssyncset.done $0x0  }
0x117: {  	s0 =	simm.s32 $0x1380;
	[sflag:s7] =	ssyncadd.s32 $0xFFFFE000  }
0x118: {  	[tilespmem:s20], [sflag:$0x3] =	stream.indirect.gather [hbm4b:s4+s16], $0x80, s0, s16, $0xb8;
	[tilespmem:$0x1FC00] =	vst v63  }
0x119: {  	_ =	swait.ge [sflag:s21], $0x2000  }
0x11a: {  	[sflag:s21] =	ssyncset.done $0x0  }
0x11b: {  	[sflag:s21] =	ssyncadd.s32 $0xFFFFE000  }
0x11c: {  	[spmem:s1] =	stream.indirect.scatter.add.f32 [tilespmem:s17], [sflag:$0x5], $0x80, s10, s16, $0xb8;
	[tilespmem:$0x1FC00] =	vst v63  }
0x11d: {  	_ =	swait.ge [sflag:s8], $0x2000  }
0x11e: {  	[sflag:s8] =	ssyncset.done $0x0  }
0x11f: {  	[sflag:s8] =	ssyncadd.s32 $0xFFFFE000  }
0x120: {  	[tilespmem:s23], [sflag:$0x4] =	stream.indirect.gather [hbm4b:s4+s16], $0x80, s11, s16, $0xb8;
	[tilespmem:$0x1FC00] =	vst v63  }
0x121: {  	_ =	swait.ge [sflag:s24], $0x2000  }
0x122: {  	[sflag:s24] =	ssyncset.done $0x0  }
0x123: {  	[sflag:s24] =	ssyncadd.s32 $0xFFFFE000  }
0x124: {  	[spmem:s1] =	stream.indirect.scatter.add.f32 [tilespmem:s18], [sflag:$0x6], $0x80, s12, s16, $0xb8;
	[tilespmem:$0x1FC00] =	vst v63  }
0x125: {  	_ =	swait.ge [sflag:s26], $0x2000  }
0x126: {  	[sflag:s26] =	ssyncset.done $0x0  }
0x127: {  	[sflag:s26] =	ssyncadd.s32 $0xFFFFE000  }
0x128: {  	_ =	swait.ge [sflag:s29], $0x2000  }
0x129: {  	[sflag:s29] =	ssyncset.done $0x0  }
0x12a: {  	[sflag:s29] =	ssyncadd.s32 $0xFFFFE000  }
0x12b: {  	[spmem:s1] =	stream.indirect.scatter.add.f32 [tilespmem:s20], [sflag:$0x7], $0x80, s19, s16, $0xb8;
	[tilespmem:$0x1FC00] =	vst v63  }
0x12c: {  	_ =	swait.ge [sflag:s31], $0x2000  }
0x12d: {  	[sflag:s31] =	ssyncset.done $0x0  }
0x12e: {  	[sflag:s31] =	ssyncadd.s32 $0xFFFFE000  }
0x12f: {  	_ =	swait.ge [sflag:s2], $0x2000  }
0x130: {  	[sflag:s2] =	ssyncset.done $0x0  }
0x131: {  	[sflag:s2] =	ssyncadd.s32 $0xFFFFE000  }
0x132: {  	[spmem:s1] =	stream.indirect.scatter.add.f32 [tilespmem:s23], [sflag:$0x8], $0x80, s22, s16, $0xb8;
	[tilespmem:$0x1FC00] =	vst v63  }
0x133: {  	_ =	swait.ge [sflag:s7], $0x2000  }
0x134: {  	[sflag:s7] =	ssyncset.done $0x0  }
0x135: {  	[sflag:s7] =	ssyncadd.s32 $0xFFFFE000  }
0x136: {  	_ =	swait.ge [sflag:s8], $0x2000  }
0x137: {  	[sflag:s8] =	ssyncset.done $0x0  }
0x138: {  	[sflag:s8] =	ssyncadd.s32 $0xFFFFE000  }
0x139: {  	[bflag:$0x0] =	sbarrier.arrive $0xFFFF  }
0x13a: {  	s28 =	rddreg [dreg:$0x9]  }
0x13b: {  	[hbm:s28], [sflag:s6] =	dma.local [spmem:s13], $0x2800  }
0x13c: {  	_ =	swait.ge [sflag:s14], $0x2800  }
0x13d: {  	s25 =	sadd.s32 $0x1, s25;
	s30 =	rddreg [dreg:$0xa]  }
0x13e: {  	p0 =	sne.s32 s25, s30  }
.Ltmp2:
0x13f: {  	_ = 	snop;
	(pc) =	sbr.rel @p0 .LBB2_1-.Ltmp2, $3  }
0x140: {  	_ =	sdelay $0x1  }
0x141: {  	[sflag:s14] =	ssyncset.done $0x0  }
0x142: {  	[sflag:s14] =	ssyncadd.s32 $0xFFFFD800  }
0x143: {  	_ =	sfence.sel $0x180000  }
0x144: {  	[bflag:$0x0] =	sbarrier.arrive $0xFFFF  }
0x145: {  	_ =	strace $0x9000004A  }
0x146: {  	s0 =	stileid.u32;
	[bflag:$0x2] =	sbarrier.arrive $0xFFFF  }
0x147: {  	p0 =	sne.s32 s0, $0x0;
	s0 =	rddreg [dreg:$0x3]  }
0x148: {  	s0 =	sadd.s32 @!p0 $0x100000, s0  }
0x149: {  	[sflag:s0] =	ssyncadd.tile.s32 @!p0 $0x1;
	_ =	shalt  }
.Lfunc_end2:
_tile_overlayer_lowered:
.L_overlay_start_2:
0x14a: {  	(tag) =	ssettag $0x2  }
0x14b: {  	s0 =	rddreg [dreg:$0x0];
	s2 =	stileid.u32  }
0x14c: {  	s1 =	rddreg [dreg:$0x1];
	p0 =	sne.s32 s2, $0x0  }
0x14d: {  	s3 =	rddreg [dreg:$0x2];
	[bflag:$0x3] =	sbarrier.arrive $0xFFFF;
	s2 =	simm.s32 @!p0 $0x1C09  }
0x14e: {  	[timem:s3], [sflag:s2] =	dma.local @!p0 [hbm:s0], s1  }
0x14f: {  	s0 =	simm.s32 @!p0 $0x9  }
0x150: {  	_ =	swait.ge @!p0 [sflag:s0], s1  }
0x151: {  	s1 =	ssub.s32 @!p0 $0x0, s1;
	[sflag:s0] =	ssyncset.done @!p0 $0x0  }
0x152: {  	[sflag:s0] =	ssyncadd.s32 @!p0 s1  }
0x153: {  	[bflag:$0x3] =	sbarrier.arrive $0xFFFF  }
0x154: {  	_ =	shalt  }

// kernel: kernel.17.cloned.1.call-start
scs
__scs_entry_jumppad:
0x0: {  	(pc) =	sbr.rel $0x88, $3  }
0x1: {  	(tag) =	ssettag $0x0;
	lr =	simm.s32 $0x1  }
0x2: {  	[smem:$0x3F91] =	sst lr;
	_ =	strace $0xD0000000  }
0x3: {  	_ = 	snop  }
0x4: {  	_ = 	snop  }
0x5: {  	_ = 	snop  }
0x6: {  	_ = 	snop  }
0x7: {  	_ = 	snop  }
__scs_overlays_trampoline_lowered:
0x8: {  	[smem:$0x3FA0] =	sst s0  }
0x9: {  	[smem:$0x3FA1] =	sst s1  }
0xa: {  	[smem:$0x3FA2] =	sst s2  }
0xb: {  	[smem:$0x3FA3] =	sst s3  }
0xc: {  	[smem:$0x3FA4] =	sst s4  }
0xd: {  	[smem:$0x3FA5] =	sst s5  }
0xe: {  	[smem:$0x3FA6] =	sst s6  }
0xf: {  	[smem:$0x3FA7] =	sst s7  }
0x10: {  	[smem:$0x3FA8] =	sst s8  }
0x11: {  	[smem:$0x3FA9] =	sst s9;
	s0 =	simm.s32 @!p0 $0x0  }
0x12: {  	s1 =	sld [smem:$0x3F8F];
	s0 =	simm.s32 @p0 $0x1  }
0x13: {  	[smem:$0x3FAA] =	sst s0;
	s0 =	simm.s32 @!p1 $0x0  }
0x14: {  	s2 =	sld [smem:$0x3F8E];
	s0 =	simm.s32 @p1 $0x1  }
0x15: {  	[smem:$0x3FAB] =	sst s0;
	s0 =	simm.s32 @!p2 $0x0  }
0x16: {  	s3 =	sld [smem:$0x3FDB];
	s0 =	simm.s32 @p2 $0x1  }
0x17: {  	s4 =	simm.s32 $0x1BF5;
	[smem:$0x3FAD] =	sst s0  }
0x18: {  	s0 =	sld [smem:$0x3F90];
	_ =	swait.ge [sflag:s4], $0x0  }
0x19: {  	s7 =	sld [smem:$0x3F91]  }
0x1a: {  	s8 =	sadd.s32 $0xFFFFE003, lr  }
0x1b: {  	s9 =	sadd.s32 $0xFFFFFEF7, lr;
	s5 =	simm.s32 $0xFFFFFFFF;
	p2 =	slt.u32 s8, $0xFFFFF086  }
0x1c: {  	p1 =	slt.u32 s9, $0xF7A;
	s5 =	simm.s32 @!p2 $0x0  }
0x1d: {  	s5 =	simm.s32 @p1 $0x1;
	p0 =	seq.s32 s7, s2  }
0x1e: {  	s7 =	smul.u32 @!p0 $0xF7A, s2;
	p2 =	seq.s32 @!p0 s5, $0x0  }
0x1f: {  	s9 =	smul.u32 $0xF7A, s1;
	s8 =	simm.s32 @!p0 $0x1BF5;
	p2 =	por !p2, p0  }
0x20: {  	[sflag:s8] =	ssyncset.s32 @!p0 $0xFFFFF086;
	s6 =	sadd.s32 @!p0 s3, s7;
	s7 =	simm.s32 @!p0 $0x108  }
0x21: {  	s3 =	sadd.s32 s3, s9;
	s6 =	sadd.s32 @!p0 $0x88, s6;
	s7 =	simm.s32 @p2 $0x1082  }
0x22: {  	[simem:s7], [sflag:s8] =	dma.local @!p0 [hbm:s6], $0xF7A  }
0x23: {  	s9 =	sor.u32 $0xD0000000, s2;
	s6 =	simm.s32 $0x108;
	_ =	swait.ge @!p0 [sflag:s8], $0x0  }
0x24: {  	s3 =	sadd.s32 $0x88, s3;
	s6 =	simm.s32 @!p1 $0x1082;
	[sflag:s4] =	ssyncset.s32 $0xFFFFF086  }
0x25: {  	[simem:s6], [sflag:s4] =	dma.local [hbm:s3], $0xF7A  }
0x26: {  	[smem:$0x3F91] =	sst s1;
	(tag) =	ssettag s2;
	_ =	strace s9  }
0x27: {  	s1 =	sld [smem:$0x3FA1]  }
0x28: {  	s2 =	sld [smem:$0x3FA2]  }
0x29: {  	s4 =	sld [smem:$0x3FA4]  }
0x2a: {  	p0 =	seq.s32 s5, $0x0;
	s5 =	sld [smem:$0x3FA5]  }
0x2b: {  	s6 =	sld [smem:$0x3FA6]  }
0x2c: {  	s7 =	sld [smem:$0x3FA7]  }
0x2d: {  	s3 =	simm.s32 $0x108;
	s8 =	sld [smem:$0x3FA8]  }
0x2e: {  	s3 =	simm.s32 @!p0 $0x1082;
	s9 =	sld [smem:$0x3FA9]  }
0x2f: {  	lr =	sadd.s32 s0, s3;
	s0 =	sld [smem:$0x3FA0]  }
0x30: {  	s3 =	sld [smem:$0x3FA3]  }
0x31: {  	[smem:$0x3FAC] =	sst s10  }
0x32: {  	s10 =	sld [smem:$0x3FAA];
	_ =	sdelay $0x3  }
0x33: {  	p0 =	seq.s32 s10, $0x1;
	s10 =	sld [smem:$0x3FAC];
	_ =	sdelay $0x3  }
0x34: {  	[smem:$0x3FAC] =	sst s10  }
0x35: {  	s10 =	sld [smem:$0x3FAB];
	_ =	sdelay $0x3  }
0x36: {  	p1 =	seq.s32 s10, $0x1;
	s10 =	sld [smem:$0x3FAC];
	_ =	sdelay $0x3  }
0x37: {  	[smem:$0x3FAC] =	sst s10  }
0x38: {  	s10 =	sld [smem:$0x3FAD]  }
0x39: {  	_ = 	snop;
	(pc) =	sbr.ind lr, $3  }
0x3a: {  	_ = 	snop  }
0x3b: {  	_ = 	snop  }
0x3c: {  	p2 =	seq.s32 s10, $0x1;
	s10 =	sld [smem:$0x3FAC]  }
0x3d: {  	_ =	shalt  }
0x3e: {  	_ =	shalt  }
0x3f: {  	_ =	shalt  }
0x40: {  	_ =	shalt  }
0x41: {  	_ =	shalt  }
0x42: {  	_ =	shalt  }
0x43: {  	_ =	shalt  }
0x44: {  	_ =	shalt  }
0x45: {  	_ =	shalt  }
0x46: {  	_ =	shalt  }
0x47: {  	_ =	shalt  }
0x48: {  	_ =	shalt  }
0x49: {  	_ =	shalt  }
0x4a: {  	_ =	shalt  }
0x4b: {  	_ =	shalt  }
0x4c: {  	_ =	shalt  }
0x4d: {  	_ =	shalt  }
0x4e: {  	_ =	shalt  }
0x4f: {  	_ =	shalt  }
0x50: {  	_ =	shalt  }
0x51: {  	_ =	shalt  }
0x52: {  	_ =	shalt  }
0x53: {  	_ =	shalt  }
0x54: {  	_ =	shalt  }
0x55: {  	_ =	shalt  }
0x56: {  	_ =	shalt  }
0x57: {  	_ =	shalt  }
0x58: {  	_ =	shalt  }
0x59: {  	_ =	shalt  }
0x5a: {  	_ =	shalt  }
0x5b: {  	_ =	shalt  }
0x5c: {  	_ =	shalt  }
0x5d: {  	_ =	shalt  }
0x5e: {  	_ =	shalt  }
0x5f: {  	_ =	shalt  }
0x60: {  	_ =	shalt  }
0x61: {  	_ =	shalt  }
0x62: {  	_ =	shalt  }
0x63: {  	_ =	shalt  }
0x64: {  	_ =	shalt  }
0x65: {  	_ =	shalt  }
0x66: {  	_ =	shalt  }
0x67: {  	_ =	shalt  }
0x68: {  	_ =	shalt  }
0x69: {  	_ =	shalt  }
0x6a: {  	_ =	shalt  }
0x6b: {  	_ =	shalt  }
0x6c: {  	_ =	shalt  }
0x6d: {  	_ =	shalt  }
0x6e: {  	_ =	shalt  }
0x6f: {  	_ =	shalt  }
0x70: {  	_ =	shalt  }
0x71: {  	_ =	shalt  }
0x72: {  	_ =	shalt  }
0x73: {  	_ =	shalt  }
0x74: {  	_ =	shalt  }
0x75: {  	_ =	shalt  }
0x76: {  	_ =	shalt  }
0x77: {  	_ =	shalt  }
0x78: {  	_ =	shalt  }
0x79: {  	_ =	shalt  }
0x7a: {  	_ =	shalt  }
0x7b: {  	_ =	shalt  }
0x7c: {  	_ =	shalt  }
0x7d: {  	_ =	shalt  }
0x7e: {  	_ =	shalt  }
0x7f: {  	_ =	shalt  }
0x80: {  	_ =	shalt  }
0x81: {  	_ =	shalt  }
0x82: {  	_ =	shalt  }
0x83: {  	_ =	shalt  }
0x84: {  	_ =	shalt  }
0x85: {  	_ =	shalt  }
0x86: {  	_ =	shalt  }
0x87: {  	_ =	shalt  }
.Lfunc_end0:
.L_simem_size_0:
called_computation.2_lowered:
.L_overlay_start_0:
0x88: {  	s2 =	sld [smem:$0x3FD9]  }
0x89: {  	s3 =	sld [smem:$0x3FFE];
	_ =	sdelay $0x1  }
0x8a: {  	s1 =	srdreg.scid  }
0x8b: {  	s0 =	sand.u32 $0x1, s1  }
0x8c: {  	s17 =	sshll.u32 s0, $0xA;
	s2 =	sadd.s32 s3, s2  }
0x8d: {  	s2 =	sadd.s32 s2, s17  }
0x8e: {  	[smem:$0x3FB8] =	sst s2  }
0x8f: {  	_ = 	snop  }
0x90: {  	s2 =	sld [smem:$0x3FD0];
	(tm) =	ssettm $0x1  }
0x91: {  	s18 =	sld [smem:$0x3FFB];
	_ =	sdelay $0x3  }
0x92: {  	_ =	strace s18  }
0x93: {  	s3 =	sld [smem:$0x3FFC];
	_ =	sdelay $0x3  }
0x94: {  	_ =	strace s3  }
0x95: {  	s3 =	sld [smem:$0x3FFD];
	_ =	sdelay $0x3  }
0x96: {  	_ =	strace s3  }
0x97: {  	_ =	strace $0x8FFFFFFF  }
0x98: {  	s19 =	sld [smem:$0x3FDB];
	_ =	sdelay $0x1  }
0x99: {  	s4 =	simm.s32 $_scs_section_size  }
0x9a: {  	s5 =	simm.s32 $_size__tile_overlayer_lowered;
	s6 =	simm.s32 $_tile_overlayer_lowered  }
0x9b: {  	s22 =	simm.s32 $0x1BFF;
	s21 =	sshll.u32 s6, $0x1;
	s3 =	sadd.s32 s4, s19  }
0x9c: {  	s7 =	simm.s32 $0x0;
	s20 =	sshll.u32 s5, $0x1;
	s5 =	sadd.s32 s21, s3  }
0x9d: {  	[timem:s7], [sflag:s22] =	dma.local [hbm:s5], s20  }
0x9e: {  	_ =	swait.ge [sflag:s22], s20  }
0x9f: {  	s4 =	ssub.s32 $0x0, s20;
	[sflag:s22] =	ssyncset.done $0x0  }
0xa0: {  	[sflag:s22] =	ssyncadd.s32 s4;
	_ =	sdelay $0x1  }
0xa1: {  	s23 =	simm.s32 $0x1B8B  }
0xa2: {  	_ =	swait.ge [sflag:s23], $0x1  }
0xa3: {  	[sflag:s23] =	ssyncset.done $0x0  }
0xa4: {  	s25 =	simm.s32 $0x1B8E;
	s24 =	sld [smem:$0x3FFE];
	[sflag:s23] =	ssyncadd.s32 $0xFFFFFFFF  }
0xa5: {  	s26 =	simm.s32 $execute0_lowered;
	[smem:$0x3FD2] =	sst s25  }
0xa6: {  	s5 =	sshll.u32 s26, $0x1;
	_ =	strace $0x8000004C;
	[dreg:$0x1] =	wrdreg $0xFFFFFFFF  }
0xa7: {  	s28 =	simm.s32 $_size_execute0_lowered;
	s3 =	sadd.s32 s3, s5;
	[dreg:$0x0] =	wrdreg $0x0  }
0xa8: {  	s5 =	sshll.u32 s28, $0x1;
	[dreg:$0x2] =	wrdreg s3  }
0xa9: {  	[dreg:$0x3] =	wrdreg s5  }
0xaa: {  	[dreg:$0x4] =	wrdreg $0xC0  }
0xab: {  	_ =	task [dreg:s7], $0x5FFFF  }
0xac: {  	[dreg:$0x1] =	wrdreg $0xFFFFFFFF  }
0xad: {  	[dreg:$0x0] =	wrdreg $0x60  }
0xae: {  	[dreg:$0x2] =	wrdreg s24  }
0xaf: {  	[dreg:$0x3] =	wrdreg s2  }
0xb0: {  	[dreg:$0x4] =	wrdreg $0xBC000  }
0xb1: {  	[dreg:$0x5] =	wrdreg $0x9  }
0xb2: {  	_ =	task.clear_ibuf [dreg:s7], $0x6FFFF;
	_ =	strace $0x9000004C  }
0xb3: {  	s29 =	simm.s32 $0x9;
	_ =	strace $0x8000004E  }
0xb4: {  	_ =	swait.ge [sflag:s29], $0x1  }
0xb5: {  	[sflag:s29] =	ssyncadd.s32 $0xFFFFFFFF  }
0xb6: {  	_ =	strace $0x9000004E  }
0xb7: {  	_ =	sfence  }
0xb8: {  	s30 =	sld [smem:$0x0];
	_ =	sdelay $0x2  }
0xb9: {  	s31 =	sshll.u32 s1, $0xD;
	s1 =	sshrl.u32 s1, $0x2  }
0xba: {  	s3 =	sand.u32 $0x4000, s31;
	s1 =	sadd.s32 s1, s30  }
0xbb: {  	s0 =	sor.u32 s3, s0;
	s1 =	sshll.u32 s1, $0x11  }
0xbc: {  	s0 =	sor.u32 s1, s0  }
0xbd: {  	s0 =	sadd.s32 $0x8F2B, s0  }
0xbe: {  	[sflag:s0] =	ssyncadd.remote.s32 $0x1  }
0xbf: {  	_ =	sfence.sel $0xFFFF  }
0xc0: {  	[dreg:$0x0] =	wrdreg $0xFFFFFFFF;
	(pc) =	sbr.abs _section_cstart, $3  }
0xc1: {  	[dreg:$0x1] =	wrdreg $0xFFFFFFFF  }
0xc2: {  	_ =	task.clear_ibuf [dreg:s7], $0x2FFFF;
	_ =	strace $0x9FFFFFFF  }
0xc3: {  	(tm) =	ssettm $0x7FFFFFFF  }
tec
execute0_lowered:
.L_overlay_start_1:
0x0: {  	(tag) =	ssettag $0x1  }
0x1: {  	s0 =	rddreg [dreg:$0x0]  }
0x2: {  	s2 =	rddreg [dreg:$0x1]  }
0x3: {  	s1 =	rddreg [dreg:$0x2];
	s3 =	srdreg.scid  }
0x4: {  	s12 =	stileid.u32;
	s14 =	simm.s32 $0x9;
	s15 =	simm.s32 $0x1400  }
0x5: {  	s16 =	simm.s32 $0x40;
	s17 =	simm.s32 $0x3C00;
	s18 =	simm.s32 $0x5C00  }
0x6: {  	s29 =	simm.s32 $0x3;
	s31 =	simm.s32 $0x6;
	s5 =	sand.u32 $0x1, s3  }
0x7: {  	s3 =	simm.s32 $0x0;
	s7 =	smul.u32 $0x14000, s12;
	s4 =	sadd.s32 $0x12A00, s0  }
0x8: {  	s8 =	sadd.s32 $0x63200, s0;
	s19 =	sadd.s32 $0x10200, s0;
	s9 =	smul.u32 $0x50000, s12  }
0x9: {  	s24 =	sshll.u32 s12, $0x6;
	s6 =	smul.u32 $0x140000, s5;
	[smem:$0x7FF] =	sst s3  }
0xa: {  	s20 =	sshll.u32 s5, $0x4;
	s5 =	ssub.s32 $0x2, s5;
	_ =	strace $0x8000004D  }
0xb: {  	[dreg:$0x4] =	wrdreg s19;
	s21 =	sshrl.u32 s5, $0x1;
	s22 =	sshrl.u32 s9, $0x2  }
0xc: {  	s19 =	simm.s32 $0x3B00;
	s6 =	sadd.s32 s7, s6;
	s7 =	sor.u32 s12, s20  }
0xd: {  	s5 =	ssub.s32 s5, s21;
	s11 =	sadd.s32 s22, s1;
	s10 =	smul.u32 $0x500, s7  }
0xe: {  	s20 =	simm.s32 $0x7C00;
	s21 =	simm.s32 $0x1;
	s23 =	smul.u32 $0x2800, s7  }
0xf: {  	s12 =	simm.s32 $0x3A80;
	s22 =	simm.s32 $0x3B80;
	s25 =	smul.u32 $0x5000, s7  }
0x10: {  	s6 =	sshrl.u32 s6, $0x3;
	s7 =	smul.u32 $0xA00, s7;
	s30 =	smax.u32 s5, $0x1  }
0x11: {  	s13 =	sshrl.u32 s11, $0x3;
	s11 =	simm.s32 $0x13C0;
	s0 =	sadd.s32 s6, s0  }
0x12: {  	s6 =	sor.u32 $0x1C09, s24;
	[dreg:$0xa] =	wrdreg s30;
	s24 =	simm.s32 $0x2  }
0x13: {  	s9 =	sshrl.u32 s23, $0x3;
	s10 =	sadd.s32 s8, s10;
	s26 =	sshrl.u32 s25, $0x3  }
0x14: {  	s7 =	sadd.s32 s2, s7;
	s0 =	sadd.s32 $0x6D200, s0;
	[dreg:$0x5] =	wrdreg s10  }
0x15: {  	s23 =	simm.s32 $0x9C00;
	s25 =	simm.s32 $0x0;
	[dreg:$0x6] =	wrdreg s7  }
0x16: {  	s8 =	sadd.s32 s8, s9;
	s2 =	sadd.s32 s2, s26;
	[dreg:$0x9] =	wrdreg s0  }
0x17: {  	s26 =	simm.s32 $0x5;
	s7 =	simm.s32 $0x7;
	s28 =	sadd.s32 $0x280, s8  }
0x18: {  	s10 =	simm.s32 $0x3A00;
	s2 =	sadd.s32 $0x500, s2;
	[dreg:$0x7] =	wrdreg s28  }
0x19: {  	s8 =	simm.s32 $0x8;
	[dreg:$0x8] =	wrdreg s2;
	s2 =	simm.s32 $0x4  }
.LBB2_1:
0x1a: {  	s0 =	rddreg [dreg:$0x4]  }
0x1b: {  	[spmem:s13], [sflag:s6] =	dma.local [hbm:s0], $0x2800  }
0x1c: {  	_ =	swait.ge [sflag:s14], $0x2800  }
0x1d: {  	[sflag:s14] =	ssyncset.done $0x0  }
0x1e: {  	[sflag:s14] =	ssyncadd.s32 $0xFFFFD800  }
0x1f: {  	[bflag:$0x0] =	sbarrier.arrive $0xFFFF  }
0x20: {  	s5 =	rddreg [dreg:$0x5]  }
0x21: {  	[tilespmem:s3], [sflag:$0x9] =	stream.linear.gather [hbm4b:s5+s3], $0x1400, $0x38;
	[tilespmem:$0x1FC00] =	vst v63  }
0x22: {  	_ =	swait.ge [sflag:s14], $0x1400  }
0x23: {  	[sflag:s14] =	ssyncset.done $0x0  }
0x24: {  	s9 =	rddreg [dreg:$0x6];
	[sflag:s14] =	ssyncadd.s32 $0xFFFFEC00  }
0x25: {  	[tilespmem:s15], [sflag:$0x9] =	stream.linear.gather [hbm4b:s9+s3], $0x2800, $0x38;
	[tilespmem:$0x1FC00] =	vst v63  }
0x26: {  	_ =	swait.ge [sflag:s14], $0x2800  }
0x27: {  	[sflag:s14] =	ssyncset.done $0x0  }
0x28: {  	[sflag:s14] =	ssyncadd.s32 $0xFFFFD800  }
0x29: {  	[tilespmem:s17], [sflag:$0x1] =	stream.indirect.gather [hbm4b:s4+s16], $0x80, s3, s16, $0xb8;
	[tilespmem:$0x1FC00] =	vst v63  }
0x2a: {  	_ = 	snop  }
0x2b: {  	[tilespmem:s18], [sflag:$0x2] =	stream.indirect.gather [hbm4b:s4+s16], $0x80, s16, s16, $0xb8;
	[tilespmem:$0x1FC00] =	vst v63  }
0x2c: {  	s5 =	simm.s32 $0x80  }
0x2d: {  	[tilespmem:s20], [sflag:$0x3] =	stream.indirect.gather [hbm4b:s4+s16], $0x80, s5, s16, $0xb8;
	[tilespmem:$0x1FC00] =	vst v63  }
0x2e: {  	_ =	swait.ge [sflag:s21], $0x2000  }
0x2f: {  	[sflag:s21] =	ssyncset.done $0x0  }
0x30: {  	[sflag:s21] =	ssyncadd.s32 $0xFFFFE000  }
0x31: {  	[spmem:s1] =	stream.indirect.scatter.add.f32 [tilespmem:s17], [sflag:$0x5], $0x80, s15, s16, $0xb8;
	[tilespmem:$0x1FC00] =	vst v63  }
0x32: {  	s9 =	simm.s32 $0xC0  }
0x33: {  	[tilespmem:s23], [sflag:$0x4] =	stream.indirect.gather [hbm4b:s4+s16], $0x80, s9, s16, $0xb8;
	[tilespmem:$0x1FC00] =	vst v63  }
0x34: {  	_ =	swait.ge [sflag:s24], $0x2000  }
0x35: {  	[sflag:s24] =	ssyncset.done $0x0  }
0x36: {  	s5 =	simm.s32 $0x1480;
	[sflag:s24] =	ssyncadd.s32 $0xFFFFE000  }
0x37: {  	[spmem:s1] =	stream.indirect.scatter.add.f32 [tilespmem:s18], [sflag:$0x6], $0x80, s5, s16, $0xb8;
	[tilespmem:$0x1FC00] =	vst v63  }
0x38: {  	_ =	swait.ge [sflag:s26], $0x2000  }
0x39: {  	[sflag:s26] =	ssyncset.done $0x0  }
0x3a: {  	s9 =	simm.s32 $0x100;
	[sflag:s26] =	ssyncadd.s32 $0xFFFFE000  }
0x3b: {  	[tilespmem:s17], [sflag:$0x1] =	stream.indirect.gather [hbm4b:s4+s16], $0x80, s9, s16, $0xb8;
	[tilespmem:$0x1FC00] =	vst v63  }
0x3c: {  	_ =	swait.ge [sflag:s29], $0x2000  }
0x3d: {  	[sflag:s29] =	ssyncset.done $0x0  }
0x3e: {  	s5 =	simm.s32 $0x1500;
	[sflag:s29] =	ssyncadd.s32 $0xFFFFE000  }
0x3f: {  	[spmem:s1] =	stream.indirect.scatter.add.f32 [tilespmem:s20], [sflag:$0x7], $0x80, s5, s16, $0xb8;
	[tilespmem:$0x1FC00] =	vst v63  }
0x40: {  	_ =	swait.ge [sflag:s31], $0x2000  }
0x41: {  	[sflag:s31] =	ssyncset.done $0x0  }
0x42: {  	s9 =	simm.s32 $0x140;
	[sflag:s31] =	ssyncadd.s32 $0xFFFFE000  }
0x43: {  	[tilespmem:s18], [sflag:$0x2] =	stream.indirect.gather [hbm4b:s4+s16], $0x80, s9, s16, $0xb8;
	[tilespmem:$0x1FC00] =	vst v63  }
0x44: {  	_ =	swait.ge [sflag:s2], $0x2000  }
0x45: {  	[sflag:s2] =	ssyncset.done $0x0  }
0x46: {  	s5 =	simm.s32 $0x1580;
	[sflag:s2] =	ssyncadd.s32 $0xFFFFE000  }
0x47: {  	[spmem:s1] =	stream.indirect.scatter.add.f32 [tilespmem:s23], [sflag:$0x8], $0x80, s5, s16, $0xb8;
	[tilespmem:$0x1FC00] =	vst v63  }
0x48: {  	_ =	swait.ge [sflag:s7], $0x2000  }
0x49: {  	[sflag:s7] =	ssyncset.done $0x0  }
0x4a: {  	s9 =	simm.s32 $0x180;
	[sflag:s7] =	ssyncadd.s32 $0xFFFFE000  }
0x4b: {  	[tilespmem:s20], [sflag:$0x3] =	stream.indirect.gather [hbm4b:s4+s16], $0x80, s9, s16, $0xb8;
	[tilespmem:$0x1FC00] =	vst v63  }
0x4c: {  	_ =	swait.ge [sflag:s21], $0x2000  }
0x4d: {  	[sflag:s21] =	ssyncset.done $0x0  }
0x4e: {  	s5 =	simm.s32 $0x1600;
	[sflag:s21] =	ssyncadd.s32 $0xFFFFE000  }
0x4f: {  	[spmem:s1] =	stream.indirect.scatter.add.f32 [tilespmem:s17], [sflag:$0x5], $0x80, s5, s16, $0xb8;
	[tilespmem:$0x1FC00] =	vst v63  }
0x50: {  	_ =	swait.ge [sflag:s8], $0x2000  }
0x51: {  	[sflag:s8] =	ssyncset.done $0x0  }
0x52: {  	s9 =	simm.s32 $0x1C0;
	[sflag:s8] =	ssyncadd.s32 $0xFFFFE000  }
0x53: {  	[tilespmem:s23], [sflag:$0x4] =	stream.indirect.gather [hbm4b:s4+s16], $0x80, s9, s16, $0xb8;
	[tilespmem:$0x1FC00] =	vst v63  }
0x54: {  	_ =	swait.ge [sflag:s24], $0x2000  }
0x55: {  	[sflag:s24] =	ssyncset.done $0x0  }
0x56: {  	s5 =	simm.s32 $0x1680;
	[sflag:s24] =	ssyncadd.s32 $0xFFFFE000  }
0x57: {  	[spmem:s1] =	stream.indirect.scatter.add.f32 [tilespmem:s18], [sflag:$0x6], $0x80, s5, s16, $0xb8;
	[tilespmem:$0x1FC00] =	vst v63  }
0x58: {  	_ =	swait.ge [sflag:s26], $0x2000  }
0x59: {  	[sflag:s26] =	ssyncset.done $0x0  }
0x5a: {  	s9 =	simm.s32 $0x200;
	[sflag:s26] =	ssyncadd.s32 $0xFFFFE000  }
0x5b: {  	[tilespmem:s17], [sflag:$0x1] =	stream.indirect.gather [hbm4b:s4+s16], $0x80, s9, s16, $0xb8;
	[tilespmem:$0x1FC00] =	vst v63  }
0x5c: {  	_ =	swait.ge [sflag:s29], $0x2000  }
0x5d: {  	[sflag:s29] =	ssyncset.done $0x0  }
0x5e: {  	s5 =	simm.s32 $0x1700;
	[sflag:s29] =	ssyncadd.s32 $0xFFFFE000  }
0x5f: {  	[spmem:s1] =	stream.indirect.scatter.add.f32 [tilespmem:s20], [sflag:$0x7], $0x80, s5, s16, $0xb8;
	[tilespmem:$0x1FC00] =	vst v63  }
0x60: {  	_ =	swait.ge [sflag:s31], $0x2000  }
0x61: {  	[sflag:s31] =	ssyncset.done $0x0  }
0x62: {  	s9 =	simm.s32 $0x240;
	[sflag:s31] =	ssyncadd.s32 $0xFFFFE000  }
0x63: {  	[tilespmem:s18], [sflag:$0x2] =	stream.indirect.gather [hbm4b:s4+s16], $0x80, s9, s16, $0xb8;
	[tilespmem:$0x1FC00] =	vst v63  }
0x64: {  	_ =	swait.ge [sflag:s2], $0x2000  }
0x65: {  	s28 =	simm.s32 $0x1780;
	[sflag:s2] =	ssyncset.done $0x0  }
0x66: {  	s30 =	simm.s32 $0x400;
	s0 =	simm.s32 $0x1980;
	[sflag:s2] =	ssyncadd.s32 $0xFFFFE000  }
.LBB2_2:
0x67: {  	[spmem:s1] =	stream.indirect.scatter.add.f32 [tilespmem:s23], [sflag:$0x8], $0x80, s28, s16, $0xb8;
	[tilespmem:$0x1FC00] =	vst v63  }
0x68: {  	s5 =	smov.u32 s30;
	s28 =	smov.u32 s0  }
0x69: {  	p0 =	sne.s32 s30, $0x4400;
	s30 =	sadd.s32 $0x400, s30;
	_ =	swait.ge [sflag:s7], $0x2000  }
0x6a: {  	s5 =	sshra.s32 s5, $0x2;
	[sflag:s7] =	ssyncset.done $0x0  }
0x6b: {  	s9 =	sadd.s32 $0x180, s5;
	[sflag:s7] =	ssyncadd.s32 $0xFFFFE000  }
0x6c: {  	[tilespmem:s20], [sflag:$0x3] =	stream.indirect.gather [hbm4b:s4+s16], $0x80, s9, s16, $0xb8;
	[tilespmem:$0x1FC00] =	vst v63  }
0x6d: {  	_ =	swait.ge [sflag:s21], $0x2000  }
0x6e: {  	[sflag:s21] =	ssyncset.done $0x0  }
0x6f: {  	s9 =	sadd.s32 $0xFFFFFE80, s0;
	[sflag:s21] =	ssyncadd.s32 $0xFFFFE000  }
0x70: {  	[spmem:s1] =	stream.indirect.scatter.add.f32 [tilespmem:s17], [sflag:$0x5], $0x80, s9, s16, $0xb8;
	[tilespmem:$0x1FC00] =	vst v63  }
0x71: {  	_ =	swait.ge [sflag:s8], $0x2000  }
0x72: {  	[sflag:s8] =	ssyncset.done $0x0  }
0x73: {  	s9 =	sadd.s32 $0x1C0, s5;
	[sflag:s8] =	ssyncadd.s32 $0xFFFFE000  }
0x74: {  	[tilespmem:s23], [sflag:$0x4] =	stream.indirect.gather [hbm4b:s4+s16], $0x80, s9, s16, $0xb8;
	[tilespmem:$0x1FC00] =	vst v63  }
0x75: {  	_ =	swait.ge [sflag:s24], $0x2000  }
0x76: {  	[sflag:s24] =	ssyncset.done $0x0  }
0x77: {  	s9 =	sadd.s32 $0xFFFFFF00, s0;
	[sflag:s24] =	ssyncadd.s32 $0xFFFFE000  }
0x78: {  	[spmem:s1] =	stream.indirect.scatter.add.f32 [tilespmem:s18], [sflag:$0x6], $0x80, s9, s16, $0xb8;
	[tilespmem:$0x1FC00] =	vst v63  }
0x79: {  	_ =	swait.ge [sflag:s26], $0x2000  }
0x7a: {  	[sflag:s26] =	ssyncset.done $0x0  }
0x7b: {  	s9 =	sadd.s32 $0x200, s5;
	[sflag:s26] =	ssyncadd.s32 $0xFFFFE000  }
0x7c: {  	[tilespmem:s17], [sflag:$0x1] =	stream.indirect.gather [hbm4b:s4+s16], $0x80, s9, s16, $0xb8;
	[tilespmem:$0x1FC00] =	vst v63  }
0x7d: {  	_ =	swait.ge [sflag:s29], $0x2000  }
0x7e: {  	[sflag:s29] =	ssyncset.done $0x0  }
0x7f: {  	s9 =	sadd.s32 $0xFFFFFF80, s0;
	[sflag:s29] =	ssyncadd.s32 $0xFFFFE000  }
0x80: {  	[spmem:s1] =	stream.indirect.scatter.add.f32 [tilespmem:s20], [sflag:$0x7], $0x80, s9, s16, $0xb8;
	[tilespmem:$0x1FC00] =	vst v63  }
0x81: {  	_ =	swait.ge [sflag:s31], $0x2000  }
0x82: {  	[sflag:s31] =	ssyncset.done $0x0  }
.Ltmp0:
0x83: {  	s5 =	sadd.s32 $0x240, s5;
	[sflag:s31] =	ssyncadd.s32 $0xFFFFE000;
	(pc) =	sbr.rel @p0 .LBB2_2-.Ltmp0, $4  }
0x84: {  	[tilespmem:s18], [sflag:$0x2] =	stream.indirect.gather [hbm4b:s4+s16], $0x80, s5, s16, $0xb8;
	[tilespmem:$0x1FC00] =	vst v63  }
0x85: {  	_ =	swait.ge [sflag:s2], $0x2000  }
0x86: {  	[sflag:s2] =	ssyncset.done $0x0  }
0x87: {  	s0 =	sadd.s32 $0x200, s0;
	[sflag:s2] =	ssyncadd.s32 $0xFFFFE000  }
0x88: {  	[spmem:s1] =	stream.indirect.scatter.add.f32 [tilespmem:s23], [sflag:$0x8], $0x80, s28, s16, $0xb8;
	[tilespmem:$0x1FC00] =	vst v63  }
0x89: {  	_ =	swait.ge [sflag:s7], $0x2000  }
0x8a: {  	[sflag:s7] =	ssyncset.done $0x0  }
0x8b: {  	s0 =	simm.s32 $0x1380;
	[sflag:s7] =	ssyncadd.s32 $0xFFFFE000  }
0x8c: {  	[tilespmem:s20], [sflag:$0x3] =	stream.indirect.gather [hbm4b:s4+s16], $0x80, s0, s16, $0xb8;
	[tilespmem:$0x1FC00] =	vst v63  }
0x8d: {  	_ =	swait.ge [sflag:s21], $0x2000  }
0x8e: {  	[sflag:s21] =	ssyncset.done $0x0  }
0x8f: {  	[sflag:s21] =	ssyncadd.s32 $0xFFFFE000  }
0x90: {  	[spmem:s1] =	stream.indirect.scatter.add.f32 [tilespmem:s17], [sflag:$0x5], $0x80, s10, s16, $0xb8;
	[tilespmem:$0x1FC00] =	vst v63  }
0x91: {  	_ =	swait.ge [sflag:s8], $0x2000  }
0x92: {  	[sflag:s8] =	ssyncset.done $0x0  }
0x93: {  	[sflag:s8] =	ssyncadd.s32 $0xFFFFE000  }
0x94: {  	[tilespmem:s23], [sflag:$0x4] =	stream.indirect.gather [hbm4b:s4+s16], $0x80, s11, s16, $0xb8;
	[tilespmem:$0x1FC00] =	vst v63  }
0x95: {  	_ =	swait.ge [sflag:s24], $0x2000  }
0x96: {  	[sflag:s24] =	ssyncset.done $0x0  }
0x97: {  	[sflag:s24] =	ssyncadd.s32 $0xFFFFE000  }
0x98: {  	[spmem:s1] =	stream.indirect.scatter.add.f32 [tilespmem:s18], [sflag:$0x6], $0x80, s12, s16, $0xb8;
	[tilespmem:$0x1FC00] =	vst v63  }
0x99: {  	_ =	swait.ge [sflag:s26], $0x2000  }
0x9a: {  	[sflag:s26] =	ssyncset.done $0x0  }
0x9b: {  	[sflag:s26] =	ssyncadd.s32 $0xFFFFE000  }
0x9c: {  	_ =	swait.ge [sflag:s29], $0x2000  }
0x9d: {  	[sflag:s29] =	ssyncset.done $0x0  }
0x9e: {  	[sflag:s29] =	ssyncadd.s32 $0xFFFFE000  }
0x9f: {  	[spmem:s1] =	stream.indirect.scatter.add.f32 [tilespmem:s20], [sflag:$0x7], $0x80, s19, s16, $0xb8;
	[tilespmem:$0x1FC00] =	vst v63  }
0xa0: {  	_ =	swait.ge [sflag:s31], $0x2000  }
0xa1: {  	[sflag:s31] =	ssyncset.done $0x0  }
0xa2: {  	[sflag:s31] =	ssyncadd.s32 $0xFFFFE000  }
0xa3: {  	_ =	swait.ge [sflag:s2], $0x2000  }
0xa4: {  	[sflag:s2] =	ssyncset.done $0x0  }
0xa5: {  	[sflag:s2] =	ssyncadd.s32 $0xFFFFE000  }
0xa6: {  	[spmem:s1] =	stream.indirect.scatter.add.f32 [tilespmem:s23], [sflag:$0x8], $0x80, s22, s16, $0xb8;
	[tilespmem:$0x1FC00] =	vst v63  }
0xa7: {  	_ =	swait.ge [sflag:s7], $0x2000  }
0xa8: {  	[sflag:s7] =	ssyncset.done $0x0  }
0xa9: {  	[sflag:s7] =	ssyncadd.s32 $0xFFFFE000  }
0xaa: {  	_ =	swait.ge [sflag:s8], $0x2000  }
0xab: {  	[sflag:s8] =	ssyncset.done $0x0  }
0xac: {  	s0 =	simm.s32 $0x0;
	s5 =	rddreg [dreg:$0x7];
	[sflag:s8] =	ssyncadd.s32 $0xFFFFE000  }
0xad: {  	[tilespmem:s0], [sflag:$0x9] =	stream.linear.gather [hbm4b:s5+s0], $0x1400, $0x38;
	[tilespmem:$0x1FC00] =	vst v63  }
0xae: {  	_ =	swait.ge [sflag:s14], $0x1400  }
0xaf: {  	[sflag:s14] =	ssyncset.done $0x0  }
0xb0: {  	s9 =	rddreg [dreg:$0x8];
	[sflag:s14] =	ssyncadd.s32 $0xFFFFEC00  }
0xb1: {  	[tilespmem:s15], [sflag:$0x9] =	stream.linear.gather [hbm4b:s9+s0], $0x2800, $0x38;
	[tilespmem:$0x1FC00] =	vst v63  }
0xb2: {  	_ =	swait.ge [sflag:s14], $0x2800  }
0xb3: {  	[sflag:s14] =	ssyncset.done $0x0  }
0xb4: {  	[sflag:s14] =	ssyncadd.s32 $0xFFFFD800  }
0xb5: {  	[tilespmem:s17], [sflag:$0x1] =	stream.indirect.gather [hbm4b:s4+s16], $0x80, s0, s16, $0xb8;
	[tilespmem:$0x1FC00] =	vst v63  }
0xb6: {  	_ = 	snop  }
0xb7: {  	[tilespmem:s18], [sflag:$0x2] =	stream.indirect.gather [hbm4b:s4+s16], $0x80, s16, s16, $0xb8;
	[tilespmem:$0x1FC00] =	vst v63  }
0xb8: {  	s5 =	simm.s32 $0x80  }
0xb9: {  	[tilespmem:s20], [sflag:$0x3] =	stream.indirect.gather [hbm4b:s4+s16], $0x80, s5, s16, $0xb8;
	[tilespmem:$0x1FC00] =	vst v63  }
0xba: {  	_ =	swait.ge [sflag:s21], $0x2000  }
0xbb: {  	[sflag:s21] =	ssyncset.done $0x0  }
0xbc: {  	[sflag:s21] =	ssyncadd.s32 $0xFFFFE000  }
0xbd: {  	[spmem:s1] =	stream.indirect.scatter.add.f32 [tilespmem:s17], [sflag:$0x5], $0x80, s15, s16, $0xb8;
	[tilespmem:$0x1FC00] =	vst v63  }
0xbe: {  	s9 =	simm.s32 $0xC0  }
0xbf: {  	[tilespmem:s23], [sflag:$0x4] =	stream.indirect.gather [hbm4b:s4+s16], $0x80, s9, s16, $0xb8;
	[tilespmem:$0x1FC00] =	vst v63  }
0xc0: {  	_ =	swait.ge [sflag:s24], $0x2000  }
0xc1: {  	[sflag:s24] =	ssyncset.done $0x0  }
0xc2: {  	s5 =	simm.s32 $0x1480;
	[sflag:s24] =	ssyncadd.s32 $0xFFFFE000  }
0xc3: {  	[spmem:s1] =	stream.indirect.scatter.add.f32 [tilespmem:s18], [sflag:$0x6], $0x80, s5, s16, $0xb8;
	[tilespmem:$0x1FC00] =	vst v63  }
0xc4: {  	_ =	swait.ge [sflag:s26], $0x2000  }
0xc5: {  	[sflag:s26] =	ssyncset.done $0x0  }
0xc6: {  	s9 =	simm.s32 $0x100;
	[sflag:s26] =	ssyncadd.s32 $0xFFFFE000  }
0xc7: {  	[tilespmem:s17], [sflag:$0x1] =	stream.indirect.gather [hbm4b:s4+s16], $0x80, s9, s16, $0xb8;
	[tilespmem:$0x1FC00] =	vst v63  }
0xc8: {  	_ =	swait.ge [sflag:s29], $0x2000  }
0xc9: {  	[sflag:s29] =	ssyncset.done $0x0  }
0xca: {  	s5 =	simm.s32 $0x1500;
	[sflag:s29] =	ssyncadd.s32 $0xFFFFE000  }
0xcb: {  	[spmem:s1] =	stream.indirect.scatter.add.f32 [tilespmem:s20], [sflag:$0x7], $0x80, s5, s16, $0xb8;
	[tilespmem:$0x1FC00] =	vst v63  }
0xcc: {  	_ =	swait.ge [sflag:s31], $0x2000  }
0xcd: {  	[sflag:s31] =	ssyncset.done $0x0  }
0xce: {  	s9 =	simm.s32 $0x140;
	[sflag:s31] =	ssyncadd.s32 $0xFFFFE000  }
0xcf: {  	[tilespmem:s18], [sflag:$0x2] =	stream.indirect.gather [hbm4b:s4+s16], $0x80, s9, s16, $0xb8;
	[tilespmem:$0x1FC00] =	vst v63  }
0xd0: {  	_ =	swait.ge [sflag:s2], $0x2000  }
0xd1: {  	[sflag:s2] =	ssyncset.done $0x0  }
0xd2: {  	s5 =	simm.s32 $0x1580;
	[sflag:s2] =	ssyncadd.s32 $0xFFFFE000  }
0xd3: {  	[spmem:s1] =	stream.indirect.scatter.add.f32 [tilespmem:s23], [sflag:$0x8], $0x80, s5, s16, $0xb8;
	[tilespmem:$0x1FC00] =	vst v63  }
0xd4: {  	_ =	swait.ge [sflag:s7], $0x2000  }
0xd5: {  	[sflag:s7] =	ssyncset.done $0x0  }
0xd6: {  	s9 =	simm.s32 $0x180;
	[sflag:s7] =	ssyncadd.s32 $0xFFFFE000  }
0xd7: {  	[tilespmem:s20], [sflag:$0x3] =	stream.indirect.gather [hbm4b:s4+s16], $0x80, s9, s16, $0xb8;
	[tilespmem:$0x1FC00] =	vst v63  }
0xd8: {  	_ =	swait.ge [sflag:s21], $0x2000  }
0xd9: {  	[sflag:s21] =	ssyncset.done $0x0  }
0xda: {  	s5 =	simm.s32 $0x1600;
	[sflag:s21] =	ssyncadd.s32 $0xFFFFE000  }
0xdb: {  	[spmem:s1] =	stream.indirect.scatter.add.f32 [tilespmem:s17], [sflag:$0x5], $0x80, s5, s16, $0xb8;
	[tilespmem:$0x1FC00] =	vst v63  }
0xdc: {  	_ =	swait.ge [sflag:s8], $0x2000  }
0xdd: {  	[sflag:s8] =	ssyncset.done $0x0  }
0xde: {  	s9 =	simm.s32 $0x1C0;
	[sflag:s8] =	ssyncadd.s32 $0xFFFFE000  }
0xdf: {  	[tilespmem:s23], [sflag:$0x4] =	stream.indirect.gather [hbm4b:s4+s16], $0x80, s9, s16, $0xb8;
	[tilespmem:$0x1FC00] =	vst v63  }
0xe0: {  	_ =	swait.ge [sflag:s24], $0x2000  }
0xe1: {  	[sflag:s24] =	ssyncset.done $0x0  }
0xe2: {  	s5 =	simm.s32 $0x1680;
	[sflag:s24] =	ssyncadd.s32 $0xFFFFE000  }
0xe3: {  	[spmem:s1] =	stream.indirect.scatter.add.f32 [tilespmem:s18], [sflag:$0x6], $0x80, s5, s16, $0xb8;
	[tilespmem:$0x1FC00] =	vst v63  }
0xe4: {  	_ =	swait.ge [sflag:s26], $0x2000  }
0xe5: {  	[sflag:s26] =	ssyncset.done $0x0  }
0xe6: {  	s9 =	simm.s32 $0x200;
	[sflag:s26] =	ssyncadd.s32 $0xFFFFE000  }
0xe7: {  	[tilespmem:s17], [sflag:$0x1] =	stream.indirect.gather [hbm4b:s4+s16], $0x80, s9, s16, $0xb8;
	[tilespmem:$0x1FC00] =	vst v63  }
0xe8: {  	_ =	swait.ge [sflag:s29], $0x2000  }
0xe9: {  	[sflag:s29] =	ssyncset.done $0x0  }
0xea: {  	s5 =	simm.s32 $0x1700;
	[sflag:s29] =	ssyncadd.s32 $0xFFFFE000  }
0xeb: {  	[spmem:s1] =	stream.indirect.scatter.add.f32 [tilespmem:s20], [sflag:$0x7], $0x80, s5, s16, $0xb8;
	[tilespmem:$0x1FC00] =	vst v63  }
0xec: {  	_ =	swait.ge [sflag:s31], $0x2000  }
0xed: {  	[sflag:s31] =	ssyncset.done $0x0  }
0xee: {  	s9 =	simm.s32 $0x240;
	[sflag:s31] =	ssyncadd.s32 $0xFFFFE000  }
0xef: {  	[tilespmem:s18], [sflag:$0x2] =	stream.indirect.gather [hbm4b:s4+s16], $0x80, s9, s16, $0xb8;
	[tilespmem:$0x1FC00] =	vst v63  }
0xf0: {  	_ =	swait.ge [sflag:s2], $0x2000  }
0xf1: {  	s28 =	simm.s32 $0x1780;
	[sflag:s2] =	ssyncset.done $0x0  }
0xf2: {  	s30 =	simm.s32 $0x400;
	s0 =	simm.s32 $0x1980;
	[sflag:s2] =	ssyncadd.s32 $0xFFFFE000  }
.LBB2_4:
0xf3: {  	[spmem:s1] =	stream.indirect.scatter.add.f32 [tilespmem:s23], [sflag:$0x8], $0x80, s28, s16, $0xb8;
	[tilespmem:$0x1FC00] =	vst v63  }
0xf4: {  	s5 =	smov.u32 s30;
	s28 =	smov.u32 s0  }
0xf5: {  	p0 =	sne.s32 s30, $0x4400;
	s30 =	sadd.s32 $0x400, s30;
	_ =	swait.ge [sflag:s7], $0x2000  }
0xf6: {  	s5 =	sshra.s32 s5, $0x2;
	[sflag:s7] =	ssyncset.done $0x0  }
0xf7: {  	s9 =	sadd.s32 $0x180, s5;
	[sflag:s7] =	ssyncadd.s32 $0xFFFFE000  }
0xf8: {  	[tilespmem:s20], [sflag:$0x3] =	stream.indirect.gather [hbm4b:s4+s16], $0x80, s9, s16, $0xb8;
	[tilespmem:$0x1FC00] =	vst v63  }
0xf9: {  	_ =	swait.ge [sflag:s21], $0x2000  }
0xfa: {  	[sflag:s21] =	ssyncset.done $0x0  }
0xfb: {  	s9 =	sadd.s32 $0xFFFFFE80, s0;
	[sflag:s21] =	ssyncadd.s32 $0xFFFFE000  }
0xfc: {  	[spmem:s1] =	stream.indirect.scatter.add.f32 [tilespmem:s17], [sflag:$0x5], $0x80, s9, s16, $0xb8;
	[tilespmem:$0x1FC00] =	vst v63  }
0xfd: {  	_ =	swait.ge [sflag:s8], $0x2000  }
0xfe: {  	[sflag:s8] =	ssyncset.done $0x0  }
0xff: {  	s9 =	sadd.s32 $0x1C0, s5;
	[sflag:s8] =	ssyncadd.s32 $0xFFFFE000  }
0x100: {  	[tilespmem:s23], [sflag:$0x4] =	stream.indirect.gather [hbm4b:s4+s16], $0x80, s9, s16, $0xb8;
	[tilespmem:$0x1FC00] =	vst v63  }
0x101: {  	_ =	swait.ge [sflag:s24], $0x2000  }
0x102: {  	[sflag:s24] =	ssyncset.done $0x0  }
0x103: {  	s9 =	sadd.s32 $0xFFFFFF00, s0;
	[sflag:s24] =	ssyncadd.s32 $0xFFFFE000  }
0x104: {  	[spmem:s1] =	stream.indirect.scatter.add.f32 [tilespmem:s18], [sflag:$0x6], $0x80, s9, s16, $0xb8;
	[tilespmem:$0x1FC00] =	vst v63  }
0x105: {  	_ =	swait.ge [sflag:s26], $0x2000  }
0x106: {  	[sflag:s26] =	ssyncset.done $0x0  }
0x107: {  	s9 =	sadd.s32 $0x200, s5;
	[sflag:s26] =	ssyncadd.s32 $0xFFFFE000  }
0x108: {  	[tilespmem:s17], [sflag:$0x1] =	stream.indirect.gather [hbm4b:s4+s16], $0x80, s9, s16, $0xb8;
	[tilespmem:$0x1FC00] =	vst v63  }
0x109: {  	_ =	swait.ge [sflag:s29], $0x2000  }
0x10a: {  	[sflag:s29] =	ssyncset.done $0x0  }
0x10b: {  	s9 =	sadd.s32 $0xFFFFFF80, s0;
	[sflag:s29] =	ssyncadd.s32 $0xFFFFE000  }
0x10c: {  	[spmem:s1] =	stream.indirect.scatter.add.f32 [tilespmem:s20], [sflag:$0x7], $0x80, s9, s16, $0xb8;
	[tilespmem:$0x1FC00] =	vst v63  }
0x10d: {  	_ =	swait.ge [sflag:s31], $0x2000  }
0x10e: {  	[sflag:s31] =	ssyncset.done $0x0  }
.Ltmp1:
0x10f: {  	s5 =	sadd.s32 $0x240, s5;
	[sflag:s31] =	ssyncadd.s32 $0xFFFFE000;
	(pc) =	sbr.rel @p0 .LBB2_4-.Ltmp1, $4  }
0x110: {  	[tilespmem:s18], [sflag:$0x2] =	stream.indirect.gather [hbm4b:s4+s16], $0x80, s5, s16, $0xb8;
	[tilespmem:$0x1FC00] =	vst v63  }
0x111: {  	_ =	swait.ge [sflag:s2], $0x2000  }
0x112: {  	[sflag:s2] =	ssyncset.done $0x0  }
0x113: {  	s0 =	sadd.s32 $0x200, s0;
	[sflag:s2] =	ssyncadd.s32 $0xFFFFE000  }
0x114: {  	[spmem:s1] =	stream.indirect.scatter.add.f32 [tilespmem:s23], [sflag:$0x8], $0x80, s28, s16, $0xb8;
	[tilespmem:$0x1FC00] =	vst v63  }
0x115: {  	_ =	swait.ge [sflag:s7], $0x2000  }
0x116: {  	[sflag:s7] =	ssyncset.done $0x0  }
0x117: {  	s0 =	simm.s32 $0x1380;
	[sflag:s7] =	ssyncadd.s32 $0xFFFFE000  }
0x118: {  	[tilespmem:s20], [sflag:$0x3] =	stream.indirect.gather [hbm4b:s4+s16], $0x80, s0, s16, $0xb8;
	[tilespmem:$0x1FC00] =	vst v63  }
0x119: {  	_ =	swait.ge [sflag:s21], $0x2000  }
0x11a: {  	[sflag:s21] =	ssyncset.done $0x0  }
0x11b: {  	[sflag:s21] =	ssyncadd.s32 $0xFFFFE000  }
0x11c: {  	[spmem:s1] =	stream.indirect.scatter.add.f32 [tilespmem:s17], [sflag:$0x5], $0x80, s10, s16, $0xb8;
	[tilespmem:$0x1FC00] =	vst v63  }
0x11d: {  	_ =	swait.ge [sflag:s8], $0x2000  }
0x11e: {  	[sflag:s8] =	ssyncset.done $0x0  }
0x11f: {  	[sflag:s8] =	ssyncadd.s32 $0xFFFFE000  }
0x120: {  	[tilespmem:s23], [sflag:$0x4] =	stream.indirect.gather [hbm4b:s4+s16], $0x80, s11, s16, $0xb8;
	[tilespmem:$0x1FC00] =	vst v63  }
0x121: {  	_ =	swait.ge [sflag:s24], $0x2000  }
0x122: {  	[sflag:s24] =	ssyncset.done $0x0  }
0x123: {  	[sflag:s24] =	ssyncadd.s32 $0xFFFFE000  }
0x124: {  	[spmem:s1] =	stream.indirect.scatter.add.f32 [tilespmem:s18], [sflag:$0x6], $0x80, s12, s16, $0xb8;
	[tilespmem:$0x1FC00] =	vst v63  }
0x125: {  	_ =	swait.ge [sflag:s26], $0x2000  }
0x126: {  	[sflag:s26] =	ssyncset.done $0x0  }
0x127: {  	[sflag:s26] =	ssyncadd.s32 $0xFFFFE000  }
0x128: {  	_ =	swait.ge [sflag:s29], $0x2000  }
0x129: {  	[sflag:s29] =	ssyncset.done $0x0  }
0x12a: {  	[sflag:s29] =	ssyncadd.s32 $0xFFFFE000  }
0x12b: {  	[spmem:s1] =	stream.indirect.scatter.add.f32 [tilespmem:s20], [sflag:$0x7], $0x80, s19, s16, $0xb8;
	[tilespmem:$0x1FC00] =	vst v63  }
0x12c: {  	_ =	swait.ge [sflag:s31], $0x2000  }
0x12d: {  	[sflag:s31] =	ssyncset.done $0x0  }
0x12e: {  	[sflag:s31] =	ssyncadd.s32 $0xFFFFE000  }
0x12f: {  	_ =	swait.ge [sflag:s2], $0x2000  }
0x130: {  	[sflag:s2] =	ssyncset.done $0x0  }
0x131: {  	[sflag:s2] =	ssyncadd.s32 $0xFFFFE000  }
0x132: {  	[spmem:s1] =	stream.indirect.scatter.add.f32 [tilespmem:s23], [sflag:$0x8], $0x80, s22, s16, $0xb8;
	[tilespmem:$0x1FC00] =	vst v63  }
0x133: {  	_ =	swait.ge [sflag:s7], $0x2000  }
0x134: {  	[sflag:s7] =	ssyncset.done $0x0  }
0x135: {  	[sflag:s7] =	ssyncadd.s32 $0xFFFFE000  }
0x136: {  	_ =	swait.ge [sflag:s8], $0x2000  }
0x137: {  	[sflag:s8] =	ssyncset.done $0x0  }
0x138: {  	[sflag:s8] =	ssyncadd.s32 $0xFFFFE000  }
0x139: {  	[bflag:$0x0] =	sbarrier.arrive $0xFFFF  }
0x13a: {  	s28 =	rddreg [dreg:$0x9]  }
0x13b: {  	[hbm:s28], [sflag:s6] =	dma.local [spmem:s13], $0x2800  }
0x13c: {  	_ =	swait.ge [sflag:s14], $0x2800  }
0x13d: {  	s25 =	sadd.s32 $0x1, s25;
	s30 =	rddreg [dreg:$0xa]  }
0x13e: {  	p0 =	sne.s32 s25, s30  }
.Ltmp2:
0x13f: {  	_ = 	snop;
	(pc) =	sbr.rel @p0 .LBB2_1-.Ltmp2, $3  }
0x140: {  	_ =	sdelay $0x1  }
0x141: {  	[sflag:s14] =	ssyncset.done $0x0  }
0x142: {  	[sflag:s14] =	ssyncadd.s32 $0xFFFFD800  }
0x143: {  	_ =	sfence.sel $0x180000  }
0x144: {  	[bflag:$0x0] =	sbarrier.arrive $0xFFFF  }
0x145: {  	_ =	strace $0x9000004D  }
0x146: {  	s0 =	stileid.u32;
	[bflag:$0x2] =	sbarrier.arrive $0xFFFF  }
0x147: {  	p0 =	sne.s32 s0, $0x0;
	s0 =	rddreg [dreg:$0x3]  }
0x148: {  	s0 =	sadd.s32 @!p0 $0x100000, s0  }
0x149: {  	[sflag:s0] =	ssyncadd.tile.s32 @!p0 $0x1;
	_ =	shalt  }
.Lfunc_end2:
_tile_overlayer_lowered:
.L_overlay_start_2:
0x14a: {  	(tag) =	ssettag $0x2  }
0x14b: {  	s0 =	rddreg [dreg:$0x0];
	s2 =	stileid.u32  }
0x14c: {  	s1 =	rddreg [dreg:$0x1];
	p0 =	sne.s32 s2, $0x0  }
0x14d: {  	s3 =	rddreg [dreg:$0x2];
	[bflag:$0x3] =	sbarrier.arrive $0xFFFF;
	s2 =	simm.s32 @!p0 $0x1C09  }
0x14e: {  	[timem:s3], [sflag:s2] =	dma.local @!p0 [hbm:s0], s1  }
0x14f: {  	s0 =	simm.s32 @!p0 $0x9  }
0x150: {  	_ =	swait.ge @!p0 [sflag:s0], s1  }
0x151: {  	s1 =	ssub.s32 @!p0 $0x0, s1;
	[sflag:s0] =	ssyncset.done @!p0 $0x0  }
0x152: {  	[sflag:s0] =	ssyncadd.s32 @!p0 s1  }
0x153: {  	[bflag:$0x3] =	sbarrier.arrive $0xFFFF  }
0x154: {  	_ =	shalt  }

// kernel: kernel.20.cloned.1.call-start
scs
__scs_entry_jumppad:
0x0: {  	(pc) =	sbr.rel $0x88, $3  }
0x1: {  	(tag) =	ssettag $0x0;
	lr =	simm.s32 $0x1  }
0x2: {  	[smem:$0x3F91] =	sst lr;
	_ =	strace $0xD0000000  }
0x3: {  	_ = 	snop  }
0x4: {  	_ = 	snop  }
0x5: {  	_ = 	snop  }
0x6: {  	_ = 	snop  }
0x7: {  	_ = 	snop  }
__scs_overlays_trampoline_lowered:
0x8: {  	[smem:$0x3FA0] =	sst s0  }
0x9: {  	[smem:$0x3FA1] =	sst s1  }
0xa: {  	[smem:$0x3FA2] =	sst s2  }
0xb: {  	[smem:$0x3FA3] =	sst s3  }
0xc: {  	[smem:$0x3FA4] =	sst s4  }
0xd: {  	[smem:$0x3FA5] =	sst s5  }
0xe: {  	[smem:$0x3FA6] =	sst s6  }
0xf: {  	[smem:$0x3FA7] =	sst s7  }
0x10: {  	[smem:$0x3FA8] =	sst s8  }
0x11: {  	[smem:$0x3FA9] =	sst s9;
	s0 =	simm.s32 @!p0 $0x0  }
0x12: {  	s1 =	sld [smem:$0x3F8F];
	s0 =	simm.s32 @p0 $0x1  }
0x13: {  	[smem:$0x3FAA] =	sst s0;
	s0 =	simm.s32 @!p1 $0x0  }
0x14: {  	s2 =	sld [smem:$0x3F8E];
	s0 =	simm.s32 @p1 $0x1  }
0x15: {  	[smem:$0x3FAB] =	sst s0;
	s0 =	simm.s32 @!p2 $0x0  }
0x16: {  	s3 =	sld [smem:$0x3FDB];
	s0 =	simm.s32 @p2 $0x1  }
0x17: {  	s4 =	simm.s32 $0x1BF5;
	[smem:$0x3FAD] =	sst s0  }
0x18: {  	s0 =	sld [smem:$0x3F90];
	_ =	swait.ge [sflag:s4], $0x0  }
0x19: {  	s7 =	sld [smem:$0x3F91]  }
0x1a: {  	s8 =	sadd.s32 $0xFFFFE003, lr  }
0x1b: {  	s9 =	sadd.s32 $0xFFFFFEF7, lr;
	s5 =	simm.s32 $0xFFFFFFFF;
	p2 =	slt.u32 s8, $0xFFFFF086  }
0x1c: {  	p1 =	slt.u32 s9, $0xF7A;
	s5 =	simm.s32 @!p2 $0x0  }
0x1d: {  	s5 =	simm.s32 @p1 $0x1;
	p0 =	seq.s32 s7, s2  }
0x1e: {  	s7 =	smul.u32 @!p0 $0xF7A, s2;
	p2 =	seq.s32 @!p0 s5, $0x0  }
0x1f: {  	s9 =	smul.u32 $0xF7A, s1;
	s8 =	simm.s32 @!p0 $0x1BF5;
	p2 =	por !p2, p0  }
0x20: {  	[sflag:s8] =	ssyncset.s32 @!p0 $0xFFFFF086;
	s6 =	sadd.s32 @!p0 s3, s7;
	s7 =	simm.s32 @!p0 $0x108  }
0x21: {  	s3 =	sadd.s32 s3, s9;
	s6 =	sadd.s32 @!p0 $0x88, s6;
	s7 =	simm.s32 @p2 $0x1082  }
0x22: {  	[simem:s7], [sflag:s8] =	dma.local @!p0 [hbm:s6], $0xF7A  }
0x23: {  	s9 =	sor.u32 $0xD0000000, s2;
	s6 =	simm.s32 $0x108;
	_ =	swait.ge @!p0 [sflag:s8], $0x0  }
0x24: {  	s3 =	sadd.s32 $0x88, s3;
	s6 =	simm.s32 @!p1 $0x1082;
	[sflag:s4] =	ssyncset.s32 $0xFFFFF086  }
0x25: {  	[simem:s6], [sflag:s4] =	dma.local [hbm:s3], $0xF7A  }
0x26: {  	[smem:$0x3F91] =	sst s1;
	(tag) =	ssettag s2;
	_ =	strace s9  }
0x27: {  	s1 =	sld [smem:$0x3FA1]  }
0x28: {  	s2 =	sld [smem:$0x3FA2]  }
0x29: {  	s4 =	sld [smem:$0x3FA4]  }
0x2a: {  	p0 =	seq.s32 s5, $0x0;
	s5 =	sld [smem:$0x3FA5]  }
0x2b: {  	s6 =	sld [smem:$0x3FA6]  }
0x2c: {  	s7 =	sld [smem:$0x3FA7]  }
0x2d: {  	s3 =	simm.s32 $0x108;
	s8 =	sld [smem:$0x3FA8]  }
0x2e: {  	s3 =	simm.s32 @!p0 $0x1082;
	s9 =	sld [smem:$0x3FA9]  }
0x2f: {  	lr =	sadd.s32 s0, s3;
	s0 =	sld [smem:$0x3FA0]  }
0x30: {  	s3 =	sld [smem:$0x3FA3]  }
0x31: {  	[smem:$0x3FAC] =	sst s10  }
0x32: {  	s10 =	sld [smem:$0x3FAA];
	_ =	sdelay $0x3  }
0x33: {  	p0 =	seq.s32 s10, $0x1;
	s10 =	sld [smem:$0x3FAC];
	_ =	sdelay $0x3  }
0x34: {  	[smem:$0x3FAC] =	sst s10  }
0x35: {  	s10 =	sld [smem:$0x3FAB];
	_ =	sdelay $0x3  }
0x36: {  	p1 =	seq.s32 s10, $0x1;
	s10 =	sld [smem:$0x3FAC];
	_ =	sdelay $0x3  }
0x37: {  	[smem:$0x3FAC] =	sst s10  }
0x38: {  	s10 =	sld [smem:$0x3FAD]  }
0x39: {  	_ = 	snop;
	(pc) =	sbr.ind lr, $3  }
0x3a: {  	_ = 	snop  }
0x3b: {  	_ = 	snop  }
0x3c: {  	p2 =	seq.s32 s10, $0x1;
	s10 =	sld [smem:$0x3FAC]  }
0x3d: {  	_ =	shalt  }
0x3e: {  	_ =	shalt  }
0x3f: {  	_ =	shalt  }
0x40: {  	_ =	shalt  }
0x41: {  	_ =	shalt  }
0x42: {  	_ =	shalt  }
0x43: {  	_ =	shalt  }
0x44: {  	_ =	shalt  }
0x45: {  	_ =	shalt  }
0x46: {  	_ =	shalt  }
0x47: {  	_ =	shalt  }
0x48: {  	_ =	shalt  }
0x49: {  	_ =	shalt  }
0x4a: {  	_ =	shalt  }
0x4b: {  	_ =	shalt  }
0x4c: {  	_ =	shalt  }
0x4d: {  	_ =	shalt  }
0x4e: {  	_ =	shalt  }
0x4f: {  	_ =	shalt  }
0x50: {  	_ =	shalt  }
0x51: {  	_ =	shalt  }
0x52: {  	_ =	shalt  }
0x53: {  	_ =	shalt  }
0x54: {  	_ =	shalt  }
0x55: {  	_ =	shalt  }
0x56: {  	_ =	shalt  }
0x57: {  	_ =	shalt  }
0x58: {  	_ =	shalt  }
0x59: {  	_ =	shalt  }
0x5a: {  	_ =	shalt  }
0x5b: {  	_ =	shalt  }
0x5c: {  	_ =	shalt  }
0x5d: {  	_ =	shalt  }
0x5e: {  	_ =	shalt  }
0x5f: {  	_ =	shalt  }
0x60: {  	_ =	shalt  }
0x61: {  	_ =	shalt  }
0x62: {  	_ =	shalt  }
0x63: {  	_ =	shalt  }
0x64: {  	_ =	shalt  }
0x65: {  	_ =	shalt  }
0x66: {  	_ =	shalt  }
0x67: {  	_ =	shalt  }
0x68: {  	_ =	shalt  }
0x69: {  	_ =	shalt  }
0x6a: {  	_ =	shalt  }
0x6b: {  	_ =	shalt  }
0x6c: {  	_ =	shalt  }
0x6d: {  	_ =	shalt  }
0x6e: {  	_ =	shalt  }
0x6f: {  	_ =	shalt  }
0x70: {  	_ =	shalt  }
0x71: {  	_ =	shalt  }
0x72: {  	_ =	shalt  }
0x73: {  	_ =	shalt  }
0x74: {  	_ =	shalt  }
0x75: {  	_ =	shalt  }
0x76: {  	_ =	shalt  }
0x77: {  	_ =	shalt  }
0x78: {  	_ =	shalt  }
0x79: {  	_ =	shalt  }
0x7a: {  	_ =	shalt  }
0x7b: {  	_ =	shalt  }
0x7c: {  	_ =	shalt  }
0x7d: {  	_ =	shalt  }
0x7e: {  	_ =	shalt  }
0x7f: {  	_ =	shalt  }
0x80: {  	_ =	shalt  }
0x81: {  	_ =	shalt  }
0x82: {  	_ =	shalt  }
0x83: {  	_ =	shalt  }
0x84: {  	_ =	shalt  }
0x85: {  	_ =	shalt  }
0x86: {  	_ =	shalt  }
0x87: {  	_ =	shalt  }
.Lfunc_end0:
.L_simem_size_0:
called_computation.3_lowered:
.L_overlay_start_0:
0x88: {  	s2 =	sld [smem:$0x3FD9]  }
0x89: {  	s3 =	sld [smem:$0x3FFE];
	_ =	sdelay $0x1  }
0x8a: {  	s1 =	srdreg.scid  }
0x8b: {  	s0 =	sand.u32 $0x1, s1  }
0x8c: {  	s17 =	sshll.u32 s0, $0xA;
	s2 =	sadd.s32 s3, s2  }
0x8d: {  	s2 =	sadd.s32 s2, s17  }
0x8e: {  	[smem:$0x3FB8] =	sst s2  }
0x8f: {  	_ = 	snop  }
0x90: {  	s2 =	sld [smem:$0x3FD0];
	(tm) =	ssettm $0x1  }
0x91: {  	s18 =	sld [smem:$0x3FFB];
	_ =	sdelay $0x3  }
0x92: {  	_ =	strace s18  }
0x93: {  	s3 =	sld [smem:$0x3FFC];
	_ =	sdelay $0x3  }
0x94: {  	_ =	strace s3  }
0x95: {  	s3 =	sld [smem:$0x3FFD];
	_ =	sdelay $0x3  }
0x96: {  	_ =	strace s3  }
0x97: {  	_ =	strace $0x8FFFFFFF  }
0x98: {  	s19 =	sld [smem:$0x3FDB];
	_ =	sdelay $0x1  }
0x99: {  	s4 =	simm.s32 $_scs_section_size  }
0x9a: {  	s5 =	simm.s32 $_size__tile_overlayer_lowered;
	s6 =	simm.s32 $_tile_overlayer_lowered  }
0x9b: {  	s22 =	simm.s32 $0x1BFF;
	s21 =	sshll.u32 s6, $0x1;
	s3 =	sadd.s32 s4, s19  }
0x9c: {  	s7 =	simm.s32 $0x0;
	s20 =	sshll.u32 s5, $0x1;
	s5 =	sadd.s32 s21, s3  }
0x9d: {  	[timem:s7], [sflag:s22] =	dma.local [hbm:s5], s20  }
0x9e: {  	_ =	swait.ge [sflag:s22], s20  }
0x9f: {  	s4 =	ssub.s32 $0x0, s20;
	[sflag:s22] =	ssyncset.done $0x0  }
0xa0: {  	[sflag:s22] =	ssyncadd.s32 s4;
	_ =	sdelay $0x1  }
0xa1: {  	s23 =	simm.s32 $0x1B8B  }
0xa2: {  	_ =	swait.ge [sflag:s23], $0x1  }
0xa3: {  	[sflag:s23] =	ssyncset.done $0x0  }
0xa4: {  	s25 =	simm.s32 $0x1B8E;
	s24 =	sld [smem:$0x3FFE];
	[sflag:s23] =	ssyncadd.s32 $0xFFFFFFFF  }
0xa5: {  	s26 =	simm.s32 $execute0_lowered;
	[smem:$0x3FD2] =	sst s25  }
0xa6: {  	s5 =	sshll.u32 s26, $0x1;
	_ =	strace $0x8000004F;
	[dreg:$0x1] =	wrdreg $0xFFFFFFFF  }
0xa7: {  	s28 =	simm.s32 $_size_execute0_lowered;
	s3 =	sadd.s32 s3, s5;
	[dreg:$0x0] =	wrdreg $0x0  }
0xa8: {  	s5 =	sshll.u32 s28, $0x1;
	[dreg:$0x2] =	wrdreg s3  }
0xa9: {  	[dreg:$0x3] =	wrdreg s5  }
0xaa: {  	[dreg:$0x4] =	wrdreg $0xC0  }
0xab: {  	_ =	task [dreg:s7], $0x5FFFF  }
0xac: {  	[dreg:$0x1] =	wrdreg $0xFFFFFFFF  }
0xad: {  	[dreg:$0x0] =	wrdreg $0x60  }
0xae: {  	[dreg:$0x2] =	wrdreg s24  }
0xaf: {  	[dreg:$0x3] =	wrdreg s2  }
0xb0: {  	[dreg:$0x4] =	wrdreg $0xBC000  }
0xb1: {  	[dreg:$0x5] =	wrdreg $0x9  }
0xb2: {  	_ =	task.clear_ibuf [dreg:s7], $0x6FFFF;
	_ =	strace $0x9000004F  }
0xb3: {  	s29 =	simm.s32 $0x9;
	_ =	strace $0x80000051  }
0xb4: {  	_ =	swait.ge [sflag:s29], $0x1  }
0xb5: {  	[sflag:s29] =	ssyncadd.s32 $0xFFFFFFFF  }
0xb6: {  	_ =	strace $0x90000051  }
0xb7: {  	_ =	sfence  }
0xb8: {  	s30 =	sld [smem:$0x0];
	_ =	sdelay $0x2  }
0xb9: {  	s31 =	sshll.u32 s1, $0xD;
	s1 =	sshrl.u32 s1, $0x2  }
0xba: {  	s3 =	sand.u32 $0x4000, s31;
	s1 =	sadd.s32 s1, s30  }
0xbb: {  	s0 =	sor.u32 s3, s0;
	s1 =	sshll.u32 s1, $0x11  }
0xbc: {  	s0 =	sor.u32 s1, s0  }
0xbd: {  	s0 =	sadd.s32 $0x8F2B, s0  }
0xbe: {  	[sflag:s0] =	ssyncadd.remote.s32 $0x1  }
0xbf: {  	_ =	sfence.sel $0xFFFF  }
0xc0: {  	[dreg:$0x0] =	wrdreg $0xFFFFFFFF;
	(pc) =	sbr.abs _section_cstart, $3  }
0xc1: {  	[dreg:$0x1] =	wrdreg $0xFFFFFFFF  }
0xc2: {  	_ =	task.clear_ibuf [dreg:s7], $0x2FFFF;
	_ =	strace $0x9FFFFFFF  }
0xc3: {  	(tm) =	ssettm $0x7FFFFFFF  }
tec
execute0_lowered:
.L_overlay_start_1:
0x0: {  	(tag) =	ssettag $0x1  }
0x1: {  	s0 =	rddreg [dreg:$0x0]  }
0x2: {  	s2 =	rddreg [dreg:$0x1]  }
0x3: {  	s1 =	rddreg [dreg:$0x2];
	s3 =	srdreg.scid  }
0x4: {  	s12 =	stileid.u32;
	s14 =	simm.s32 $0x9;
	s15 =	simm.s32 $0x1400  }
0x5: {  	s16 =	simm.s32 $0x40;
	s17 =	simm.s32 $0x3C00;
	s18 =	simm.s32 $0x5C00  }
0x6: {  	s29 =	simm.s32 $0x3;
	s31 =	simm.s32 $0x6;
	s5 =	sand.u32 $0x1, s3  }
0x7: {  	s3 =	simm.s32 $0x0;
	s7 =	smul.u32 $0x14000, s12;
	s4 =	sadd.s32 $0x12A00, s0  }
0x8: {  	s8 =	sadd.s32 $0x63200, s0;
	s19 =	sadd.s32 $0x10200, s0;
	s9 =	smul.u32 $0x50000, s12  }
0x9: {  	s24 =	sshll.u32 s12, $0x6;
	s6 =	smul.u32 $0x140000, s5;
	[smem:$0x7FF] =	sst s3  }
0xa: {  	s20 =	sshll.u32 s5, $0x4;
	s5 =	ssub.s32 $0x2, s5;
	_ =	strace $0x80000050  }
0xb: {  	[dreg:$0x4] =	wrdreg s19;
	s21 =	sshrl.u32 s5, $0x1;
	s22 =	sshrl.u32 s9, $0x2  }
0xc: {  	s19 =	simm.s32 $0x3B00;
	s6 =	sadd.s32 s7, s6;
	s7 =	sor.u32 s12, s20  }
0xd: {  	s5 =	ssub.s32 s5, s21;
	s11 =	sadd.s32 s22, s1;
	s10 =	smul.u32 $0x500, s7  }
0xe: {  	s20 =	simm.s32 $0x7C00;
	s21 =	simm.s32 $0x1;
	s23 =	smul.u32 $0x2800, s7  }
0xf: {  	s12 =	simm.s32 $0x3A80;
	s22 =	simm.s32 $0x3B80;
	s25 =	smul.u32 $0x5000, s7  }
0x10: {  	s6 =	sshrl.u32 s6, $0x3;
	s7 =	smul.u32 $0xA00, s7;
	s30 =	smax.u32 s5, $0x1  }
0x11: {  	s13 =	sshrl.u32 s11, $0x3;
	s11 =	simm.s32 $0x13C0;
	s0 =	sadd.s32 s6, s0  }
0x12: {  	s6 =	sor.u32 $0x1C09, s24;
	[dreg:$0xa] =	wrdreg s30;
	s24 =	simm.s32 $0x2  }
0x13: {  	s9 =	sshrl.u32 s23, $0x3;
	s10 =	sadd.s32 s8, s10;
	s26 =	sshrl.u32 s25, $0x3  }
0x14: {  	s7 =	sadd.s32 s2, s7;
	s0 =	sadd.s32 $0x6D200, s0;
	[dreg:$0x5] =	wrdreg s10  }
0x15: {  	s23 =	simm.s32 $0x9C00;
	s25 =	simm.s32 $0x0;
	[dreg:$0x6] =	wrdreg s7  }
0x16: {  	s8 =	sadd.s32 s8, s9;
	s2 =	sadd.s32 s2, s26;
	[dreg:$0x9] =	wrdreg s0  }
0x17: {  	s26 =	simm.s32 $0x5;
	s7 =	simm.s32 $0x7;
	s28 =	sadd.s32 $0x280, s8  }
0x18: {  	s10 =	simm.s32 $0x3A00;
	s2 =	sadd.s32 $0x500, s2;
	[dreg:$0x7] =	wrdreg s28  }
0x19: {  	s8 =	simm.s32 $0x8;
	[dreg:$0x8] =	wrdreg s2;
	s2 =	simm.s32 $0x4  }
.LBB2_1:
0x1a: {  	s0 =	rddreg [dreg:$0x4]  }
0x1b: {  	[spmem:s13], [sflag:s6] =	dma.local [hbm:s0], $0x2800  }
0x1c: {  	_ =	swait.ge [sflag:s14], $0x2800  }
0x1d: {  	[sflag:s14] =	ssyncset.done $0x0  }
0x1e: {  	[sflag:s14] =	ssyncadd.s32 $0xFFFFD800  }
0x1f: {  	[bflag:$0x0] =	sbarrier.arrive $0xFFFF  }
0x20: {  	s5 =	rddreg [dreg:$0x5]  }
0x21: {  	[tilespmem:s3], [sflag:$0x9] =	stream.linear.gather [hbm4b:s5+s3], $0x1400, $0x38;
	[tilespmem:$0x1FC00] =	vst v63  }
0x22: {  	_ =	swait.ge [sflag:s14], $0x1400  }
0x23: {  	[sflag:s14] =	ssyncset.done $0x0  }
0x24: {  	s9 =	rddreg [dreg:$0x6];
	[sflag:s14] =	ssyncadd.s32 $0xFFFFEC00  }
0x25: {  	[tilespmem:s15], [sflag:$0x9] =	stream.linear.gather [hbm4b:s9+s3], $0x2800, $0x38;
	[tilespmem:$0x1FC00] =	vst v63  }
0x26: {  	_ =	swait.ge [sflag:s14], $0x2800  }
0x27: {  	[sflag:s14] =	ssyncset.done $0x0  }
0x28: {  	[sflag:s14] =	ssyncadd.s32 $0xFFFFD800  }
0x29: {  	[tilespmem:s17], [sflag:$0x1] =	stream.indirect.gather [hbm4b:s4+s16], $0x80, s3, s16, $0xb8;
	[tilespmem:$0x1FC00] =	vst v63  }
0x2a: {  	_ = 	snop  }
0x2b: {  	[tilespmem:s18], [sflag:$0x2] =	stream.indirect.gather [hbm4b:s4+s16], $0x80, s16, s16, $0xb8;
	[tilespmem:$0x1FC00] =	vst v63  }
0x2c: {  	s5 =	simm.s32 $0x80  }
0x2d: {  	[tilespmem:s20], [sflag:$0x3] =	stream.indirect.gather [hbm4b:s4+s16], $0x80, s5, s16, $0xb8;
	[tilespmem:$0x1FC00] =	vst v63  }
0x2e: {  	_ =	swait.ge [sflag:s21], $0x2000  }
0x2f: {  	[sflag:s21] =	ssyncset.done $0x0  }
0x30: {  	[sflag:s21] =	ssyncadd.s32 $0xFFFFE000  }
0x31: {  	[spmem:s1] =	stream.indirect.scatter.add.f32 [tilespmem:s17], [sflag:$0x5], $0x80, s15, s16, $0xb8;
	[tilespmem:$0x1FC00] =	vst v63  }
0x32: {  	s9 =	simm.s32 $0xC0  }
0x33: {  	[tilespmem:s23], [sflag:$0x4] =	stream.indirect.gather [hbm4b:s4+s16], $0x80, s9, s16, $0xb8;
	[tilespmem:$0x1FC00] =	vst v63  }
0x34: {  	_ =	swait.ge [sflag:s24], $0x2000  }
0x35: {  	[sflag:s24] =	ssyncset.done $0x0  }
0x36: {  	s5 =	simm.s32 $0x1480;
	[sflag:s24] =	ssyncadd.s32 $0xFFFFE000  }
0x37: {  	[spmem:s1] =	stream.indirect.scatter.add.f32 [tilespmem:s18], [sflag:$0x6], $0x80, s5, s16, $0xb8;
	[tilespmem:$0x1FC00] =	vst v63  }
0x38: {  	_ =	swait.ge [sflag:s26], $0x2000  }
0x39: {  	[sflag:s26] =	ssyncset.done $0x0  }
0x3a: {  	s9 =	simm.s32 $0x100;
	[sflag:s26] =	ssyncadd.s32 $0xFFFFE000  }
0x3b: {  	[tilespmem:s17], [sflag:$0x1] =	stream.indirect.gather [hbm4b:s4+s16], $0x80, s9, s16, $0xb8;
	[tilespmem:$0x1FC00] =	vst v63  }
0x3c: {  	_ =	swait.ge [sflag:s29], $0x2000  }
0x3d: {  	[sflag:s29] =	ssyncset.done $0x0  }
0x3e: {  	s5 =	simm.s32 $0x1500;
	[sflag:s29] =	ssyncadd.s32 $0xFFFFE000  }
0x3f: {  	[spmem:s1] =	stream.indirect.scatter.add.f32 [tilespmem:s20], [sflag:$0x7], $0x80, s5, s16, $0xb8;
	[tilespmem:$0x1FC00] =	vst v63  }
0x40: {  	_ =	swait.ge [sflag:s31], $0x2000  }
0x41: {  	[sflag:s31] =	ssyncset.done $0x0  }
0x42: {  	s9 =	simm.s32 $0x140;
	[sflag:s31] =	ssyncadd.s32 $0xFFFFE000  }
0x43: {  	[tilespmem:s18], [sflag:$0x2] =	stream.indirect.gather [hbm4b:s4+s16], $0x80, s9, s16, $0xb8;
	[tilespmem:$0x1FC00] =	vst v63  }
0x44: {  	_ =	swait.ge [sflag:s2], $0x2000  }
0x45: {  	[sflag:s2] =	ssyncset.done $0x0  }
0x46: {  	s5 =	simm.s32 $0x1580;
	[sflag:s2] =	ssyncadd.s32 $0xFFFFE000  }
0x47: {  	[spmem:s1] =	stream.indirect.scatter.add.f32 [tilespmem:s23], [sflag:$0x8], $0x80, s5, s16, $0xb8;
	[tilespmem:$0x1FC00] =	vst v63  }
0x48: {  	_ =	swait.ge [sflag:s7], $0x2000  }
0x49: {  	[sflag:s7] =	ssyncset.done $0x0  }
0x4a: {  	s9 =	simm.s32 $0x180;
	[sflag:s7] =	ssyncadd.s32 $0xFFFFE000  }
0x4b: {  	[tilespmem:s20], [sflag:$0x3] =	stream.indirect.gather [hbm4b:s4+s16], $0x80, s9, s16, $0xb8;
	[tilespmem:$0x1FC00] =	vst v63  }
0x4c: {  	_ =	swait.ge [sflag:s21], $0x2000  }
0x4d: {  	[sflag:s21] =	ssyncset.done $0x0  }
0x4e: {  	s5 =	simm.s32 $0x1600;
	[sflag:s21] =	ssyncadd.s32 $0xFFFFE000  }
0x4f: {  	[spmem:s1] =	stream.indirect.scatter.add.f32 [tilespmem:s17], [sflag:$0x5], $0x80, s5, s16, $0xb8;
	[tilespmem:$0x1FC00] =	vst v63  }
0x50: {  	_ =	swait.ge [sflag:s8], $0x2000  }
0x51: {  	[sflag:s8] =	ssyncset.done $0x0  }
0x52: {  	s9 =	simm.s32 $0x1C0;
	[sflag:s8] =	ssyncadd.s32 $0xFFFFE000  }
0x53: {  	[tilespmem:s23], [sflag:$0x4] =	stream.indirect.gather [hbm4b:s4+s16], $0x80, s9, s16, $0xb8;
	[tilespmem:$0x1FC00] =	vst v63  }
0x54: {  	_ =	swait.ge [sflag:s24], $0x2000  }
0x55: {  	[sflag:s24] =	ssyncset.done $0x0  }
0x56: {  	s5 =	simm.s32 $0x1680;
	[sflag:s24] =	ssyncadd.s32 $0xFFFFE000  }
0x57: {  	[spmem:s1] =	stream.indirect.scatter.add.f32 [tilespmem:s18], [sflag:$0x6], $0x80, s5, s16, $0xb8;
	[tilespmem:$0x1FC00] =	vst v63  }
0x58: {  	_ =	swait.ge [sflag:s26], $0x2000  }
0x59: {  	[sflag:s26] =	ssyncset.done $0x0  }
0x5a: {  	s9 =	simm.s32 $0x200;
	[sflag:s26] =	ssyncadd.s32 $0xFFFFE000  }
0x5b: {  	[tilespmem:s17], [sflag:$0x1] =	stream.indirect.gather [hbm4b:s4+s16], $0x80, s9, s16, $0xb8;
	[tilespmem:$0x1FC00] =	vst v63  }
0x5c: {  	_ =	swait.ge [sflag:s29], $0x2000  }
0x5d: {  	[sflag:s29] =	ssyncset.done $0x0  }
0x5e: {  	s5 =	simm.s32 $0x1700;
	[sflag:s29] =	ssyncadd.s32 $0xFFFFE000  }
0x5f: {  	[spmem:s1] =	stream.indirect.scatter.add.f32 [tilespmem:s20], [sflag:$0x7], $0x80, s5, s16, $0xb8;
	[tilespmem:$0x1FC00] =	vst v63  }
0x60: {  	_ =	swait.ge [sflag:s31], $0x2000  }
0x61: {  	[sflag:s31] =	ssyncset.done $0x0  }
0x62: {  	s9 =	simm.s32 $0x240;
	[sflag:s31] =	ssyncadd.s32 $0xFFFFE000  }
0x63: {  	[tilespmem:s18], [sflag:$0x2] =	stream.indirect.gather [hbm4b:s4+s16], $0x80, s9, s16, $0xb8;
	[tilespmem:$0x1FC00] =	vst v63  }
0x64: {  	_ =	swait.ge [sflag:s2], $0x2000  }
0x65: {  	s28 =	simm.s32 $0x1780;
	[sflag:s2] =	ssyncset.done $0x0  }
0x66: {  	s30 =	simm.s32 $0x400;
	s0 =	simm.s32 $0x1980;
	[sflag:s2] =	ssyncadd.s32 $0xFFFFE000  }
.LBB2_2:
0x67: {  	[spmem:s1] =	stream.indirect.scatter.add.f32 [tilespmem:s23], [sflag:$0x8], $0x80, s28, s16, $0xb8;
	[tilespmem:$0x1FC00] =	vst v63  }
0x68: {  	s5 =	smov.u32 s30;
	s28 =	smov.u32 s0  }
0x69: {  	p0 =	sne.s32 s30, $0x4400;
	s30 =	sadd.s32 $0x400, s30;
	_ =	swait.ge [sflag:s7], $0x2000  }
0x6a: {  	s5 =	sshra.s32 s5, $0x2;
	[sflag:s7] =	ssyncset.done $0x0  }
0x6b: {  	s9 =	sadd.s32 $0x180, s5;
	[sflag:s7] =	ssyncadd.s32 $0xFFFFE000  }
0x6c: {  	[tilespmem:s20], [sflag:$0x3] =	stream.indirect.gather [hbm4b:s4+s16], $0x80, s9, s16, $0xb8;
	[tilespmem:$0x1FC00] =	vst v63  }
0x6d: {  	_ =	swait.ge [sflag:s21], $0x2000  }
0x6e: {  	[sflag:s21] =	ssyncset.done $0x0  }
0x6f: {  	s9 =	sadd.s32 $0xFFFFFE80, s0;
	[sflag:s21] =	ssyncadd.s32 $0xFFFFE000  }
0x70: {  	[spmem:s1] =	stream.indirect.scatter.add.f32 [tilespmem:s17], [sflag:$0x5], $0x80, s9, s16, $0xb8;
	[tilespmem:$0x1FC00] =	vst v63  }
0x71: {  	_ =	swait.ge [sflag:s8], $0x2000  }
0x72: {  	[sflag:s8] =	ssyncset.done $0x0  }
0x73: {  	s9 =	sadd.s32 $0x1C0, s5;
	[sflag:s8] =	ssyncadd.s32 $0xFFFFE000  }
0x74: {  	[tilespmem:s23], [sflag:$0x4] =	stream.indirect.gather [hbm4b:s4+s16], $0x80, s9, s16, $0xb8;
	[tilespmem:$0x1FC00] =	vst v63  }
0x75: {  	_ =	swait.ge [sflag:s24], $0x2000  }
0x76: {  	[sflag:s24] =	ssyncset.done $0x0  }
0x77: {  	s9 =	sadd.s32 $0xFFFFFF00, s0;
	[sflag:s24] =	ssyncadd.s32 $0xFFFFE000  }
0x78: {  	[spmem:s1] =	stream.indirect.scatter.add.f32 [tilespmem:s18], [sflag:$0x6], $0x80, s9, s16, $0xb8;
	[tilespmem:$0x1FC00] =	vst v63  }
0x79: {  	_ =	swait.ge [sflag:s26], $0x2000  }
0x7a: {  	[sflag:s26] =	ssyncset.done $0x0  }
0x7b: {  	s9 =	sadd.s32 $0x200, s5;
	[sflag:s26] =	ssyncadd.s32 $0xFFFFE000  }
0x7c: {  	[tilespmem:s17], [sflag:$0x1] =	stream.indirect.gather [hbm4b:s4+s16], $0x80, s9, s16, $0xb8;
	[tilespmem:$0x1FC00] =	vst v63  }
0x7d: {  	_ =	swait.ge [sflag:s29], $0x2000  }
0x7e: {  	[sflag:s29] =	ssyncset.done $0x0  }
0x7f: {  	s9 =	sadd.s32 $0xFFFFFF80, s0;
	[sflag:s29] =	ssyncadd.s32 $0xFFFFE000  }
0x80: {  	[spmem:s1] =	stream.indirect.scatter.add.f32 [tilespmem:s20], [sflag:$0x7], $0x80, s9, s16, $0xb8;
	[tilespmem:$0x1FC00] =	vst v63  }
0x81: {  	_ =	swait.ge [sflag:s31], $0x2000  }
0x82: {  	[sflag:s31] =	ssyncset.done $0x0  }
.Ltmp0:
0x83: {  	s5 =	sadd.s32 $0x240, s5;
	[sflag:s31] =	ssyncadd.s32 $0xFFFFE000;
	(pc) =	sbr.rel @p0 .LBB2_2-.Ltmp0, $4  }
0x84: {  	[tilespmem:s18], [sflag:$0x2] =	stream.indirect.gather [hbm4b:s4+s16], $0x80, s5, s16, $0xb8;
	[tilespmem:$0x1FC00] =	vst v63  }
0x85: {  	_ =	swait.ge [sflag:s2], $0x2000  }
0x86: {  	[sflag:s2] =	ssyncset.done $0x0  }
0x87: {  	s0 =	sadd.s32 $0x200, s0;
	[sflag:s2] =	ssyncadd.s32 $0xFFFFE000  }
0x88: {  	[spmem:s1] =	stream.indirect.scatter.add.f32 [tilespmem:s23], [sflag:$0x8], $0x80, s28, s16, $0xb8;
	[tilespmem:$0x1FC00] =	vst v63  }
0x89: {  	_ =	swait.ge [sflag:s7], $0x2000  }
0x8a: {  	[sflag:s7] =	ssyncset.done $0x0  }
0x8b: {  	s0 =	simm.s32 $0x1380;
	[sflag:s7] =	ssyncadd.s32 $0xFFFFE000  }
0x8c: {  	[tilespmem:s20], [sflag:$0x3] =	stream.indirect.gather [hbm4b:s4+s16], $0x80, s0, s16, $0xb8;
	[tilespmem:$0x1FC00] =	vst v63  }
0x8d: {  	_ =	swait.ge [sflag:s21], $0x2000  }
0x8e: {  	[sflag:s21] =	ssyncset.done $0x0  }
0x8f: {  	[sflag:s21] =	ssyncadd.s32 $0xFFFFE000  }
0x90: {  	[spmem:s1] =	stream.indirect.scatter.add.f32 [tilespmem:s17], [sflag:$0x5], $0x80, s10, s16, $0xb8;
	[tilespmem:$0x1FC00] =	vst v63  }
0x91: {  	_ =	swait.ge [sflag:s8], $0x2000  }
0x92: {  	[sflag:s8] =	ssyncset.done $0x0  }
0x93: {  	[sflag:s8] =	ssyncadd.s32 $0xFFFFE000  }
0x94: {  	[tilespmem:s23], [sflag:$0x4] =	stream.indirect.gather [hbm4b:s4+s16], $0x80, s11, s16, $0xb8;
	[tilespmem:$0x1FC00] =	vst v63  }
0x95: {  	_ =	swait.ge [sflag:s24], $0x2000  }
0x96: {  	[sflag:s24] =	ssyncset.done $0x0  }
0x97: {  	[sflag:s24] =	ssyncadd.s32 $0xFFFFE000  }
0x98: {  	[spmem:s1] =	stream.indirect.scatter.add.f32 [tilespmem:s18], [sflag:$0x6], $0x80, s12, s16, $0xb8;
	[tilespmem:$0x1FC00] =	vst v63  }
0x99: {  	_ =	swait.ge [sflag:s26], $0x2000  }
0x9a: {  	[sflag:s26] =	ssyncset.done $0x0  }
0x9b: {  	[sflag:s26] =	ssyncadd.s32 $0xFFFFE000  }
0x9c: {  	_ =	swait.ge [sflag:s29], $0x2000  }
0x9d: {  	[sflag:s29] =	ssyncset.done $0x0  }
0x9e: {  	[sflag:s29] =	ssyncadd.s32 $0xFFFFE000  }
0x9f: {  	[spmem:s1] =	stream.indirect.scatter.add.f32 [tilespmem:s20], [sflag:$0x7], $0x80, s19, s16, $0xb8;
	[tilespmem:$0x1FC00] =	vst v63  }
0xa0: {  	_ =	swait.ge [sflag:s31], $0x2000  }
0xa1: {  	[sflag:s31] =	ssyncset.done $0x0  }
0xa2: {  	[sflag:s31] =	ssyncadd.s32 $0xFFFFE000  }
0xa3: {  	_ =	swait.ge [sflag:s2], $0x2000  }
0xa4: {  	[sflag:s2] =	ssyncset.done $0x0  }
0xa5: {  	[sflag:s2] =	ssyncadd.s32 $0xFFFFE000  }
0xa6: {  	[spmem:s1] =	stream.indirect.scatter.add.f32 [tilespmem:s23], [sflag:$0x8], $0x80, s22, s16, $0xb8;
	[tilespmem:$0x1FC00] =	vst v63  }
0xa7: {  	_ =	swait.ge [sflag:s7], $0x2000  }
0xa8: {  	[sflag:s7] =	ssyncset.done $0x0  }
0xa9: {  	[sflag:s7] =	ssyncadd.s32 $0xFFFFE000  }
0xaa: {  	_ =	swait.ge [sflag:s8], $0x2000  }
0xab: {  	[sflag:s8] =	ssyncset.done $0x0  }
0xac: {  	s0 =	simm.s32 $0x0;
	s5 =	rddreg [dreg:$0x7];
	[sflag:s8] =	ssyncadd.s32 $0xFFFFE000  }
0xad: {  	[tilespmem:s0], [sflag:$0x9] =	stream.linear.gather [hbm4b:s5+s0], $0x1400, $0x38;
	[tilespmem:$0x1FC00] =	vst v63  }
0xae: {  	_ =	swait.ge [sflag:s14], $0x1400  }
0xaf: {  	[sflag:s14] =	ssyncset.done $0x0  }
0xb0: {  	s9 =	rddreg [dreg:$0x8];
	[sflag:s14] =	ssyncadd.s32 $0xFFFFEC00  }
0xb1: {  	[tilespmem:s15], [sflag:$0x9] =	stream.linear.gather [hbm4b:s9+s0], $0x2800, $0x38;
	[tilespmem:$0x1FC00] =	vst v63  }
0xb2: {  	_ =	swait.ge [sflag:s14], $0x2800  }
0xb3: {  	[sflag:s14] =	ssyncset.done $0x0  }
0xb4: {  	[sflag:s14] =	ssyncadd.s32 $0xFFFFD800  }
0xb5: {  	[tilespmem:s17], [sflag:$0x1] =	stream.indirect.gather [hbm4b:s4+s16], $0x80, s0, s16, $0xb8;
	[tilespmem:$0x1FC00] =	vst v63  }
0xb6: {  	_ = 	snop  }
0xb7: {  	[tilespmem:s18], [sflag:$0x2] =	stream.indirect.gather [hbm4b:s4+s16], $0x80, s16, s16, $0xb8;
	[tilespmem:$0x1FC00] =	vst v63  }
0xb8: {  	s5 =	simm.s32 $0x80  }
0xb9: {  	[tilespmem:s20], [sflag:$0x3] =	stream.indirect.gather [hbm4b:s4+s16], $0x80, s5, s16, $0xb8;
	[tilespmem:$0x1FC00] =	vst v63  }
0xba: {  	_ =	swait.ge [sflag:s21], $0x2000  }
0xbb: {  	[sflag:s21] =	ssyncset.done $0x0  }
0xbc: {  	[sflag:s21] =	ssyncadd.s32 $0xFFFFE000  }
0xbd: {  	[spmem:s1] =	stream.indirect.scatter.add.f32 [tilespmem:s17], [sflag:$0x5], $0x80, s15, s16, $0xb8;
	[tilespmem:$0x1FC00] =	vst v63  }
0xbe: {  	s9 =	simm.s32 $0xC0  }
0xbf: {  	[tilespmem:s23], [sflag:$0x4] =	stream.indirect.gather [hbm4b:s4+s16], $0x80, s9, s16, $0xb8;
	[tilespmem:$0x1FC00] =	vst v63  }
0xc0: {  	_ =	swait.ge [sflag:s24], $0x2000  }
0xc1: {  	[sflag:s24] =	ssyncset.done $0x0  }
0xc2: {  	s5 =	simm.s32 $0x1480;
	[sflag:s24] =	ssyncadd.s32 $0xFFFFE000  }
0xc3: {  	[spmem:s1] =	stream.indirect.scatter.add.f32 [tilespmem:s18], [sflag:$0x6], $0x80, s5, s16, $0xb8;
	[tilespmem:$0x1FC00] =	vst v63  }
0xc4: {  	_ =	swait.ge [sflag:s26], $0x2000  }
0xc5: {  	[sflag:s26] =	ssyncset.done $0x0  }
0xc6: {  	s9 =	simm.s32 $0x100;
	[sflag:s26] =	ssyncadd.s32 $0xFFFFE000  }
0xc7: {  	[tilespmem:s17], [sflag:$0x1] =	stream.indirect.gather [hbm4b:s4+s16], $0x80, s9, s16, $0xb8;
	[tilespmem:$0x1FC00] =	vst v63  }
0xc8: {  	_ =	swait.ge [sflag:s29], $0x2000  }
0xc9: {  	[sflag:s29] =	ssyncset.done $0x0  }
0xca: {  	s5 =	simm.s32 $0x1500;
	[sflag:s29] =	ssyncadd.s32 $0xFFFFE000  }
0xcb: {  	[spmem:s1] =	stream.indirect.scatter.add.f32 [tilespmem:s20], [sflag:$0x7], $0x80, s5, s16, $0xb8;
	[tilespmem:$0x1FC00] =	vst v63  }
0xcc: {  	_ =	swait.ge [sflag:s31], $0x2000  }
0xcd: {  	[sflag:s31] =	ssyncset.done $0x0  }
0xce: {  	s9 =	simm.s32 $0x140;
	[sflag:s31] =	ssyncadd.s32 $0xFFFFE000  }
0xcf: {  	[tilespmem:s18], [sflag:$0x2] =	stream.indirect.gather [hbm4b:s4+s16], $0x80, s9, s16, $0xb8;
	[tilespmem:$0x1FC00] =	vst v63  }
0xd0: {  	_ =	swait.ge [sflag:s2], $0x2000  }
0xd1: {  	[sflag:s2] =	ssyncset.done $0x0  }
0xd2: {  	s5 =	simm.s32 $0x1580;
	[sflag:s2] =	ssyncadd.s32 $0xFFFFE000  }
0xd3: {  	[spmem:s1] =	stream.indirect.scatter.add.f32 [tilespmem:s23], [sflag:$0x8], $0x80, s5, s16, $0xb8;
	[tilespmem:$0x1FC00] =	vst v63  }
0xd4: {  	_ =	swait.ge [sflag:s7], $0x2000  }
0xd5: {  	[sflag:s7] =	ssyncset.done $0x0  }
0xd6: {  	s9 =	simm.s32 $0x180;
	[sflag:s7] =	ssyncadd.s32 $0xFFFFE000  }
0xd7: {  	[tilespmem:s20], [sflag:$0x3] =	stream.indirect.gather [hbm4b:s4+s16], $0x80, s9, s16, $0xb8;
	[tilespmem:$0x1FC00] =	vst v63  }
0xd8: {  	_ =	swait.ge [sflag:s21], $0x2000  }
0xd9: {  	[sflag:s21] =	ssyncset.done $0x0  }
0xda: {  	s5 =	simm.s32 $0x1600;
	[sflag:s21] =	ssyncadd.s32 $0xFFFFE000  }
0xdb: {  	[spmem:s1] =	stream.indirect.scatter.add.f32 [tilespmem:s17], [sflag:$0x5], $0x80, s5, s16, $0xb8;
	[tilespmem:$0x1FC00] =	vst v63  }
0xdc: {  	_ =	swait.ge [sflag:s8], $0x2000  }
0xdd: {  	[sflag:s8] =	ssyncset.done $0x0  }
0xde: {  	s9 =	simm.s32 $0x1C0;
	[sflag:s8] =	ssyncadd.s32 $0xFFFFE000  }
0xdf: {  	[tilespmem:s23], [sflag:$0x4] =	stream.indirect.gather [hbm4b:s4+s16], $0x80, s9, s16, $0xb8;
	[tilespmem:$0x1FC00] =	vst v63  }
0xe0: {  	_ =	swait.ge [sflag:s24], $0x2000  }
0xe1: {  	[sflag:s24] =	ssyncset.done $0x0  }
0xe2: {  	s5 =	simm.s32 $0x1680;
	[sflag:s24] =	ssyncadd.s32 $0xFFFFE000  }
0xe3: {  	[spmem:s1] =	stream.indirect.scatter.add.f32 [tilespmem:s18], [sflag:$0x6], $0x80, s5, s16, $0xb8;
	[tilespmem:$0x1FC00] =	vst v63  }
0xe4: {  	_ =	swait.ge [sflag:s26], $0x2000  }
0xe5: {  	[sflag:s26] =	ssyncset.done $0x0  }
0xe6: {  	s9 =	simm.s32 $0x200;
	[sflag:s26] =	ssyncadd.s32 $0xFFFFE000  }
0xe7: {  	[tilespmem:s17], [sflag:$0x1] =	stream.indirect.gather [hbm4b:s4+s16], $0x80, s9, s16, $0xb8;
	[tilespmem:$0x1FC00] =	vst v63  }
0xe8: {  	_ =	swait.ge [sflag:s29], $0x2000  }
0xe9: {  	[sflag:s29] =	ssyncset.done $0x0  }
0xea: {  	s5 =	simm.s32 $0x1700;
	[sflag:s29] =	ssyncadd.s32 $0xFFFFE000  }
0xeb: {  	[spmem:s1] =	stream.indirect.scatter.add.f32 [tilespmem:s20], [sflag:$0x7], $0x80, s5, s16, $0xb8;
	[tilespmem:$0x1FC00] =	vst v63  }
0xec: {  	_ =	swait.ge [sflag:s31], $0x2000  }
0xed: {  	[sflag:s31] =	ssyncset.done $0x0  }
0xee: {  	s9 =	simm.s32 $0x240;
	[sflag:s31] =	ssyncadd.s32 $0xFFFFE000  }
0xef: {  	[tilespmem:s18], [sflag:$0x2] =	stream.indirect.gather [hbm4b:s4+s16], $0x80, s9, s16, $0xb8;
	[tilespmem:$0x1FC00] =	vst v63  }
0xf0: {  	_ =	swait.ge [sflag:s2], $0x2000  }
0xf1: {  	s28 =	simm.s32 $0x1780;
	[sflag:s2] =	ssyncset.done $0x0  }
0xf2: {  	s30 =	simm.s32 $0x400;
	s0 =	simm.s32 $0x1980;
	[sflag:s2] =	ssyncadd.s32 $0xFFFFE000  }
.LBB2_4:
0xf3: {  	[spmem:s1] =	stream.indirect.scatter.add.f32 [tilespmem:s23], [sflag:$0x8], $0x80, s28, s16, $0xb8;
	[tilespmem:$0x1FC00] =	vst v63  }
0xf4: {  	s5 =	smov.u32 s30;
	s28 =	smov.u32 s0  }
0xf5: {  	p0 =	sne.s32 s30, $0x4400;
	s30 =	sadd.s32 $0x400, s30;
	_ =	swait.ge [sflag:s7], $0x2000  }
0xf6: {  	s5 =	sshra.s32 s5, $0x2;
	[sflag:s7] =	ssyncset.done $0x0  }
0xf7: {  	s9 =	sadd.s32 $0x180, s5;
	[sflag:s7] =	ssyncadd.s32 $0xFFFFE000  }
0xf8: {  	[tilespmem:s20], [sflag:$0x3] =	stream.indirect.gather [hbm4b:s4+s16], $0x80, s9, s16, $0xb8;
	[tilespmem:$0x1FC00] =	vst v63  }
0xf9: {  	_ =	swait.ge [sflag:s21], $0x2000  }
0xfa: {  	[sflag:s21] =	ssyncset.done $0x0  }
0xfb: {  	s9 =	sadd.s32 $0xFFFFFE80, s0;
	[sflag:s21] =	ssyncadd.s32 $0xFFFFE000  }
0xfc: {  	[spmem:s1] =	stream.indirect.scatter.add.f32 [tilespmem:s17], [sflag:$0x5], $0x80, s9, s16, $0xb8;
	[tilespmem:$0x1FC00] =	vst v63  }
0xfd: {  	_ =	swait.ge [sflag:s8], $0x2000  }
0xfe: {  	[sflag:s8] =	ssyncset.done $0x0  }
0xff: {  	s9 =	sadd.s32 $0x1C0, s5;
	[sflag:s8] =	ssyncadd.s32 $0xFFFFE000  }
0x100: {  	[tilespmem:s23], [sflag:$0x4] =	stream.indirect.gather [hbm4b:s4+s16], $0x80, s9, s16, $0xb8;
	[tilespmem:$0x1FC00] =	vst v63  }
0x101: {  	_ =	swait.ge [sflag:s24], $0x2000  }
0x102: {  	[sflag:s24] =	ssyncset.done $0x0  }
0x103: {  	s9 =	sadd.s32 $0xFFFFFF00, s0;
	[sflag:s24] =	ssyncadd.s32 $0xFFFFE000  }
0x104: {  	[spmem:s1] =	stream.indirect.scatter.add.f32 [tilespmem:s18], [sflag:$0x6], $0x80, s9, s16, $0xb8;
	[tilespmem:$0x1FC00] =	vst v63  }
0x105: {  	_ =	swait.ge [sflag:s26], $0x2000  }
0x106: {  	[sflag:s26] =	ssyncset.done $0x0  }
0x107: {  	s9 =	sadd.s32 $0x200, s5;
	[sflag:s26] =	ssyncadd.s32 $0xFFFFE000  }
0x108: {  	[tilespmem:s17], [sflag:$0x1] =	stream.indirect.gather [hbm4b:s4+s16], $0x80, s9, s16, $0xb8;
	[tilespmem:$0x1FC00] =	vst v63  }
0x109: {  	_ =	swait.ge [sflag:s29], $0x2000  }
0x10a: {  	[sflag:s29] =	ssyncset.done $0x0  }
0x10b: {  	s9 =	sadd.s32 $0xFFFFFF80, s0;
	[sflag:s29] =	ssyncadd.s32 $0xFFFFE000  }
0x10c: {  	[spmem:s1] =	stream.indirect.scatter.add.f32 [tilespmem:s20], [sflag:$0x7], $0x80, s9, s16, $0xb8;
	[tilespmem:$0x1FC00] =	vst v63  }
0x10d: {  	_ =	swait.ge [sflag:s31], $0x2000  }
0x10e: {  	[sflag:s31] =	ssyncset.done $0x0  }
.Ltmp1:
0x10f: {  	s5 =	sadd.s32 $0x240, s5;
	[sflag:s31] =	ssyncadd.s32 $0xFFFFE000;
	(pc) =	sbr.rel @p0 .LBB2_4-.Ltmp1, $4  }
0x110: {  	[tilespmem:s18], [sflag:$0x2] =	stream.indirect.gather [hbm4b:s4+s16], $0x80, s5, s16, $0xb8;
	[tilespmem:$0x1FC00] =	vst v63  }
0x111: {  	_ =	swait.ge [sflag:s2], $0x2000  }
0x112: {  	[sflag:s2] =	ssyncset.done $0x0  }
0x113: {  	s0 =	sadd.s32 $0x200, s0;
	[sflag:s2] =	ssyncadd.s32 $0xFFFFE000  }
0x114: {  	[spmem:s1] =	stream.indirect.scatter.add.f32 [tilespmem:s23], [sflag:$0x8], $0x80, s28, s16, $0xb8;
	[tilespmem:$0x1FC00] =	vst v63  }
0x115: {  	_ =	swait.ge [sflag:s7], $0x2000  }
0x116: {  	[sflag:s7] =	ssyncset.done $0x0  }
0x117: {  	s0 =	simm.s32 $0x1380;
	[sflag:s7] =	ssyncadd.s32 $0xFFFFE000  }
0x118: {  	[tilespmem:s20], [sflag:$0x3] =	stream.indirect.gather [hbm4b:s4+s16], $0x80, s0, s16, $0xb8;
	[tilespmem:$0x1FC00] =	vst v63  }
0x119: {  	_ =	swait.ge [sflag:s21], $0x2000  }
0x11a: {  	[sflag:s21] =	ssyncset.done $0x0  }
0x11b: {  	[sflag:s21] =	ssyncadd.s32 $0xFFFFE000  }
0x11c: {  	[spmem:s1] =	stream.indirect.scatter.add.f32 [tilespmem:s17], [sflag:$0x5], $0x80, s10, s16, $0xb8;
	[tilespmem:$0x1FC00] =	vst v63  }
0x11d: {  	_ =	swait.ge [sflag:s8], $0x2000  }
0x11e: {  	[sflag:s8] =	ssyncset.done $0x0  }
0x11f: {  	[sflag:s8] =	ssyncadd.s32 $0xFFFFE000  }
0x120: {  	[tilespmem:s23], [sflag:$0x4] =	stream.indirect.gather [hbm4b:s4+s16], $0x80, s11, s16, $0xb8;
	[tilespmem:$0x1FC00] =	vst v63  }
0x121: {  	_ =	swait.ge [sflag:s24], $0x2000  }
0x122: {  	[sflag:s24] =	ssyncset.done $0x0  }
0x123: {  	[sflag:s24] =	ssyncadd.s32 $0xFFFFE000  }
0x124: {  	[spmem:s1] =	stream.indirect.scatter.add.f32 [tilespmem:s18], [sflag:$0x6], $0x80, s12, s16, $0xb8;
	[tilespmem:$0x1FC00] =	vst v63  }
0x125: {  	_ =	swait.ge [sflag:s26], $0x2000  }
0x126: {  	[sflag:s26] =	ssyncset.done $0x0  }
0x127: {  	[sflag:s26] =	ssyncadd.s32 $0xFFFFE000  }
0x128: {  	_ =	swait.ge [sflag:s29], $0x2000  }
0x129: {  	[sflag:s29] =	ssyncset.done $0x0  }
0x12a: {  	[sflag:s29] =	ssyncadd.s32 $0xFFFFE000  }
0x12b: {  	[spmem:s1] =	stream.indirect.scatter.add.f32 [tilespmem:s20], [sflag:$0x7], $0x80, s19, s16, $0xb8;
	[tilespmem:$0x1FC00] =	vst v63  }
0x12c: {  	_ =	swait.ge [sflag:s31], $0x2000  }
0x12d: {  	[sflag:s31] =	ssyncset.done $0x0  }
0x12e: {  	[sflag:s31] =	ssyncadd.s32 $0xFFFFE000  }
0x12f: {  	_ =	swait.ge [sflag:s2], $0x2000  }
0x130: {  	[sflag:s2] =	ssyncset.done $0x0  }
0x131: {  	[sflag:s2] =	ssyncadd.s32 $0xFFFFE000  }
0x132: {  	[spmem:s1] =	stream.indirect.scatter.add.f32 [tilespmem:s23], [sflag:$0x8], $0x80, s22, s16, $0xb8;
	[tilespmem:$0x1FC00] =	vst v63  }
0x133: {  	_ =	swait.ge [sflag:s7], $0x2000  }
0x134: {  	[sflag:s7] =	ssyncset.done $0x0  }
0x135: {  	[sflag:s7] =	ssyncadd.s32 $0xFFFFE000  }
0x136: {  	_ =	swait.ge [sflag:s8], $0x2000  }
0x137: {  	[sflag:s8] =	ssyncset.done $0x0  }
0x138: {  	[sflag:s8] =	ssyncadd.s32 $0xFFFFE000  }
0x139: {  	[bflag:$0x0] =	sbarrier.arrive $0xFFFF  }
0x13a: {  	s28 =	rddreg [dreg:$0x9]  }
0x13b: {  	[hbm:s28], [sflag:s6] =	dma.local [spmem:s13], $0x2800  }
0x13c: {  	_ =	swait.ge [sflag:s14], $0x2800  }
0x13d: {  	s25 =	sadd.s32 $0x1, s25;
	s30 =	rddreg [dreg:$0xa]  }
0x13e: {  	p0 =	sne.s32 s25, s30  }
.Ltmp2:
0x13f: {  	_ = 	snop;
	(pc) =	sbr.rel @p0 .LBB2_1-.Ltmp2, $3  }
0x140: {  	_ =	sdelay $0x1  }
0x141: {  	[sflag:s14] =	ssyncset.done $0x0  }
0x142: {  	[sflag:s14] =	ssyncadd.s32 $0xFFFFD800  }
0x143: {  	_ =	sfence.sel $0x180000  }
0x144: {  	[bflag:$0x0] =	sbarrier.arrive $0xFFFF  }
0x145: {  	_ =	strace $0x90000050  }
0x146: {  	s0 =	stileid.u32;
	[bflag:$0x2] =	sbarrier.arrive $0xFFFF  }
0x147: {  	p0 =	sne.s32 s0, $0x0;
	s0 =	rddreg [dreg:$0x3]  }
0x148: {  	s0 =	sadd.s32 @!p0 $0x100000, s0  }
0x149: {  	[sflag:s0] =	ssyncadd.tile.s32 @!p0 $0x1;
	_ =	shalt  }
.Lfunc_end2:
_tile_overlayer_lowered:
.L_overlay_start_2:
0x14a: {  	(tag) =	ssettag $0x2  }
0x14b: {  	s0 =	rddreg [dreg:$0x0];
	s2 =	stileid.u32  }
0x14c: {  	s1 =	rddreg [dreg:$0x1];
	p0 =	sne.s32 s2, $0x0  }
0x14d: {  	s3 =	rddreg [dreg:$0x2];
	[bflag:$0x3] =	sbarrier.arrive $0xFFFF;
	s2 =	simm.s32 @!p0 $0x1C09  }
0x14e: {  	[timem:s3], [sflag:s2] =	dma.local @!p0 [hbm:s0], s1  }
0x14f: {  	s0 =	simm.s32 @!p0 $0x9  }
0x150: {  	_ =	swait.ge @!p0 [sflag:s0], s1  }
0x151: {  	s1 =	ssub.s32 @!p0 $0x0, s1;
	[sflag:s0] =	ssyncset.done @!p0 $0x0  }
0x152: {  	[sflag:s0] =	ssyncadd.s32 @!p0 s1  }
0x153: {  	[bflag:$0x3] =	sbarrier.arrive $0xFFFF  }
0x154: {  	_ =	shalt  }

</sc_bundles>
